<compile_context>
chip_gen: v7x
topology: tpu7x:2x2x1
jax: 0.10.2.dev20260603
libtpu: 0.0.44.dev20260713+nightly
codegen_flags: <defaults>
</compile_context>

<pallas_src>
import jax
import jax.numpy as jnp
from jax import lax
from jax.experimental import pallas as pl
from jax.experimental.pallas import tpu as pltpu
from jax.experimental.pallas import tpu_sc as plsc

N = 10000
E = 320000
D = 128
NC, NS = 2, 16
NW = NC * NS
CH = 128
GS = 8
NGT = 20
NG0_A, NG0_B = 15, 15
CHUNKS = NS * NGT * GS
EPAD = CHUNKS * CH
NPAD = 10112
RPT = NPAD // NS
BLK = 1000
DEGW = 16

_HIGH = lax.Precision.HIGHEST


def _mesh():
    return plsc.VectorSubcoreMesh(core_axis_name="c", subcore_axis_name="s",
                                  num_cores=NC, num_subcores=NS)


def _sc_segsum(with_deg, ng0):

    def body(y_hbm, srcp_hbm, dstp_hbm, zf_hbm, ones_hbm,
             agg_hbm, deg_hbm, sidx, didx, rows, acc, sem0, sem1, dsem):
        nch0 = ng0 * GS
        nch1 = (NGT - ng0) * GS
        c = lax.axis_index("c")
        s = lax.axis_index("s")
        base = jnp.where(c == 0, s * nch0, NS * nch0 + s * nch1)
        ngroups = jnp.where(c == 0, ng0, NGT - ng0)
        r0 = s * RPT
        sems = (sem0, sem1)
        pltpu.sync_copy(zf_hbm.at[pl.ds(r0, RPT)], acc.at[pl.ds(r0, RPT)])
        plsc.subcore_barrier()

        def group(g, carry):
            pltpu.sync_copy(srcp_hbm.at[pl.ds(base + g * GS, GS)], sidx)
            pltpu.sync_copy(dstp_hbm.at[pl.ds(base + g * GS, GS)], didx)
            g0 = pltpu.async_copy(y_hbm.at[sidx.at[0]], rows.at[0], sems[0])
            g1 = pltpu.async_copy(y_hbm.at[sidx.at[1]], rows.at[1], sems[1])
            pend = [g0, g1]
            for j in range(GS):
                b = j % 2
                pend[b].wait()
                pltpu.sync_copy(rows.at[b], acc.at[didx.at[j]], add=True)
                if j + 2 < GS:
                    pend[b] = pltpu.async_copy(
                        y_hbm.at[sidx.at[j + 2]], rows.at[b], sems[b])
            return carry

        lax.fori_loop(0, ngroups, group, 0)
        plsc.subcore_barrier()
        pltpu.sync_copy(acc.at[pl.ds(r0, RPT)], agg_hbm.at[c, pl.ds(r0, RPT)])

        if with_deg:
            plsc.subcore_barrier()
            pltpu.sync_copy(zf_hbm.at[pl.ds(r0, RPT)], acc.at[pl.ds(r0, RPT)])
            pltpu.sync_copy(ones_hbm, rows.at[0])
            plsc.subcore_barrier()

            def dgroup(g, carry):
                pltpu.sync_copy(dstp_hbm.at[pl.ds(base + g * GS, GS)], didx)
                descs = [pltpu.async_copy(rows.at[0], acc.at[didx.at[j]],
                                          dsem, add=True)
                         for j in range(GS)]
                for d in descs:
                    d.wait()
                return carry

            lax.fori_loop(0, ngroups, dgroup, 0)
            plsc.subcore_barrier()
            pltpu.sync_copy(acc.at[pl.ds(r0, RPT)],
                            deg_hbm.at[c, pl.ds(r0, RPT)])

    if not with_deg:
        def body_nodeg(y_hbm, srcp_hbm, dstp_hbm, zf_hbm,
                       agg_hbm, sidx, didx, rows, acc, sem0, sem1):
            body(y_hbm, srcp_hbm, dstp_hbm, zf_hbm, None, agg_hbm, None,
                 sidx, didx, rows, acc, sem0, sem1, None)

        return pl.kernel(
            body_nodeg,
            out_type=jax.ShapeDtypeStruct((NC, NPAD, D), jnp.float32),
            mesh=_mesh(),
            scratch_types=(
                pltpu.VMEM((GS, CH), jnp.int32),
                pltpu.VMEM((GS, CH), jnp.int32),
                pltpu.VMEM((2, CH, D), jnp.float32),
                pltpu.VMEM_SHARED((NPAD, D), jnp.float32),
                pltpu.SemaphoreType.DMA,
                pltpu.SemaphoreType.DMA,
            ),
        )

    return pl.kernel(
        body,
        out_type=(jax.ShapeDtypeStruct((NC, NPAD, D), jnp.float32),
                  jax.ShapeDtypeStruct((NC, NPAD, D), jnp.float32)),
        mesh=_mesh(),
        scratch_types=(
            pltpu.VMEM((GS, CH), jnp.int32),
            pltpu.VMEM((GS, CH), jnp.int32),
            pltpu.VMEM((2, CH, D), jnp.float32),
            pltpu.VMEM_SHARED((NPAD, D), jnp.float32),
            pltpu.SemaphoreType.DMA,
            pltpu.SemaphoreType.DMA,
            pltpu.SemaphoreType.DMA,
        ),
    )


def _dot(a, b):
    return jnp.dot(a, b, preferred_element_type=jnp.float32, precision=_HIGH)


def _k1_body(x_ref, w_ref, o_ref):
    o_ref[...] = _dot(x_ref[...], w_ref[...])


def _k1(x, wl1):
    return pl.pallas_call(
        _k1_body,
        grid=(N // BLK,),
        in_specs=[pl.BlockSpec((BLK, D), lambda i: (i, 0)),
                  pl.BlockSpec((D, D), lambda i: (0, 0))],
        out_specs=pl.BlockSpec((BLK, D), lambda i: (i, 0)),
        out_shape=jax.ShapeDtypeStruct((N, D), jnp.float32),
    )(x, wl1)


def _k2_body(x_ref, a0, a1, d0, d1, wr1_ref, bl1_ref, wl2_ref, wr2_ref,
             bl2_ref, y2_ref, r2_ref, rd_ref):
    agg = a0[0] + a1[0]
    deg = d0[0][:, 0:1] + d1[0][:, 0:1]
    rdeg = 1.0 / jnp.maximum(deg, 1.0)
    h = agg * rdeg + _dot(x_ref[...], wr1_ref[...]) + bl1_ref[...]
    h = jnp.maximum(h, 0.0)
    y2_ref[...] = _dot(h, wl2_ref[...])
    r2_ref[...] = _dot(h, wr2_ref[...]) + bl2_ref[...]
    rd_ref[...] = jnp.broadcast_to(rdeg, (BLK, DEGW))


def _k2(x, aggp, degp, wr1, bl1r, wl2, wr2, bl2r):
    part = lambda a, p: pl.BlockSpec((1, BLK, D), lambda i, p=p: (p, i, 0))
    wfull = pl.BlockSpec((D, D), lambda i: (0, 0))
    bfull = pl.BlockSpec((1, D), lambda i: (0, 0))
    return pl.pallas_call(
        _k2_body,
        grid=(N // BLK,),
        in_specs=[pl.BlockSpec((BLK, D), lambda i: (i, 0)),
                  part(aggp, 0), part(aggp, 1), part(degp, 0), part(degp, 1),
                  wfull, bfull, wfull, wfull, bfull],
        out_specs=[pl.BlockSpec((BLK, D), lambda i: (i, 0)),
                   pl.BlockSpec((BLK, D), lambda i: (i, 0)),
                   pl.BlockSpec((BLK, DEGW), lambda i: (i, 0))],
        out_shape=[jax.ShapeDtypeStruct((N, D), jnp.float32),
                   jax.ShapeDtypeStruct((N, D), jnp.float32),
                   jax.ShapeDtypeStruct((N, DEGW), jnp.float32)],
    )(x, aggp, aggp, degp, degp, wr1, bl1r, wl2, wr2, bl2r)


def _k3_body(a0, a1, rd_ref, r2_ref, o_ref):
    agg = a0[0] + a1[0]
    o_ref[...] = agg * rd_ref[:, 0:1] + r2_ref[...]


def _k3(aggp, rdeg16, r2):
    part = lambda p: pl.BlockSpec((1, BLK, D), lambda i, p=p: (p, i, 0))
    return pl.pallas_call(
        _k3_body,
        grid=(N // BLK,),
        in_specs=[part(0), part(1),
                  pl.BlockSpec((BLK, DEGW), lambda i: (i, 0)),
                  pl.BlockSpec((BLK, D), lambda i: (i, 0))],
        out_specs=pl.BlockSpec((BLK, D), lambda i: (i, 0)),
        out_shape=jax.ShapeDtypeStruct((N, D), jnp.float32),
    )(aggp, aggp, rdeg16, r2)


def kernel(x, edge_index, Wl1, bl1, Wr1, Wl2, bl2, Wr2):
    src = edge_index[0].astype(jnp.int32)
    dst = edge_index[1].astype(jnp.int32)
    pad = EPAD - E
    srcp = jnp.concatenate([src, jnp.zeros((pad,), jnp.int32)]).reshape(
        CHUNKS, CH)
    dummy = N + (jnp.arange(pad, dtype=jnp.int32) % (NPAD - N))
    dstp = jnp.concatenate([dst, dummy]).reshape(CHUNKS, CH)
    zfeat = jnp.zeros((NPAD, D), jnp.float32)
    ones128 = jnp.ones((CH, D), jnp.float32)
    bl1r = bl1.reshape(1, D)
    bl2r = bl2.reshape(1, D)

    y1 = _k1(x, Wl1)
    aggp1, degp = _sc_segsum(True, NG0_A)(y1, srcp, dstp, zfeat, ones128)
    y2, r2, rdeg16 = _k2(x, aggp1, degp, Wr1, bl1r, Wl2, Wr2, bl2r)
    aggp2 = _sc_segsum(False, NG0_B)(y2, srcp, dstp, zfeat)
    return _k3(aggp2, rdeg16, r2)

# --- scband reference (transcript-rebuilt; emitter-appended) ---
"""Pipeline reference for scband-graph-sage-84464826843467 (READ-ONLY COPY).

The authoritative reference and input builder live on the scoring server;
editing this copy changes nothing except your own understanding.
"""

import jax, jax.numpy as jnp
import numpy as np

N_NODES = 10000
N_EDGES = 320000
D_IN = 128
D_HID = 128
D_OUT = 128


def setup_inputs(seed: int = 0) -> dict:
    key = jax.random.key(seed)
    ks = jax.random.split(key, 8)
    x = jax.random.normal(ks[0], (N_NODES, D_IN), dtype=jnp.float32)
    edge_index = jax.random.randint(ks[1], (2, N_EDGES), 0, N_NODES, dtype=jnp.int64)
    # Layer 1 params (SAGEConv: lin_l applied to aggregated neighbors w/ bias, lin_r to root)
    Wl1 = jax.random.normal(ks[2], (D_IN, D_HID), dtype=jnp.float32) * 0.05
    bl1 = jnp.zeros((D_HID,), dtype=jnp.float32)
    Wr1 = jax.random.normal(ks[3], (D_IN, D_HID), dtype=jnp.float32) * 0.05
    # Layer 2 params
    Wl2 = jax.random.normal(ks[4], (D_HID, D_OUT), dtype=jnp.float32) * 0.05
    bl2 = jnp.zeros((D_OUT,), dtype=jnp.float32)
    Wr2 = jax.random.normal(ks[5], (D_HID, D_OUT), dtype=jnp.float32) * 0.05
    return {"x": x, "edge_index": edge_index, "Wl1": Wl1, "bl1": bl1, "Wr1": Wr1,
            "Wl2": Wl2, "bl2": bl2, "Wr2": Wr2}


def _sage_conv(x, edge_index, Wl, bl, Wr):
    src = edge_index[0]
    dst = edge_index[1]
    msgs = jnp.take(x, src, axis=0)                      # gather source features
    agg = jax.ops.segment_sum(msgs, dst, num_segments=x.shape[0])
    deg = jax.ops.segment_sum(jnp.ones((src.shape[0],), dtype=x.dtype), dst,
                              num_segments=x.shape[0])
    mean = agg / jnp.clip(deg, 1.0, None)[:, None]       # mean aggregation
    return mean @ Wl + bl + x @ Wr


def reference(x, edge_index, Wl1, bl1, Wr1, Wl2, bl2, Wr2):
    h = _sage_conv(x, edge_index, Wl1, bl1, Wr1)
    h = jax.nn.relu(h)
    # dropout is identity in eval mode
    out = _sage_conv(h, edge_index, Wl2, bl2, Wr2)
    return out

if __name__ == "__main__":
    import jax
    _d = setup_inputs()
    print(jax.jit(kernel)(*tuple(_d.values())))

</pallas_src>

<mosaic_0001>
#map = affine_map<(d0, d1) -> (0, 0)>
#map1 = affine_map<(d0, d1) -> (0, 0, 0)>
module attributes {stable_mosaic.version = 14 : i64} {
  func.func @body(%arg0: i32, %arg1: i32, %arg2: memref<10000x128xf32, #tpu.memory_space<hbm>>, %arg3: memref<2560x128xi32, #tpu.memory_space<hbm>>, %arg4: memref<2560x128xi32, #tpu.memory_space<hbm>>, %arg5: memref<10112x128xf32, #tpu.memory_space<hbm>>, %arg6: memref<128x128xf32, #tpu.memory_space<hbm>>, %arg7: memref<2x10112x128xf32, #tpu.memory_space<hbm>>, %arg8: memref<2x10112x128xf32, #tpu.memory_space<hbm>>, %arg9: memref<8x128xi32, #tpu.memory_space<vmem>>, %arg10: memref<8x128xi32, #tpu.memory_space<vmem>>, %arg11: memref<2x128x128xf32, #tpu.memory_space<vmem>>, %arg12: memref<10112x128xf32, #tpu.memory_space<vmem_shared>>, %arg13: memref<!tpu.dma_semaphore, #tpu.memory_space<semaphore_mem>>, %arg14: memref<!tpu.dma_semaphore, #tpu.memory_space<semaphore_mem>>, %arg15: memref<!tpu.dma_semaphore, #tpu.memory_space<semaphore_mem>>) attributes {dimension_semantics = [#tpu.dimension_semantics<core_parallel>, #tpu.dimension_semantics<subcore_parallel>], iteration_bounds = array<i64: 2, 16>, scalar_prefetch = 0 : i64, scratch_operands = 7 : i64, tpu.core_type = #tpu.core_type<sc_vector_subcore>, window_params = [{transform_indices = #map}, {transform_indices = #map}, {transform_indices = #map}, {transform_indices = #map}, {transform_indices = #map}, {transform_indices = #map1}, {transform_indices = #map1}]} {
    %eq3A = arith.constant 0 : i32
    %eq3A_0 = arith.cmpi eq, %arg0, %eq3A : i32
    %mul3A = arith.constant 120 : i32
    %mul3A_1 = arith.muli %arg1, %mul3A : i32
    %mul3A_2 = arith.constant 40 : i32
    %mul3A_3 = arith.muli %arg1, %mul3A_2 : i32
    %add3A = arith.constant 1920 : i32
    %add3A_4 = arith.addi %add3A, %mul3A_3 : i32
    %select_n3A = arith.select %eq3A_0, %mul3A_1, %add3A_4 : i32
    %eq3A_5 = arith.constant 0 : i32
    %eq3A_6 = arith.cmpi eq, %arg0, %eq3A_5 : i32
    %jit3A = arith.constant 15 : i32
    %jit3A_7 = arith.constant 5 : i32
    %select_n3A_8 = arith.select %eq3A_6, %jit3A, %jit3A_7 : i32
    %mul3A_9 = arith.constant 632 : i32
    %mul3A_10 = arith.muli %arg1, %mul3A_9 : i32
    "tpu.region"() ({
      %run_scoped3A_34 = tpu.sem_alloc : memref<!tpu.dma_semaphore, #tpu.memory_space<semaphore_mem>>
      %dma_start3A = arith.constant 0 : i32
      %dma_start3A_35 = tpu.memref_slice %arg12[%mul3A_10, %dma_start3A] : memref<10112x128xf32, #tpu.memory_space<vmem_shared>> -> memref<632x128xf32, #tpu.memory_space<vmem_shared>>
      %dma_start3A_36 = arith.constant 0 : i32
      %dma_start3A_37 = tpu.memref_slice %arg5[%mul3A_10, %dma_start3A_36] : memref<10112x128xf32, #tpu.memory_space<hbm>> -> memref<632x128xf32, #tpu.memory_space<hbm>>
      tpu.enqueue_dma source(%dma_start3A_37 : memref<632x128xf32, #tpu.memory_space<hbm>>) target(%dma_start3A_35 : memref<632x128xf32, #tpu.memory_space<vmem_shared>>) target_semaphore(%run_scoped3A_34 : memref<!tpu.dma_semaphore, #tpu.memory_space<semaphore_mem>>)
      %dma_wait3A = arith.constant 0 : i32
      %dma_wait3A_38 = tpu.memref_slice %arg12[%mul3A_10, %dma_wait3A] : memref<10112x128xf32, #tpu.memory_space<vmem_shared>> -> memref<632x128xf32, #tpu.memory_space<vmem_shared>>
      %dma_wait3A_39 = arith.constant 0 : i32
      %dma_wait3A_40 = tpu.memref_slice %arg5[%mul3A_10, %dma_wait3A_39] : memref<10112x128xf32, #tpu.memory_space<hbm>> -> memref<632x128xf32, #tpu.memory_space<hbm>>
      tpu.wait_dma2 semaphore(%run_scoped3A_34 : memref<!tpu.dma_semaphore, #tpu.memory_space<semaphore_mem>>) src(%dma_wait3A_40 : memref<632x128xf32, #tpu.memory_space<hbm>>) dst(%dma_wait3A_38 : memref<632x128xf32, #tpu.memory_space<vmem_shared>>)
      tpu.yield
    }) : () -> ()
    %barrier3A = arith.constant 0 : index
    tpu.barrier barrier_id(%barrier3A)
    %while3A = arith.constant 0 : i32
    %while3A_11 = arith.constant 0 : i32
    %while3A_12 = arith.subi %select_n3A_8, %while3A_11 : i32
    %while3A_13 = arith.addi %while3A_11, %while3A_12 : i32
    %while3A_14 = arith.constant 1 : i32
    %while3A_15 = arith.divsi %while3A_12, %while3A_14 : i32
    %while3A_16 = arith.muli %while3A_15, %while3A_14 : i32
    %while3A_17 = arith.addi %while3A_11, %while3A_16 : i32
    %while3A_18 = arith.constant 1 : i32
    scf.for %while3A_34 = %while3A_11 to %while3A_17 step %while3A_18  : i32 {
      %mul3A_35 = arith.constant 8 : i32
      %mul3A_36 = arith.muli %while3A_34, %mul3A_35 : i32
      %add3A_37 = arith.addi %select_n3A, %mul3A_36 : i32
      "tpu.region"() ({
        %run_scoped3A_247 = tpu.sem_alloc : memref<!tpu.dma_semaphore, #tpu.memory_space<semaphore_mem>>
        %dma_start3A_248 = arith.constant 0 : i32
        %dma_start3A_249 = tpu.memref_slice %arg3[%add3A_37, %dma_start3A_248] : memref<2560x128xi32, #tpu.memory_space<hbm>> -> memref<8x128xi32, #tpu.memory_space<hbm>>
        %dma_start3A_250 = arith.constant 0 : i32
        %dma_start3A_251 = tpu.memref_slice %arg3[%add3A_37, %dma_start3A_250] : memref<2560x128xi32, #tpu.memory_space<hbm>> -> memref<8x128xi32, #tpu.memory_space<hbm>>
        tpu.enqueue_dma source(%dma_start3A_251 : memref<8x128xi32, #tpu.memory_space<hbm>>) target(%arg9 : memref<8x128xi32, #tpu.memory_space<vmem>>) target_semaphore(%run_scoped3A_247 : memref<!tpu.dma_semaphore, #tpu.memory_space<semaphore_mem>>)
        %dma_wait3A_252 = arith.constant 0 : i32
        %dma_wait3A_253 = tpu.memref_slice %arg3[%add3A_37, %dma_wait3A_252] : memref<2560x128xi32, #tpu.memory_space<hbm>> -> memref<8x128xi32, #tpu.memory_space<hbm>>
        %dma_wait3A_254 = arith.constant 0 : i32
        %dma_wait3A_255 = tpu.memref_slice %arg3[%add3A_37, %dma_wait3A_254] : memref<2560x128xi32, #tpu.memory_space<hbm>> -> memref<8x128xi32, #tpu.memory_space<hbm>>
        tpu.wait_dma2 semaphore(%run_scoped3A_247 : memref<!tpu.dma_semaphore, #tpu.memory_space<semaphore_mem>>) src(%dma_wait3A_255 : memref<8x128xi32, #tpu.memory_space<hbm>>) dst(%arg9 : memref<8x128xi32, #tpu.memory_space<vmem>>)
        tpu.yield
      }) : () -> ()
      %mul3A_38 = arith.constant 8 : i32
      %mul3A_39 = arith.muli %while3A_34, %mul3A_38 : i32
      %add3A_40 = arith.addi %select_n3A, %mul3A_39 : i32
      "tpu.region"() ({
        %run_scoped3A_247 = tpu.sem_alloc : memref<!tpu.dma_semaphore, #tpu.memory_space<semaphore_mem>>
        %dma_start3A_248 = arith.constant 0 : i32
        %dma_start3A_249 = tpu.memref_slice %arg4[%add3A_40, %dma_start3A_248] : memref<2560x128xi32, #tpu.memory_space<hbm>> -> memref<8x128xi32, #tpu.memory_space<hbm>>
        %dma_start3A_250 = arith.constant 0 : i32
        %dma_start3A_251 = tpu.memref_slice %arg4[%add3A_40, %dma_start3A_250] : memref<2560x128xi32, #tpu.memory_space<hbm>> -> memref<8x128xi32, #tpu.memory_space<hbm>>
        tpu.enqueue_dma source(%dma_start3A_251 : memref<8x128xi32, #tpu.memory_space<hbm>>) target(%arg10 : memref<8x128xi32, #tpu.memory_space<vmem>>) target_semaphore(%run_scoped3A_247 : memref<!tpu.dma_semaphore, #tpu.memory_space<semaphore_mem>>)
        %dma_wait3A_252 = arith.constant 0 : i32
        %dma_wait3A_253 = tpu.memref_slice %arg4[%add3A_40, %dma_wait3A_252] : memref<2560x128xi32, #tpu.memory_space<hbm>> -> memref<8x128xi32, #tpu.memory_space<hbm>>
        %dma_wait3A_254 = arith.constant 0 : i32
        %dma_wait3A_255 = tpu.memref_slice %arg4[%add3A_40, %dma_wait3A_254] : memref<2560x128xi32, #tpu.memory_space<hbm>> -> memref<8x128xi32, #tpu.memory_space<hbm>>
        tpu.wait_dma2 semaphore(%run_scoped3A_247 : memref<!tpu.dma_semaphore, #tpu.memory_space<semaphore_mem>>) src(%dma_wait3A_255 : memref<8x128xi32, #tpu.memory_space<hbm>>) dst(%arg10 : memref<8x128xi32, #tpu.memory_space<vmem>>)
        tpu.yield
      }) : () -> ()
      %dma_start3A = arith.constant 0 : i32
      %dma_start3A_41 = arith.constant 0 : i32
      %dma_start3A_42 = arith.constant 0 : i32
      %dma_start3A_43 = arith.constant 0 : i32
      %dma_start3A_44 = tpu.memref_slice %arg11[%dma_start3A_41, %dma_start3A_42, %dma_start3A_43] : memref<2x128x128xf32, #tpu.memory_space<vmem>> -> memref<1x128x128xf32, #tpu.memory_space<vmem>>
      %dma_start3A_45 = tpu.memref_squeeze %dma_start3A_44 : memref<1x128x128xf32, #tpu.memory_space<vmem>> -> memref<128x128xf32, #tpu.memory_space<vmem>>
      %dma_start3A_46 = arith.constant 0 : i32
      %dma_start3A_47 = tpu.memref_slice %arg9[%dma_start3A, %dma_start3A_46] : memref<8x128xi32, #tpu.memory_space<vmem>> -> memref<1x128xi32, #tpu.memory_space<vmem>>
      %dma_start3A_48 = tpu.memref_squeeze %dma_start3A_47 : memref<1x128xi32, #tpu.memory_space<vmem>> -> memref<128xi32, #tpu.memory_space<vmem>>
      %dma_start3A_49 = arith.constant 0 : i32
      %dma_start3A_50 = arith.constant 0 : i32
      %dma_start3A_51 = tpu.memref_slice %arg2[%dma_start3A_49, %dma_start3A_50] : memref<10000x128xf32, #tpu.memory_space<hbm>> -> memref<10000x128xf32, #tpu.memory_space<hbm>>
      tpu.enqueue_indirect_dma source(%dma_start3A_51 : memref<10000x128xf32, #tpu.memory_space<hbm>>) target(%dma_start3A_45 : memref<128x128xf32, #tpu.memory_space<vmem>>) offsets(%dma_start3A_48 : memref<128xi32, #tpu.memory_space<vmem>>) semaphore(%arg13 : memref<!tpu.dma_semaphore, #tpu.memory_space<semaphore_mem>>)
      %dma_start3A_52 = arith.constant 1 : i32
      %dma_start3A_53 = arith.constant 1 : i32
      %dma_start3A_54 = arith.constant 0 : i32
      %dma_start3A_55 = arith.constant 0 : i32
      %dma_start3A_56 = tpu.memref_slice %arg11[%dma_start3A_53, %dma_start3A_54, %dma_start3A_55] : memref<2x128x128xf32, #tpu.memory_space<vmem>> -> memref<1x128x128xf32, #tpu.memory_space<vmem>>
      %dma_start3A_57 = tpu.memref_squeeze %dma_start3A_56 : memref<1x128x128xf32, #tpu.memory_space<vmem>> -> memref<128x128xf32, #tpu.memory_space<vmem>>
      %dma_start3A_58 = arith.constant 0 : i32
      %dma_start3A_59 = tpu.memref_slice %arg9[%dma_start3A_52, %dma_start3A_58] : memref<8x128xi32, #tpu.memory_space<vmem>> -> memref<1x128xi32, #tpu.memory_space<vmem>>
      %dma_start3A_60 = tpu.memref_squeeze %dma_start3A_59 : memref<1x128xi32, #tpu.memory_space<vmem>> -> memref<128xi32, #tpu.memory_space<vmem>>
      %dma_start3A_61 = arith.constant 0 : i32
      %dma_start3A_62 = arith.constant 0 : i32
      %dma_start3A_63 = tpu.memref_slice %arg2[%dma_start3A_61, %dma_start3A_62] : memref<10000x128xf32, #tpu.memory_space<hbm>> -> memref<10000x128xf32, #tpu.memory_space<hbm>>
      tpu.enqueue_indirect_dma source(%dma_start3A_63 : memref<10000x128xf32, #tpu.memory_space<hbm>>) target(%dma_start3A_57 : memref<128x128xf32, #tpu.memory_space<vmem>>) offsets(%dma_start3A_60 : memref<128xi32, #tpu.memory_space<vmem>>) semaphore(%arg14 : memref<!tpu.dma_semaphore, #tpu.memory_space<semaphore_mem>>)
      %dma_wait3A = arith.constant 0 : i32
      %dma_wait3A_64 = arith.constant 0 : i32
      %dma_wait3A_65 = arith.constant 0 : i32
      %dma_wait3A_66 = arith.constant 0 : i32
      %dma_wait3A_67 = tpu.memref_slice %arg11[%dma_wait3A_64, %dma_wait3A_65, %dma_wait3A_66] : memref<2x128x128xf32, #tpu.memory_space<vmem>> -> memref<1x128x128xf32, #tpu.memory_space<vmem>>
      %dma_wait3A_68 = tpu.memref_squeeze %dma_wait3A_67 : memref<1x128x128xf32, #tpu.memory_space<vmem>> -> memref<128x128xf32, #tpu.memory_space<vmem>>
      %dma_wait3A_69 = arith.constant 0 : i32
      %dma_wait3A_70 = tpu.memref_slice %arg9[%dma_wait3A, %dma_wait3A_69] : memref<8x128xi32, #tpu.memory_space<vmem>> -> memref<1x128xi32, #tpu.memory_space<vmem>>
      %dma_wait3A_71 = tpu.memref_squeeze %dma_wait3A_70 : memref<1x128xi32, #tpu.memory_space<vmem>> -> memref<128xi32, #tpu.memory_space<vmem>>
      %dma_wait3A_72 = arith.constant 0 : i32
      %dma_wait3A_73 = arith.constant 0 : i32
      %dma_wait3A_74 = tpu.memref_slice %arg2[%dma_wait3A_72, %dma_wait3A_73] : memref<10000x128xf32, #tpu.memory_space<hbm>> -> memref<10000x128xf32, #tpu.memory_space<hbm>>
      tpu.wait_indirect_dma semaphore(%arg13 : memref<!tpu.dma_semaphore, #tpu.memory_space<semaphore_mem>>) src(%dma_wait3A_74 : memref<10000x128xf32, #tpu.memory_space<hbm>>) dst(%dma_wait3A_68 : memref<128x128xf32, #tpu.memory_space<vmem>>)
      %run_scoped3A_75 = arith.constant 0 : i32
      %run_scoped3A_76 = arith.constant 0 : i32
      "tpu.region"() ({
        %run_scoped3A_247 = tpu.sem_alloc : memref<!tpu.dma_semaphore, #tpu.memory_space<semaphore_mem>>
        %dma_start3A_248 = arith.constant 0 : i32
        %dma_start3A_249 = arith.constant 0 : i32
        %dma_start3A_250 = tpu.memref_slice %arg11[%run_scoped3A_75, %dma_start3A_248, %dma_start3A_249] : memref<2x128x128xf32, #tpu.memory_space<vmem>> -> memref<1x128x128xf32, #tpu.memory_space<vmem>>
        %dma_start3A_251 = tpu.memref_squeeze %dma_start3A_250 : memref<1x128x128xf32, #tpu.memory_space<vmem>> -> memref<128x128xf32, #tpu.memory_space<vmem>>
        %dma_start3A_252 = arith.constant 0 : i32
        %dma_start3A_253 = tpu.memref_slice %arg10[%run_scoped3A_76, %dma_start3A_252] : memref<8x128xi32, #tpu.memory_space<vmem>> -> memref<1x128xi32, #tpu.memory_space<vmem>>
        %dma_start3A_254 = tpu.memref_squeeze %dma_start3A_253 : memref<1x128xi32, #tpu.memory_space<vmem>> -> memref<128xi32, #tpu.memory_space<vmem>>
        %dma_start3A_255 = arith.constant 0 : i32
        %dma_start3A_256 = arith.constant 0 : i32
        %dma_start3A_257 = tpu.memref_slice %arg12[%dma_start3A_255, %dma_start3A_256] : memref<10112x128xf32, #tpu.memory_space<vmem_shared>> -> memref<10112x128xf32, #tpu.memory_space<vmem_shared>>
        tpu.enqueue_indirect_dma source(%dma_start3A_251 : memref<128x128xf32, #tpu.memory_space<vmem>>) target(%dma_start3A_257 : memref<10112x128xf32, #tpu.memory_space<vmem_shared>>) offsets(%dma_start3A_254 : memref<128xi32, #tpu.memory_space<vmem>>) semaphore(%run_scoped3A_247 : memref<!tpu.dma_semaphore, #tpu.memory_space<semaphore_mem>>) {add = true}
        %dma_wait3A_258 = arith.constant 0 : i32
        %dma_wait3A_259 = arith.constant 0 : i32
        %dma_wait3A_260 = tpu.memref_slice %arg11[%run_scoped3A_75, %dma_wait3A_258, %dma_wait3A_259] : memref<2x128x128xf32, #tpu.memory_space<vmem>> -> memref<1x128x128xf32, #tpu.memory_space<vmem>>
        %dma_wait3A_261 = tpu.memref_squeeze %dma_wait3A_260 : memref<1x128x128xf32, #tpu.memory_space<vmem>> -> memref<128x128xf32, #tpu.memory_space<vmem>>
        %dma_wait3A_262 = arith.constant 0 : i32
        %dma_wait3A_263 = tpu.memref_slice %arg10[%run_scoped3A_76, %dma_wait3A_262] : memref<8x128xi32, #tpu.memory_space<vmem>> -> memref<1x128xi32, #tpu.memory_space<vmem>>
        %dma_wait3A_264 = tpu.memref_squeeze %dma_wait3A_263 : memref<1x128xi32, #tpu.memory_space<vmem>> -> memref<128xi32, #tpu.memory_space<vmem>>
        %dma_wait3A_265 = arith.constant 0 : i32
        %dma_wait3A_266 = arith.constant 0 : i32
        %dma_wait3A_267 = tpu.memref_slice %arg12[%dma_wait3A_265, %dma_wait3A_266] : memref<10112x128xf32, #tpu.memory_space<vmem_shared>> -> memref<10112x128xf32, #tpu.memory_space<vmem_shared>>
        tpu.wait_indirect_dma semaphore(%run_scoped3A_247 : memref<!tpu.dma_semaphore, #tpu.memory_space<semaphore_mem>>) src(%dma_wait3A_261 : memref<128x128xf32, #tpu.memory_space<vmem>>) dst(%dma_wait3A_267 : memref<10112x128xf32, #tpu.memory_space<vmem_shared>>)
        tpu.yield
      }) : () -> ()
      %dma_start3A_77 = arith.constant 2 : i32
      %dma_start3A_78 = arith.constant 0 : i32
      %dma_start3A_79 = arith.constant 0 : i32
      %dma_start3A_80 = arith.constant 0 : i32
      %dma_start3A_81 = tpu.memref_slice %arg11[%dma_start3A_78, %dma_start3A_79, %dma_start3A_80] : memref<2x128x128xf32, #tpu.memory_space<vmem>> -> memref<1x128x128xf32, #tpu.memory_space<vmem>>
      %dma_start3A_82 = tpu.memref_squeeze %dma_start3A_81 : memref<1x128x128xf32, #tpu.memory_space<vmem>> -> memref<128x128xf32, #tpu.memory_space<vmem>>
      %dma_start3A_83 = arith.constant 0 : i32
      %dma_start3A_84 = tpu.memref_slice %arg9[%dma_start3A_77, %dma_start3A_83] : memref<8x128xi32, #tpu.memory_space<vmem>> -> memref<1x128xi32, #tpu.memory_space<vmem>>
      %dma_start3A_85 = tpu.memref_squeeze %dma_start3A_84 : memref<1x128xi32, #tpu.memory_space<vmem>> -> memref<128xi32, #tpu.memory_space<vmem>>
      %dma_start3A_86 = arith.constant 0 : i32
      %dma_start3A_87 = arith.constant 0 : i32
      %dma_start3A_88 = tpu.memref_slice %arg2[%dma_start3A_86, %dma_start3A_87] : memref<10000x128xf32, #tpu.memory_space<hbm>> -> memref<10000x128xf32, #tpu.memory_space<hbm>>
      tpu.enqueue_indirect_dma source(%dma_start3A_88 : memref<10000x128xf32, #tpu.memory_space<hbm>>) target(%dma_start3A_82 : memref<128x128xf32, #tpu.memory_space<vmem>>) offsets(%dma_start3A_85 : memref<128xi32, #tpu.memory_space<vmem>>) semaphore(%arg13 : memref<!tpu.dma_semaphore, #tpu.memory_space<semaphore_mem>>)
      %dma_wait3A_89 = arith.constant 1 : i32
      %dma_wait3A_90 = arith.constant 1 : i32
      %dma_wait3A_91 = arith.constant 0 : i32
      %dma_wait3A_92 = arith.constant 0 : i32
      %dma_wait3A_93 = tpu.memref_slice %arg11[%dma_wait3A_90, %dma_wait3A_91, %dma_wait3A_92] : memref<2x128x128xf32, #tpu.memory_space<vmem>> -> memref<1x128x128xf32, #tpu.memory_space<vmem>>
      %dma_wait3A_94 = tpu.memref_squeeze %dma_wait3A_93 : memref<1x128x128xf32, #tpu.memory_space<vmem>> -> memref<128x128xf32, #tpu.memory_space<vmem>>
      %dma_wait3A_95 = arith.constant 0 : i32
      %dma_wait3A_96 = tpu.memref_slice %arg9[%dma_wait3A_89, %dma_wait3A_95] : memref<8x128xi32, #tpu.memory_space<vmem>> -> memref<1x128xi32, #tpu.memory_space<vmem>>
      %dma_wait3A_97 = tpu.memref_squeeze %dma_wait3A_96 : memref<1x128xi32, #tpu.memory_space<vmem>> -> memref<128xi32, #tpu.memory_space<vmem>>
      %dma_wait3A_98 = arith.constant 0 : i32
      %dma_wait3A_99 = arith.constant 0 : i32
      %dma_wait3A_100 = tpu.memref_slice %arg2[%dma_wait3A_98, %dma_wait3A_99] : memref<10000x128xf32, #tpu.memory_space<hbm>> -> memref<10000x128xf32, #tpu.memory_space<hbm>>
      tpu.wait_indirect_dma semaphore(%arg14 : memref<!tpu.dma_semaphore, #tpu.memory_space<semaphore_mem>>) src(%dma_wait3A_100 : memref<10000x128xf32, #tpu.memory_space<hbm>>) dst(%dma_wait3A_94 : memref<128x128xf32, #tpu.memory_space<vmem>>)
      %run_scoped3A_101 = arith.constant 1 : i32
      %run_scoped3A_102 = arith.constant 1 : i32
      "tpu.region"() ({
        %run_scoped3A_247 = tpu.sem_alloc : memref<!tpu.dma_semaphore, #tpu.memory_space<semaphore_mem>>
        %dma_start3A_248 = arith.constant 0 : i32
        %dma_start3A_249 = arith.constant 0 : i32
        %dma_start3A_250 = tpu.memref_slice %arg11[%run_scoped3A_101, %dma_start3A_248, %dma_start3A_249] : memref<2x128x128xf32, #tpu.memory_space<vmem>> -> memref<1x128x128xf32, #tpu.memory_space<vmem>>
        %dma_start3A_251 = tpu.memref_squeeze %dma_start3A_250 : memref<1x128x128xf32, #tpu.memory_space<vmem>> -> memref<128x128xf32, #tpu.memory_space<vmem>>
        %dma_start3A_252 = arith.constant 0 : i32
        %dma_start3A_253 = tpu.memref_slice %arg10[%run_scoped3A_102, %dma_start3A_252] : memref<8x128xi32, #tpu.memory_space<vmem>> -> memref<1x128xi32, #tpu.memory_space<vmem>>
        %dma_start3A_254 = tpu.memref_squeeze %dma_start3A_253 : memref<1x128xi32, #tpu.memory_space<vmem>> -> memref<128xi32, #tpu.memory_space<vmem>>
        %dma_start3A_255 = arith.constant 0 : i32
        %dma_start3A_256 = arith.constant 0 : i32
        %dma_start3A_257 = tpu.memref_slice %arg12[%dma_start3A_255, %dma_start3A_256] : memref<10112x128xf32, #tpu.memory_space<vmem_shared>> -> memref<10112x128xf32, #tpu.memory_space<vmem_shared>>
        tpu.enqueue_indirect_dma source(%dma_start3A_251 : memref<128x128xf32, #tpu.memory_space<vmem>>) target(%dma_start3A_257 : memref<10112x128xf32, #tpu.memory_space<vmem_shared>>) offsets(%dma_start3A_254 : memref<128xi32, #tpu.memory_space<vmem>>) semaphore(%run_scoped3A_247 : memref<!tpu.dma_semaphore, #tpu.memory_space<semaphore_mem>>) {add = true}
        %dma_wait3A_258 = arith.constant 0 : i32
        %dma_wait3A_259 = arith.constant 0 : i32
        %dma_wait3A_260 = tpu.memref_slice %arg11[%run_scoped3A_101, %dma_wait3A_258, %dma_wait3A_259] : memref<2x128x128xf32, #tpu.memory_space<vmem>> -> memref<1x128x128xf32, #tpu.memory_space<vmem>>
        %dma_wait3A_261 = tpu.memref_squeeze %dma_wait3A_260 : memref<1x128x128xf32, #tpu.memory_space<vmem>> -> memref<128x128xf32, #tpu.memory_space<vmem>>
        %dma_wait3A_262 = arith.constant 0 : i32
        %dma_wait3A_263 = tpu.memref_slice %arg10[%run_scoped3A_102, %dma_wait3A_262] : memref<8x128xi32, #tpu.memory_space<vmem>> -> memref<1x128xi32, #tpu.memory_space<vmem>>
        %dma_wait3A_264 = tpu.memref_squeeze %dma_wait3A_263 : memref<1x128xi32, #tpu.memory_space<vmem>> -> memref<128xi32, #tpu.memory_space<vmem>>
        %dma_wait3A_265 = arith.constant 0 : i32
        %dma_wait3A_266 = arith.constant 0 : i32
        %dma_wait3A_267 = tpu.memref_slice %arg12[%dma_wait3A_265, %dma_wait3A_266] : memref<10112x128xf32, #tpu.memory_space<vmem_shared>> -> memref<10112x128xf32, #tpu.memory_space<vmem_shared>>
        tpu.wait_indirect_dma semaphore(%run_scoped3A_247 : memref<!tpu.dma_semaphore, #tpu.memory_space<semaphore_mem>>) src(%dma_wait3A_261 : memref<128x128xf32, #tpu.memory_space<vmem>>) dst(%dma_wait3A_267 : memref<10112x128xf32, #tpu.memory_space<vmem_shared>>)
        tpu.yield
      }) : () -> ()
      %dma_start3A_103 = arith.constant 3 : i32
      %dma_start3A_104 = arith.constant 1 : i32
      %dma_start3A_105 = arith.constant 0 : i32
      %dma_start3A_106 = arith.constant 0 : i32
      %dma_start3A_107 = tpu.memref_slice %arg11[%dma_start3A_104, %dma_start3A_105, %dma_start3A_106] : memref<2x128x128xf32, #tpu.memory_space<vmem>> -> memref<1x128x128xf32, #tpu.memory_space<vmem>>
      %dma_start3A_108 = tpu.memref_squeeze %dma_start3A_107 : memref<1x128x128xf32, #tpu.memory_space<vmem>> -> memref<128x128xf32, #tpu.memory_space<vmem>>
      %dma_start3A_109 = arith.constant 0 : i32
      %dma_start3A_110 = tpu.memref_slice %arg9[%dma_start3A_103, %dma_start3A_109] : memref<8x128xi32, #tpu.memory_space<vmem>> -> memref<1x128xi32, #tpu.memory_space<vmem>>
      %dma_start3A_111 = tpu.memref_squeeze %dma_start3A_110 : memref<1x128xi32, #tpu.memory_space<vmem>> -> memref<128xi32, #tpu.memory_space<vmem>>
      %dma_start3A_112 = arith.constant 0 : i32
      %dma_start3A_113 = arith.constant 0 : i32
      %dma_start3A_114 = tpu.memref_slice %arg2[%dma_start3A_112, %dma_start3A_113] : memref<10000x128xf32, #tpu.memory_space<hbm>> -> memref<10000x128xf32, #tpu.memory_space<hbm>>
      tpu.enqueue_indirect_dma source(%dma_start3A_114 : memref<10000x128xf32, #tpu.memory_space<hbm>>) target(%dma_start3A_108 : memref<128x128xf32, #tpu.memory_space<vmem>>) offsets(%dma_start3A_111 : memref<128xi32, #tpu.memory_space<vmem>>) semaphore(%arg14 : memref<!tpu.dma_semaphore, #tpu.memory_space<semaphore_mem>>)
      %dma_wait3A_115 = arith.constant 2 : i32
      %dma_wait3A_116 = arith.constant 0 : i32
      %dma_wait3A_117 = arith.constant 0 : i32
      %dma_wait3A_118 = arith.constant 0 : i32
      %dma_wait3A_119 = tpu.memref_slice %arg11[%dma_wait3A_116, %dma_wait3A_117, %dma_wait3A_118] : memref<2x128x128xf32, #tpu.memory_space<vmem>> -> memref<1x128x128xf32, #tpu.memory_space<vmem>>
      %dma_wait3A_120 = tpu.memref_squeeze %dma_wait3A_119 : memref<1x128x128xf32, #tpu.memory_space<vmem>> -> memref<128x128xf32, #tpu.memory_space<vmem>>
      %dma_wait3A_121 = arith.constant 0 : i32
      %dma_wait3A_122 = tpu.memref_slice %arg9[%dma_wait3A_115, %dma_wait3A_121] : memref<8x128xi32, #tpu.memory_space<vmem>> -> memref<1x128xi32, #tpu.memory_space<vmem>>
      %dma_wait3A_123 = tpu.memref_squeeze %dma_wait3A_122 : memref<1x128xi32, #tpu.memory_space<vmem>> -> memref<128xi32, #tpu.memory_space<vmem>>
      %dma_wait3A_124 = arith.constant 0 : i32
      %dma_wait3A_125 = arith.constant 0 : i32
      %dma_wait3A_126 = tpu.memref_slice %arg2[%dma_wait3A_124, %dma_wait3A_125] : memref<10000x128xf32, #tpu.memory_space<hbm>> -> memref<10000x128xf32, #tpu.memory_space<hbm>>
      tpu.wait_indirect_dma semaphore(%arg13 : memref<!tpu.dma_semaphore, #tpu.memory_space<semaphore_mem>>) src(%dma_wait3A_126 : memref<10000x128xf32, #tpu.memory_space<hbm>>) dst(%dma_wait3A_120 : memref<128x128xf32, #tpu.memory_space<vmem>>)
      %run_scoped3A_127 = arith.constant 0 : i32
      %run_scoped3A_128 = arith.constant 2 : i32
      "tpu.region"() ({
        %run_scoped3A_247 = tpu.sem_alloc : memref<!tpu.dma_semaphore, #tpu.memory_space<semaphore_mem>>
        %dma_start3A_248 = arith.constant 0 : i32
        %dma_start3A_249 = arith.constant 0 : i32
        %dma_start3A_250 = tpu.memref_slice %arg11[%run_scoped3A_127, %dma_start3A_248, %dma_start3A_249] : memref<2x128x128xf32, #tpu.memory_space<vmem>> -> memref<1x128x128xf32, #tpu.memory_space<vmem>>
        %dma_start3A_251 = tpu.memref_squeeze %dma_start3A_250 : memref<1x128x128xf32, #tpu.memory_space<vmem>> -> memref<128x128xf32, #tpu.memory_space<vmem>>
        %dma_start3A_252 = arith.constant 0 : i32
        %dma_start3A_253 = tpu.memref_slice %arg10[%run_scoped3A_128, %dma_start3A_252] : memref<8x128xi32, #tpu.memory_space<vmem>> -> memref<1x128xi32, #tpu.memory_space<vmem>>
        %dma_start3A_254 = tpu.memref_squeeze %dma_start3A_253 : memref<1x128xi32, #tpu.memory_space<vmem>> -> memref<128xi32, #tpu.memory_space<vmem>>
        %dma_start3A_255 = arith.constant 0 : i32
        %dma_start3A_256 = arith.constant 0 : i32
        %dma_start3A_257 = tpu.memref_slice %arg12[%dma_start3A_255, %dma_start3A_256] : memref<10112x128xf32, #tpu.memory_space<vmem_shared>> -> memref<10112x128xf32, #tpu.memory_space<vmem_shared>>
        tpu.enqueue_indirect_dma source(%dma_start3A_251 : memref<128x128xf32, #tpu.memory_space<vmem>>) target(%dma_start3A_257 : memref<10112x128xf32, #tpu.memory_space<vmem_shared>>) offsets(%dma_start3A_254 : memref<128xi32, #tpu.memory_space<vmem>>) semaphore(%run_scoped3A_247 : memref<!tpu.dma_semaphore, #tpu.memory_space<semaphore_mem>>) {add = true}
        %dma_wait3A_258 = arith.constant 0 : i32
        %dma_wait3A_259 = arith.constant 0 : i32
        %dma_wait3A_260 = tpu.memref_slice %arg11[%run_scoped3A_127, %dma_wait3A_258, %dma_wait3A_259] : memref<2x128x128xf32, #tpu.memory_space<vmem>> -> memref<1x128x128xf32, #tpu.memory_space<vmem>>
        %dma_wait3A_261 = tpu.memref_squeeze %dma_wait3A_260 : memref<1x128x128xf32, #tpu.memory_space<vmem>> -> memref<128x128xf32, #tpu.memory_space<vmem>>
        %dma_wait3A_262 = arith.constant 0 : i32
        %dma_wait3A_263 = tpu.memref_slice %arg10[%run_scoped3A_128, %dma_wait3A_262] : memref<8x128xi32, #tpu.memory_space<vmem>> -> memref<1x128xi32, #tpu.memory_space<vmem>>
        %dma_wait3A_264 = tpu.memref_squeeze %dma_wait3A_263 : memref<1x128xi32, #tpu.memory_space<vmem>> -> memref<128xi32, #tpu.memory_space<vmem>>
        %dma_wait3A_265 = arith.constant 0 : i32
        %dma_wait3A_266 = arith.constant 0 : i32
        %dma_wait3A_267 = tpu.memref_slice %arg12[%dma_wait3A_265, %dma_wait3A_266] : memref<10112x128xf32, #tpu.memory_space<vmem_shared>> -> memref<10112x128xf32, #tpu.memory_space<vmem_shared>>
        tpu.wait_indirect_dma semaphore(%run_scoped3A_247 : memref<!tpu.dma_semaphore, #tpu.memory_space<semaphore_mem>>) src(%dma_wait3A_261 : memref<128x128xf32, #tpu.memory_space<vmem>>) dst(%dma_wait3A_267 : memref<10112x128xf32, #tpu.memory_space<vmem_shared>>)
        tpu.yield
      }) : () -> ()
      %dma_start3A_129 = arith.constant 4 : i32
      %dma_start3A_130 = arith.constant 0 : i32
      %dma_start3A_131 = arith.constant 0 : i32
      %dma_start3A_132 = arith.constant 0 : i32
      %dma_start3A_133 = tpu.memref_slice %arg11[%dma_start3A_130, %dma_start3A_131, %dma_start3A_132] : memref<2x128x128xf32, #tpu.memory_space<vmem>> -> memref<1x128x128xf32, #tpu.memory_space<vmem>>
      %dma_start3A_134 = tpu.memref_squeeze %dma_start3A_133 : memref<1x128x128xf32, #tpu.memory_space<vmem>> -> memref<128x128xf32, #tpu.memory_space<vmem>>
      %dma_start3A_135 = arith.constant 0 : i32
      %dma_start3A_136 = tpu.memref_slice %arg9[%dma_start3A_129, %dma_start3A_135] : memref<8x128xi32, #tpu.memory_space<vmem>> -> memref<1x128xi32, #tpu.memory_space<vmem>>
      %dma_start3A_137 = tpu.memref_squeeze %dma_start3A_136 : memref<1x128xi32, #tpu.memory_space<vmem>> -> memref<128xi32, #tpu.memory_space<vmem>>
      %dma_start3A_138 = arith.constant 0 : i32
      %dma_start3A_139 = arith.constant 0 : i32
      %dma_start3A_140 = tpu.memref_slice %arg2[%dma_start3A_138, %dma_start3A_139] : memref<10000x128xf32, #tpu.memory_space<hbm>> -> memref<10000x128xf32, #tpu.memory_space<hbm>>
      tpu.enqueue_indirect_dma source(%dma_start3A_140 : memref<10000x128xf32, #tpu.memory_space<hbm>>) target(%dma_start3A_134 : memref<128x128xf32, #tpu.memory_space<vmem>>) offsets(%dma_start3A_137 : memref<128xi32, #tpu.memory_space<vmem>>) semaphore(%arg13 : memref<!tpu.dma_semaphore, #tpu.memory_space<semaphore_mem>>)
      %dma_wait3A_141 = arith.constant 3 : i32
      %dma_wait3A_142 = arith.constant 1 : i32
      %dma_wait3A_143 = arith.constant 0 : i32
      %dma_wait3A_144 = arith.constant 0 : i32
      %dma_wait3A_145 = tpu.memref_slice %arg11[%dma_wait3A_142, %dma_wait3A_143, %dma_wait3A_144] : memref<2x128x128xf32, #tpu.memory_space<vmem>> -> memref<1x128x128xf32, #tpu.memory_space<vmem>>
      %dma_wait3A_146 = tpu.memref_squeeze %dma_wait3A_145 : memref<1x128x128xf32, #tpu.memory_space<vmem>> -> memref<128x128xf32, #tpu.memory_space<vmem>>
      %dma_wait3A_147 = arith.constant 0 : i32
      %dma_wait3A_148 = tpu.memref_slice %arg9[%dma_wait3A_141, %dma_wait3A_147] : memref<8x128xi32, #tpu.memory_space<vmem>> -> memref<1x128xi32, #tpu.memory_space<vmem>>
      %dma_wait3A_149 = tpu.memref_squeeze %dma_wait3A_148 : memref<1x128xi32, #tpu.memory_space<vmem>> -> memref<128xi32, #tpu.memory_space<vmem>>
      %dma_wait3A_150 = arith.constant 0 : i32
      %dma_wait3A_151 = arith.constant 0 : i32
      %dma_wait3A_152 = tpu.memref_slice %arg2[%dma_wait3A_150, %dma_wait3A_151] : memref<10000x128xf32, #tpu.memory_space<hbm>> -> memref<10000x128xf32, #tpu.memory_space<hbm>>
      tpu.wait_indirect_dma semaphore(%arg14 : memref<!tpu.dma_semaphore, #tpu.memory_space<semaphore_mem>>) src(%dma_wait3A_152 : memref<10000x128xf32, #tpu.memory_space<hbm>>) dst(%dma_wait3A_146 : memref<128x128xf32, #tpu.memory_space<vmem>>)
      %run_scoped3A_153 = arith.constant 1 : i32
      %run_scoped3A_154 = arith.constant 3 : i32
      "tpu.region"() ({
        %run_scoped3A_247 = tpu.sem_alloc : memref<!tpu.dma_semaphore, #tpu.memory_space<semaphore_mem>>
        %dma_start3A_248 = arith.constant 0 : i32
        %dma_start3A_249 = arith.constant 0 : i32
        %dma_start3A_250 = tpu.memref_slice %arg11[%run_scoped3A_153, %dma_start3A_248, %dma_start3A_249] : memref<2x128x128xf32, #tpu.memory_space<vmem>> -> memref<1x128x128xf32, #tpu.memory_space<vmem>>
        %dma_start3A_251 = tpu.memref_squeeze %dma_start3A_250 : memref<1x128x128xf32, #tpu.memory_space<vmem>> -> memref<128x128xf32, #tpu.memory_space<vmem>>
        %dma_start3A_252 = arith.constant 0 : i32
        %dma_start3A_253 = tpu.memref_slice %arg10[%run_scoped3A_154, %dma_start3A_252] : memref<8x128xi32, #tpu.memory_space<vmem>> -> memref<1x128xi32, #tpu.memory_space<vmem>>
        %dma_start3A_254 = tpu.memref_squeeze %dma_start3A_253 : memref<1x128xi32, #tpu.memory_space<vmem>> -> memref<128xi32, #tpu.memory_space<vmem>>
        %dma_start3A_255 = arith.constant 0 : i32
        %dma_start3A_256 = arith.constant 0 : i32
        %dma_start3A_257 = tpu.memref_slice %arg12[%dma_start3A_255, %dma_start3A_256] : memref<10112x128xf32, #tpu.memory_space<vmem_shared>> -> memref<10112x128xf32, #tpu.memory_space<vmem_shared>>
        tpu.enqueue_indirect_dma source(%dma_start3A_251 : memref<128x128xf32, #tpu.memory_space<vmem>>) target(%dma_start3A_257 : memref<10112x128xf32, #tpu.memory_space<vmem_shared>>) offsets(%dma_start3A_254 : memref<128xi32, #tpu.memory_space<vmem>>) semaphore(%run_scoped3A_247 : memref<!tpu.dma_semaphore, #tpu.memory_space<semaphore_mem>>) {add = true}
        %dma_wait3A_258 = arith.constant 0 : i32
        %dma_wait3A_259 = arith.constant 0 : i32
        %dma_wait3A_260 = tpu.memref_slice %arg11[%run_scoped3A_153, %dma_wait3A_258, %dma_wait3A_259] : memref<2x128x128xf32, #tpu.memory_space<vmem>> -> memref<1x128x128xf32, #tpu.memory_space<vmem>>
        %dma_wait3A_261 = tpu.memref_squeeze %dma_wait3A_260 : memref<1x128x128xf32, #tpu.memory_space<vmem>> -> memref<128x128xf32, #tpu.memory_space<vmem>>
        %dma_wait3A_262 = arith.constant 0 : i32
        %dma_wait3A_263 = tpu.memref_slice %arg10[%run_scoped3A_154, %dma_wait3A_262] : memref<8x128xi32, #tpu.memory_space<vmem>> -> memref<1x128xi32, #tpu.memory_space<vmem>>
        %dma_wait3A_264 = tpu.memref_squeeze %dma_wait3A_263 : memref<1x128xi32, #tpu.memory_space<vmem>> -> memref<128xi32, #tpu.memory_space<vmem>>
        %dma_wait3A_265 = arith.constant 0 : i32
        %dma_wait3A_266 = arith.constant 0 : i32
        %dma_wait3A_267 = tpu.memref_slice %arg12[%dma_wait3A_265, %dma_wait3A_266] : memref<10112x128xf32, #tpu.memory_space<vmem_shared>> -> memref<10112x128xf32, #tpu.memory_space<vmem_shared>>
        tpu.wait_indirect_dma semaphore(%run_scoped3A_247 : memref<!tpu.dma_semaphore, #tpu.memory_space<semaphore_mem>>) src(%dma_wait3A_261 : memref<128x128xf32, #tpu.memory_space<vmem>>) dst(%dma_wait3A_267 : memref<10112x128xf32, #tpu.memory_space<vmem_shared>>)
        tpu.yield
      }) : () -> ()
      %dma_start3A_155 = arith.constant 5 : i32
      %dma_start3A_156 = arith.constant 1 : i32
      %dma_start3A_157 = arith.constant 0 : i32
      %dma_start3A_158 = arith.constant 0 : i32
      %dma_start3A_159 = tpu.memref_slice %arg11[%dma_start3A_156, %dma_start3A_157, %dma_start3A_158] : memref<2x128x128xf32, #tpu.memory_space<vmem>> -> memref<1x128x128xf32, #tpu.memory_space<vmem>>
      %dma_start3A_160 = tpu.memref_squeeze %dma_start3A_159 : memref<1x128x128xf32, #tpu.memory_space<vmem>> -> memref<128x128xf32, #tpu.memory_space<vmem>>
      %dma_start3A_161 = arith.constant 0 : i32
      %dma_start3A_162 = tpu.memref_slice %arg9[%dma_start3A_155, %dma_start3A_161] : memref<8x128xi32, #tpu.memory_space<vmem>> -> memref<1x128xi32, #tpu.memory_space<vmem>>
      %dma_start3A_163 = tpu.memref_squeeze %dma_start3A_162 : memref<1x128xi32, #tpu.memory_space<vmem>> -> memref<128xi32, #tpu.memory_space<vmem>>
      %dma_start3A_164 = arith.constant 0 : i32
      %dma_start3A_165 = arith.constant 0 : i32
      %dma_start3A_166 = tpu.memref_slice %arg2[%dma_start3A_164, %dma_start3A_165] : memref<10000x128xf32, #tpu.memory_space<hbm>> -> memref<10000x128xf32, #tpu.memory_space<hbm>>
      tpu.enqueue_indirect_dma source(%dma_start3A_166 : memref<10000x128xf32, #tpu.memory_space<hbm>>) target(%dma_start3A_160 : memref<128x128xf32, #tpu.memory_space<vmem>>) offsets(%dma_start3A_163 : memref<128xi32, #tpu.memory_space<vmem>>) semaphore(%arg14 : memref<!tpu.dma_semaphore, #tpu.memory_space<semaphore_mem>>)
      %dma_wait3A_167 = arith.constant 4 : i32
      %dma_wait3A_168 = arith.constant 0 : i32
      %dma_wait3A_169 = arith.constant 0 : i32
      %dma_wait3A_170 = arith.constant 0 : i32
      %dma_wait3A_171 = tpu.memref_slice %arg11[%dma_wait3A_168, %dma_wait3A_169, %dma_wait3A_170] : memref<2x128x128xf32, #tpu.memory_space<vmem>> -> memref<1x128x128xf32, #tpu.memory_space<vmem>>
      %dma_wait3A_172 = tpu.memref_squeeze %dma_wait3A_171 : memref<1x128x128xf32, #tpu.memory_space<vmem>> -> memref<128x128xf32, #tpu.memory_space<vmem>>
      %dma_wait3A_173 = arith.constant 0 : i32
      %dma_wait3A_174 = tpu.memref_slice %arg9[%dma_wait3A_167, %dma_wait3A_173] : memref<8x128xi32, #tpu.memory_space<vmem>> -> memref<1x128xi32, #tpu.memory_space<vmem>>
      %dma_wait3A_175 = tpu.memref_squeeze %dma_wait3A_174 : memref<1x128xi32, #tpu.memory_space<vmem>> -> memref<128xi32, #tpu.memory_space<vmem>>
      %dma_wait3A_176 = arith.constant 0 : i32
      %dma_wait3A_177 = arith.constant 0 : i32
      %dma_wait3A_178 = tpu.memref_slice %arg2[%dma_wait3A_176, %dma_wait3A_177] : memref<10000x128xf32, #tpu.memory_space<hbm>> -> memref<10000x128xf32, #tpu.memory_space<hbm>>
      tpu.wait_indirect_dma semaphore(%arg13 : memref<!tpu.dma_semaphore, #tpu.memory_space<semaphore_mem>>) src(%dma_wait3A_178 : memref<10000x128xf32, #tpu.memory_space<hbm>>) dst(%dma_wait3A_172 : memref<128x128xf32, #tpu.memory_space<vmem>>)
      %run_scoped3A_179 = arith.constant 0 : i32
      %run_scoped3A_180 = arith.constant 4 : i32
      "tpu.region"() ({
        %run_scoped3A_247 = tpu.sem_alloc : memref<!tpu.dma_semaphore, #tpu.memory_space<semaphore_mem>>
        %dma_start3A_248 = arith.constant 0 : i32
        %dma_start3A_249 = arith.constant 0 : i32
        %dma_start3A_250 = tpu.memref_slice %arg11[%run_scoped3A_179, %dma_start3A_248, %dma_start3A_249] : memref<2x128x128xf32, #tpu.memory_space<vmem>> -> memref<1x128x128xf32, #tpu.memory_space<vmem>>
        %dma_start3A_251 = tpu.memref_squeeze %dma_start3A_250 : memref<1x128x128xf32, #tpu.memory_space<vmem>> -> memref<128x128xf32, #tpu.memory_space<vmem>>
        %dma_start3A_252 = arith.constant 0 : i32
        %dma_start3A_253 = tpu.memref_slice %arg10[%run_scoped3A_180, %dma_start3A_252] : memref<8x128xi32, #tpu.memory_space<vmem>> -> memref<1x128xi32, #tpu.memory_space<vmem>>
        %dma_start3A_254 = tpu.memref_squeeze %dma_start3A_253 : memref<1x128xi32, #tpu.memory_space<vmem>> -> memref<128xi32, #tpu.memory_space<vmem>>
        %dma_start3A_255 = arith.constant 0 : i32
        %dma_start3A_256 = arith.constant 0 : i32
        %dma_start3A_257 = tpu.memref_slice %arg12[%dma_start3A_255, %dma_start3A_256] : memref<10112x128xf32, #tpu.memory_space<vmem_shared>> -> memref<10112x128xf32, #tpu.memory_space<vmem_shared>>
        tpu.enqueue_indirect_dma source(%dma_start3A_251 : memref<128x128xf32, #tpu.memory_space<vmem>>) target(%dma_start3A_257 : memref<10112x128xf32, #tpu.memory_space<vmem_shared>>) offsets(%dma_start3A_254 : memref<128xi32, #tpu.memory_space<vmem>>) semaphore(%run_scoped3A_247 : memref<!tpu.dma_semaphore, #tpu.memory_space<semaphore_mem>>) {add = true}
        %dma_wait3A_258 = arith.constant 0 : i32
        %dma_wait3A_259 = arith.constant 0 : i32
        %dma_wait3A_260 = tpu.memref_slice %arg11[%run_scoped3A_179, %dma_wait3A_258, %dma_wait3A_259] : memref<2x128x128xf32, #tpu.memory_space<vmem>> -> memref<1x128x128xf32, #tpu.memory_space<vmem>>
        %dma_wait3A_261 = tpu.memref_squeeze %dma_wait3A_260 : memref<1x128x128xf32, #tpu.memory_space<vmem>> -> memref<128x128xf32, #tpu.memory_space<vmem>>
        %dma_wait3A_262 = arith.constant 0 : i32
        %dma_wait3A_263 = tpu.memref_slice %arg10[%run_scoped3A_180, %dma_wait3A_262] : memref<8x128xi32, #tpu.memory_space<vmem>> -> memref<1x128xi32, #tpu.memory_space<vmem>>
        %dma_wait3A_264 = tpu.memref_squeeze %dma_wait3A_263 : memref<1x128xi32, #tpu.memory_space<vmem>> -> memref<128xi32, #tpu.memory_space<vmem>>
        %dma_wait3A_265 = arith.constant 0 : i32
        %dma_wait3A_266 = arith.constant 0 : i32
        %dma_wait3A_267 = tpu.memref_slice %arg12[%dma_wait3A_265, %dma_wait3A_266] : memref<10112x128xf32, #tpu.memory_space<vmem_shared>> -> memref<10112x128xf32, #tpu.memory_space<vmem_shared>>
        tpu.wait_indirect_dma semaphore(%run_scoped3A_247 : memref<!tpu.dma_semaphore, #tpu.memory_space<semaphore_mem>>) src(%dma_wait3A_261 : memref<128x128xf32, #tpu.memory_space<vmem>>) dst(%dma_wait3A_267 : memref<10112x128xf32, #tpu.memory_space<vmem_shared>>)
        tpu.yield
      }) : () -> ()
      %dma_start3A_181 = arith.constant 6 : i32
      %dma_start3A_182 = arith.constant 0 : i32
      %dma_start3A_183 = arith.constant 0 : i32
      %dma_start3A_184 = arith.constant 0 : i32
      %dma_start3A_185 = tpu.memref_slice %arg11[%dma_start3A_182, %dma_start3A_183, %dma_start3A_184] : memref<2x128x128xf32, #tpu.memory_space<vmem>> -> memref<1x128x128xf32, #tpu.memory_space<vmem>>
      %dma_start3A_186 = tpu.memref_squeeze %dma_start3A_185 : memref<1x128x128xf32, #tpu.memory_space<vmem>> -> memref<128x128xf32, #tpu.memory_space<vmem>>
      %dma_start3A_187 = arith.constant 0 : i32
      %dma_start3A_188 = tpu.memref_slice %arg9[%dma_start3A_181, %dma_start3A_187] : memref<8x128xi32, #tpu.memory_space<vmem>> -> memref<1x128xi32, #tpu.memory_space<vmem>>
      %dma_start3A_189 = tpu.memref_squeeze %dma_start3A_188 : memref<1x128xi32, #tpu.memory_space<vmem>> -> memref<128xi32, #tpu.memory_space<vmem>>
      %dma_start3A_190 = arith.constant 0 : i32
      %dma_start3A_191 = arith.constant 0 : i32
      %dma_start3A_192 = tpu.memref_slice %arg2[%dma_start3A_190, %dma_start3A_191] : memref<10000x128xf32, #tpu.memory_space<hbm>> -> memref<10000x128xf32, #tpu.memory_space<hbm>>
      tpu.enqueue_indirect_dma source(%dma_start3A_192 : memref<10000x128xf32, #tpu.memory_space<hbm>>) target(%dma_start3A_186 : memref<128x128xf32, #tpu.memory_space<vmem>>) offsets(%dma_start3A_189 : memref<128xi32, #tpu.memory_space<vmem>>) semaphore(%arg13 : memref<!tpu.dma_semaphore, #tpu.memory_space<semaphore_mem>>)
      %dma_wait3A_193 = arith.constant 5 : i32
      %dma_wait3A_194 = arith.constant 1 : i32
      %dma_wait3A_195 = arith.constant 0 : i32
      %dma_wait3A_196 = arith.constant 0 : i32
      %dma_wait3A_197 = tpu.memref_slice %arg11[%dma_wait3A_194, %dma_wait3A_195, %dma_wait3A_196] : memref<2x128x128xf32, #tpu.memory_space<vmem>> -> memref<1x128x128xf32, #tpu.memory_space<vmem>>
      %dma_wait3A_198 = tpu.memref_squeeze %dma_wait3A_197 : memref<1x128x128xf32, #tpu.memory_space<vmem>> -> memref<128x128xf32, #tpu.memory_space<vmem>>
      %dma_wait3A_199 = arith.constant 0 : i32
      %dma_wait3A_200 = tpu.memref_slice %arg9[%dma_wait3A_193, %dma_wait3A_199] : memref<8x128xi32, #tpu.memory_space<vmem>> -> memref<1x128xi32, #tpu.memory_space<vmem>>
      %dma_wait3A_201 = tpu.memref_squeeze %dma_wait3A_200 : memref<1x128xi32, #tpu.memory_space<vmem>> -> memref<128xi32, #tpu.memory_space<vmem>>
      %dma_wait3A_202 = arith.constant 0 : i32
      %dma_wait3A_203 = arith.constant 0 : i32
      %dma_wait3A_204 = tpu.memref_slice %arg2[%dma_wait3A_202, %dma_wait3A_203] : memref<10000x128xf32, #tpu.memory_space<hbm>> -> memref<10000x128xf32, #tpu.memory_space<hbm>>
      tpu.wait_indirect_dma semaphore(%arg14 : memref<!tpu.dma_semaphore, #tpu.memory_space<semaphore_mem>>) src(%dma_wait3A_204 : memref<10000x128xf32, #tpu.memory_space<hbm>>) dst(%dma_wait3A_198 : memref<128x128xf32, #tpu.memory_space<vmem>>)
      %run_scoped3A_205 = arith.constant 1 : i32
      %run_scoped3A_206 = arith.constant 5 : i32
      "tpu.region"() ({
        %run_scoped3A_247 = tpu.sem_alloc : memref<!tpu.dma_semaphore, #tpu.memory_space<semaphore_mem>>
        %dma_start3A_248 = arith.constant 0 : i32
        %dma_start3A_249 = arith.constant 0 : i32
        %dma_start3A_250 = tpu.memref_slice %arg11[%run_scoped3A_205, %dma_start3A_248, %dma_start3A_249] : memref<2x128x128xf32, #tpu.memory_space<vmem>> -> memref<1x128x128xf32, #tpu.memory_space<vmem>>
        %dma_start3A_251 = tpu.memref_squeeze %dma_start3A_250 : memref<1x128x128xf32, #tpu.memory_space<vmem>> -> memref<128x128xf32, #tpu.memory_space<vmem>>
        %dma_start3A_252 = arith.constant 0 : i32
        %dma_start3A_253 = tpu.memref_slice %arg10[%run_scoped3A_206, %dma_start3A_252] : memref<8x128xi32, #tpu.memory_space<vmem>> -> memref<1x128xi32, #tpu.memory_space<vmem>>
        %dma_start3A_254 = tpu.memref_squeeze %dma_start3A_253 : memref<1x128xi32, #tpu.memory_space<vmem>> -> memref<128xi32, #tpu.memory_space<vmem>>
        %dma_start3A_255 = arith.constant 0 : i32
        %dma_start3A_256 = arith.constant 0 : i32
        %dma_start3A_257 = tpu.memref_slice %arg12[%dma_start3A_255, %dma_start3A_256] : memref<10112x128xf32, #tpu.memory_space<vmem_shared>> -> memref<10112x128xf32, #tpu.memory_space<vmem_shared>>
        tpu.enqueue_indirect_dma source(%dma_start3A_251 : memref<128x128xf32, #tpu.memory_space<vmem>>) target(%dma_start3A_257 : memref<10112x128xf32, #tpu.memory_space<vmem_shared>>) offsets(%dma_start3A_254 : memref<128xi32, #tpu.memory_space<vmem>>) semaphore(%run_scoped3A_247 : memref<!tpu.dma_semaphore, #tpu.memory_space<semaphore_mem>>) {add = true}
        %dma_wait3A_258 = arith.constant 0 : i32
        %dma_wait3A_259 = arith.constant 0 : i32
        %dma_wait3A_260 = tpu.memref_slice %arg11[%run_scoped3A_205, %dma_wait3A_258, %dma_wait3A_259] : memref<2x128x128xf32, #tpu.memory_space<vmem>> -> memref<1x128x128xf32, #tpu.memory_space<vmem>>
        %dma_wait3A_261 = tpu.memref_squeeze %dma_wait3A_260 : memref<1x128x128xf32, #tpu.memory_space<vmem>> -> memref<128x128xf32, #tpu.memory_space<vmem>>
        %dma_wait3A_262 = arith.constant 0 : i32
        %dma_wait3A_263 = tpu.memref_slice %arg10[%run_scoped3A_206, %dma_wait3A_262] : memref<8x128xi32, #tpu.memory_space<vmem>> -> memref<1x128xi32, #tpu.memory_space<vmem>>
        %dma_wait3A_264 = tpu.memref_squeeze %dma_wait3A_263 : memref<1x128xi32, #tpu.memory_space<vmem>> -> memref<128xi32, #tpu.memory_space<vmem>>
        %dma_wait3A_265 = arith.constant 0 : i32
        %dma_wait3A_266 = arith.constant 0 : i32
        %dma_wait3A_267 = tpu.memref_slice %arg12[%dma_wait3A_265, %dma_wait3A_266] : memref<10112x128xf32, #tpu.memory_space<vmem_shared>> -> memref<10112x128xf32, #tpu.memory_space<vmem_shared>>
        tpu.wait_indirect_dma semaphore(%run_scoped3A_247 : memref<!tpu.dma_semaphore, #tpu.memory_space<semaphore_mem>>) src(%dma_wait3A_261 : memref<128x128xf32, #tpu.memory_space<vmem>>) dst(%dma_wait3A_267 : memref<10112x128xf32, #tpu.memory_space<vmem_shared>>)
        tpu.yield
      }) : () -> ()
      %dma_start3A_207 = arith.constant 7 : i32
      %dma_start3A_208 = arith.constant 1 : i32
      %dma_start3A_209 = arith.constant 0 : i32
      %dma_start3A_210 = arith.constant 0 : i32
      %dma_start3A_211 = tpu.memref_slice %arg11[%dma_start3A_208, %dma_start3A_209, %dma_start3A_210] : memref<2x128x128xf32, #tpu.memory_space<vmem>> -> memref<1x128x128xf32, #tpu.memory_space<vmem>>
      %dma_start3A_212 = tpu.memref_squeeze %dma_start3A_211 : memref<1x128x128xf32, #tpu.memory_space<vmem>> -> memref<128x128xf32, #tpu.memory_space<vmem>>
      %dma_start3A_213 = arith.constant 0 : i32
      %dma_start3A_214 = tpu.memref_slice %arg9[%dma_start3A_207, %dma_start3A_213] : memref<8x128xi32, #tpu.memory_space<vmem>> -> memref<1x128xi32, #tpu.memory_space<vmem>>
      %dma_start3A_215 = tpu.memref_squeeze %dma_start3A_214 : memref<1x128xi32, #tpu.memory_space<vmem>> -> memref<128xi32, #tpu.memory_space<vmem>>
      %dma_start3A_216 = arith.constant 0 : i32
      %dma_start3A_217 = arith.constant 0 : i32
      %dma_start3A_218 = tpu.memref_slice %arg2[%dma_start3A_216, %dma_start3A_217] : memref<10000x128xf32, #tpu.memory_space<hbm>> -> memref<10000x128xf32, #tpu.memory_space<hbm>>
      tpu.enqueue_indirect_dma source(%dma_start3A_218 : memref<10000x128xf32, #tpu.memory_space<hbm>>) target(%dma_start3A_212 : memref<128x128xf32, #tpu.memory_space<vmem>>) offsets(%dma_start3A_215 : memref<128xi32, #tpu.memory_space<vmem>>) semaphore(%arg14 : memref<!tpu.dma_semaphore, #tpu.memory_space<semaphore_mem>>)
      %dma_wait3A_219 = arith.constant 6 : i32
      %dma_wait3A_220 = arith.constant 0 : i32
      %dma_wait3A_221 = arith.constant 0 : i32
      %dma_wait3A_222 = arith.constant 0 : i32
      %dma_wait3A_223 = tpu.memref_slice %arg11[%dma_wait3A_220, %dma_wait3A_221, %dma_wait3A_222] : memref<2x128x128xf32, #tpu.memory_space<vmem>> -> memref<1x128x128xf32, #tpu.memory_space<vmem>>
      %dma_wait3A_224 = tpu.memref_squeeze %dma_wait3A_223 : memref<1x128x128xf32, #tpu.memory_space<vmem>> -> memref<128x128xf32, #tpu.memory_space<vmem>>
      %dma_wait3A_225 = arith.constant 0 : i32
      %dma_wait3A_226 = tpu.memref_slice %arg9[%dma_wait3A_219, %dma_wait3A_225] : memref<8x128xi32, #tpu.memory_space<vmem>> -> memref<1x128xi32, #tpu.memory_space<vmem>>
      %dma_wait3A_227 = tpu.memref_squeeze %dma_wait3A_226 : memref<1x128xi32, #tpu.memory_space<vmem>> -> memref<128xi32, #tpu.memory_space<vmem>>
      %dma_wait3A_228 = arith.constant 0 : i32
      %dma_wait3A_229 = arith.constant 0 : i32
      %dma_wait3A_230 = tpu.memref_slice %arg2[%dma_wait3A_228, %dma_wait3A_229] : memref<10000x128xf32, #tpu.memory_space<hbm>> -> memref<10000x128xf32, #tpu.memory_space<hbm>>
      tpu.wait_indirect_dma semaphore(%arg13 : memref<!tpu.dma_semaphore, #tpu.memory_space<semaphore_mem>>) src(%dma_wait3A_230 : memref<10000x128xf32, #tpu.memory_space<hbm>>) dst(%dma_wait3A_224 : memref<128x128xf32, #tpu.memory_space<vmem>>)
      %run_scoped3A_231 = arith.constant 0 : i32
      %run_scoped3A_232 = arith.constant 6 : i32
      "tpu.region"() ({
        %run_scoped3A_247 = tpu.sem_alloc : memref<!tpu.dma_semaphore, #tpu.memory_space<semaphore_mem>>
        %dma_start3A_248 = arith.constant 0 : i32
        %dma_start3A_249 = arith.constant 0 : i32
        %dma_start3A_250 = tpu.memref_slice %arg11[%run_scoped3A_231, %dma_start3A_248, %dma_start3A_249] : memref<2x128x128xf32, #tpu.memory_space<vmem>> -> memref<1x128x128xf32, #tpu.memory_space<vmem>>
        %dma_start3A_251 = tpu.memref_squeeze %dma_start3A_250 : memref<1x128x128xf32, #tpu.memory_space<vmem>> -> memref<128x128xf32, #tpu.memory_space<vmem>>
        %dma_start3A_252 = arith.constant 0 : i32
        %dma_start3A_253 = tpu.memref_slice %arg10[%run_scoped3A_232, %dma_start3A_252] : memref<8x128xi32, #tpu.memory_space<vmem>> -> memref<1x128xi32, #tpu.memory_space<vmem>>
        %dma_start3A_254 = tpu.memref_squeeze %dma_start3A_253 : memref<1x128xi32, #tpu.memory_space<vmem>> -> memref<128xi32, #tpu.memory_space<vmem>>
        %dma_start3A_255 = arith.constant 0 : i32
        %dma_start3A_256 = arith.constant 0 : i32
        %dma_start3A_257 = tpu.memref_slice %arg12[%dma_start3A_255, %dma_start3A_256] : memref<10112x128xf32, #tpu.memory_space<vmem_shared>> -> memref<10112x128xf32, #tpu.memory_space<vmem_shared>>
        tpu.enqueue_indirect_dma source(%dma_start3A_251 : memref<128x128xf32, #tpu.memory_space<vmem>>) target(%dma_start3A_257 : memref<10112x128xf32, #tpu.memory_space<vmem_shared>>) offsets(%dma_start3A_254 : memref<128xi32, #tpu.memory_space<vmem>>) semaphore(%run_scoped3A_247 : memref<!tpu.dma_semaphore, #tpu.memory_space<semaphore_mem>>) {add = true}
        %dma_wait3A_258 = arith.constant 0 : i32
        %dma_wait3A_259 = arith.constant 0 : i32
        %dma_wait3A_260 = tpu.memref_slice %arg11[%run_scoped3A_231, %dma_wait3A_258, %dma_wait3A_259] : memref<2x128x128xf32, #tpu.memory_space<vmem>> -> memref<1x128x128xf32, #tpu.memory_space<vmem>>
        %dma_wait3A_261 = tpu.memref_squeeze %dma_wait3A_260 : memref<1x128x128xf32, #tpu.memory_space<vmem>> -> memref<128x128xf32, #tpu.memory_space<vmem>>
        %dma_wait3A_262 = arith.constant 0 : i32
        %dma_wait3A_263 = tpu.memref_slice %arg10[%run_scoped3A_232, %dma_wait3A_262] : memref<8x128xi32, #tpu.memory_space<vmem>> -> memref<1x128xi32, #tpu.memory_space<vmem>>
        %dma_wait3A_264 = tpu.memref_squeeze %dma_wait3A_263 : memref<1x128xi32, #tpu.memory_space<vmem>> -> memref<128xi32, #tpu.memory_space<vmem>>
        %dma_wait3A_265 = arith.constant 0 : i32
        %dma_wait3A_266 = arith.constant 0 : i32
        %dma_wait3A_267 = tpu.memref_slice %arg12[%dma_wait3A_265, %dma_wait3A_266] : memref<10112x128xf32, #tpu.memory_space<vmem_shared>> -> memref<10112x128xf32, #tpu.memory_space<vmem_shared>>
        tpu.wait_indirect_dma semaphore(%run_scoped3A_247 : memref<!tpu.dma_semaphore, #tpu.memory_space<semaphore_mem>>) src(%dma_wait3A_261 : memref<128x128xf32, #tpu.memory_space<vmem>>) dst(%dma_wait3A_267 : memref<10112x128xf32, #tpu.memory_space<vmem_shared>>)
        tpu.yield
      }) : () -> ()
      %dma_wait3A_233 = arith.constant 7 : i32
      %dma_wait3A_234 = arith.constant 1 : i32
      %dma_wait3A_235 = arith.constant 0 : i32
      %dma_wait3A_236 = arith.constant 0 : i32
      %dma_wait3A_237 = tpu.memref_slice %arg11[%dma_wait3A_234, %dma_wait3A_235, %dma_wait3A_236] : memref<2x128x128xf32, #tpu.memory_space<vmem>> -> memref<1x128x128xf32, #tpu.memory_space<vmem>>
      %dma_wait3A_238 = tpu.memref_squeeze %dma_wait3A_237 : memref<1x128x128xf32, #tpu.memory_space<vmem>> -> memref<128x128xf32, #tpu.memory_space<vmem>>
      %dma_wait3A_239 = arith.constant 0 : i32
      %dma_wait3A_240 = tpu.memref_slice %arg9[%dma_wait3A_233, %dma_wait3A_239] : memref<8x128xi32, #tpu.memory_space<vmem>> -> memref<1x128xi32, #tpu.memory_space<vmem>>
      %dma_wait3A_241 = tpu.memref_squeeze %dma_wait3A_240 : memref<1x128xi32, #tpu.memory_space<vmem>> -> memref<128xi32, #tpu.memory_space<vmem>>
      %dma_wait3A_242 = arith.constant 0 : i32
      %dma_wait3A_243 = arith.constant 0 : i32
      %dma_wait3A_244 = tpu.memref_slice %arg2[%dma_wait3A_242, %dma_wait3A_243] : memref<10000x128xf32, #tpu.memory_space<hbm>> -> memref<10000x128xf32, #tpu.memory_space<hbm>>
      tpu.wait_indirect_dma semaphore(%arg14 : memref<!tpu.dma_semaphore, #tpu.memory_space<semaphore_mem>>) src(%dma_wait3A_244 : memref<10000x128xf32, #tpu.memory_space<hbm>>) dst(%dma_wait3A_238 : memref<128x128xf32, #tpu.memory_space<vmem>>)
      %run_scoped3A_245 = arith.constant 1 : i32
      %run_scoped3A_246 = arith.constant 7 : i32
      "tpu.region"() ({
        %run_scoped3A_247 = tpu.sem_alloc : memref<!tpu.dma_semaphore, #tpu.memory_space<semaphore_mem>>
        %dma_start3A_248 = arith.constant 0 : i32
        %dma_start3A_249 = arith.constant 0 : i32
        %dma_start3A_250 = tpu.memref_slice %arg11[%run_scoped3A_245, %dma_start3A_248, %dma_start3A_249] : memref<2x128x128xf32, #tpu.memory_space<vmem>> -> memref<1x128x128xf32, #tpu.memory_space<vmem>>
        %dma_start3A_251 = tpu.memref_squeeze %dma_start3A_250 : memref<1x128x128xf32, #tpu.memory_space<vmem>> -> memref<128x128xf32, #tpu.memory_space<vmem>>
        %dma_start3A_252 = arith.constant 0 : i32
        %dma_start3A_253 = tpu.memref_slice %arg10[%run_scoped3A_246, %dma_start3A_252] : memref<8x128xi32, #tpu.memory_space<vmem>> -> memref<1x128xi32, #tpu.memory_space<vmem>>
        %dma_start3A_254 = tpu.memref_squeeze %dma_start3A_253 : memref<1x128xi32, #tpu.memory_space<vmem>> -> memref<128xi32, #tpu.memory_space<vmem>>
        %dma_start3A_255 = arith.constant 0 : i32
        %dma_start3A_256 = arith.constant 0 : i32
        %dma_start3A_257 = tpu.memref_slice %arg12[%dma_start3A_255, %dma_start3A_256] : memref<10112x128xf32, #tpu.memory_space<vmem_shared>> -> memref<10112x128xf32, #tpu.memory_space<vmem_shared>>
        tpu.enqueue_indirect_dma source(%dma_start3A_251 : memref<128x128xf32, #tpu.memory_space<vmem>>) target(%dma_start3A_257 : memref<10112x128xf32, #tpu.memory_space<vmem_shared>>) offsets(%dma_start3A_254 : memref<128xi32, #tpu.memory_space<vmem>>) semaphore(%run_scoped3A_247 : memref<!tpu.dma_semaphore, #tpu.memory_space<semaphore_mem>>) {add = true}
        %dma_wait3A_258 = arith.constant 0 : i32
        %dma_wait3A_259 = arith.constant 0 : i32
        %dma_wait3A_260 = tpu.memref_slice %arg11[%run_scoped3A_245, %dma_wait3A_258, %dma_wait3A_259] : memref<2x128x128xf32, #tpu.memory_space<vmem>> -> memref<1x128x128xf32, #tpu.memory_space<vmem>>
        %dma_wait3A_261 = tpu.memref_squeeze %dma_wait3A_260 : memref<1x128x128xf32, #tpu.memory_space<vmem>> -> memref<128x128xf32, #tpu.memory_space<vmem>>
        %dma_wait3A_262 = arith.constant 0 : i32
        %dma_wait3A_263 = tpu.memref_slice %arg10[%run_scoped3A_246, %dma_wait3A_262] : memref<8x128xi32, #tpu.memory_space<vmem>> -> memref<1x128xi32, #tpu.memory_space<vmem>>
        %dma_wait3A_264 = tpu.memref_squeeze %dma_wait3A_263 : memref<1x128xi32, #tpu.memory_space<vmem>> -> memref<128xi32, #tpu.memory_space<vmem>>
        %dma_wait3A_265 = arith.constant 0 : i32
        %dma_wait3A_266 = arith.constant 0 : i32
        %dma_wait3A_267 = tpu.memref_slice %arg12[%dma_wait3A_265, %dma_wait3A_266] : memref<10112x128xf32, #tpu.memory_space<vmem_shared>> -> memref<10112x128xf32, #tpu.memory_space<vmem_shared>>
        tpu.wait_indirect_dma semaphore(%run_scoped3A_247 : memref<!tpu.dma_semaphore, #tpu.memory_space<semaphore_mem>>) src(%dma_wait3A_261 : memref<128x128xf32, #tpu.memory_space<vmem>>) dst(%dma_wait3A_267 : memref<10112x128xf32, #tpu.memory_space<vmem_shared>>)
        tpu.yield
      }) : () -> ()
    }
    %while3A_19 = arith.constant 1 : i32
    scf.for %while3A_34 = %while3A_17 to %while3A_13 step %while3A_19  : i32 {
      %mul3A_35 = arith.constant 8 : i32
      %mul3A_36 = arith.muli %while3A_34, %mul3A_35 : i32
      %add3A_37 = arith.addi %select_n3A, %mul3A_36 : i32
      "tpu.region"() ({
        %run_scoped3A_247 = tpu.sem_alloc : memref<!tpu.dma_semaphore, #tpu.memory_space<semaphore_mem>>
        %dma_start3A_248 = arith.constant 0 : i32
        %dma_start3A_249 = tpu.memref_slice %arg3[%add3A_37, %dma_start3A_248] : memref<2560x128xi32, #tpu.memory_space<hbm>> -> memref<8x128xi32, #tpu.memory_space<hbm>>
        %dma_start3A_250 = arith.constant 0 : i32
        %dma_start3A_251 = tpu.memref_slice %arg3[%add3A_37, %dma_start3A_250] : memref<2560x128xi32, #tpu.memory_space<hbm>> -> memref<8x128xi32, #tpu.memory_space<hbm>>
        tpu.enqueue_dma source(%dma_start3A_251 : memref<8x128xi32, #tpu.memory_space<hbm>>) target(%arg9 : memref<8x128xi32, #tpu.memory_space<vmem>>) target_semaphore(%run_scoped3A_247 : memref<!tpu.dma_semaphore, #tpu.memory_space<semaphore_mem>>)
        %dma_wait3A_252 = arith.constant 0 : i32
        %dma_wait3A_253 = tpu.memref_slice %arg3[%add3A_37, %dma_wait3A_252] : memref<2560x128xi32, #tpu.memory_space<hbm>> -> memref<8x128xi32, #tpu.memory_space<hbm>>
        %dma_wait3A_254 = arith.constant 0 : i32
        %dma_wait3A_255 = tpu.memref_slice %arg3[%add3A_37, %dma_wait3A_254] : memref<2560x128xi32, #tpu.memory_space<hbm>> -> memref<8x128xi32, #tpu.memory_space<hbm>>
        tpu.wait_dma2 semaphore(%run_scoped3A_247 : memref<!tpu.dma_semaphore, #tpu.memory_space<semaphore_mem>>) src(%dma_wait3A_255 : memref<8x128xi32, #tpu.memory_space<hbm>>) dst(%arg9 : memref<8x128xi32, #tpu.memory_space<vmem>>)
        tpu.yield
      }) : () -> ()
      %mul3A_38 = arith.constant 8 : i32
      %mul3A_39 = arith.muli %while3A_34, %mul3A_38 : i32
      %add3A_40 = arith.addi %select_n3A, %mul3A_39 : i32
      "tpu.region"() ({
        %run_scoped3A_247 = tpu.sem_alloc : memref<!tpu.dma_semaphore, #tpu.memory_space<semaphore_mem>>
        %dma_start3A_248 = arith.constant 0 : i32
        %dma_start3A_249 = tpu.memref_slice %arg4[%add3A_40, %dma_start3A_248] : memref<2560x128xi32, #tpu.memory_space<hbm>> -> memref<8x128xi32, #tpu.memory_space<hbm>>
        %dma_start3A_250 = arith.constant 0 : i32
        %dma_start3A_251 = tpu.memref_slice %arg4[%add3A_40, %dma_start3A_250] : memref<2560x128xi32, #tpu.memory_space<hbm>> -> memref<8x128xi32, #tpu.memory_space<hbm>>
        tpu.enqueue_dma source(%dma_start3A_251 : memref<8x128xi32, #tpu.memory_space<hbm>>) target(%arg10 : memref<8x128xi32, #tpu.memory_space<vmem>>) target_semaphore(%run_scoped3A_247 : memref<!tpu.dma_semaphore, #tpu.memory_space<semaphore_mem>>)
        %dma_wait3A_252 = arith.constant 0 : i32
        %dma_wait3A_253 = tpu.memref_slice %arg4[%add3A_40, %dma_wait3A_252] : memref<2560x128xi32, #tpu.memory_space<hbm>> -> memref<8x128xi32, #tpu.memory_space<hbm>>
        %dma_wait3A_254 = arith.constant 0 : i32
        %dma_wait3A_255 = tpu.memref_slice %arg4[%add3A_40, %dma_wait3A_254] : memref<2560x128xi32, #tpu.memory_space<hbm>> -> memref<8x128xi32, #tpu.memory_space<hbm>>
        tpu.wait_dma2 semaphore(%run_scoped3A_247 : memref<!tpu.dma_semaphore, #tpu.memory_space<semaphore_mem>>) src(%dma_wait3A_255 : memref<8x128xi32, #tpu.memory_space<hbm>>) dst(%arg10 : memref<8x128xi32, #tpu.memory_space<vmem>>)
        tpu.yield
      }) : () -> ()
      %dma_start3A = arith.constant 0 : i32
      %dma_start3A_41 = arith.constant 0 : i32
      %dma_start3A_42 = arith.constant 0 : i32
      %dma_start3A_43 = arith.constant 0 : i32
      %dma_start3A_44 = tpu.memref_slice %arg11[%dma_start3A_41, %dma_start3A_42, %dma_start3A_43] : memref<2x128x128xf32, #tpu.memory_space<vmem>> -> memref<1x128x128xf32, #tpu.memory_space<vmem>>
      %dma_start3A_45 = tpu.memref_squeeze %dma_start3A_44 : memref<1x128x128xf32, #tpu.memory_space<vmem>> -> memref<128x128xf32, #tpu.memory_space<vmem>>
      %dma_start3A_46 = arith.constant 0 : i32
      %dma_start3A_47 = tpu.memref_slice %arg9[%dma_start3A, %dma_start3A_46] : memref<8x128xi32, #tpu.memory_space<vmem>> -> memref<1x128xi32, #tpu.memory_space<vmem>>
      %dma_start3A_48 = tpu.memref_squeeze %dma_start3A_47 : memref<1x128xi32, #tpu.memory_space<vmem>> -> memref<128xi32, #tpu.memory_space<vmem>>
      %dma_start3A_49 = arith.constant 0 : i32
      %dma_start3A_50 = arith.constant 0 : i32
      %dma_start3A_51 = tpu.memref_slice %arg2[%dma_start3A_49, %dma_start3A_50] : memref<10000x128xf32, #tpu.memory_space<hbm>> -> memref<10000x128xf32, #tpu.memory_space<hbm>>
      tpu.enqueue_indirect_dma source(%dma_start3A_51 : memref<10000x128xf32, #tpu.memory_space<hbm>>) target(%dma_start3A_45 : memref<128x128xf32, #tpu.memory_space<vmem>>) offsets(%dma_start3A_48 : memref<128xi32, #tpu.memory_space<vmem>>) semaphore(%arg13 : memref<!tpu.dma_semaphore, #tpu.memory_space<semaphore_mem>>)
      %dma_start3A_52 = arith.constant 1 : i32
      %dma_start3A_53 = arith.constant 1 : i32
      %dma_start3A_54 = arith.constant 0 : i32
      %dma_start3A_55 = arith.constant 0 : i32
      %dma_start3A_56 = tpu.memref_slice %arg11[%dma_start3A_53, %dma_start3A_54, %dma_start3A_55] : memref<2x128x128xf32, #tpu.memory_space<vmem>> -> memref<1x128x128xf32, #tpu.memory_space<vmem>>
      %dma_start3A_57 = tpu.memref_squeeze %dma_start3A_56 : memref<1x128x128xf32, #tpu.memory_space<vmem>> -> memref<128x128xf32, #tpu.memory_space<vmem>>
      %dma_start3A_58 = arith.constant 0 : i32
      %dma_start3A_59 = tpu.memref_slice %arg9[%dma_start3A_52, %dma_start3A_58] : memref<8x128xi32, #tpu.memory_space<vmem>> -> memref<1x128xi32, #tpu.memory_space<vmem>>
      %dma_start3A_60 = tpu.memref_squeeze %dma_start3A_59 : memref<1x128xi32, #tpu.memory_space<vmem>> -> memref<128xi32, #tpu.memory_space<vmem>>
      %dma_start3A_61 = arith.constant 0 : i32
      %dma_start3A_62 = arith.constant 0 : i32
      %dma_start3A_63 = tpu.memref_slice %arg2[%dma_start3A_61, %dma_start3A_62] : memref<10000x128xf32, #tpu.memory_space<hbm>> -> memref<10000x128xf32, #tpu.memory_space<hbm>>
      tpu.enqueue_indirect_dma source(%dma_start3A_63 : memref<10000x128xf32, #tpu.memory_space<hbm>>) target(%dma_start3A_57 : memref<128x128xf32, #tpu.memory_space<vmem>>) offsets(%dma_start3A_60 : memref<128xi32, #tpu.memory_space<vmem>>) semaphore(%arg14 : memref<!tpu.dma_semaphore, #tpu.memory_space<semaphore_mem>>)
      %dma_wait3A = arith.constant 0 : i32
      %dma_wait3A_64 = arith.constant 0 : i32
      %dma_wait3A_65 = arith.constant 0 : i32
      %dma_wait3A_66 = arith.constant 0 : i32
      %dma_wait3A_67 = tpu.memref_slice %arg11[%dma_wait3A_64, %dma_wait3A_65, %dma_wait3A_66] : memref<2x128x128xf32, #tpu.memory_space<vmem>> -> memref<1x128x128xf32, #tpu.memory_space<vmem>>
      %dma_wait3A_68 = tpu.memref_squeeze %dma_wait3A_67 : memref<1x128x128xf32, #tpu.memory_space<vmem>> -> memref<128x128xf32, #tpu.memory_space<vmem>>
      %dma_wait3A_69 = arith.constant 0 : i32
      %dma_wait3A_70 = tpu.memref_slice %arg9[%dma_wait3A, %dma_wait3A_69] : memref<8x128xi32, #tpu.memory_space<vmem>> -> memref<1x128xi32, #tpu.memory_space<vmem>>
      %dma_wait3A_71 = tpu.memref_squeeze %dma_wait3A_70 : memref<1x128xi32, #tpu.memory_space<vmem>> -> memref<128xi32, #tpu.memory_space<vmem>>
      %dma_wait3A_72 = arith.constant 0 : i32
      %dma_wait3A_73 = arith.constant 0 : i32
      %dma_wait3A_74 = tpu.memref_slice %arg2[%dma_wait3A_72, %dma_wait3A_73] : memref<10000x128xf32, #tpu.memory_space<hbm>> -> memref<10000x128xf32, #tpu.memory_space<hbm>>
      tpu.wait_indirect_dma semaphore(%arg13 : memref<!tpu.dma_semaphore, #tpu.memory_space<semaphore_mem>>) src(%dma_wait3A_74 : memref<10000x128xf32, #tpu.memory_space<hbm>>) dst(%dma_wait3A_68 : memref<128x128xf32, #tpu.memory_space<vmem>>)
      %run_scoped3A_75 = arith.constant 0 : i32
      %run_scoped3A_76 = arith.constant 0 : i32
      "tpu.region"() ({
        %run_scoped3A_247 = tpu.sem_alloc : memref<!tpu.dma_semaphore, #tpu.memory_space<semaphore_mem>>
        %dma_start3A_248 = arith.constant 0 : i32
        %dma_start3A_249 = arith.constant 0 : i32
        %dma_start3A_250 = tpu.memref_slice %arg11[%run_scoped3A_75, %dma_start3A_248, %dma_start3A_249] : memref<2x128x128xf32, #tpu.memory_space<vmem>> -> memref<1x128x128xf32, #tpu.memory_space<vmem>>
        %dma_start3A_251 = tpu.memref_squeeze %dma_start3A_250 : memref<1x128x128xf32, #tpu.memory_space<vmem>> -> memref<128x128xf32, #tpu.memory_space<vmem>>
        %dma_start3A_252 = arith.constant 0 : i32
        %dma_start3A_253 = tpu.memref_slice %arg10[%run_scoped3A_76, %dma_start3A_252] : memref<8x128xi32, #tpu.memory_space<vmem>> -> memref<1x128xi32, #tpu.memory_space<vmem>>
        %dma_start3A_254 = tpu.memref_squeeze %dma_start3A_253 : memref<1x128xi32, #tpu.memory_space<vmem>> -> memref<128xi32, #tpu.memory_space<vmem>>
        %dma_start3A_255 = arith.constant 0 : i32
        %dma_start3A_256 = arith.constant 0 : i32
        %dma_start3A_257 = tpu.memref_slice %arg12[%dma_start3A_255, %dma_start3A_256] : memref<10112x128xf32, #tpu.memory_space<vmem_shared>> -> memref<10112x128xf32, #tpu.memory_space<vmem_shared>>
        tpu.enqueue_indirect_dma source(%dma_start3A_251 : memref<128x128xf32, #tpu.memory_space<vmem>>) target(%dma_start3A_257 : memref<10112x128xf32, #tpu.memory_space<vmem_shared>>) offsets(%dma_start3A_254 : memref<128xi32, #tpu.memory_space<vmem>>) semaphore(%run_scoped3A_247 : memref<!tpu.dma_semaphore, #tpu.memory_space<semaphore_mem>>) {add = true}
        %dma_wait3A_258 = arith.constant 0 : i32
        %dma_wait3A_259 = arith.constant 0 : i32
        %dma_wait3A_260 = tpu.memref_slice %arg11[%run_scoped3A_75, %dma_wait3A_258, %dma_wait3A_259] : memref<2x128x128xf32, #tpu.memory_space<vmem>> -> memref<1x128x128xf32, #tpu.memory_space<vmem>>
        %dma_wait3A_261 = tpu.memref_squeeze %dma_wait3A_260 : memref<1x128x128xf32, #tpu.memory_space<vmem>> -> memref<128x128xf32, #tpu.memory_space<vmem>>
        %dma_wait3A_262 = arith.constant 0 : i32
        %dma_wait3A_263 = tpu.memref_slice %arg10[%run_scoped3A_76, %dma_wait3A_262] : memref<8x128xi32, #tpu.memory_space<vmem>> -> memref<1x128xi32, #tpu.memory_space<vmem>>
        %dma_wait3A_264 = tpu.memref_squeeze %dma_wait3A_263 : memref<1x128xi32, #tpu.memory_space<vmem>> -> memref<128xi32, #tpu.memory_space<vmem>>
        %dma_wait3A_265 = arith.constant 0 : i32
        %dma_wait3A_266 = arith.constant 0 : i32
        %dma_wait3A_267 = tpu.memref_slice %arg12[%dma_wait3A_265, %dma_wait3A_266] : memref<10112x128xf32, #tpu.memory_space<vmem_shared>> -> memref<10112x128xf32, #tpu.memory_space<vmem_shared>>
        tpu.wait_indirect_dma semaphore(%run_scoped3A_247 : memref<!tpu.dma_semaphore, #tpu.memory_space<semaphore_mem>>) src(%dma_wait3A_261 : memref<128x128xf32, #tpu.memory_space<vmem>>) dst(%dma_wait3A_267 : memref<10112x128xf32, #tpu.memory_space<vmem_shared>>)
        tpu.yield
      }) : () -> ()
      %dma_start3A_77 = arith.constant 2 : i32
      %dma_start3A_78 = arith.constant 0 : i32
      %dma_start3A_79 = arith.constant 0 : i32
      %dma_start3A_80 = arith.constant 0 : i32
      %dma_start3A_81 = tpu.memref_slice %arg11[%dma_start3A_78, %dma_start3A_79, %dma_start3A_80] : memref<2x128x128xf32, #tpu.memory_space<vmem>> -> memref<1x128x128xf32, #tpu.memory_space<vmem>>
      %dma_start3A_82 = tpu.memref_squeeze %dma_start3A_81 : memref<1x128x128xf32, #tpu.memory_space<vmem>> -> memref<128x128xf32, #tpu.memory_space<vmem>>
      %dma_start3A_83 = arith.constant 0 : i32
      %dma_start3A_84 = tpu.memref_slice %arg9[%dma_start3A_77, %dma_start3A_83] : memref<8x128xi32, #tpu.memory_space<vmem>> -> memref<1x128xi32, #tpu.memory_space<vmem>>
      %dma_start3A_85 = tpu.memref_squeeze %dma_start3A_84 : memref<1x128xi32, #tpu.memory_space<vmem>> -> memref<128xi32, #tpu.memory_space<vmem>>
      %dma_start3A_86 = arith.constant 0 : i32
      %dma_start3A_87 = arith.constant 0 : i32
      %dma_start3A_88 = tpu.memref_slice %arg2[%dma_start3A_86, %dma_start3A_87] : memref<10000x128xf32, #tpu.memory_space<hbm>> -> memref<10000x128xf32, #tpu.memory_space<hbm>>
      tpu.enqueue_indirect_dma source(%dma_start3A_88 : memref<10000x128xf32, #tpu.memory_space<hbm>>) target(%dma_start3A_82 : memref<128x128xf32, #tpu.memory_space<vmem>>) offsets(%dma_start3A_85 : memref<128xi32, #tpu.memory_space<vmem>>) semaphore(%arg13 : memref<!tpu.dma_semaphore, #tpu.memory_space<semaphore_mem>>)
      %dma_wait3A_89 = arith.constant 1 : i32
      %dma_wait3A_90 = arith.constant 1 : i32
      %dma_wait3A_91 = arith.constant 0 : i32
      %dma_wait3A_92 = arith.constant 0 : i32
      %dma_wait3A_93 = tpu.memref_slice %arg11[%dma_wait3A_90, %dma_wait3A_91, %dma_wait3A_92] : memref<2x128x128xf32, #tpu.memory_space<vmem>> -> memref<1x128x128xf32, #tpu.memory_space<vmem>>
      %dma_wait3A_94 = tpu.memref_squeeze %dma_wait3A_93 : memref<1x128x128xf32, #tpu.memory_space<vmem>> -> memref<128x128xf32, #tpu.memory_space<vmem>>
      %dma_wait3A_95 = arith.constant 0 : i32
      %dma_wait3A_96 = tpu.memref_slice %arg9[%dma_wait3A_89, %dma_wait3A_95] : memref<8x128xi32, #tpu.memory_space<vmem>> -> memref<1x128xi32, #tpu.memory_space<vmem>>
      %dma_wait3A_97 = tpu.memref_squeeze %dma_wait3A_96 : memref<1x128xi32, #tpu.memory_space<vmem>> -> memref<128xi32, #tpu.memory_space<vmem>>
      %dma_wait3A_98 = arith.constant 0 : i32
      %dma_wait3A_99 = arith.constant 0 : i32
      %dma_wait3A_100 = tpu.memref_slice %arg2[%dma_wait3A_98, %dma_wait3A_99] : memref<10000x128xf32, #tpu.memory_space<hbm>> -> memref<10000x128xf32, #tpu.memory_space<hbm>>
      tpu.wait_indirect_dma semaphore(%arg14 : memref<!tpu.dma_semaphore, #tpu.memory_space<semaphore_mem>>) src(%dma_wait3A_100 : memref<10000x128xf32, #tpu.memory_space<hbm>>) dst(%dma_wait3A_94 : memref<128x128xf32, #tpu.memory_space<vmem>>)
      %run_scoped3A_101 = arith.constant 1 : i32
      %run_scoped3A_102 = arith.constant 1 : i32
      "tpu.region"() ({
        %run_scoped3A_247 = tpu.sem_alloc : memref<!tpu.dma_semaphore, #tpu.memory_space<semaphore_mem>>
        %dma_start3A_248 = arith.constant 0 : i32
        %dma_start3A_249 = arith.constant 0 : i32
        %dma_start3A_250 = tpu.memref_slice %arg11[%run_scoped3A_101, %dma_start3A_248, %dma_start3A_249] : memref<2x128x128xf32, #tpu.memory_space<vmem>> -> memref<1x128x128xf32, #tpu.memory_space<vmem>>
        %dma_start3A_251 = tpu.memref_squeeze %dma_start3A_250 : memref<1x128x128xf32, #tpu.memory_space<vmem>> -> memref<128x128xf32, #tpu.memory_space<vmem>>
        %dma_start3A_252 = arith.constant 0 : i32
        %dma_start3A_253 = tpu.memref_slice %arg10[%run_scoped3A_102, %dma_start3A_252] : memref<8x128xi32, #tpu.memory_space<vmem>> -> memref<1x128xi32, #tpu.memory_space<vmem>>
        %dma_start3A_254 = tpu.memref_squeeze %dma_start3A_253 : memref<1x128xi32, #tpu.memory_space<vmem>> -> memref<128xi32, #tpu.memory_space<vmem>>
        %dma_start3A_255 = arith.constant 0 : i32
        %dma_start3A_256 = arith.constant 0 : i32
        %dma_start3A_257 = tpu.memref_slice %arg12[%dma_start3A_255, %dma_start3A_256] : memref<10112x128xf32, #tpu.memory_space<vmem_shared>> -> memref<10112x128xf32, #tpu.memory_space<vmem_shared>>
        tpu.enqueue_indirect_dma source(%dma_start3A_251 : memref<128x128xf32, #tpu.memory_space<vmem>>) target(%dma_start3A_257 : memref<10112x128xf32, #tpu.memory_space<vmem_shared>>) offsets(%dma_start3A_254 : memref<128xi32, #tpu.memory_space<vmem>>) semaphore(%run_scoped3A_247 : memref<!tpu.dma_semaphore, #tpu.memory_space<semaphore_mem>>) {add = true}
        %dma_wait3A_258 = arith.constant 0 : i32
        %dma_wait3A_259 = arith.constant 0 : i32
        %dma_wait3A_260 = tpu.memref_slice %arg11[%run_scoped3A_101, %dma_wait3A_258, %dma_wait3A_259] : memref<2x128x128xf32, #tpu.memory_space<vmem>> -> memref<1x128x128xf32, #tpu.memory_space<vmem>>
        %dma_wait3A_261 = tpu.memref_squeeze %dma_wait3A_260 : memref<1x128x128xf32, #tpu.memory_space<vmem>> -> memref<128x128xf32, #tpu.memory_space<vmem>>
        %dma_wait3A_262 = arith.constant 0 : i32
        %dma_wait3A_263 = tpu.memref_slice %arg10[%run_scoped3A_102, %dma_wait3A_262] : memref<8x128xi32, #tpu.memory_space<vmem>> -> memref<1x128xi32, #tpu.memory_space<vmem>>
        %dma_wait3A_264 = tpu.memref_squeeze %dma_wait3A_263 : memref<1x128xi32, #tpu.memory_space<vmem>> -> memref<128xi32, #tpu.memory_space<vmem>>
        %dma_wait3A_265 = arith.constant 0 : i32
        %dma_wait3A_266 = arith.constant 0 : i32
        %dma_wait3A_267 = tpu.memref_slice %arg12[%dma_wait3A_265, %dma_wait3A_266] : memref<10112x128xf32, #tpu.memory_space<vmem_shared>> -> memref<10112x128xf32, #tpu.memory_space<vmem_shared>>
        tpu.wait_indirect_dma semaphore(%run_scoped3A_247 : memref<!tpu.dma_semaphore, #tpu.memory_space<semaphore_mem>>) src(%dma_wait3A_261 : memref<128x128xf32, #tpu.memory_space<vmem>>) dst(%dma_wait3A_267 : memref<10112x128xf32, #tpu.memory_space<vmem_shared>>)
        tpu.yield
      }) : () -> ()
      %dma_start3A_103 = arith.constant 3 : i32
      %dma_start3A_104 = arith.constant 1 : i32
      %dma_start3A_105 = arith.constant 0 : i32
      %dma_start3A_106 = arith.constant 0 : i32
      %dma_start3A_107 = tpu.memref_slice %arg11[%dma_start3A_104, %dma_start3A_105, %dma_start3A_106] : memref<2x128x128xf32, #tpu.memory_space<vmem>> -> memref<1x128x128xf32, #tpu.memory_space<vmem>>
      %dma_start3A_108 = tpu.memref_squeeze %dma_start3A_107 : memref<1x128x128xf32, #tpu.memory_space<vmem>> -> memref<128x128xf32, #tpu.memory_space<vmem>>
      %dma_start3A_109 = arith.constant 0 : i32
      %dma_start3A_110 = tpu.memref_slice %arg9[%dma_start3A_103, %dma_start3A_109] : memref<8x128xi32, #tpu.memory_space<vmem>> -> memref<1x128xi32, #tpu.memory_space<vmem>>
      %dma_start3A_111 = tpu.memref_squeeze %dma_start3A_110 : memref<1x128xi32, #tpu.memory_space<vmem>> -> memref<128xi32, #tpu.memory_space<vmem>>
      %dma_start3A_112 = arith.constant 0 : i32
      %dma_start3A_113 = arith.constant 0 : i32
      %dma_start3A_114 = tpu.memref_slice %arg2[%dma_start3A_112, %dma_start3A_113] : memref<10000x128xf32, #tpu.memory_space<hbm>> -> memref<10000x128xf32, #tpu.memory_space<hbm>>
      tpu.enqueue_indirect_dma source(%dma_start3A_114 : memref<10000x128xf32, #tpu.memory_space<hbm>>) target(%dma_start3A_108 : memref<128x128xf32, #tpu.memory_space<vmem>>) offsets(%dma_start3A_111 : memref<128xi32, #tpu.memory_space<vmem>>) semaphore(%arg14 : memref<!tpu.dma_semaphore, #tpu.memory_space<semaphore_mem>>)
      %dma_wait3A_115 = arith.constant 2 : i32
      %dma_wait3A_116 = arith.constant 0 : i32
      %dma_wait3A_117 = arith.constant 0 : i32
      %dma_wait3A_118 = arith.constant 0 : i32
      %dma_wait3A_119 = tpu.memref_slice %arg11[%dma_wait3A_116, %dma_wait3A_117, %dma_wait3A_118] : memref<2x128x128xf32, #tpu.memory_space<vmem>> -> memref<1x128x128xf32, #tpu.memory_space<vmem>>
      %dma_wait3A_120 = tpu.memref_squeeze %dma_wait3A_119 : memref<1x128x128xf32, #tpu.memory_space<vmem>> -> memref<128x128xf32, #tpu.memory_space<vmem>>
      %dma_wait3A_121 = arith.constant 0 : i32
      %dma_wait3A_122 = tpu.memref_slice %arg9[%dma_wait3A_115, %dma_wait3A_121] : memref<8x128xi32, #tpu.memory_space<vmem>> -> memref<1x128xi32, #tpu.memory_space<vmem>>
      %dma_wait3A_123 = tpu.memref_squeeze %dma_wait3A_122 : memref<1x128xi32, #tpu.memory_space<vmem>> -> memref<128xi32, #tpu.memory_space<vmem>>
      %dma_wait3A_124 = arith.constant 0 : i32
      %dma_wait3A_125 = arith.constant 0 : i32
      %dma_wait3A_126 = tpu.memref_slice %arg2[%dma_wait3A_124, %dma_wait3A_125] : memref<10000x128xf32, #tpu.memory_space<hbm>> -> memref<10000x128xf32, #tpu.memory_space<hbm>>
      tpu.wait_indirect_dma semaphore(%arg13 : memref<!tpu.dma_semaphore, #tpu.memory_space<semaphore_mem>>) src(%dma_wait3A_126 : memref<10000x128xf32, #tpu.memory_space<hbm>>) dst(%dma_wait3A_120 : memref<128x128xf32, #tpu.memory_space<vmem>>)
      %run_scoped3A_127 = arith.constant 0 : i32
      %run_scoped3A_128 = arith.constant 2 : i32
      "tpu.region"() ({
        %run_scoped3A_247 = tpu.sem_alloc : memref<!tpu.dma_semaphore, #tpu.memory_space<semaphore_mem>>
        %dma_start3A_248 = arith.constant 0 : i32
        %dma_start3A_249 = arith.constant 0 : i32
        %dma_start3A_250 = tpu.memref_slice %arg11[%run_scoped3A_127, %dma_start3A_248, %dma_start3A_249] : memref<2x128x128xf32, #tpu.memory_space<vmem>> -> memref<1x128x128xf32, #tpu.memory_space<vmem>>
        %dma_start3A_251 = tpu.memref_squeeze %dma_start3A_250 : memref<1x128x128xf32, #tpu.memory_space<vmem>> -> memref<128x128xf32, #tpu.memory_space<vmem>>
        %dma_start3A_252 = arith.constant 0 : i32
        %dma_start3A_253 = tpu.memref_slice %arg10[%run_scoped3A_128, %dma_start3A_252] : memref<8x128xi32, #tpu.memory_space<vmem>> -> memref<1x128xi32, #tpu.memory_space<vmem>>
        %dma_start3A_254 = tpu.memref_squeeze %dma_start3A_253 : memref<1x128xi32, #tpu.memory_space<vmem>> -> memref<128xi32, #tpu.memory_space<vmem>>
        %dma_start3A_255 = arith.constant 0 : i32
        %dma_start3A_256 = arith.constant 0 : i32
        %dma_start3A_257 = tpu.memref_slice %arg12[%dma_start3A_255, %dma_start3A_256] : memref<10112x128xf32, #tpu.memory_space<vmem_shared>> -> memref<10112x128xf32, #tpu.memory_space<vmem_shared>>
        tpu.enqueue_indirect_dma source(%dma_start3A_251 : memref<128x128xf32, #tpu.memory_space<vmem>>) target(%dma_start3A_257 : memref<10112x128xf32, #tpu.memory_space<vmem_shared>>) offsets(%dma_start3A_254 : memref<128xi32, #tpu.memory_space<vmem>>) semaphore(%run_scoped3A_247 : memref<!tpu.dma_semaphore, #tpu.memory_space<semaphore_mem>>) {add = true}
        %dma_wait3A_258 = arith.constant 0 : i32
        %dma_wait3A_259 = arith.constant 0 : i32
        %dma_wait3A_260 = tpu.memref_slice %arg11[%run_scoped3A_127, %dma_wait3A_258, %dma_wait3A_259] : memref<2x128x128xf32, #tpu.memory_space<vmem>> -> memref<1x128x128xf32, #tpu.memory_space<vmem>>
        %dma_wait3A_261 = tpu.memref_squeeze %dma_wait3A_260 : memref<1x128x128xf32, #tpu.memory_space<vmem>> -> memref<128x128xf32, #tpu.memory_space<vmem>>
        %dma_wait3A_262 = arith.constant 0 : i32
        %dma_wait3A_263 = tpu.memref_slice %arg10[%run_scoped3A_128, %dma_wait3A_262] : memref<8x128xi32, #tpu.memory_space<vmem>> -> memref<1x128xi32, #tpu.memory_space<vmem>>
        %dma_wait3A_264 = tpu.memref_squeeze %dma_wait3A_263 : memref<1x128xi32, #tpu.memory_space<vmem>> -> memref<128xi32, #tpu.memory_space<vmem>>
        %dma_wait3A_265 = arith.constant 0 : i32
        %dma_wait3A_266 = arith.constant 0 : i32
        %dma_wait3A_267 = tpu.memref_slice %arg12[%dma_wait3A_265, %dma_wait3A_266] : memref<10112x128xf32, #tpu.memory_space<vmem_shared>> -> memref<10112x128xf32, #tpu.memory_space<vmem_shared>>
        tpu.wait_indirect_dma semaphore(%run_scoped3A_247 : memref<!tpu.dma_semaphore, #tpu.memory_space<semaphore_mem>>) src(%dma_wait3A_261 : memref<128x128xf32, #tpu.memory_space<vmem>>) dst(%dma_wait3A_267 : memref<10112x128xf32, #tpu.memory_space<vmem_shared>>)
        tpu.yield
      }) : () -> ()
      %dma_start3A_129 = arith.constant 4 : i32
      %dma_start3A_130 = arith.constant 0 : i32
      %dma_start3A_131 = arith.constant 0 : i32
      %dma_start3A_132 = arith.constant 0 : i32
      %dma_start3A_133 = tpu.memref_slice %arg11[%dma_start3A_130, %dma_start3A_131, %dma_start3A_132] : memref<2x128x128xf32, #tpu.memory_space<vmem>> -> memref<1x128x128xf32, #tpu.memory_space<vmem>>
      %dma_start3A_134 = tpu.memref_squeeze %dma_start3A_133 : memref<1x128x128xf32, #tpu.memory_space<vmem>> -> memref<128x128xf32, #tpu.memory_space<vmem>>
      %dma_start3A_135 = arith.constant 0 : i32
      %dma_start3A_136 = tpu.memref_slice %arg9[%dma_start3A_129, %dma_start3A_135] : memref<8x128xi32, #tpu.memory_space<vmem>> -> memref<1x128xi32, #tpu.memory_space<vmem>>
      %dma_start3A_137 = tpu.memref_squeeze %dma_start3A_136 : memref<1x128xi32, #tpu.memory_space<vmem>> -> memref<128xi32, #tpu.memory_space<vmem>>
      %dma_start3A_138 = arith.constant 0 : i32
      %dma_start3A_139 = arith.constant 0 : i32
      %dma_start3A_140 = tpu.memref_slice %arg2[%dma_start3A_138, %dma_start3A_139] : memref<10000x128xf32, #tpu.memory_space<hbm>> -> memref<10000x128xf32, #tpu.memory_space<hbm>>
      tpu.enqueue_indirect_dma source(%dma_start3A_140 : memref<10000x128xf32, #tpu.memory_space<hbm>>) target(%dma_start3A_134 : memref<128x128xf32, #tpu.memory_space<vmem>>) offsets(%dma_start3A_137 : memref<128xi32, #tpu.memory_space<vmem>>) semaphore(%arg13 : memref<!tpu.dma_semaphore, #tpu.memory_space<semaphore_mem>>)
      %dma_wait3A_141 = arith.constant 3 : i32
      %dma_wait3A_142 = arith.constant 1 : i32
      %dma_wait3A_143 = arith.constant 0 : i32
      %dma_wait3A_144 = arith.constant 0 : i32
      %dma_wait3A_145 = tpu.memref_slice %arg11[%dma_wait3A_142, %dma_wait3A_143, %dma_wait3A_144] : memref<2x128x128xf32, #tpu.memory_space<vmem>> -> memref<1x128x128xf32, #tpu.memory_space<vmem>>
      %dma_wait3A_146 = tpu.memref_squeeze %dma_wait3A_145 : memref<1x128x128xf32, #tpu.memory_space<vmem>> -> memref<128x128xf32, #tpu.memory_space<vmem>>
      %dma_wait3A_147 = arith.constant 0 : i32
      %dma_wait3A_148 = tpu.memref_slice %arg9[%dma_wait3A_141, %dma_wait3A_147] : memref<8x128xi32, #tpu.memory_space<vmem>> -> memref<1x128xi32, #tpu.memory_space<vmem>>
      %dma_wait3A_149 = tpu.memref_squeeze %dma_wait3A_148 : memref<1x128xi32, #tpu.memory_space<vmem>> -> memref<128xi32, #tpu.memory_space<vmem>>
      %dma_wait3A_150 = arith.constant 0 : i32
      %dma_wait3A_151 = arith.constant 0 : i32
      %dma_wait3A_152 = tpu.memref_slice %arg2[%dma_wait3A_150, %dma_wait3A_151] : memref<10000x128xf32, #tpu.memory_space<hbm>> -> memref<10000x128xf32, #tpu.memory_space<hbm>>
      tpu.wait_indirect_dma semaphore(%arg14 : memref<!tpu.dma_semaphore, #tpu.memory_space<semaphore_mem>>) src(%dma_wait3A_152 : memref<10000x128xf32, #tpu.memory_space<hbm>>) dst(%dma_wait3A_146 : memref<128x128xf32, #tpu.memory_space<vmem>>)
      %run_scoped3A_153 = arith.constant 1 : i32
      %run_scoped3A_154 = arith.constant 3 : i32
      "tpu.region"() ({
        %run_scoped3A_247 = tpu.sem_alloc : memref<!tpu.dma_semaphore, #tpu.memory_space<semaphore_mem>>
        %dma_start3A_248 = arith.constant 0 : i32
        %dma_start3A_249 = arith.constant 0 : i32
        %dma_start3A_250 = tpu.memref_slice %arg11[%run_scoped3A_153, %dma_start3A_248, %dma_start3A_249] : memref<2x128x128xf32, #tpu.memory_space<vmem>> -> memref<1x128x128xf32, #tpu.memory_space<vmem>>
        %dma_start3A_251 = tpu.memref_squeeze %dma_start3A_250 : memref<1x128x128xf32, #tpu.memory_space<vmem>> -> memref<128x128xf32, #tpu.memory_space<vmem>>
        %dma_start3A_252 = arith.constant 0 : i32
        %dma_start3A_253 = tpu.memref_slice %arg10[%run_scoped3A_154, %dma_start3A_252] : memref<8x128xi32, #tpu.memory_space<vmem>> -> memref<1x128xi32, #tpu.memory_space<vmem>>
        %dma_start3A_254 = tpu.memref_squeeze %dma_start3A_253 : memref<1x128xi32, #tpu.memory_space<vmem>> -> memref<128xi32, #tpu.memory_space<vmem>>
        %dma_start3A_255 = arith.constant 0 : i32
        %dma_start3A_256 = arith.constant 0 : i32
        %dma_start3A_257 = tpu.memref_slice %arg12[%dma_start3A_255, %dma_start3A_256] : memref<10112x128xf32, #tpu.memory_space<vmem_shared>> -> memref<10112x128xf32, #tpu.memory_space<vmem_shared>>
        tpu.enqueue_indirect_dma source(%dma_start3A_251 : memref<128x128xf32, #tpu.memory_space<vmem>>) target(%dma_start3A_257 : memref<10112x128xf32, #tpu.memory_space<vmem_shared>>) offsets(%dma_start3A_254 : memref<128xi32, #tpu.memory_space<vmem>>) semaphore(%run_scoped3A_247 : memref<!tpu.dma_semaphore, #tpu.memory_space<semaphore_mem>>) {add = true}
        %dma_wait3A_258 = arith.constant 0 : i32
        %dma_wait3A_259 = arith.constant 0 : i32
        %dma_wait3A_260 = tpu.memref_slice %arg11[%run_scoped3A_153, %dma_wait3A_258, %dma_wait3A_259] : memref<2x128x128xf32, #tpu.memory_space<vmem>> -> memref<1x128x128xf32, #tpu.memory_space<vmem>>
        %dma_wait3A_261 = tpu.memref_squeeze %dma_wait3A_260 : memref<1x128x128xf32, #tpu.memory_space<vmem>> -> memref<128x128xf32, #tpu.memory_space<vmem>>
        %dma_wait3A_262 = arith.constant 0 : i32
        %dma_wait3A_263 = tpu.memref_slice %arg10[%run_scoped3A_154, %dma_wait3A_262] : memref<8x128xi32, #tpu.memory_space<vmem>> -> memref<1x128xi32, #tpu.memory_space<vmem>>
        %dma_wait3A_264 = tpu.memref_squeeze %dma_wait3A_263 : memref<1x128xi32, #tpu.memory_space<vmem>> -> memref<128xi32, #tpu.memory_space<vmem>>
        %dma_wait3A_265 = arith.constant 0 : i32
        %dma_wait3A_266 = arith.constant 0 : i32
        %dma_wait3A_267 = tpu.memref_slice %arg12[%dma_wait3A_265, %dma_wait3A_266] : memref<10112x128xf32, #tpu.memory_space<vmem_shared>> -> memref<10112x128xf32, #tpu.memory_space<vmem_shared>>
        tpu.wait_indirect_dma semaphore(%run_scoped3A_247 : memref<!tpu.dma_semaphore, #tpu.memory_space<semaphore_mem>>) src(%dma_wait3A_261 : memref<128x128xf32, #tpu.memory_space<vmem>>) dst(%dma_wait3A_267 : memref<10112x128xf32, #tpu.memory_space<vmem_shared>>)
        tpu.yield
      }) : () -> ()
      %dma_start3A_155 = arith.constant 5 : i32
      %dma_start3A_156 = arith.constant 1 : i32
      %dma_start3A_157 = arith.constant 0 : i32
      %dma_start3A_158 = arith.constant 0 : i32
      %dma_start3A_159 = tpu.memref_slice %arg11[%dma_start3A_156, %dma_start3A_157, %dma_start3A_158] : memref<2x128x128xf32, #tpu.memory_space<vmem>> -> memref<1x128x128xf32, #tpu.memory_space<vmem>>
      %dma_start3A_160 = tpu.memref_squeeze %dma_start3A_159 : memref<1x128x128xf32, #tpu.memory_space<vmem>> -> memref<128x128xf32, #tpu.memory_space<vmem>>
      %dma_start3A_161 = arith.constant 0 : i32
      %dma_start3A_162 = tpu.memref_slice %arg9[%dma_start3A_155, %dma_start3A_161] : memref<8x128xi32, #tpu.memory_space<vmem>> -> memref<1x128xi32, #tpu.memory_space<vmem>>
      %dma_start3A_163 = tpu.memref_squeeze %dma_start3A_162 : memref<1x128xi32, #tpu.memory_space<vmem>> -> memref<128xi32, #tpu.memory_space<vmem>>
      %dma_start3A_164 = arith.constant 0 : i32
      %dma_start3A_165 = arith.constant 0 : i32
      %dma_start3A_166 = tpu.memref_slice %arg2[%dma_start3A_164, %dma_start3A_165] : memref<10000x128xf32, #tpu.memory_space<hbm>> -> memref<10000x128xf32, #tpu.memory_space<hbm>>
      tpu.enqueue_indirect_dma source(%dma_start3A_166 : memref<10000x128xf32, #tpu.memory_space<hbm>>) target(%dma_start3A_160 : memref<128x128xf32, #tpu.memory_space<vmem>>) offsets(%dma_start3A_163 : memref<128xi32, #tpu.memory_space<vmem>>) semaphore(%arg14 : memref<!tpu.dma_semaphore, #tpu.memory_space<semaphore_mem>>)
      %dma_wait3A_167 = arith.constant 4 : i32
      %dma_wait3A_168 = arith.constant 0 : i32
      %dma_wait3A_169 = arith.constant 0 : i32
      %dma_wait3A_170 = arith.constant 0 : i32
      %dma_wait3A_171 = tpu.memref_slice %arg11[%dma_wait3A_168, %dma_wait3A_169, %dma_wait3A_170] : memref<2x128x128xf32, #tpu.memory_space<vmem>> -> memref<1x128x128xf32, #tpu.memory_space<vmem>>
      %dma_wait3A_172 = tpu.memref_squeeze %dma_wait3A_171 : memref<1x128x128xf32, #tpu.memory_space<vmem>> -> memref<128x128xf32, #tpu.memory_space<vmem>>
      %dma_wait3A_173 = arith.constant 0 : i32
      %dma_wait3A_174 = tpu.memref_slice %arg9[%dma_wait3A_167, %dma_wait3A_173] : memref<8x128xi32, #tpu.memory_space<vmem>> -> memref<1x128xi32, #tpu.memory_space<vmem>>
      %dma_wait3A_175 = tpu.memref_squeeze %dma_wait3A_174 : memref<1x128xi32, #tpu.memory_space<vmem>> -> memref<128xi32, #tpu.memory_space<vmem>>
      %dma_wait3A_176 = arith.constant 0 : i32
      %dma_wait3A_177 = arith.constant 0 : i32
      %dma_wait3A_178 = tpu.memref_slice %arg2[%dma_wait3A_176, %dma_wait3A_177] : memref<10000x128xf32, #tpu.memory_space<hbm>> -> memref<10000x128xf32, #tpu.memory_space<hbm>>
      tpu.wait_indirect_dma semaphore(%arg13 : memref<!tpu.dma_semaphore, #tpu.memory_space<semaphore_mem>>) src(%dma_wait3A_178 : memref<10000x128xf32, #tpu.memory_space<hbm>>) dst(%dma_wait3A_172 : memref<128x128xf32, #tpu.memory_space<vmem>>)
      %run_scoped3A_179 = arith.constant 0 : i32
      %run_scoped3A_180 = arith.constant 4 : i32
      "tpu.region"() ({
        %run_scoped3A_247 = tpu.sem_alloc : memref<!tpu.dma_semaphore, #tpu.memory_space<semaphore_mem>>
        %dma_start3A_248 = arith.constant 0 : i32
        %dma_start3A_249 = arith.constant 0 : i32
        %dma_start3A_250 = tpu.memref_slice %arg11[%run_scoped3A_179, %dma_start3A_248, %dma_start3A_249] : memref<2x128x128xf32, #tpu.memory_space<vmem>> -> memref<1x128x128xf32, #tpu.memory_space<vmem>>
        %dma_start3A_251 = tpu.memref_squeeze %dma_start3A_250 : memref<1x128x128xf32, #tpu.memory_space<vmem>> -> memref<128x128xf32, #tpu.memory_space<vmem>>
        %dma_start3A_252 = arith.constant 0 : i32
        %dma_start3A_253 = tpu.memref_slice %arg10[%run_scoped3A_180, %dma_start3A_252] : memref<8x128xi32, #tpu.memory_space<vmem>> -> memref<1x128xi32, #tpu.memory_space<vmem>>
        %dma_start3A_254 = tpu.memref_squeeze %dma_start3A_253 : memref<1x128xi32, #tpu.memory_space<vmem>> -> memref<128xi32, #tpu.memory_space<vmem>>
        %dma_start3A_255 = arith.constant 0 : i32
        %dma_start3A_256 = arith.constant 0 : i32
        %dma_start3A_257 = tpu.memref_slice %arg12[%dma_start3A_255, %dma_start3A_256] : memref<10112x128xf32, #tpu.memory_space<vmem_shared>> -> memref<10112x128xf32, #tpu.memory_space<vmem_shared>>
        tpu.enqueue_indirect_dma source(%dma_start3A_251 : memref<128x128xf32, #tpu.memory_space<vmem>>) target(%dma_start3A_257 : memref<10112x128xf32, #tpu.memory_space<vmem_shared>>) offsets(%dma_start3A_254 : memref<128xi32, #tpu.memory_space<vmem>>) semaphore(%run_scoped3A_247 : memref<!tpu.dma_semaphore, #tpu.memory_space<semaphore_mem>>) {add = true}
        %dma_wait3A_258 = arith.constant 0 : i32
        %dma_wait3A_259 = arith.constant 0 : i32
        %dma_wait3A_260 = tpu.memref_slice %arg11[%run_scoped3A_179, %dma_wait3A_258, %dma_wait3A_259] : memref<2x128x128xf32, #tpu.memory_space<vmem>> -> memref<1x128x128xf32, #tpu.memory_space<vmem>>
        %dma_wait3A_261 = tpu.memref_squeeze %dma_wait3A_260 : memref<1x128x128xf32, #tpu.memory_space<vmem>> -> memref<128x128xf32, #tpu.memory_space<vmem>>
        %dma_wait3A_262 = arith.constant 0 : i32
        %dma_wait3A_263 = tpu.memref_slice %arg10[%run_scoped3A_180, %dma_wait3A_262] : memref<8x128xi32, #tpu.memory_space<vmem>> -> memref<1x128xi32, #tpu.memory_space<vmem>>
        %dma_wait3A_264 = tpu.memref_squeeze %dma_wait3A_263 : memref<1x128xi32, #tpu.memory_space<vmem>> -> memref<128xi32, #tpu.memory_space<vmem>>
        %dma_wait3A_265 = arith.constant 0 : i32
        %dma_wait3A_266 = arith.constant 0 : i32
        %dma_wait3A_267 = tpu.memref_slice %arg12[%dma_wait3A_265, %dma_wait3A_266] : memref<10112x128xf32, #tpu.memory_space<vmem_shared>> -> memref<10112x128xf32, #tpu.memory_space<vmem_shared>>
        tpu.wait_indirect_dma semaphore(%run_scoped3A_247 : memref<!tpu.dma_semaphore, #tpu.memory_space<semaphore_mem>>) src(%dma_wait3A_261 : memref<128x128xf32, #tpu.memory_space<vmem>>) dst(%dma_wait3A_267 : memref<10112x128xf32, #tpu.memory_space<vmem_shared>>)
        tpu.yield
      }) : () -> ()
      %dma_start3A_181 = arith.constant 6 : i32
      %dma_start3A_182 = arith.constant 0 : i32
      %dma_start3A_183 = arith.constant 0 : i32
      %dma_start3A_184 = arith.constant 0 : i32
      %dma_start3A_185 = tpu.memref_slice %arg11[%dma_start3A_182, %dma_start3A_183, %dma_start3A_184] : memref<2x128x128xf32, #tpu.memory_space<vmem>> -> memref<1x128x128xf32, #tpu.memory_space<vmem>>
      %dma_start3A_186 = tpu.memref_squeeze %dma_start3A_185 : memref<1x128x128xf32, #tpu.memory_space<vmem>> -> memref<128x128xf32, #tpu.memory_space<vmem>>
      %dma_start3A_187 = arith.constant 0 : i32
      %dma_start3A_188 = tpu.memref_slice %arg9[%dma_start3A_181, %dma_start3A_187] : memref<8x128xi32, #tpu.memory_space<vmem>> -> memref<1x128xi32, #tpu.memory_space<vmem>>
      %dma_start3A_189 = tpu.memref_squeeze %dma_start3A_188 : memref<1x128xi32, #tpu.memory_space<vmem>> -> memref<128xi32, #tpu.memory_space<vmem>>
      %dma_start3A_190 = arith.constant 0 : i32
      %dma_start3A_191 = arith.constant 0 : i32
      %dma_start3A_192 = tpu.memref_slice %arg2[%dma_start3A_190, %dma_start3A_191] : memref<10000x128xf32, #tpu.memory_space<hbm>> -> memref<10000x128xf32, #tpu.memory_space<hbm>>
      tpu.enqueue_indirect_dma source(%dma_start3A_192 : memref<10000x128xf32, #tpu.memory_space<hbm>>) target(%dma_start3A_186 : memref<128x128xf32, #tpu.memory_space<vmem>>) offsets(%dma_start3A_189 : memref<128xi32, #tpu.memory_space<vmem>>) semaphore(%arg13 : memref<!tpu.dma_semaphore, #tpu.memory_space<semaphore_mem>>)
      %dma_wait3A_193 = arith.constant 5 : i32
      %dma_wait3A_194 = arith.constant 1 : i32
      %dma_wait3A_195 = arith.constant 0 : i32
      %dma_wait3A_196 = arith.constant 0 : i32
      %dma_wait3A_197 = tpu.memref_slice %arg11[%dma_wait3A_194, %dma_wait3A_195, %dma_wait3A_196] : memref<2x128x128xf32, #tpu.memory_space<vmem>> -> memref<1x128x128xf32, #tpu.memory_space<vmem>>
      %dma_wait3A_198 = tpu.memref_squeeze %dma_wait3A_197 : memref<1x128x128xf32, #tpu.memory_space<vmem>> -> memref<128x128xf32, #tpu.memory_space<vmem>>
      %dma_wait3A_199 = arith.constant 0 : i32
      %dma_wait3A_200 = tpu.memref_slice %arg9[%dma_wait3A_193, %dma_wait3A_199] : memref<8x128xi32, #tpu.memory_space<vmem>> -> memref<1x128xi32, #tpu.memory_space<vmem>>
      %dma_wait3A_201 = tpu.memref_squeeze %dma_wait3A_200 : memref<1x128xi32, #tpu.memory_space<vmem>> -> memref<128xi32, #tpu.memory_space<vmem>>
      %dma_wait3A_202 = arith.constant 0 : i32
      %dma_wait3A_203 = arith.constant 0 : i32
      %dma_wait3A_204 = tpu.memref_slice %arg2[%dma_wait3A_202, %dma_wait3A_203] : memref<10000x128xf32, #tpu.memory_space<hbm>> -> memref<10000x128xf32, #tpu.memory_space<hbm>>
      tpu.wait_indirect_dma semaphore(%arg14 : memref<!tpu.dma_semaphore, #tpu.memory_space<semaphore_mem>>) src(%dma_wait3A_204 : memref<10000x128xf32, #tpu.memory_space<hbm>>) dst(%dma_wait3A_198 : memref<128x128xf32, #tpu.memory_space<vmem>>)
      %run_scoped3A_205 = arith.constant 1 : i32
      %run_scoped3A_206 = arith.constant 5 : i32
      "tpu.region"() ({
        %run_scoped3A_247 = tpu.sem_alloc : memref<!tpu.dma_semaphore, #tpu.memory_space<semaphore_mem>>
        %dma_start3A_248 = arith.constant 0 : i32
        %dma_start3A_249 = arith.constant 0 : i32
        %dma_start3A_250 = tpu.memref_slice %arg11[%run_scoped3A_205, %dma_start3A_248, %dma_start3A_249] : memref<2x128x128xf32, #tpu.memory_space<vmem>> -> memref<1x128x128xf32, #tpu.memory_space<vmem>>
        %dma_start3A_251 = tpu.memref_squeeze %dma_start3A_250 : memref<1x128x128xf32, #tpu.memory_space<vmem>> -> memref<128x128xf32, #tpu.memory_space<vmem>>
        %dma_start3A_252 = arith.constant 0 : i32
        %dma_start3A_253 = tpu.memref_slice %arg10[%run_scoped3A_206, %dma_start3A_252] : memref<8x128xi32, #tpu.memory_space<vmem>> -> memref<1x128xi32, #tpu.memory_space<vmem>>
        %dma_start3A_254 = tpu.memref_squeeze %dma_start3A_253 : memref<1x128xi32, #tpu.memory_space<vmem>> -> memref<128xi32, #tpu.memory_space<vmem>>
        %dma_start3A_255 = arith.constant 0 : i32
        %dma_start3A_256 = arith.constant 0 : i32
        %dma_start3A_257 = tpu.memref_slice %arg12[%dma_start3A_255, %dma_start3A_256] : memref<10112x128xf32, #tpu.memory_space<vmem_shared>> -> memref<10112x128xf32, #tpu.memory_space<vmem_shared>>
        tpu.enqueue_indirect_dma source(%dma_start3A_251 : memref<128x128xf32, #tpu.memory_space<vmem>>) target(%dma_start3A_257 : memref<10112x128xf32, #tpu.memory_space<vmem_shared>>) offsets(%dma_start3A_254 : memref<128xi32, #tpu.memory_space<vmem>>) semaphore(%run_scoped3A_247 : memref<!tpu.dma_semaphore, #tpu.memory_space<semaphore_mem>>) {add = true}
        %dma_wait3A_258 = arith.constant 0 : i32
        %dma_wait3A_259 = arith.constant 0 : i32
        %dma_wait3A_260 = tpu.memref_slice %arg11[%run_scoped3A_205, %dma_wait3A_258, %dma_wait3A_259] : memref<2x128x128xf32, #tpu.memory_space<vmem>> -> memref<1x128x128xf32, #tpu.memory_space<vmem>>
        %dma_wait3A_261 = tpu.memref_squeeze %dma_wait3A_260 : memref<1x128x128xf32, #tpu.memory_space<vmem>> -> memref<128x128xf32, #tpu.memory_space<vmem>>
        %dma_wait3A_262 = arith.constant 0 : i32
        %dma_wait3A_263 = tpu.memref_slice %arg10[%run_scoped3A_206, %dma_wait3A_262] : memref<8x128xi32, #tpu.memory_space<vmem>> -> memref<1x128xi32, #tpu.memory_space<vmem>>
        %dma_wait3A_264 = tpu.memref_squeeze %dma_wait3A_263 : memref<1x128xi32, #tpu.memory_space<vmem>> -> memref<128xi32, #tpu.memory_space<vmem>>
        %dma_wait3A_265 = arith.constant 0 : i32
        %dma_wait3A_266 = arith.constant 0 : i32
        %dma_wait3A_267 = tpu.memref_slice %arg12[%dma_wait3A_265, %dma_wait3A_266] : memref<10112x128xf32, #tpu.memory_space<vmem_shared>> -> memref<10112x128xf32, #tpu.memory_space<vmem_shared>>
        tpu.wait_indirect_dma semaphore(%run_scoped3A_247 : memref<!tpu.dma_semaphore, #tpu.memory_space<semaphore_mem>>) src(%dma_wait3A_261 : memref<128x128xf32, #tpu.memory_space<vmem>>) dst(%dma_wait3A_267 : memref<10112x128xf32, #tpu.memory_space<vmem_shared>>)
        tpu.yield
      }) : () -> ()
      %dma_start3A_207 = arith.constant 7 : i32
      %dma_start3A_208 = arith.constant 1 : i32
      %dma_start3A_209 = arith.constant 0 : i32
      %dma_start3A_210 = arith.constant 0 : i32
      %dma_start3A_211 = tpu.memref_slice %arg11[%dma_start3A_208, %dma_start3A_209, %dma_start3A_210] : memref<2x128x128xf32, #tpu.memory_space<vmem>> -> memref<1x128x128xf32, #tpu.memory_space<vmem>>
      %dma_start3A_212 = tpu.memref_squeeze %dma_start3A_211 : memref<1x128x128xf32, #tpu.memory_space<vmem>> -> memref<128x128xf32, #tpu.memory_space<vmem>>
      %dma_start3A_213 = arith.constant 0 : i32
      %dma_start3A_214 = tpu.memref_slice %arg9[%dma_start3A_207, %dma_start3A_213] : memref<8x128xi32, #tpu.memory_space<vmem>> -> memref<1x128xi32, #tpu.memory_space<vmem>>
      %dma_start3A_215 = tpu.memref_squeeze %dma_start3A_214 : memref<1x128xi32, #tpu.memory_space<vmem>> -> memref<128xi32, #tpu.memory_space<vmem>>
      %dma_start3A_216 = arith.constant 0 : i32
      %dma_start3A_217 = arith.constant 0 : i32
      %dma_start3A_218 = tpu.memref_slice %arg2[%dma_start3A_216, %dma_start3A_217] : memref<10000x128xf32, #tpu.memory_space<hbm>> -> memref<10000x128xf32, #tpu.memory_space<hbm>>
      tpu.enqueue_indirect_dma source(%dma_start3A_218 : memref<10000x128xf32, #tpu.memory_space<hbm>>) target(%dma_start3A_212 : memref<128x128xf32, #tpu.memory_space<vmem>>) offsets(%dma_start3A_215 : memref<128xi32, #tpu.memory_space<vmem>>) semaphore(%arg14 : memref<!tpu.dma_semaphore, #tpu.memory_space<semaphore_mem>>)
      %dma_wait3A_219 = arith.constant 6 : i32
      %dma_wait3A_220 = arith.constant 0 : i32
      %dma_wait3A_221 = arith.constant 0 : i32
      %dma_wait3A_222 = arith.constant 0 : i32
      %dma_wait3A_223 = tpu.memref_slice %arg11[%dma_wait3A_220, %dma_wait3A_221, %dma_wait3A_222] : memref<2x128x128xf32, #tpu.memory_space<vmem>> -> memref<1x128x128xf32, #tpu.memory_space<vmem>>
      %dma_wait3A_224 = tpu.memref_squeeze %dma_wait3A_223 : memref<1x128x128xf32, #tpu.memory_space<vmem>> -> memref<128x128xf32, #tpu.memory_space<vmem>>
      %dma_wait3A_225 = arith.constant 0 : i32
      %dma_wait3A_226 = tpu.memref_slice %arg9[%dma_wait3A_219, %dma_wait3A_225] : memref<8x128xi32, #tpu.memory_space<vmem>> -> memref<1x128xi32, #tpu.memory_space<vmem>>
      %dma_wait3A_227 = tpu.memref_squeeze %dma_wait3A_226 : memref<1x128xi32, #tpu.memory_space<vmem>> -> memref<128xi32, #tpu.memory_space<vmem>>
      %dma_wait3A_228 = arith.constant 0 : i32
      %dma_wait3A_229 = arith.constant 0 : i32
      %dma_wait3A_230 = tpu.memref_slice %arg2[%dma_wait3A_228, %dma_wait3A_229] : memref<10000x128xf32, #tpu.memory_space<hbm>> -> memref<10000x128xf32, #tpu.memory_space<hbm>>
      tpu.wait_indirect_dma semaphore(%arg13 : memref<!tpu.dma_semaphore, #tpu.memory_space<semaphore_mem>>) src(%dma_wait3A_230 : memref<10000x128xf32, #tpu.memory_space<hbm>>) dst(%dma_wait3A_224 : memref<128x128xf32, #tpu.memory_space<vmem>>)
      %run_scoped3A_231 = arith.constant 0 : i32
      %run_scoped3A_232 = arith.constant 6 : i32
      "tpu.region"() ({
        %run_scoped3A_247 = tpu.sem_alloc : memref<!tpu.dma_semaphore, #tpu.memory_space<semaphore_mem>>
        %dma_start3A_248 = arith.constant 0 : i32
        %dma_start3A_249 = arith.constant 0 : i32
        %dma_start3A_250 = tpu.memref_slice %arg11[%run_scoped3A_231, %dma_start3A_248, %dma_start3A_249] : memref<2x128x128xf32, #tpu.memory_space<vmem>> -> memref<1x128x128xf32, #tpu.memory_space<vmem>>
        %dma_start3A_251 = tpu.memref_squeeze %dma_start3A_250 : memref<1x128x128xf32, #tpu.memory_space<vmem>> -> memref<128x128xf32, #tpu.memory_space<vmem>>
        %dma_start3A_252 = arith.constant 0 : i32
        %dma_start3A_253 = tpu.memref_slice %arg10[%run_scoped3A_232, %dma_start3A_252] : memref<8x128xi32, #tpu.memory_space<vmem>> -> memref<1x128xi32, #tpu.memory_space<vmem>>
        %dma_start3A_254 = tpu.memref_squeeze %dma_start3A_253 : memref<1x128xi32, #tpu.memory_space<vmem>> -> memref<128xi32, #tpu.memory_space<vmem>>
        %dma_start3A_255 = arith.constant 0 : i32
        %dma_start3A_256 = arith.constant 0 : i32
        %dma_start3A_257 = tpu.memref_slice %arg12[%dma_start3A_255, %dma_start3A_256] : memref<10112x128xf32, #tpu.memory_space<vmem_shared>> -> memref<10112x128xf32, #tpu.memory_space<vmem_shared>>
        tpu.enqueue_indirect_dma source(%dma_start3A_251 : memref<128x128xf32, #tpu.memory_space<vmem>>) target(%dma_start3A_257 : memref<10112x128xf32, #tpu.memory_space<vmem_shared>>) offsets(%dma_start3A_254 : memref<128xi32, #tpu.memory_space<vmem>>) semaphore(%run_scoped3A_247 : memref<!tpu.dma_semaphore, #tpu.memory_space<semaphore_mem>>) {add = true}
        %dma_wait3A_258 = arith.constant 0 : i32
        %dma_wait3A_259 = arith.constant 0 : i32
        %dma_wait3A_260 = tpu.memref_slice %arg11[%run_scoped3A_231, %dma_wait3A_258, %dma_wait3A_259] : memref<2x128x128xf32, #tpu.memory_space<vmem>> -> memref<1x128x128xf32, #tpu.memory_space<vmem>>
        %dma_wait3A_261 = tpu.memref_squeeze %dma_wait3A_260 : memref<1x128x128xf32, #tpu.memory_space<vmem>> -> memref<128x128xf32, #tpu.memory_space<vmem>>
        %dma_wait3A_262 = arith.constant 0 : i32
        %dma_wait3A_263 = tpu.memref_slice %arg10[%run_scoped3A_232, %dma_wait3A_262] : memref<8x128xi32, #tpu.memory_space<vmem>> -> memref<1x128xi32, #tpu.memory_space<vmem>>
        %dma_wait3A_264 = tpu.memref_squeeze %dma_wait3A_263 : memref<1x128xi32, #tpu.memory_space<vmem>> -> memref<128xi32, #tpu.memory_space<vmem>>
        %dma_wait3A_265 = arith.constant 0 : i32
        %dma_wait3A_266 = arith.constant 0 : i32
        %dma_wait3A_267 = tpu.memref_slice %arg12[%dma_wait3A_265, %dma_wait3A_266] : memref<10112x128xf32, #tpu.memory_space<vmem_shared>> -> memref<10112x128xf32, #tpu.memory_space<vmem_shared>>
        tpu.wait_indirect_dma semaphore(%run_scoped3A_247 : memref<!tpu.dma_semaphore, #tpu.memory_space<semaphore_mem>>) src(%dma_wait3A_261 : memref<128x128xf32, #tpu.memory_space<vmem>>) dst(%dma_wait3A_267 : memref<10112x128xf32, #tpu.memory_space<vmem_shared>>)
        tpu.yield
      }) : () -> ()
      %dma_wait3A_233 = arith.constant 7 : i32
      %dma_wait3A_234 = arith.constant 1 : i32
      %dma_wait3A_235 = arith.constant 0 : i32
      %dma_wait3A_236 = arith.constant 0 : i32
      %dma_wait3A_237 = tpu.memref_slice %arg11[%dma_wait3A_234, %dma_wait3A_235, %dma_wait3A_236] : memref<2x128x128xf32, #tpu.memory_space<vmem>> -> memref<1x128x128xf32, #tpu.memory_space<vmem>>
      %dma_wait3A_238 = tpu.memref_squeeze %dma_wait3A_237 : memref<1x128x128xf32, #tpu.memory_space<vmem>> -> memref<128x128xf32, #tpu.memory_space<vmem>>
      %dma_wait3A_239 = arith.constant 0 : i32
      %dma_wait3A_240 = tpu.memref_slice %arg9[%dma_wait3A_233, %dma_wait3A_239] : memref<8x128xi32, #tpu.memory_space<vmem>> -> memref<1x128xi32, #tpu.memory_space<vmem>>
      %dma_wait3A_241 = tpu.memref_squeeze %dma_wait3A_240 : memref<1x128xi32, #tpu.memory_space<vmem>> -> memref<128xi32, #tpu.memory_space<vmem>>
      %dma_wait3A_242 = arith.constant 0 : i32
      %dma_wait3A_243 = arith.constant 0 : i32
      %dma_wait3A_244 = tpu.memref_slice %arg2[%dma_wait3A_242, %dma_wait3A_243] : memref<10000x128xf32, #tpu.memory_space<hbm>> -> memref<10000x128xf32, #tpu.memory_space<hbm>>
      tpu.wait_indirect_dma semaphore(%arg14 : memref<!tpu.dma_semaphore, #tpu.memory_space<semaphore_mem>>) src(%dma_wait3A_244 : memref<10000x128xf32, #tpu.memory_space<hbm>>) dst(%dma_wait3A_238 : memref<128x128xf32, #tpu.memory_space<vmem>>)
      %run_scoped3A_245 = arith.constant 1 : i32
      %run_scoped3A_246 = arith.constant 7 : i32
      "tpu.region"() ({
        %run_scoped3A_247 = tpu.sem_alloc : memref<!tpu.dma_semaphore, #tpu.memory_space<semaphore_mem>>
        %dma_start3A_248 = arith.constant 0 : i32
        %dma_start3A_249 = arith.constant 0 : i32
        %dma_start3A_250 = tpu.memref_slice %arg11[%run_scoped3A_245, %dma_start3A_248, %dma_start3A_249] : memref<2x128x128xf32, #tpu.memory_space<vmem>> -> memref<1x128x128xf32, #tpu.memory_space<vmem>>
        %dma_start3A_251 = tpu.memref_squeeze %dma_start3A_250 : memref<1x128x128xf32, #tpu.memory_space<vmem>> -> memref<128x128xf32, #tpu.memory_space<vmem>>
        %dma_start3A_252 = arith.constant 0 : i32
        %dma_start3A_253 = tpu.memref_slice %arg10[%run_scoped3A_246, %dma_start3A_252] : memref<8x128xi32, #tpu.memory_space<vmem>> -> memref<1x128xi32, #tpu.memory_space<vmem>>
        %dma_start3A_254 = tpu.memref_squeeze %dma_start3A_253 : memref<1x128xi32, #tpu.memory_space<vmem>> -> memref<128xi32, #tpu.memory_space<vmem>>
        %dma_start3A_255 = arith.constant 0 : i32
        %dma_start3A_256 = arith.constant 0 : i32
        %dma_start3A_257 = tpu.memref_slice %arg12[%dma_start3A_255, %dma_start3A_256] : memref<10112x128xf32, #tpu.memory_space<vmem_shared>> -> memref<10112x128xf32, #tpu.memory_space<vmem_shared>>
        tpu.enqueue_indirect_dma source(%dma_start3A_251 : memref<128x128xf32, #tpu.memory_space<vmem>>) target(%dma_start3A_257 : memref<10112x128xf32, #tpu.memory_space<vmem_shared>>) offsets(%dma_start3A_254 : memref<128xi32, #tpu.memory_space<vmem>>) semaphore(%run_scoped3A_247 : memref<!tpu.dma_semaphore, #tpu.memory_space<semaphore_mem>>) {add = true}
        %dma_wait3A_258 = arith.constant 0 : i32
        %dma_wait3A_259 = arith.constant 0 : i32
        %dma_wait3A_260 = tpu.memref_slice %arg11[%run_scoped3A_245, %dma_wait3A_258, %dma_wait3A_259] : memref<2x128x128xf32, #tpu.memory_space<vmem>> -> memref<1x128x128xf32, #tpu.memory_space<vmem>>
        %dma_wait3A_261 = tpu.memref_squeeze %dma_wait3A_260 : memref<1x128x128xf32, #tpu.memory_space<vmem>> -> memref<128x128xf32, #tpu.memory_space<vmem>>
        %dma_wait3A_262 = arith.constant 0 : i32
        %dma_wait3A_263 = tpu.memref_slice %arg10[%run_scoped3A_246, %dma_wait3A_262] : memref<8x128xi32, #tpu.memory_space<vmem>> -> memref<1x128xi32, #tpu.memory_space<vmem>>
        %dma_wait3A_264 = tpu.memref_squeeze %dma_wait3A_263 : memref<1x128xi32, #tpu.memory_space<vmem>> -> memref<128xi32, #tpu.memory_space<vmem>>
        %dma_wait3A_265 = arith.constant 0 : i32
        %dma_wait3A_266 = arith.constant 0 : i32
        %dma_wait3A_267 = tpu.memref_slice %arg12[%dma_wait3A_265, %dma_wait3A_266] : memref<10112x128xf32, #tpu.memory_space<vmem_shared>> -> memref<10112x128xf32, #tpu.memory_space<vmem_shared>>
        tpu.wait_indirect_dma semaphore(%run_scoped3A_247 : memref<!tpu.dma_semaphore, #tpu.memory_space<semaphore_mem>>) src(%dma_wait3A_261 : memref<128x128xf32, #tpu.memory_space<vmem>>) dst(%dma_wait3A_267 : memref<10112x128xf32, #tpu.memory_space<vmem_shared>>)
        tpu.yield
      }) : () -> ()
    }
    %barrier3A_20 = arith.constant 0 : index
    tpu.barrier barrier_id(%barrier3A_20)
    "tpu.region"() ({
      %run_scoped3A_34 = tpu.sem_alloc : memref<!tpu.dma_semaphore, #tpu.memory_space<semaphore_mem>>
      %dma_start3A = arith.constant 0 : i32
      %dma_start3A_35 = tpu.memref_slice %arg7[%arg0, %mul3A_10, %dma_start3A] : memref<2x10112x128xf32, #tpu.memory_space<hbm>> -> memref<1x632x128xf32, #tpu.memory_space<hbm>>
      %dma_start3A_36 = tpu.memref_squeeze %dma_start3A_35 : memref<1x632x128xf32, #tpu.memory_space<hbm>> -> memref<632x128xf32, #tpu.memory_space<hbm>>
      %dma_start3A_37 = arith.constant 0 : i32
      %dma_start3A_38 = tpu.memref_slice %arg12[%mul3A_10, %dma_start3A_37] : memref<10112x128xf32, #tpu.memory_space<vmem_shared>> -> memref<632x128xf32, #tpu.memory_space<vmem_shared>>
      tpu.enqueue_dma source(%dma_start3A_38 : memref<632x128xf32, #tpu.memory_space<vmem_shared>>) target(%dma_start3A_36 : memref<632x128xf32, #tpu.memory_space<hbm>>) target_semaphore(%run_scoped3A_34 : memref<!tpu.dma_semaphore, #tpu.memory_space<semaphore_mem>>)
      %dma_wait3A = arith.constant 0 : i32
      %dma_wait3A_39 = tpu.memref_slice %arg7[%arg0, %mul3A_10, %dma_wait3A] : memref<2x10112x128xf32, #tpu.memory_space<hbm>> -> memref<1x632x128xf32, #tpu.memory_space<hbm>>
      %dma_wait3A_40 = tpu.memref_squeeze %dma_wait3A_39 : memref<1x632x128xf32, #tpu.memory_space<hbm>> -> memref<632x128xf32, #tpu.memory_space<hbm>>
      %dma_wait3A_41 = arith.constant 0 : i32
      %dma_wait3A_42 = tpu.memref_slice %arg12[%mul3A_10, %dma_wait3A_41] : memref<10112x128xf32, #tpu.memory_space<vmem_shared>> -> memref<632x128xf32, #tpu.memory_space<vmem_shared>>
      tpu.wait_dma2 semaphore(%run_scoped3A_34 : memref<!tpu.dma_semaphore, #tpu.memory_space<semaphore_mem>>) src(%dma_wait3A_42 : memref<632x128xf32, #tpu.memory_space<vmem_shared>>) dst(%dma_wait3A_40 : memref<632x128xf32, #tpu.memory_space<hbm>>)
      tpu.yield
    }) : () -> ()
    %barrier3A_21 = arith.constant 0 : index
    tpu.barrier barrier_id(%barrier3A_21)
    "tpu.region"() ({
      %run_scoped3A_34 = tpu.sem_alloc : memref<!tpu.dma_semaphore, #tpu.memory_space<semaphore_mem>>
      %dma_start3A = arith.constant 0 : i32
      %dma_start3A_35 = tpu.memref_slice %arg12[%mul3A_10, %dma_start3A] : memref<10112x128xf32, #tpu.memory_space<vmem_shared>> -> memref<632x128xf32, #tpu.memory_space<vmem_shared>>
      %dma_start3A_36 = arith.constant 0 : i32
      %dma_start3A_37 = tpu.memref_slice %arg5[%mul3A_10, %dma_start3A_36] : memref<10112x128xf32, #tpu.memory_space<hbm>> -> memref<632x128xf32, #tpu.memory_space<hbm>>
      tpu.enqueue_dma source(%dma_start3A_37 : memref<632x128xf32, #tpu.memory_space<hbm>>) target(%dma_start3A_35 : memref<632x128xf32, #tpu.memory_space<vmem_shared>>) target_semaphore(%run_scoped3A_34 : memref<!tpu.dma_semaphore, #tpu.memory_space<semaphore_mem>>)
      %dma_wait3A = arith.constant 0 : i32
      %dma_wait3A_38 = tpu.memref_slice %arg12[%mul3A_10, %dma_wait3A] : memref<10112x128xf32, #tpu.memory_space<vmem_shared>> -> memref<632x128xf32, #tpu.memory_space<vmem_shared>>
      %dma_wait3A_39 = arith.constant 0 : i32
      %dma_wait3A_40 = tpu.memref_slice %arg5[%mul3A_10, %dma_wait3A_39] : memref<10112x128xf32, #tpu.memory_space<hbm>> -> memref<632x128xf32, #tpu.memory_space<hbm>>
      tpu.wait_dma2 semaphore(%run_scoped3A_34 : memref<!tpu.dma_semaphore, #tpu.memory_space<semaphore_mem>>) src(%dma_wait3A_40 : memref<632x128xf32, #tpu.memory_space<hbm>>) dst(%dma_wait3A_38 : memref<632x128xf32, #tpu.memory_space<vmem_shared>>)
      tpu.yield
    }) : () -> ()
    %run_scoped3A = arith.constant 0 : i32
    "tpu.region"() ({
      %run_scoped3A_34 = tpu.sem_alloc : memref<!tpu.dma_semaphore, #tpu.memory_space<semaphore_mem>>
      %dma_start3A = arith.constant 0 : i32
      %dma_start3A_35 = arith.constant 0 : i32
      %dma_start3A_36 = tpu.memref_slice %arg11[%run_scoped3A, %dma_start3A, %dma_start3A_35] : memref<2x128x128xf32, #tpu.memory_space<vmem>> -> memref<1x128x128xf32, #tpu.memory_space<vmem>>
      %dma_start3A_37 = tpu.memref_squeeze %dma_start3A_36 : memref<1x128x128xf32, #tpu.memory_space<vmem>> -> memref<128x128xf32, #tpu.memory_space<vmem>>
      %dma_start3A_38 = arith.constant 0 : i32
      %dma_start3A_39 = arith.constant 0 : i32
      %dma_start3A_40 = tpu.memref_slice %arg11[%run_scoped3A, %dma_start3A_38, %dma_start3A_39] : memref<2x128x128xf32, #tpu.memory_space<vmem>> -> memref<1x128x128xf32, #tpu.memory_space<vmem>>
      %dma_start3A_41 = tpu.memref_squeeze %dma_start3A_40 : memref<1x128x128xf32, #tpu.memory_space<vmem>> -> memref<128x128xf32, #tpu.memory_space<vmem>>
      tpu.enqueue_dma source(%arg6 : memref<128x128xf32, #tpu.memory_space<hbm>>) target(%dma_start3A_41 : memref<128x128xf32, #tpu.memory_space<vmem>>) target_semaphore(%run_scoped3A_34 : memref<!tpu.dma_semaphore, #tpu.memory_space<semaphore_mem>>)
      %dma_wait3A = arith.constant 0 : i32
      %dma_wait3A_42 = arith.constant 0 : i32
      %dma_wait3A_43 = tpu.memref_slice %arg11[%run_scoped3A, %dma_wait3A, %dma_wait3A_42] : memref<2x128x128xf32, #tpu.memory_space<vmem>> -> memref<1x128x128xf32, #tpu.memory_space<vmem>>
      %dma_wait3A_44 = tpu.memref_squeeze %dma_wait3A_43 : memref<1x128x128xf32, #tpu.memory_space<vmem>> -> memref<128x128xf32, #tpu.memory_space<vmem>>
      %dma_wait3A_45 = arith.constant 0 : i32
      %dma_wait3A_46 = arith.constant 0 : i32
      %dma_wait3A_47 = tpu.memref_slice %arg11[%run_scoped3A, %dma_wait3A_45, %dma_wait3A_46] : memref<2x128x128xf32, #tpu.memory_space<vmem>> -> memref<1x128x128xf32, #tpu.memory_space<vmem>>
      %dma_wait3A_48 = tpu.memref_squeeze %dma_wait3A_47 : memref<1x128x128xf32, #tpu.memory_space<vmem>> -> memref<128x128xf32, #tpu.memory_space<vmem>>
      tpu.wait_dma2 semaphore(%run_scoped3A_34 : memref<!tpu.dma_semaphore, #tpu.memory_space<semaphore_mem>>) src(%arg6 : memref<128x128xf32, #tpu.memory_space<hbm>>) dst(%dma_wait3A_48 : memref<128x128xf32, #tpu.memory_space<vmem>>)
      tpu.yield
    }) : () -> ()
    %barrier3A_22 = arith.constant 0 : index
    tpu.barrier barrier_id(%barrier3A_22)
    %while3A_23 = arith.constant 0 : i32
    %while3A_24 = arith.constant 0 : i32
    %while3A_25 = arith.subi %select_n3A_8, %while3A_24 : i32
    %while3A_26 = arith.addi %while3A_24, %while3A_25 : i32
    %while3A_27 = arith.constant 1 : i32
    %while3A_28 = arith.divsi %while3A_25, %while3A_27 : i32
    %while3A_29 = arith.muli %while3A_28, %while3A_27 : i32
    %while3A_30 = arith.addi %while3A_24, %while3A_29 : i32
    %while3A_31 = arith.constant 1 : i32
    scf.for %while3A_34 = %while3A_24 to %while3A_30 step %while3A_31  : i32 {
      %mul3A_35 = arith.constant 8 : i32
      %mul3A_36 = arith.muli %while3A_34, %mul3A_35 : i32
      %add3A_37 = arith.addi %select_n3A, %mul3A_36 : i32
      "tpu.region"() ({
        %run_scoped3A_228 = tpu.sem_alloc : memref<!tpu.dma_semaphore, #tpu.memory_space<semaphore_mem>>
        %dma_start3A_229 = arith.constant 0 : i32
        %dma_start3A_230 = tpu.memref_slice %arg4[%add3A_37, %dma_start3A_229] : memref<2560x128xi32, #tpu.memory_space<hbm>> -> memref<8x128xi32, #tpu.memory_space<hbm>>
        %dma_start3A_231 = arith.constant 0 : i32
        %dma_start3A_232 = tpu.memref_slice %arg4[%add3A_37, %dma_start3A_231] : memref<2560x128xi32, #tpu.memory_space<hbm>> -> memref<8x128xi32, #tpu.memory_space<hbm>>
        tpu.enqueue_dma source(%dma_start3A_232 : memref<8x128xi32, #tpu.memory_space<hbm>>) target(%arg10 : memref<8x128xi32, #tpu.memory_space<vmem>>) target_semaphore(%run_scoped3A_228 : memref<!tpu.dma_semaphore, #tpu.memory_space<semaphore_mem>>)
        %dma_wait3A_233 = arith.constant 0 : i32
        %dma_wait3A_234 = tpu.memref_slice %arg4[%add3A_37, %dma_wait3A_233] : memref<2560x128xi32, #tpu.memory_space<hbm>> -> memref<8x128xi32, #tpu.memory_space<hbm>>
        %dma_wait3A_235 = arith.constant 0 : i32
        %dma_wait3A_236 = tpu.memref_slice %arg4[%add3A_37, %dma_wait3A_235] : memref<2560x128xi32, #tpu.memory_space<hbm>> -> memref<8x128xi32, #tpu.memory_space<hbm>>
        tpu.wait_dma2 semaphore(%run_scoped3A_228 : memref<!tpu.dma_semaphore, #tpu.memory_space<semaphore_mem>>) src(%dma_wait3A_236 : memref<8x128xi32, #tpu.memory_space<hbm>>) dst(%arg10 : memref<8x128xi32, #tpu.memory_space<vmem>>)
        tpu.yield
      }) : () -> ()
      %dma_start3A = arith.constant 0 : i32
      %dma_start3A_38 = arith.constant 0 : i32
      %dma_start3A_39 = arith.constant 0 : i32
      %dma_start3A_40 = arith.constant 0 : i32
      %dma_start3A_41 = tpu.memref_slice %arg11[%dma_start3A, %dma_start3A_39, %dma_start3A_40] : memref<2x128x128xf32, #tpu.memory_space<vmem>> -> memref<1x128x128xf32, #tpu.memory_space<vmem>>
      %dma_start3A_42 = tpu.memref_squeeze %dma_start3A_41 : memref<1x128x128xf32, #tpu.memory_space<vmem>> -> memref<128x128xf32, #tpu.memory_space<vmem>>
      %dma_start3A_43 = arith.constant 0 : i32
      %dma_start3A_44 = tpu.memref_slice %arg10[%dma_start3A_38, %dma_start3A_43] : memref<8x128xi32, #tpu.memory_space<vmem>> -> memref<1x128xi32, #tpu.memory_space<vmem>>
      %dma_start3A_45 = tpu.memref_squeeze %dma_start3A_44 : memref<1x128xi32, #tpu.memory_space<vmem>> -> memref<128xi32, #tpu.memory_space<vmem>>
      %dma_start3A_46 = arith.constant 0 : i32
      %dma_start3A_47 = arith.constant 0 : i32
      %dma_start3A_48 = tpu.memref_slice %arg12[%dma_start3A_46, %dma_start3A_47] : memref<10112x128xf32, #tpu.memory_space<vmem_shared>> -> memref<10112x128xf32, #tpu.memory_space<vmem_shared>>
      tpu.enqueue_indirect_dma source(%dma_start3A_42 : memref<128x128xf32, #tpu.memory_space<vmem>>) target(%dma_start3A_48 : memref<10112x128xf32, #tpu.memory_space<vmem_shared>>) offsets(%dma_start3A_45 : memref<128xi32, #tpu.memory_space<vmem>>) semaphore(%arg15 : memref<!tpu.dma_semaphore, #tpu.memory_space<semaphore_mem>>) {add = true}
      %dma_start3A_49 = arith.constant 0 : i32
      %dma_start3A_50 = arith.constant 1 : i32
      %dma_start3A_51 = arith.constant 0 : i32
      %dma_start3A_52 = arith.constant 0 : i32
      %dma_start3A_53 = tpu.memref_slice %arg11[%dma_start3A_49, %dma_start3A_51, %dma_start3A_52] : memref<2x128x128xf32, #tpu.memory_space<vmem>> -> memref<1x128x128xf32, #tpu.memory_space<vmem>>
      %dma_start3A_54 = tpu.memref_squeeze %dma_start3A_53 : memref<1x128x128xf32, #tpu.memory_space<vmem>> -> memref<128x128xf32, #tpu.memory_space<vmem>>
      %dma_start3A_55 = arith.constant 0 : i32
      %dma_start3A_56 = tpu.memref_slice %arg10[%dma_start3A_50, %dma_start3A_55] : memref<8x128xi32, #tpu.memory_space<vmem>> -> memref<1x128xi32, #tpu.memory_space<vmem>>
      %dma_start3A_57 = tpu.memref_squeeze %dma_start3A_56 : memref<1x128xi32, #tpu.memory_space<vmem>> -> memref<128xi32, #tpu.memory_space<vmem>>
      %dma_start3A_58 = arith.constant 0 : i32
      %dma_start3A_59 = arith.constant 0 : i32
      %dma_start3A_60 = tpu.memref_slice %arg12[%dma_start3A_58, %dma_start3A_59] : memref<10112x128xf32, #tpu.memory_space<vmem_shared>> -> memref<10112x128xf32, #tpu.memory_space<vmem_shared>>
      tpu.enqueue_indirect_dma source(%dma_start3A_54 : memref<128x128xf32, #tpu.memory_space<vmem>>) target(%dma_start3A_60 : memref<10112x128xf32, #tpu.memory_space<vmem_shared>>) offsets(%dma_start3A_57 : memref<128xi32, #tpu.memory_space<vmem>>) semaphore(%arg15 : memref<!tpu.dma_semaphore, #tpu.memory_space<semaphore_mem>>) {add = true}
      %dma_start3A_61 = arith.constant 0 : i32
      %dma_start3A_62 = arith.constant 2 : i32
      %dma_start3A_63 = arith.constant 0 : i32
      %dma_start3A_64 = arith.constant 0 : i32
      %dma_start3A_65 = tpu.memref_slice %arg11[%dma_start3A_61, %dma_start3A_63, %dma_start3A_64] : memref<2x128x128xf32, #tpu.memory_space<vmem>> -> memref<1x128x128xf32, #tpu.memory_space<vmem>>
      %dma_start3A_66 = tpu.memref_squeeze %dma_start3A_65 : memref<1x128x128xf32, #tpu.memory_space<vmem>> -> memref<128x128xf32, #tpu.memory_space<vmem>>
      %dma_start3A_67 = arith.constant 0 : i32
      %dma_start3A_68 = tpu.memref_slice %arg10[%dma_start3A_62, %dma_start3A_67] : memref<8x128xi32, #tpu.memory_space<vmem>> -> memref<1x128xi32, #tpu.memory_space<vmem>>
      %dma_start3A_69 = tpu.memref_squeeze %dma_start3A_68 : memref<1x128xi32, #tpu.memory_space<vmem>> -> memref<128xi32, #tpu.memory_space<vmem>>
      %dma_start3A_70 = arith.constant 0 : i32
      %dma_start3A_71 = arith.constant 0 : i32
      %dma_start3A_72 = tpu.memref_slice %arg12[%dma_start3A_70, %dma_start3A_71] : memref<10112x128xf32, #tpu.memory_space<vmem_shared>> -> memref<10112x128xf32, #tpu.memory_space<vmem_shared>>
      tpu.enqueue_indirect_dma source(%dma_start3A_66 : memref<128x128xf32, #tpu.memory_space<vmem>>) target(%dma_start3A_72 : memref<10112x128xf32, #tpu.memory_space<vmem_shared>>) offsets(%dma_start3A_69 : memref<128xi32, #tpu.memory_space<vmem>>) semaphore(%arg15 : memref<!tpu.dma_semaphore, #tpu.memory_space<semaphore_mem>>) {add = true}
      %dma_start3A_73 = arith.constant 0 : i32
      %dma_start3A_74 = arith.constant 3 : i32
      %dma_start3A_75 = arith.constant 0 : i32
      %dma_start3A_76 = arith.constant 0 : i32
      %dma_start3A_77 = tpu.memref_slice %arg11[%dma_start3A_73, %dma_start3A_75, %dma_start3A_76] : memref<2x128x128xf32, #tpu.memory_space<vmem>> -> memref<1x128x128xf32, #tpu.memory_space<vmem>>
      %dma_start3A_78 = tpu.memref_squeeze %dma_start3A_77 : memref<1x128x128xf32, #tpu.memory_space<vmem>> -> memref<128x128xf32, #tpu.memory_space<vmem>>
      %dma_start3A_79 = arith.constant 0 : i32
      %dma_start3A_80 = tpu.memref_slice %arg10[%dma_start3A_74, %dma_start3A_79] : memref<8x128xi32, #tpu.memory_space<vmem>> -> memref<1x128xi32, #tpu.memory_space<vmem>>
      %dma_start3A_81 = tpu.memref_squeeze %dma_start3A_80 : memref<1x128xi32, #tpu.memory_space<vmem>> -> memref<128xi32, #tpu.memory_space<vmem>>
      %dma_start3A_82 = arith.constant 0 : i32
      %dma_start3A_83 = arith.constant 0 : i32
      %dma_start3A_84 = tpu.memref_slice %arg12[%dma_start3A_82, %dma_start3A_83] : memref<10112x128xf32, #tpu.memory_space<vmem_shared>> -> memref<10112x128xf32, #tpu.memory_space<vmem_shared>>
      tpu.enqueue_indirect_dma source(%dma_start3A_78 : memref<128x128xf32, #tpu.memory_space<vmem>>) target(%dma_start3A_84 : memref<10112x128xf32, #tpu.memory_space<vmem_shared>>) offsets(%dma_start3A_81 : memref<128xi32, #tpu.memory_space<vmem>>) semaphore(%arg15 : memref<!tpu.dma_semaphore, #tpu.memory_space<semaphore_mem>>) {add = true}
      %dma_start3A_85 = arith.constant 0 : i32
      %dma_start3A_86 = arith.constant 4 : i32
      %dma_start3A_87 = arith.constant 0 : i32
      %dma_start3A_88 = arith.constant 0 : i32
      %dma_start3A_89 = tpu.memref_slice %arg11[%dma_start3A_85, %dma_start3A_87, %dma_start3A_88] : memref<2x128x128xf32, #tpu.memory_space<vmem>> -> memref<1x128x128xf32, #tpu.memory_space<vmem>>
      %dma_start3A_90 = tpu.memref_squeeze %dma_start3A_89 : memref<1x128x128xf32, #tpu.memory_space<vmem>> -> memref<128x128xf32, #tpu.memory_space<vmem>>
      %dma_start3A_91 = arith.constant 0 : i32
      %dma_start3A_92 = tpu.memref_slice %arg10[%dma_start3A_86, %dma_start3A_91] : memref<8x128xi32, #tpu.memory_space<vmem>> -> memref<1x128xi32, #tpu.memory_space<vmem>>
      %dma_start3A_93 = tpu.memref_squeeze %dma_start3A_92 : memref<1x128xi32, #tpu.memory_space<vmem>> -> memref<128xi32, #tpu.memory_space<vmem>>
      %dma_start3A_94 = arith.constant 0 : i32
      %dma_start3A_95 = arith.constant 0 : i32
      %dma_start3A_96 = tpu.memref_slice %arg12[%dma_start3A_94, %dma_start3A_95] : memref<10112x128xf32, #tpu.memory_space<vmem_shared>> -> memref<10112x128xf32, #tpu.memory_space<vmem_shared>>
      tpu.enqueue_indirect_dma source(%dma_start3A_90 : memref<128x128xf32, #tpu.memory_space<vmem>>) target(%dma_start3A_96 : memref<10112x128xf32, #tpu.memory_space<vmem_shared>>) offsets(%dma_start3A_93 : memref<128xi32, #tpu.memory_space<vmem>>) semaphore(%arg15 : memref<!tpu.dma_semaphore, #tpu.memory_space<semaphore_mem>>) {add = true}
      %dma_start3A_97 = arith.constant 0 : i32
      %dma_start3A_98 = arith.constant 5 : i32
      %dma_start3A_99 = arith.constant 0 : i32
      %dma_start3A_100 = arith.constant 0 : i32
      %dma_start3A_101 = tpu.memref_slice %arg11[%dma_start3A_97, %dma_start3A_99, %dma_start3A_100] : memref<2x128x128xf32, #tpu.memory_space<vmem>> -> memref<1x128x128xf32, #tpu.memory_space<vmem>>
      %dma_start3A_102 = tpu.memref_squeeze %dma_start3A_101 : memref<1x128x128xf32, #tpu.memory_space<vmem>> -> memref<128x128xf32, #tpu.memory_space<vmem>>
      %dma_start3A_103 = arith.constant 0 : i32
      %dma_start3A_104 = tpu.memref_slice %arg10[%dma_start3A_98, %dma_start3A_103] : memref<8x128xi32, #tpu.memory_space<vmem>> -> memref<1x128xi32, #tpu.memory_space<vmem>>
      %dma_start3A_105 = tpu.memref_squeeze %dma_start3A_104 : memref<1x128xi32, #tpu.memory_space<vmem>> -> memref<128xi32, #tpu.memory_space<vmem>>
      %dma_start3A_106 = arith.constant 0 : i32
      %dma_start3A_107 = arith.constant 0 : i32
      %dma_start3A_108 = tpu.memref_slice %arg12[%dma_start3A_106, %dma_start3A_107] : memref<10112x128xf32, #tpu.memory_space<vmem_shared>> -> memref<10112x128xf32, #tpu.memory_space<vmem_shared>>
      tpu.enqueue_indirect_dma source(%dma_start3A_102 : memref<128x128xf32, #tpu.memory_space<vmem>>) target(%dma_start3A_108 : memref<10112x128xf32, #tpu.memory_space<vmem_shared>>) offsets(%dma_start3A_105 : memref<128xi32, #tpu.memory_space<vmem>>) semaphore(%arg15 : memref<!tpu.dma_semaphore, #tpu.memory_space<semaphore_mem>>) {add = true}
      %dma_start3A_109 = arith.constant 0 : i32
      %dma_start3A_110 = arith.constant 6 : i32
      %dma_start3A_111 = arith.constant 0 : i32
      %dma_start3A_112 = arith.constant 0 : i32
      %dma_start3A_113 = tpu.memref_slice %arg11[%dma_start3A_109, %dma_start3A_111, %dma_start3A_112] : memref<2x128x128xf32, #tpu.memory_space<vmem>> -> memref<1x128x128xf32, #tpu.memory_space<vmem>>
      %dma_start3A_114 = tpu.memref_squeeze %dma_start3A_113 : memref<1x128x128xf32, #tpu.memory_space<vmem>> -> memref<128x128xf32, #tpu.memory_space<vmem>>
      %dma_start3A_115 = arith.constant 0 : i32
      %dma_start3A_116 = tpu.memref_slice %arg10[%dma_start3A_110, %dma_start3A_115] : memref<8x128xi32, #tpu.memory_space<vmem>> -> memref<1x128xi32, #tpu.memory_space<vmem>>
      %dma_start3A_117 = tpu.memref_squeeze %dma_start3A_116 : memref<1x128xi32, #tpu.memory_space<vmem>> -> memref<128xi32, #tpu.memory_space<vmem>>
      %dma_start3A_118 = arith.constant 0 : i32
      %dma_start3A_119 = arith.constant 0 : i32
      %dma_start3A_120 = tpu.memref_slice %arg12[%dma_start3A_118, %dma_start3A_119] : memref<10112x128xf32, #tpu.memory_space<vmem_shared>> -> memref<10112x128xf32, #tpu.memory_space<vmem_shared>>
      tpu.enqueue_indirect_dma source(%dma_start3A_114 : memref<128x128xf32, #tpu.memory_space<vmem>>) target(%dma_start3A_120 : memref<10112x128xf32, #tpu.memory_space<vmem_shared>>) offsets(%dma_start3A_117 : memref<128xi32, #tpu.memory_space<vmem>>) semaphore(%arg15 : memref<!tpu.dma_semaphore, #tpu.memory_space<semaphore_mem>>) {add = true}
      %dma_start3A_121 = arith.constant 0 : i32
      %dma_start3A_122 = arith.constant 7 : i32
      %dma_start3A_123 = arith.constant 0 : i32
      %dma_start3A_124 = arith.constant 0 : i32
      %dma_start3A_125 = tpu.memref_slice %arg11[%dma_start3A_121, %dma_start3A_123, %dma_start3A_124] : memref<2x128x128xf32, #tpu.memory_space<vmem>> -> memref<1x128x128xf32, #tpu.memory_space<vmem>>
      %dma_start3A_126 = tpu.memref_squeeze %dma_start3A_125 : memref<1x128x128xf32, #tpu.memory_space<vmem>> -> memref<128x128xf32, #tpu.memory_space<vmem>>
      %dma_start3A_127 = arith.constant 0 : i32
      %dma_start3A_128 = tpu.memref_slice %arg10[%dma_start3A_122, %dma_start3A_127] : memref<8x128xi32, #tpu.memory_space<vmem>> -> memref<1x128xi32, #tpu.memory_space<vmem>>
      %dma_start3A_129 = tpu.memref_squeeze %dma_start3A_128 : memref<1x128xi32, #tpu.memory_space<vmem>> -> memref<128xi32, #tpu.memory_space<vmem>>
      %dma_start3A_130 = arith.constant 0 : i32
      %dma_start3A_131 = arith.constant 0 : i32
      %dma_start3A_132 = tpu.memref_slice %arg12[%dma_start3A_130, %dma_start3A_131] : memref<10112x128xf32, #tpu.memory_space<vmem_shared>> -> memref<10112x128xf32, #tpu.memory_space<vmem_shared>>
      tpu.enqueue_indirect_dma source(%dma_start3A_126 : memref<128x128xf32, #tpu.memory_space<vmem>>) target(%dma_start3A_132 : memref<10112x128xf32, #tpu.memory_space<vmem_shared>>) offsets(%dma_start3A_129 : memref<128xi32, #tpu.memory_space<vmem>>) semaphore(%arg15 : memref<!tpu.dma_semaphore, #tpu.memory_space<semaphore_mem>>) {add = true}
      %dma_wait3A = arith.constant 0 : i32
      %dma_wait3A_133 = arith.constant 0 : i32
      %dma_wait3A_134 = arith.constant 0 : i32
      %dma_wait3A_135 = arith.constant 0 : i32
      %dma_wait3A_136 = tpu.memref_slice %arg11[%dma_wait3A, %dma_wait3A_134, %dma_wait3A_135] : memref<2x128x128xf32, #tpu.memory_space<vmem>> -> memref<1x128x128xf32, #tpu.memory_space<vmem>>
      %dma_wait3A_137 = tpu.memref_squeeze %dma_wait3A_136 : memref<1x128x128xf32, #tpu.memory_space<vmem>> -> memref<128x128xf32, #tpu.memory_space<vmem>>
      %dma_wait3A_138 = arith.constant 0 : i32
      %dma_wait3A_139 = tpu.memref_slice %arg10[%dma_wait3A_133, %dma_wait3A_138] : memref<8x128xi32, #tpu.memory_space<vmem>> -> memref<1x128xi32, #tpu.memory_space<vmem>>
      %dma_wait3A_140 = tpu.memref_squeeze %dma_wait3A_139 : memref<1x128xi32, #tpu.memory_space<vmem>> -> memref<128xi32, #tpu.memory_space<vmem>>
      %dma_wait3A_141 = arith.constant 0 : i32
      %dma_wait3A_142 = arith.constant 0 : i32
      %dma_wait3A_143 = tpu.memref_slice %arg12[%dma_wait3A_141, %dma_wait3A_142] : memref<10112x128xf32, #tpu.memory_space<vmem_shared>> -> memref<10112x128xf32, #tpu.memory_space<vmem_shared>>
      tpu.wait_indirect_dma semaphore(%arg15 : memref<!tpu.dma_semaphore, #tpu.memory_space<semaphore_mem>>) src(%dma_wait3A_137 : memref<128x128xf32, #tpu.memory_space<vmem>>) dst(%dma_wait3A_143 : memref<10112x128xf32, #tpu.memory_space<vmem_shared>>)
      %dma_wait3A_144 = arith.constant 0 : i32
      %dma_wait3A_145 = arith.constant 1 : i32
      %dma_wait3A_146 = arith.constant 0 : i32
      %dma_wait3A_147 = arith.constant 0 : i32
      %dma_wait3A_148 = tpu.memref_slice %arg11[%dma_wait3A_144, %dma_wait3A_146, %dma_wait3A_147] : memref<2x128x128xf32, #tpu.memory_space<vmem>> -> memref<1x128x128xf32, #tpu.memory_space<vmem>>
      %dma_wait3A_149 = tpu.memref_squeeze %dma_wait3A_148 : memref<1x128x128xf32, #tpu.memory_space<vmem>> -> memref<128x128xf32, #tpu.memory_space<vmem>>
      %dma_wait3A_150 = arith.constant 0 : i32
      %dma_wait3A_151 = tpu.memref_slice %arg10[%dma_wait3A_145, %dma_wait3A_150] : memref<8x128xi32, #tpu.memory_space<vmem>> -> memref<1x128xi32, #tpu.memory_space<vmem>>
      %dma_wait3A_152 = tpu.memref_squeeze %dma_wait3A_151 : memref<1x128xi32, #tpu.memory_space<vmem>> -> memref<128xi32, #tpu.memory_space<vmem>>
      %dma_wait3A_153 = arith.constant 0 : i32
      %dma_wait3A_154 = arith.constant 0 : i32
      %dma_wait3A_155 = tpu.memref_slice %arg12[%dma_wait3A_153, %dma_wait3A_154] : memref<10112x128xf32, #tpu.memory_space<vmem_shared>> -> memref<10112x128xf32, #tpu.memory_space<vmem_shared>>
      tpu.wait_indirect_dma semaphore(%arg15 : memref<!tpu.dma_semaphore, #tpu.memory_space<semaphore_mem>>) src(%dma_wait3A_149 : memref<128x128xf32, #tpu.memory_space<vmem>>) dst(%dma_wait3A_155 : memref<10112x128xf32, #tpu.memory_space<vmem_shared>>)
      %dma_wait3A_156 = arith.constant 0 : i32
      %dma_wait3A_157 = arith.constant 2 : i32
      %dma_wait3A_158 = arith.constant 0 : i32
      %dma_wait3A_159 = arith.constant 0 : i32
      %dma_wait3A_160 = tpu.memref_slice %arg11[%dma_wait3A_156, %dma_wait3A_158, %dma_wait3A_159] : memref<2x128x128xf32, #tpu.memory_space<vmem>> -> memref<1x128x128xf32, #tpu.memory_space<vmem>>
      %dma_wait3A_161 = tpu.memref_squeeze %dma_wait3A_160 : memref<1x128x128xf32, #tpu.memory_space<vmem>> -> memref<128x128xf32, #tpu.memory_space<vmem>>
      %dma_wait3A_162 = arith.constant 0 : i32
      %dma_wait3A_163 = tpu.memref_slice %arg10[%dma_wait3A_157, %dma_wait3A_162] : memref<8x128xi32, #tpu.memory_space<vmem>> -> memref<1x128xi32, #tpu.memory_space<vmem>>
      %dma_wait3A_164 = tpu.memref_squeeze %dma_wait3A_163 : memref<1x128xi32, #tpu.memory_space<vmem>> -> memref<128xi32, #tpu.memory_space<vmem>>
      %dma_wait3A_165 = arith.constant 0 : i32
      %dma_wait3A_166 = arith.constant 0 : i32
      %dma_wait3A_167 = tpu.memref_slice %arg12[%dma_wait3A_165, %dma_wait3A_166] : memref<10112x128xf32, #tpu.memory_space<vmem_shared>> -> memref<10112x128xf32, #tpu.memory_space<vmem_shared>>
      tpu.wait_indirect_dma semaphore(%arg15 : memref<!tpu.dma_semaphore, #tpu.memory_space<semaphore_mem>>) src(%dma_wait3A_161 : memref<128x128xf32, #tpu.memory_space<vmem>>) dst(%dma_wait3A_167 : memref<10112x128xf32, #tpu.memory_space<vmem_shared>>)
      %dma_wait3A_168 = arith.constant 0 : i32
      %dma_wait3A_169 = arith.constant 3 : i32
      %dma_wait3A_170 = arith.constant 0 : i32
      %dma_wait3A_171 = arith.constant 0 : i32
      %dma_wait3A_172 = tpu.memref_slice %arg11[%dma_wait3A_168, %dma_wait3A_170, %dma_wait3A_171] : memref<2x128x128xf32, #tpu.memory_space<vmem>> -> memref<1x128x128xf32, #tpu.memory_space<vmem>>
      %dma_wait3A_173 = tpu.memref_squeeze %dma_wait3A_172 : memref<1x128x128xf32, #tpu.memory_space<vmem>> -> memref<128x128xf32, #tpu.memory_space<vmem>>
      %dma_wait3A_174 = arith.constant 0 : i32
      %dma_wait3A_175 = tpu.memref_slice %arg10[%dma_wait3A_169, %dma_wait3A_174] : memref<8x128xi32, #tpu.memory_space<vmem>> -> memref<1x128xi32, #tpu.memory_space<vmem>>
      %dma_wait3A_176 = tpu.memref_squeeze %dma_wait3A_175 : memref<1x128xi32, #tpu.memory_space<vmem>> -> memref<128xi32, #tpu.memory_space<vmem>>
      %dma_wait3A_177 = arith.constant 0 : i32
      %dma_wait3A_178 = arith.constant 0 : i32
      %dma_wait3A_179 = tpu.memref_slice %arg12[%dma_wait3A_177, %dma_wait3A_178] : memref<10112x128xf32, #tpu.memory_space<vmem_shared>> -> memref<10112x128xf32, #tpu.memory_space<vmem_shared>>
      tpu.wait_indirect_dma semaphore(%arg15 : memref<!tpu.dma_semaphore, #tpu.memory_space<semaphore_mem>>) src(%dma_wait3A_173 : memref<128x128xf32, #tpu.memory_space<vmem>>) dst(%dma_wait3A_179 : memref<10112x128xf32, #tpu.memory_space<vmem_shared>>)
      %dma_wait3A_180 = arith.constant 0 : i32
      %dma_wait3A_181 = arith.constant 4 : i32
      %dma_wait3A_182 = arith.constant 0 : i32
      %dma_wait3A_183 = arith.constant 0 : i32
      %dma_wait3A_184 = tpu.memref_slice %arg11[%dma_wait3A_180, %dma_wait3A_182, %dma_wait3A_183] : memref<2x128x128xf32, #tpu.memory_space<vmem>> -> memref<1x128x128xf32, #tpu.memory_space<vmem>>
      %dma_wait3A_185 = tpu.memref_squeeze %dma_wait3A_184 : memref<1x128x128xf32, #tpu.memory_space<vmem>> -> memref<128x128xf32, #tpu.memory_space<vmem>>
      %dma_wait3A_186 = arith.constant 0 : i32
      %dma_wait3A_187 = tpu.memref_slice %arg10[%dma_wait3A_181, %dma_wait3A_186] : memref<8x128xi32, #tpu.memory_space<vmem>> -> memref<1x128xi32, #tpu.memory_space<vmem>>
      %dma_wait3A_188 = tpu.memref_squeeze %dma_wait3A_187 : memref<1x128xi32, #tpu.memory_space<vmem>> -> memref<128xi32, #tpu.memory_space<vmem>>
      %dma_wait3A_189 = arith.constant 0 : i32
      %dma_wait3A_190 = arith.constant 0 : i32
      %dma_wait3A_191 = tpu.memref_slice %arg12[%dma_wait3A_189, %dma_wait3A_190] : memref<10112x128xf32, #tpu.memory_space<vmem_shared>> -> memref<10112x128xf32, #tpu.memory_space<vmem_shared>>
      tpu.wait_indirect_dma semaphore(%arg15 : memref<!tpu.dma_semaphore, #tpu.memory_space<semaphore_mem>>) src(%dma_wait3A_185 : memref<128x128xf32, #tpu.memory_space<vmem>>) dst(%dma_wait3A_191 : memref<10112x128xf32, #tpu.memory_space<vmem_shared>>)
      %dma_wait3A_192 = arith.constant 0 : i32
      %dma_wait3A_193 = arith.constant 5 : i32
      %dma_wait3A_194 = arith.constant 0 : i32
      %dma_wait3A_195 = arith.constant 0 : i32
      %dma_wait3A_196 = tpu.memref_slice %arg11[%dma_wait3A_192, %dma_wait3A_194, %dma_wait3A_195] : memref<2x128x128xf32, #tpu.memory_space<vmem>> -> memref<1x128x128xf32, #tpu.memory_space<vmem>>
      %dma_wait3A_197 = tpu.memref_squeeze %dma_wait3A_196 : memref<1x128x128xf32, #tpu.memory_space<vmem>> -> memref<128x128xf32, #tpu.memory_space<vmem>>
      %dma_wait3A_198 = arith.constant 0 : i32
      %dma_wait3A_199 = tpu.memref_slice %arg10[%dma_wait3A_193, %dma_wait3A_198] : memref<8x128xi32, #tpu.memory_space<vmem>> -> memref<1x128xi32, #tpu.memory_space<vmem>>
      %dma_wait3A_200 = tpu.memref_squeeze %dma_wait3A_199 : memref<1x128xi32, #tpu.memory_space<vmem>> -> memref<128xi32, #tpu.memory_space<vmem>>
      %dma_wait3A_201 = arith.constant 0 : i32
      %dma_wait3A_202 = arith.constant 0 : i32
      %dma_wait3A_203 = tpu.memref_slice %arg12[%dma_wait3A_201, %dma_wait3A_202] : memref<10112x128xf32, #tpu.memory_space<vmem_shared>> -> memref<10112x128xf32, #tpu.memory_space<vmem_shared>>
      tpu.wait_indirect_dma semaphore(%arg15 : memref<!tpu.dma_semaphore, #tpu.memory_space<semaphore_mem>>) src(%dma_wait3A_197 : memref<128x128xf32, #tpu.memory_space<vmem>>) dst(%dma_wait3A_203 : memref<10112x128xf32, #tpu.memory_space<vmem_shared>>)
      %dma_wait3A_204 = arith.constant 0 : i32
      %dma_wait3A_205 = arith.constant 6 : i32
      %dma_wait3A_206 = arith.constant 0 : i32
      %dma_wait3A_207 = arith.constant 0 : i32
      %dma_wait3A_208 = tpu.memref_slice %arg11[%dma_wait3A_204, %dma_wait3A_206, %dma_wait3A_207] : memref<2x128x128xf32, #tpu.memory_space<vmem>> -> memref<1x128x128xf32, #tpu.memory_space<vmem>>
      %dma_wait3A_209 = tpu.memref_squeeze %dma_wait3A_208 : memref<1x128x128xf32, #tpu.memory_space<vmem>> -> memref<128x128xf32, #tpu.memory_space<vmem>>
      %dma_wait3A_210 = arith.constant 0 : i32
      %dma_wait3A_211 = tpu.memref_slice %arg10[%dma_wait3A_205, %dma_wait3A_210] : memref<8x128xi32, #tpu.memory_space<vmem>> -> memref<1x128xi32, #tpu.memory_space<vmem>>
      %dma_wait3A_212 = tpu.memref_squeeze %dma_wait3A_211 : memref<1x128xi32, #tpu.memory_space<vmem>> -> memref<128xi32, #tpu.memory_space<vmem>>
      %dma_wait3A_213 = arith.constant 0 : i32
      %dma_wait3A_214 = arith.constant 0 : i32
      %dma_wait3A_215 = tpu.memref_slice %arg12[%dma_wait3A_213, %dma_wait3A_214] : memref<10112x128xf32, #tpu.memory_space<vmem_shared>> -> memref<10112x128xf32, #tpu.memory_space<vmem_shared>>
      tpu.wait_indirect_dma semaphore(%arg15 : memref<!tpu.dma_semaphore, #tpu.memory_space<semaphore_mem>>) src(%dma_wait3A_209 : memref<128x128xf32, #tpu.memory_space<vmem>>) dst(%dma_wait3A_215 : memref<10112x128xf32, #tpu.memory_space<vmem_shared>>)
      %dma_wait3A_216 = arith.constant 0 : i32
      %dma_wait3A_217 = arith.constant 7 : i32
      %dma_wait3A_218 = arith.constant 0 : i32
      %dma_wait3A_219 = arith.constant 0 : i32
      %dma_wait3A_220 = tpu.memref_slice %arg11[%dma_wait3A_216, %dma_wait3A_218, %dma_wait3A_219] : memref<2x128x128xf32, #tpu.memory_space<vmem>> -> memref<1x128x128xf32, #tpu.memory_space<vmem>>
      %dma_wait3A_221 = tpu.memref_squeeze %dma_wait3A_220 : memref<1x128x128xf32, #tpu.memory_space<vmem>> -> memref<128x128xf32, #tpu.memory_space<vmem>>
      %dma_wait3A_222 = arith.constant 0 : i32
      %dma_wait3A_223 = tpu.memref_slice %arg10[%dma_wait3A_217, %dma_wait3A_222] : memref<8x128xi32, #tpu.memory_space<vmem>> -> memref<1x128xi32, #tpu.memory_space<vmem>>
      %dma_wait3A_224 = tpu.memref_squeeze %dma_wait3A_223 : memref<1x128xi32, #tpu.memory_space<vmem>> -> memref<128xi32, #tpu.memory_space<vmem>>
      %dma_wait3A_225 = arith.constant 0 : i32
      %dma_wait3A_226 = arith.constant 0 : i32
      %dma_wait3A_227 = tpu.memref_slice %arg12[%dma_wait3A_225, %dma_wait3A_226] : memref<10112x128xf32, #tpu.memory_space<vmem_shared>> -> memref<10112x128xf32, #tpu.memory_space<vmem_shared>>
      tpu.wait_indirect_dma semaphore(%arg15 : memref<!tpu.dma_semaphore, #tpu.memory_space<semaphore_mem>>) src(%dma_wait3A_221 : memref<128x128xf32, #tpu.memory_space<vmem>>) dst(%dma_wait3A_227 : memref<10112x128xf32, #tpu.memory_space<vmem_shared>>)
    }
    %while3A_32 = arith.constant 1 : i32
    scf.for %while3A_34 = %while3A_30 to %while3A_26 step %while3A_32  : i32 {
      %mul3A_35 = arith.constant 8 : i32
      %mul3A_36 = arith.muli %while3A_34, %mul3A_35 : i32
      %add3A_37 = arith.addi %select_n3A, %mul3A_36 : i32
      "tpu.region"() ({
        %run_scoped3A_228 = tpu.sem_alloc : memref<!tpu.dma_semaphore, #tpu.memory_space<semaphore_mem>>
        %dma_start3A_229 = arith.constant 0 : i32
        %dma_start3A_230 = tpu.memref_slice %arg4[%add3A_37, %dma_start3A_229] : memref<2560x128xi32, #tpu.memory_space<hbm>> -> memref<8x128xi32, #tpu.memory_space<hbm>>
        %dma_start3A_231 = arith.constant 0 : i32
        %dma_start3A_232 = tpu.memref_slice %arg4[%add3A_37, %dma_start3A_231] : memref<2560x128xi32, #tpu.memory_space<hbm>> -> memref<8x128xi32, #tpu.memory_space<hbm>>
        tpu.enqueue_dma source(%dma_start3A_232 : memref<8x128xi32, #tpu.memory_space<hbm>>) target(%arg10 : memref<8x128xi32, #tpu.memory_space<vmem>>) target_semaphore(%run_scoped3A_228 : memref<!tpu.dma_semaphore, #tpu.memory_space<semaphore_mem>>)
        %dma_wait3A_233 = arith.constant 0 : i32
        %dma_wait3A_234 = tpu.memref_slice %arg4[%add3A_37, %dma_wait3A_233] : memref<2560x128xi32, #tpu.memory_space<hbm>> -> memref<8x128xi32, #tpu.memory_space<hbm>>
        %dma_wait3A_235 = arith.constant 0 : i32
        %dma_wait3A_236 = tpu.memref_slice %arg4[%add3A_37, %dma_wait3A_235] : memref<2560x128xi32, #tpu.memory_space<hbm>> -> memref<8x128xi32, #tpu.memory_space<hbm>>
        tpu.wait_dma2 semaphore(%run_scoped3A_228 : memref<!tpu.dma_semaphore, #tpu.memory_space<semaphore_mem>>) src(%dma_wait3A_236 : memref<8x128xi32, #tpu.memory_space<hbm>>) dst(%arg10 : memref<8x128xi32, #tpu.memory_space<vmem>>)
        tpu.yield
      }) : () -> ()
      %dma_start3A = arith.constant 0 : i32
      %dma_start3A_38 = arith.constant 0 : i32
      %dma_start3A_39 = arith.constant 0 : i32
      %dma_start3A_40 = arith.constant 0 : i32
      %dma_start3A_41 = tpu.memref_slice %arg11[%dma_start3A, %dma_start3A_39, %dma_start3A_40] : memref<2x128x128xf32, #tpu.memory_space<vmem>> -> memref<1x128x128xf32, #tpu.memory_space<vmem>>
      %dma_start3A_42 = tpu.memref_squeeze %dma_start3A_41 : memref<1x128x128xf32, #tpu.memory_space<vmem>> -> memref<128x128xf32, #tpu.memory_space<vmem>>
      %dma_start3A_43 = arith.constant 0 : i32
      %dma_start3A_44 = tpu.memref_slice %arg10[%dma_start3A_38, %dma_start3A_43] : memref<8x128xi32, #tpu.memory_space<vmem>> -> memref<1x128xi32, #tpu.memory_space<vmem>>
      %dma_start3A_45 = tpu.memref_squeeze %dma_start3A_44 : memref<1x128xi32, #tpu.memory_space<vmem>> -> memref<128xi32, #tpu.memory_space<vmem>>
      %dma_start3A_46 = arith.constant 0 : i32
      %dma_start3A_47 = arith.constant 0 : i32
      %dma_start3A_48 = tpu.memref_slice %arg12[%dma_start3A_46, %dma_start3A_47] : memref<10112x128xf32, #tpu.memory_space<vmem_shared>> -> memref<10112x128xf32, #tpu.memory_space<vmem_shared>>
      tpu.enqueue_indirect_dma source(%dma_start3A_42 : memref<128x128xf32, #tpu.memory_space<vmem>>) target(%dma_start3A_48 : memref<10112x128xf32, #tpu.memory_space<vmem_shared>>) offsets(%dma_start3A_45 : memref<128xi32, #tpu.memory_space<vmem>>) semaphore(%arg15 : memref<!tpu.dma_semaphore, #tpu.memory_space<semaphore_mem>>) {add = true}
      %dma_start3A_49 = arith.constant 0 : i32
      %dma_start3A_50 = arith.constant 1 : i32
      %dma_start3A_51 = arith.constant 0 : i32
      %dma_start3A_52 = arith.constant 0 : i32
      %dma_start3A_53 = tpu.memref_slice %arg11[%dma_start3A_49, %dma_start3A_51, %dma_start3A_52] : memref<2x128x128xf32, #tpu.memory_space<vmem>> -> memref<1x128x128xf32, #tpu.memory_space<vmem>>
      %dma_start3A_54 = tpu.memref_squeeze %dma_start3A_53 : memref<1x128x128xf32, #tpu.memory_space<vmem>> -> memref<128x128xf32, #tpu.memory_space<vmem>>
      %dma_start3A_55 = arith.constant 0 : i32
      %dma_start3A_56 = tpu.memref_slice %arg10[%dma_start3A_50, %dma_start3A_55] : memref<8x128xi32, #tpu.memory_space<vmem>> -> memref<1x128xi32, #tpu.memory_space<vmem>>
      %dma_start3A_57 = tpu.memref_squeeze %dma_start3A_56 : memref<1x128xi32, #tpu.memory_space<vmem>> -> memref<128xi32, #tpu.memory_space<vmem>>
      %dma_start3A_58 = arith.constant 0 : i32
      %dma_start3A_59 = arith.constant 0 : i32
      %dma_start3A_60 = tpu.memref_slice %arg12[%dma_start3A_58, %dma_start3A_59] : memref<10112x128xf32, #tpu.memory_space<vmem_shared>> -> memref<10112x128xf32, #tpu.memory_space<vmem_shared>>
      tpu.enqueue_indirect_dma source(%dma_start3A_54 : memref<128x128xf32, #tpu.memory_space<vmem>>) target(%dma_start3A_60 : memref<10112x128xf32, #tpu.memory_space<vmem_shared>>) offsets(%dma_start3A_57 : memref<128xi32, #tpu.memory_space<vmem>>) semaphore(%arg15 : memref<!tpu.dma_semaphore, #tpu.memory_space<semaphore_mem>>) {add = true}
      %dma_start3A_61 = arith.constant 0 : i32
      %dma_start3A_62 = arith.constant 2 : i32
      %dma_start3A_63 = arith.constant 0 : i32
      %dma_start3A_64 = arith.constant 0 : i32
      %dma_start3A_65 = tpu.memref_slice %arg11[%dma_start3A_61, %dma_start3A_63, %dma_start3A_64] : memref<2x128x128xf32, #tpu.memory_space<vmem>> -> memref<1x128x128xf32, #tpu.memory_space<vmem>>
      %dma_start3A_66 = tpu.memref_squeeze %dma_start3A_65 : memref<1x128x128xf32, #tpu.memory_space<vmem>> -> memref<128x128xf32, #tpu.memory_space<vmem>>
      %dma_start3A_67 = arith.constant 0 : i32
      %dma_start3A_68 = tpu.memref_slice %arg10[%dma_start3A_62, %dma_start3A_67] : memref<8x128xi32, #tpu.memory_space<vmem>> -> memref<1x128xi32, #tpu.memory_space<vmem>>
      %dma_start3A_69 = tpu.memref_squeeze %dma_start3A_68 : memref<1x128xi32, #tpu.memory_space<vmem>> -> memref<128xi32, #tpu.memory_space<vmem>>
      %dma_start3A_70 = arith.constant 0 : i32
      %dma_start3A_71 = arith.constant 0 : i32
      %dma_start3A_72 = tpu.memref_slice %arg12[%dma_start3A_70, %dma_start3A_71] : memref<10112x128xf32, #tpu.memory_space<vmem_shared>> -> memref<10112x128xf32, #tpu.memory_space<vmem_shared>>
      tpu.enqueue_indirect_dma source(%dma_start3A_66 : memref<128x128xf32, #tpu.memory_space<vmem>>) target(%dma_start3A_72 : memref<10112x128xf32, #tpu.memory_space<vmem_shared>>) offsets(%dma_start3A_69 : memref<128xi32, #tpu.memory_space<vmem>>) semaphore(%arg15 : memref<!tpu.dma_semaphore, #tpu.memory_space<semaphore_mem>>) {add = true}
      %dma_start3A_73 = arith.constant 0 : i32
      %dma_start3A_74 = arith.constant 3 : i32
      %dma_start3A_75 = arith.constant 0 : i32
      %dma_start3A_76 = arith.constant 0 : i32
      %dma_start3A_77 = tpu.memref_slice %arg11[%dma_start3A_73, %dma_start3A_75, %dma_start3A_76] : memref<2x128x128xf32, #tpu.memory_space<vmem>> -> memref<1x128x128xf32, #tpu.memory_space<vmem>>
      %dma_start3A_78 = tpu.memref_squeeze %dma_start3A_77 : memref<1x128x128xf32, #tpu.memory_space<vmem>> -> memref<128x128xf32, #tpu.memory_space<vmem>>
      %dma_start3A_79 = arith.constant 0 : i32
      %dma_start3A_80 = tpu.memref_slice %arg10[%dma_start3A_74, %dma_start3A_79] : memref<8x128xi32, #tpu.memory_space<vmem>> -> memref<1x128xi32, #tpu.memory_space<vmem>>
      %dma_start3A_81 = tpu.memref_squeeze %dma_start3A_80 : memref<1x128xi32, #tpu.memory_space<vmem>> -> memref<128xi32, #tpu.memory_space<vmem>>
      %dma_start3A_82 = arith.constant 0 : i32
      %dma_start3A_83 = arith.constant 0 : i32
      %dma_start3A_84 = tpu.memref_slice %arg12[%dma_start3A_82, %dma_start3A_83] : memref<10112x128xf32, #tpu.memory_space<vmem_shared>> -> memref<10112x128xf32, #tpu.memory_space<vmem_shared>>
      tpu.enqueue_indirect_dma source(%dma_start3A_78 : memref<128x128xf32, #tpu.memory_space<vmem>>) target(%dma_start3A_84 : memref<10112x128xf32, #tpu.memory_space<vmem_shared>>) offsets(%dma_start3A_81 : memref<128xi32, #tpu.memory_space<vmem>>) semaphore(%arg15 : memref<!tpu.dma_semaphore, #tpu.memory_space<semaphore_mem>>) {add = true}
      %dma_start3A_85 = arith.constant 0 : i32
      %dma_start3A_86 = arith.constant 4 : i32
      %dma_start3A_87 = arith.constant 0 : i32
      %dma_start3A_88 = arith.constant 0 : i32
      %dma_start3A_89 = tpu.memref_slice %arg11[%dma_start3A_85, %dma_start3A_87, %dma_start3A_88] : memref<2x128x128xf32, #tpu.memory_space<vmem>> -> memref<1x128x128xf32, #tpu.memory_space<vmem>>
      %dma_start3A_90 = tpu.memref_squeeze %dma_start3A_89 : memref<1x128x128xf32, #tpu.memory_space<vmem>> -> memref<128x128xf32, #tpu.memory_space<vmem>>
      %dma_start3A_91 = arith.constant 0 : i32
      %dma_start3A_92 = tpu.memref_slice %arg10[%dma_start3A_86, %dma_start3A_91] : memref<8x128xi32, #tpu.memory_space<vmem>> -> memref<1x128xi32, #tpu.memory_space<vmem>>
      %dma_start3A_93 = tpu.memref_squeeze %dma_start3A_92 : memref<1x128xi32, #tpu.memory_space<vmem>> -> memref<128xi32, #tpu.memory_space<vmem>>
      %dma_start3A_94 = arith.constant 0 : i32
      %dma_start3A_95 = arith.constant 0 : i32
      %dma_start3A_96 = tpu.memref_slice %arg12[%dma_start3A_94, %dma_start3A_95] : memref<10112x128xf32, #tpu.memory_space<vmem_shared>> -> memref<10112x128xf32, #tpu.memory_space<vmem_shared>>
      tpu.enqueue_indirect_dma source(%dma_start3A_90 : memref<128x128xf32, #tpu.memory_space<vmem>>) target(%dma_start3A_96 : memref<10112x128xf32, #tpu.memory_space<vmem_shared>>) offsets(%dma_start3A_93 : memref<128xi32, #tpu.memory_space<vmem>>) semaphore(%arg15 : memref<!tpu.dma_semaphore, #tpu.memory_space<semaphore_mem>>) {add = true}
      %dma_start3A_97 = arith.constant 0 : i32
      %dma_start3A_98 = arith.constant 5 : i32
      %dma_start3A_99 = arith.constant 0 : i32
      %dma_start3A_100 = arith.constant 0 : i32
      %dma_start3A_101 = tpu.memref_slice %arg11[%dma_start3A_97, %dma_start3A_99, %dma_start3A_100] : memref<2x128x128xf32, #tpu.memory_space<vmem>> -> memref<1x128x128xf32, #tpu.memory_space<vmem>>
      %dma_start3A_102 = tpu.memref_squeeze %dma_start3A_101 : memref<1x128x128xf32, #tpu.memory_space<vmem>> -> memref<128x128xf32, #tpu.memory_space<vmem>>
      %dma_start3A_103 = arith.constant 0 : i32
      %dma_start3A_104 = tpu.memref_slice %arg10[%dma_start3A_98, %dma_start3A_103] : memref<8x128xi32, #tpu.memory_space<vmem>> -> memref<1x128xi32, #tpu.memory_space<vmem>>
      %dma_start3A_105 = tpu.memref_squeeze %dma_start3A_104 : memref<1x128xi32, #tpu.memory_space<vmem>> -> memref<128xi32, #tpu.memory_space<vmem>>
      %dma_start3A_106 = arith.constant 0 : i32
      %dma_start3A_107 = arith.constant 0 : i32
      %dma_start3A_108 = tpu.memref_slice %arg12[%dma_start3A_106, %dma_start3A_107] : memref<10112x128xf32, #tpu.memory_space<vmem_shared>> -> memref<10112x128xf32, #tpu.memory_space<vmem_shared>>
      tpu.enqueue_indirect_dma source(%dma_start3A_102 : memref<128x128xf32, #tpu.memory_space<vmem>>) target(%dma_start3A_108 : memref<10112x128xf32, #tpu.memory_space<vmem_shared>>) offsets(%dma_start3A_105 : memref<128xi32, #tpu.memory_space<vmem>>) semaphore(%arg15 : memref<!tpu.dma_semaphore, #tpu.memory_space<semaphore_mem>>) {add = true}
      %dma_start3A_109 = arith.constant 0 : i32
      %dma_start3A_110 = arith.constant 6 : i32
      %dma_start3A_111 = arith.constant 0 : i32
      %dma_start3A_112 = arith.constant 0 : i32
      %dma_start3A_113 = tpu.memref_slice %arg11[%dma_start3A_109, %dma_start3A_111, %dma_start3A_112] : memref<2x128x128xf32, #tpu.memory_space<vmem>> -> memref<1x128x128xf32, #tpu.memory_space<vmem>>
      %dma_start3A_114 = tpu.memref_squeeze %dma_start3A_113 : memref<1x128x128xf32, #tpu.memory_space<vmem>> -> memref<128x128xf32, #tpu.memory_space<vmem>>
      %dma_start3A_115 = arith.constant 0 : i32
      %dma_start3A_116 = tpu.memref_slice %arg10[%dma_start3A_110, %dma_start3A_115] : memref<8x128xi32, #tpu.memory_space<vmem>> -> memref<1x128xi32, #tpu.memory_space<vmem>>
      %dma_start3A_117 = tpu.memref_squeeze %dma_start3A_116 : memref<1x128xi32, #tpu.memory_space<vmem>> -> memref<128xi32, #tpu.memory_space<vmem>>
      %dma_start3A_118 = arith.constant 0 : i32
      %dma_start3A_119 = arith.constant 0 : i32
      %dma_start3A_120 = tpu.memref_slice %arg12[%dma_start3A_118, %dma_start3A_119] : memref<10112x128xf32, #tpu.memory_space<vmem_shared>> -> memref<10112x128xf32, #tpu.memory_space<vmem_shared>>
      tpu.enqueue_indirect_dma source(%dma_start3A_114 : memref<128x128xf32, #tpu.memory_space<vmem>>) target(%dma_start3A_120 : memref<10112x128xf32, #tpu.memory_space<vmem_shared>>) offsets(%dma_start3A_117 : memref<128xi32, #tpu.memory_space<vmem>>) semaphore(%arg15 : memref<!tpu.dma_semaphore, #tpu.memory_space<semaphore_mem>>) {add = true}
      %dma_start3A_121 = arith.constant 0 : i32
      %dma_start3A_122 = arith.constant 7 : i32
      %dma_start3A_123 = arith.constant 0 : i32
      %dma_start3A_124 = arith.constant 0 : i32
      %dma_start3A_125 = tpu.memref_slice %arg11[%dma_start3A_121, %dma_start3A_123, %dma_start3A_124] : memref<2x128x128xf32, #tpu.memory_space<vmem>> -> memref<1x128x128xf32, #tpu.memory_space<vmem>>
      %dma_start3A_126 = tpu.memref_squeeze %dma_start3A_125 : memref<1x128x128xf32, #tpu.memory_space<vmem>> -> memref<128x128xf32, #tpu.memory_space<vmem>>
      %dma_start3A_127 = arith.constant 0 : i32
      %dma_start3A_128 = tpu.memref_slice %arg10[%dma_start3A_122, %dma_start3A_127] : memref<8x128xi32, #tpu.memory_space<vmem>> -> memref<1x128xi32, #tpu.memory_space<vmem>>
      %dma_start3A_129 = tpu.memref_squeeze %dma_start3A_128 : memref<1x128xi32, #tpu.memory_space<vmem>> -> memref<128xi32, #tpu.memory_space<vmem>>
      %dma_start3A_130 = arith.constant 0 : i32
      %dma_start3A_131 = arith.constant 0 : i32
      %dma_start3A_132 = tpu.memref_slice %arg12[%dma_start3A_130, %dma_start3A_131] : memref<10112x128xf32, #tpu.memory_space<vmem_shared>> -> memref<10112x128xf32, #tpu.memory_space<vmem_shared>>
      tpu.enqueue_indirect_dma source(%dma_start3A_126 : memref<128x128xf32, #tpu.memory_space<vmem>>) target(%dma_start3A_132 : memref<10112x128xf32, #tpu.memory_space<vmem_shared>>) offsets(%dma_start3A_129 : memref<128xi32, #tpu.memory_space<vmem>>) semaphore(%arg15 : memref<!tpu.dma_semaphore, #tpu.memory_space<semaphore_mem>>) {add = true}
      %dma_wait3A = arith.constant 0 : i32
      %dma_wait3A_133 = arith.constant 0 : i32
      %dma_wait3A_134 = arith.constant 0 : i32
      %dma_wait3A_135 = arith.constant 0 : i32
      %dma_wait3A_136 = tpu.memref_slice %arg11[%dma_wait3A, %dma_wait3A_134, %dma_wait3A_135] : memref<2x128x128xf32, #tpu.memory_space<vmem>> -> memref<1x128x128xf32, #tpu.memory_space<vmem>>
      %dma_wait3A_137 = tpu.memref_squeeze %dma_wait3A_136 : memref<1x128x128xf32, #tpu.memory_space<vmem>> -> memref<128x128xf32, #tpu.memory_space<vmem>>
      %dma_wait3A_138 = arith.constant 0 : i32
      %dma_wait3A_139 = tpu.memref_slice %arg10[%dma_wait3A_133, %dma_wait3A_138] : memref<8x128xi32, #tpu.memory_space<vmem>> -> memref<1x128xi32, #tpu.memory_space<vmem>>
      %dma_wait3A_140 = tpu.memref_squeeze %dma_wait3A_139 : memref<1x128xi32, #tpu.memory_space<vmem>> -> memref<128xi32, #tpu.memory_space<vmem>>
      %dma_wait3A_141 = arith.constant 0 : i32
      %dma_wait3A_142 = arith.constant 0 : i32
      %dma_wait3A_143 = tpu.memref_slice %arg12[%dma_wait3A_141, %dma_wait3A_142] : memref<10112x128xf32, #tpu.memory_space<vmem_shared>> -> memref<10112x128xf32, #tpu.memory_space<vmem_shared>>
      tpu.wait_indirect_dma semaphore(%arg15 : memref<!tpu.dma_semaphore, #tpu.memory_space<semaphore_mem>>) src(%dma_wait3A_137 : memref<128x128xf32, #tpu.memory_space<vmem>>) dst(%dma_wait3A_143 : memref<10112x128xf32, #tpu.memory_space<vmem_shared>>)
      %dma_wait3A_144 = arith.constant 0 : i32
      %dma_wait3A_145 = arith.constant 1 : i32
      %dma_wait3A_146 = arith.constant 0 : i32
      %dma_wait3A_147 = arith.constant 0 : i32
      %dma_wait3A_148 = tpu.memref_slice %arg11[%dma_wait3A_144, %dma_wait3A_146, %dma_wait3A_147] : memref<2x128x128xf32, #tpu.memory_space<vmem>> -> memref<1x128x128xf32, #tpu.memory_space<vmem>>
      %dma_wait3A_149 = tpu.memref_squeeze %dma_wait3A_148 : memref<1x128x128xf32, #tpu.memory_space<vmem>> -> memref<128x128xf32, #tpu.memory_space<vmem>>
      %dma_wait3A_150 = arith.constant 0 : i32
      %dma_wait3A_151 = tpu.memref_slice %arg10[%dma_wait3A_145, %dma_wait3A_150] : memref<8x128xi32, #tpu.memory_space<vmem>> -> memref<1x128xi32, #tpu.memory_space<vmem>>
      %dma_wait3A_152 = tpu.memref_squeeze %dma_wait3A_151 : memref<1x128xi32, #tpu.memory_space<vmem>> -> memref<128xi32, #tpu.memory_space<vmem>>
      %dma_wait3A_153 = arith.constant 0 : i32
      %dma_wait3A_154 = arith.constant 0 : i32
      %dma_wait3A_155 = tpu.memref_slice %arg12[%dma_wait3A_153, %dma_wait3A_154] : memref<10112x128xf32, #tpu.memory_space<vmem_shared>> -> memref<10112x128xf32, #tpu.memory_space<vmem_shared>>
      tpu.wait_indirect_dma semaphore(%arg15 : memref<!tpu.dma_semaphore, #tpu.memory_space<semaphore_mem>>) src(%dma_wait3A_149 : memref<128x128xf32, #tpu.memory_space<vmem>>) dst(%dma_wait3A_155 : memref<10112x128xf32, #tpu.memory_space<vmem_shared>>)
      %dma_wait3A_156 = arith.constant 0 : i32
      %dma_wait3A_157 = arith.constant 2 : i32
      %dma_wait3A_158 = arith.constant 0 : i32
      %dma_wait3A_159 = arith.constant 0 : i32
      %dma_wait3A_160 = tpu.memref_slice %arg11[%dma_wait3A_156, %dma_wait3A_158, %dma_wait3A_159] : memref<2x128x128xf32, #tpu.memory_space<vmem>> -> memref<1x128x128xf32, #tpu.memory_space<vmem>>
      %dma_wait3A_161 = tpu.memref_squeeze %dma_wait3A_160 : memref<1x128x128xf32, #tpu.memory_space<vmem>> -> memref<128x128xf32, #tpu.memory_space<vmem>>
      %dma_wait3A_162 = arith.constant 0 : i32
      %dma_wait3A_163 = tpu.memref_slice %arg10[%dma_wait3A_157, %dma_wait3A_162] : memref<8x128xi32, #tpu.memory_space<vmem>> -> memref<1x128xi32, #tpu.memory_space<vmem>>
      %dma_wait3A_164 = tpu.memref_squeeze %dma_wait3A_163 : memref<1x128xi32, #tpu.memory_space<vmem>> -> memref<128xi32, #tpu.memory_space<vmem>>
      %dma_wait3A_165 = arith.constant 0 : i32
      %dma_wait3A_166 = arith.constant 0 : i32
      %dma_wait3A_167 = tpu.memref_slice %arg12[%dma_wait3A_165, %dma_wait3A_166] : memref<10112x128xf32, #tpu.memory_space<vmem_shared>> -> memref<10112x128xf32, #tpu.memory_space<vmem_shared>>
      tpu.wait_indirect_dma semaphore(%arg15 : memref<!tpu.dma_semaphore, #tpu.memory_space<semaphore_mem>>) src(%dma_wait3A_161 : memref<128x128xf32, #tpu.memory_space<vmem>>) dst(%dma_wait3A_167 : memref<10112x128xf32, #tpu.memory_space<vmem_shared>>)
      %dma_wait3A_168 = arith.constant 0 : i32
      %dma_wait3A_169 = arith.constant 3 : i32
      %dma_wait3A_170 = arith.constant 0 : i32
      %dma_wait3A_171 = arith.constant 0 : i32
      %dma_wait3A_172 = tpu.memref_slice %arg11[%dma_wait3A_168, %dma_wait3A_170, %dma_wait3A_171] : memref<2x128x128xf32, #tpu.memory_space<vmem>> -> memref<1x128x128xf32, #tpu.memory_space<vmem>>
      %dma_wait3A_173 = tpu.memref_squeeze %dma_wait3A_172 : memref<1x128x128xf32, #tpu.memory_space<vmem>> -> memref<128x128xf32, #tpu.memory_space<vmem>>
      %dma_wait3A_174 = arith.constant 0 : i32
      %dma_wait3A_175 = tpu.memref_slice %arg10[%dma_wait3A_169, %dma_wait3A_174] : memref<8x128xi32, #tpu.memory_space<vmem>> -> memref<1x128xi32, #tpu.memory_space<vmem>>
      %dma_wait3A_176 = tpu.memref_squeeze %dma_wait3A_175 : memref<1x128xi32, #tpu.memory_space<vmem>> -> memref<128xi32, #tpu.memory_space<vmem>>
      %dma_wait3A_177 = arith.constant 0 : i32
      %dma_wait3A_178 = arith.constant 0 : i32
      %dma_wait3A_179 = tpu.memref_slice %arg12[%dma_wait3A_177, %dma_wait3A_178] : memref<10112x128xf32, #tpu.memory_space<vmem_shared>> -> memref<10112x128xf32, #tpu.memory_space<vmem_shared>>
      tpu.wait_indirect_dma semaphore(%arg15 : memref<!tpu.dma_semaphore, #tpu.memory_space<semaphore_mem>>) src(%dma_wait3A_173 : memref<128x128xf32, #tpu.memory_space<vmem>>) dst(%dma_wait3A_179 : memref<10112x128xf32, #tpu.memory_space<vmem_shared>>)
      %dma_wait3A_180 = arith.constant 0 : i32
      %dma_wait3A_181 = arith.constant 4 : i32
      %dma_wait3A_182 = arith.constant 0 : i32
      %dma_wait3A_183 = arith.constant 0 : i32
      %dma_wait3A_184 = tpu.memref_slice %arg11[%dma_wait3A_180, %dma_wait3A_182, %dma_wait3A_183] : memref<2x128x128xf32, #tpu.memory_space<vmem>> -> memref<1x128x128xf32, #tpu.memory_space<vmem>>
      %dma_wait3A_185 = tpu.memref_squeeze %dma_wait3A_184 : memref<1x128x128xf32, #tpu.memory_space<vmem>> -> memref<128x128xf32, #tpu.memory_space<vmem>>
      %dma_wait3A_186 = arith.constant 0 : i32
      %dma_wait3A_187 = tpu.memref_slice %arg10[%dma_wait3A_181, %dma_wait3A_186] : memref<8x128xi32, #tpu.memory_space<vmem>> -> memref<1x128xi32, #tpu.memory_space<vmem>>
      %dma_wait3A_188 = tpu.memref_squeeze %dma_wait3A_187 : memref<1x128xi32, #tpu.memory_space<vmem>> -> memref<128xi32, #tpu.memory_space<vmem>>
      %dma_wait3A_189 = arith.constant 0 : i32
      %dma_wait3A_190 = arith.constant 0 : i32
      %dma_wait3A_191 = tpu.memref_slice %arg12[%dma_wait3A_189, %dma_wait3A_190] : memref<10112x128xf32, #tpu.memory_space<vmem_shared>> -> memref<10112x128xf32, #tpu.memory_space<vmem_shared>>
      tpu.wait_indirect_dma semaphore(%arg15 : memref<!tpu.dma_semaphore, #tpu.memory_space<semaphore_mem>>) src(%dma_wait3A_185 : memref<128x128xf32, #tpu.memory_space<vmem>>) dst(%dma_wait3A_191 : memref<10112x128xf32, #tpu.memory_space<vmem_shared>>)
      %dma_wait3A_192 = arith.constant 0 : i32
      %dma_wait3A_193 = arith.constant 5 : i32
      %dma_wait3A_194 = arith.constant 0 : i32
      %dma_wait3A_195 = arith.constant 0 : i32
      %dma_wait3A_196 = tpu.memref_slice %arg11[%dma_wait3A_192, %dma_wait3A_194, %dma_wait3A_195] : memref<2x128x128xf32, #tpu.memory_space<vmem>> -> memref<1x128x128xf32, #tpu.memory_space<vmem>>
      %dma_wait3A_197 = tpu.memref_squeeze %dma_wait3A_196 : memref<1x128x128xf32, #tpu.memory_space<vmem>> -> memref<128x128xf32, #tpu.memory_space<vmem>>
      %dma_wait3A_198 = arith.constant 0 : i32
      %dma_wait3A_199 = tpu.memref_slice %arg10[%dma_wait3A_193, %dma_wait3A_198] : memref<8x128xi32, #tpu.memory_space<vmem>> -> memref<1x128xi32, #tpu.memory_space<vmem>>
      %dma_wait3A_200 = tpu.memref_squeeze %dma_wait3A_199 : memref<1x128xi32, #tpu.memory_space<vmem>> -> memref<128xi32, #tpu.memory_space<vmem>>
      %dma_wait3A_201 = arith.constant 0 : i32
      %dma_wait3A_202 = arith.constant 0 : i32
      %dma_wait3A_203 = tpu.memref_slice %arg12[%dma_wait3A_201, %dma_wait3A_202] : memref<10112x128xf32, #tpu.memory_space<vmem_shared>> -> memref<10112x128xf32, #tpu.memory_space<vmem_shared>>
      tpu.wait_indirect_dma semaphore(%arg15 : memref<!tpu.dma_semaphore, #tpu.memory_space<semaphore_mem>>) src(%dma_wait3A_197 : memref<128x128xf32, #tpu.memory_space<vmem>>) dst(%dma_wait3A_203 : memref<10112x128xf32, #tpu.memory_space<vmem_shared>>)
      %dma_wait3A_204 = arith.constant 0 : i32
      %dma_wait3A_205 = arith.constant 6 : i32
      %dma_wait3A_206 = arith.constant 0 : i32
      %dma_wait3A_207 = arith.constant 0 : i32
      %dma_wait3A_208 = tpu.memref_slice %arg11[%dma_wait3A_204, %dma_wait3A_206, %dma_wait3A_207] : memref<2x128x128xf32, #tpu.memory_space<vmem>> -> memref<1x128x128xf32, #tpu.memory_space<vmem>>
      %dma_wait3A_209 = tpu.memref_squeeze %dma_wait3A_208 : memref<1x128x128xf32, #tpu.memory_space<vmem>> -> memref<128x128xf32, #tpu.memory_space<vmem>>
      %dma_wait3A_210 = arith.constant 0 : i32
      %dma_wait3A_211 = tpu.memref_slice %arg10[%dma_wait3A_205, %dma_wait3A_210] : memref<8x128xi32, #tpu.memory_space<vmem>> -> memref<1x128xi32, #tpu.memory_space<vmem>>
      %dma_wait3A_212 = tpu.memref_squeeze %dma_wait3A_211 : memref<1x128xi32, #tpu.memory_space<vmem>> -> memref<128xi32, #tpu.memory_space<vmem>>
      %dma_wait3A_213 = arith.constant 0 : i32
      %dma_wait3A_214 = arith.constant 0 : i32
      %dma_wait3A_215 = tpu.memref_slice %arg12[%dma_wait3A_213, %dma_wait3A_214] : memref<10112x128xf32, #tpu.memory_space<vmem_shared>> -> memref<10112x128xf32, #tpu.memory_space<vmem_shared>>
      tpu.wait_indirect_dma semaphore(%arg15 : memref<!tpu.dma_semaphore, #tpu.memory_space<semaphore_mem>>) src(%dma_wait3A_209 : memref<128x128xf32, #tpu.memory_space<vmem>>) dst(%dma_wait3A_215 : memref<10112x128xf32, #tpu.memory_space<vmem_shared>>)
      %dma_wait3A_216 = arith.constant 0 : i32
      %dma_wait3A_217 = arith.constant 7 : i32
      %dma_wait3A_218 = arith.constant 0 : i32
      %dma_wait3A_219 = arith.constant 0 : i32
      %dma_wait3A_220 = tpu.memref_slice %arg11[%dma_wait3A_216, %dma_wait3A_218, %dma_wait3A_219] : memref<2x128x128xf32, #tpu.memory_space<vmem>> -> memref<1x128x128xf32, #tpu.memory_space<vmem>>
      %dma_wait3A_221 = tpu.memref_squeeze %dma_wait3A_220 : memref<1x128x128xf32, #tpu.memory_space<vmem>> -> memref<128x128xf32, #tpu.memory_space<vmem>>
      %dma_wait3A_222 = arith.constant 0 : i32
      %dma_wait3A_223 = tpu.memref_slice %arg10[%dma_wait3A_217, %dma_wait3A_222] : memref<8x128xi32, #tpu.memory_space<vmem>> -> memref<1x128xi32, #tpu.memory_space<vmem>>
      %dma_wait3A_224 = tpu.memref_squeeze %dma_wait3A_223 : memref<1x128xi32, #tpu.memory_space<vmem>> -> memref<128xi32, #tpu.memory_space<vmem>>
      %dma_wait3A_225 = arith.constant 0 : i32
      %dma_wait3A_226 = arith.constant 0 : i32
      %dma_wait3A_227 = tpu.memref_slice %arg12[%dma_wait3A_225, %dma_wait3A_226] : memref<10112x128xf32, #tpu.memory_space<vmem_shared>> -> memref<10112x128xf32, #tpu.memory_space<vmem_shared>>
      tpu.wait_indirect_dma semaphore(%arg15 : memref<!tpu.dma_semaphore, #tpu.memory_space<semaphore_mem>>) src(%dma_wait3A_221 : memref<128x128xf32, #tpu.memory_space<vmem>>) dst(%dma_wait3A_227 : memref<10112x128xf32, #tpu.memory_space<vmem_shared>>)
    }
    %barrier3A_33 = arith.constant 0 : index
    tpu.barrier barrier_id(%barrier3A_33)
    "tpu.region"() ({
      %run_scoped3A_34 = tpu.sem_alloc : memref<!tpu.dma_semaphore, #tpu.memory_space<semaphore_mem>>
      %dma_start3A = arith.constant 0 : i32
      %dma_start3A_35 = tpu.memref_slice %arg8[%arg0, %mul3A_10, %dma_start3A] : memref<2x10112x128xf32, #tpu.memory_space<hbm>> -> memref<1x632x128xf32, #tpu.memory_space<hbm>>
      %dma_start3A_36 = tpu.memref_squeeze %dma_start3A_35 : memref<1x632x128xf32, #tpu.memory_space<hbm>> -> memref<632x128xf32, #tpu.memory_space<hbm>>
      %dma_start3A_37 = arith.constant 0 : i32
      %dma_start3A_38 = tpu.memref_slice %arg12[%mul3A_10, %dma_start3A_37] : memref<10112x128xf32, #tpu.memory_space<vmem_shared>> -> memref<632x128xf32, #tpu.memory_space<vmem_shared>>
      tpu.enqueue_dma source(%dma_start3A_38 : memref<632x128xf32, #tpu.memory_space<vmem_shared>>) target(%dma_start3A_36 : memref<632x128xf32, #tpu.memory_space<hbm>>) target_semaphore(%run_scoped3A_34 : memref<!tpu.dma_semaphore, #tpu.memory_space<semaphore_mem>>)
      %dma_wait3A = arith.constant 0 : i32
      %dma_wait3A_39 = tpu.memref_slice %arg8[%arg0, %mul3A_10, %dma_wait3A] : memref<2x10112x128xf32, #tpu.memory_space<hbm>> -> memref<1x632x128xf32, #tpu.memory_space<hbm>>
      %dma_wait3A_40 = tpu.memref_squeeze %dma_wait3A_39 : memref<1x632x128xf32, #tpu.memory_space<hbm>> -> memref<632x128xf32, #tpu.memory_space<hbm>>
      %dma_wait3A_41 = arith.constant 0 : i32
      %dma_wait3A_42 = tpu.memref_slice %arg12[%mul3A_10, %dma_wait3A_41] : memref<10112x128xf32, #tpu.memory_space<vmem_shared>> -> memref<632x128xf32, #tpu.memory_space<vmem_shared>>
      tpu.wait_dma2 semaphore(%run_scoped3A_34 : memref<!tpu.dma_semaphore, #tpu.memory_space<semaphore_mem>>) src(%dma_wait3A_42 : memref<632x128xf32, #tpu.memory_space<vmem_shared>>) dst(%dma_wait3A_40 : memref<632x128xf32, #tpu.memory_space<hbm>>)
      tpu.yield
    }) : () -> ()
    return
  }
}

#map = affine_map<(d0, d1) -> (0, 0)>
#map1 = affine_map<(d0, d1) -> (0, 0, 0)>
module attributes {stable_mosaic.version = 14 : i64} {
  func.func @body_nodeg(%arg0: i32, %arg1: i32, %arg2: memref<10000x128xf32, #tpu.memory_space<hbm>>, %arg3: memref<2560x128xi32, #tpu.memory_space<hbm>>, %arg4: memref<2560x128xi32, #tpu.memory_space<hbm>>, %arg5: memref<10112x128xf32, #tpu.memory_space<hbm>>, %arg6: memref<2x10112x128xf32, #tpu.memory_space<hbm>>, %arg7: memref<8x128xi32, #tpu.memory_space<vmem>>, %arg8: memref<8x128xi32, #tpu.memory_space<vmem>>, %arg9: memref<2x128x128xf32, #tpu.memory_space<vmem>>, %arg10: memref<10112x128xf32, #tpu.memory_space<vmem_shared>>, %arg11: memref<!tpu.dma_semaphore, #tpu.memory_space<semaphore_mem>>, %arg12: memref<!tpu.dma_semaphore, #tpu.memory_space<semaphore_mem>>) attributes {dimension_semantics = [#tpu.dimension_semantics<core_parallel>, #tpu.dimension_semantics<subcore_parallel>], iteration_bounds = array<i64: 2, 16>, scalar_prefetch = 0 : i64, scratch_operands = 6 : i64, tpu.core_type = #tpu.core_type<sc_vector_subcore>, window_params = [{transform_indices = #map}, {transform_indices = #map}, {transform_indices = #map}, {transform_indices = #map}, {transform_indices = #map1}]} {
    %eq3A = arith.constant 0 : i32
    %eq3A_0 = arith.cmpi eq, %arg0, %eq3A : i32
    %mul3A = arith.constant 120 : i32
    %mul3A_1 = arith.muli %arg1, %mul3A : i32
    %mul3A_2 = arith.constant 40 : i32
    %mul3A_3 = arith.muli %arg1, %mul3A_2 : i32
    %add3A = arith.constant 1920 : i32
    %add3A_4 = arith.addi %add3A, %mul3A_3 : i32
    %select_n3A = arith.select %eq3A_0, %mul3A_1, %add3A_4 : i32
    %eq3A_5 = arith.constant 0 : i32
    %eq3A_6 = arith.cmpi eq, %arg0, %eq3A_5 : i32
    %jit3A = arith.constant 15 : i32
    %jit3A_7 = arith.constant 5 : i32
    %select_n3A_8 = arith.select %eq3A_6, %jit3A, %jit3A_7 : i32
    %mul3A_9 = arith.constant 632 : i32
    %mul3A_10 = arith.muli %arg1, %mul3A_9 : i32
    "tpu.region"() ({
      %run_scoped3A = tpu.sem_alloc : memref<!tpu.dma_semaphore, #tpu.memory_space<semaphore_mem>>
      %dma_start3A = arith.constant 0 : i32
      %dma_start3A_21 = tpu.memref_slice %arg10[%mul3A_10, %dma_start3A] : memref<10112x128xf32, #tpu.memory_space<vmem_shared>> -> memref<632x128xf32, #tpu.memory_space<vmem_shared>>
      %dma_start3A_22 = arith.constant 0 : i32
      %dma_start3A_23 = tpu.memref_slice %arg5[%mul3A_10, %dma_start3A_22] : memref<10112x128xf32, #tpu.memory_space<hbm>> -> memref<632x128xf32, #tpu.memory_space<hbm>>
      tpu.enqueue_dma source(%dma_start3A_23 : memref<632x128xf32, #tpu.memory_space<hbm>>) target(%dma_start3A_21 : memref<632x128xf32, #tpu.memory_space<vmem_shared>>) target_semaphore(%run_scoped3A : memref<!tpu.dma_semaphore, #tpu.memory_space<semaphore_mem>>)
      %dma_wait3A = arith.constant 0 : i32
      %dma_wait3A_24 = tpu.memref_slice %arg10[%mul3A_10, %dma_wait3A] : memref<10112x128xf32, #tpu.memory_space<vmem_shared>> -> memref<632x128xf32, #tpu.memory_space<vmem_shared>>
      %dma_wait3A_25 = arith.constant 0 : i32
      %dma_wait3A_26 = tpu.memref_slice %arg5[%mul3A_10, %dma_wait3A_25] : memref<10112x128xf32, #tpu.memory_space<hbm>> -> memref<632x128xf32, #tpu.memory_space<hbm>>
      tpu.wait_dma2 semaphore(%run_scoped3A : memref<!tpu.dma_semaphore, #tpu.memory_space<semaphore_mem>>) src(%dma_wait3A_26 : memref<632x128xf32, #tpu.memory_space<hbm>>) dst(%dma_wait3A_24 : memref<632x128xf32, #tpu.memory_space<vmem_shared>>)
      tpu.yield
    }) : () -> ()
    %barrier3A = arith.constant 0 : index
    tpu.barrier barrier_id(%barrier3A)
    %while3A = arith.constant 0 : i32
    %while3A_11 = arith.constant 0 : i32
    %while3A_12 = arith.subi %select_n3A_8, %while3A_11 : i32
    %while3A_13 = arith.addi %while3A_11, %while3A_12 : i32
    %while3A_14 = arith.constant 1 : i32
    %while3A_15 = arith.divsi %while3A_12, %while3A_14 : i32
    %while3A_16 = arith.muli %while3A_15, %while3A_14 : i32
    %while3A_17 = arith.addi %while3A_11, %while3A_16 : i32
    %while3A_18 = arith.constant 1 : i32
    scf.for %while3A_21 = %while3A_11 to %while3A_17 step %while3A_18  : i32 {
      %mul3A_22 = arith.constant 8 : i32
      %mul3A_23 = arith.muli %while3A_21, %mul3A_22 : i32
      %add3A_24 = arith.addi %select_n3A, %mul3A_23 : i32
      "tpu.region"() ({
        %run_scoped3A_233 = tpu.sem_alloc : memref<!tpu.dma_semaphore, #tpu.memory_space<semaphore_mem>>
        %dma_start3A_234 = arith.constant 0 : i32
        %dma_start3A_235 = tpu.memref_slice %arg3[%add3A_24, %dma_start3A_234] : memref<2560x128xi32, #tpu.memory_space<hbm>> -> memref<8x128xi32, #tpu.memory_space<hbm>>
        %dma_start3A_236 = arith.constant 0 : i32
        %dma_start3A_237 = tpu.memref_slice %arg3[%add3A_24, %dma_start3A_236] : memref<2560x128xi32, #tpu.memory_space<hbm>> -> memref<8x128xi32, #tpu.memory_space<hbm>>
        tpu.enqueue_dma source(%dma_start3A_237 : memref<8x128xi32, #tpu.memory_space<hbm>>) target(%arg7 : memref<8x128xi32, #tpu.memory_space<vmem>>) target_semaphore(%run_scoped3A_233 : memref<!tpu.dma_semaphore, #tpu.memory_space<semaphore_mem>>)
        %dma_wait3A_238 = arith.constant 0 : i32
        %dma_wait3A_239 = tpu.memref_slice %arg3[%add3A_24, %dma_wait3A_238] : memref<2560x128xi32, #tpu.memory_space<hbm>> -> memref<8x128xi32, #tpu.memory_space<hbm>>
        %dma_wait3A_240 = arith.constant 0 : i32
        %dma_wait3A_241 = tpu.memref_slice %arg3[%add3A_24, %dma_wait3A_240] : memref<2560x128xi32, #tpu.memory_space<hbm>> -> memref<8x128xi32, #tpu.memory_space<hbm>>
        tpu.wait_dma2 semaphore(%run_scoped3A_233 : memref<!tpu.dma_semaphore, #tpu.memory_space<semaphore_mem>>) src(%dma_wait3A_241 : memref<8x128xi32, #tpu.memory_space<hbm>>) dst(%arg7 : memref<8x128xi32, #tpu.memory_space<vmem>>)
        tpu.yield
      }) : () -> ()
      %mul3A_25 = arith.constant 8 : i32
      %mul3A_26 = arith.muli %while3A_21, %mul3A_25 : i32
      %add3A_27 = arith.addi %select_n3A, %mul3A_26 : i32
      "tpu.region"() ({
        %run_scoped3A_233 = tpu.sem_alloc : memref<!tpu.dma_semaphore, #tpu.memory_space<semaphore_mem>>
        %dma_start3A_234 = arith.constant 0 : i32
        %dma_start3A_235 = tpu.memref_slice %arg4[%add3A_27, %dma_start3A_234] : memref<2560x128xi32, #tpu.memory_space<hbm>> -> memref<8x128xi32, #tpu.memory_space<hbm>>
        %dma_start3A_236 = arith.constant 0 : i32
        %dma_start3A_237 = tpu.memref_slice %arg4[%add3A_27, %dma_start3A_236] : memref<2560x128xi32, #tpu.memory_space<hbm>> -> memref<8x128xi32, #tpu.memory_space<hbm>>
        tpu.enqueue_dma source(%dma_start3A_237 : memref<8x128xi32, #tpu.memory_space<hbm>>) target(%arg8 : memref<8x128xi32, #tpu.memory_space<vmem>>) target_semaphore(%run_scoped3A_233 : memref<!tpu.dma_semaphore, #tpu.memory_space<semaphore_mem>>)
        %dma_wait3A_238 = arith.constant 0 : i32
        %dma_wait3A_239 = tpu.memref_slice %arg4[%add3A_27, %dma_wait3A_238] : memref<2560x128xi32, #tpu.memory_space<hbm>> -> memref<8x128xi32, #tpu.memory_space<hbm>>
        %dma_wait3A_240 = arith.constant 0 : i32
        %dma_wait3A_241 = tpu.memref_slice %arg4[%add3A_27, %dma_wait3A_240] : memref<2560x128xi32, #tpu.memory_space<hbm>> -> memref<8x128xi32, #tpu.memory_space<hbm>>
        tpu.wait_dma2 semaphore(%run_scoped3A_233 : memref<!tpu.dma_semaphore, #tpu.memory_space<semaphore_mem>>) src(%dma_wait3A_241 : memref<8x128xi32, #tpu.memory_space<hbm>>) dst(%arg8 : memref<8x128xi32, #tpu.memory_space<vmem>>)
        tpu.yield
      }) : () -> ()
      %dma_start3A = arith.constant 0 : i32
      %dma_start3A_28 = arith.constant 0 : i32
      %dma_start3A_29 = arith.constant 0 : i32
      %dma_start3A_30 = arith.constant 0 : i32
      %dma_start3A_31 = tpu.memref_slice %arg9[%dma_start3A_28, %dma_start3A_29, %dma_start3A_30] : memref<2x128x128xf32, #tpu.memory_space<vmem>> -> memref<1x128x128xf32, #tpu.memory_space<vmem>>
      %dma_start3A_32 = tpu.memref_squeeze %dma_start3A_31 : memref<1x128x128xf32, #tpu.memory_space<vmem>> -> memref<128x128xf32, #tpu.memory_space<vmem>>
      %dma_start3A_33 = arith.constant 0 : i32
      %dma_start3A_34 = tpu.memref_slice %arg7[%dma_start3A, %dma_start3A_33] : memref<8x128xi32, #tpu.memory_space<vmem>> -> memref<1x128xi32, #tpu.memory_space<vmem>>
      %dma_start3A_35 = tpu.memref_squeeze %dma_start3A_34 : memref<1x128xi32, #tpu.memory_space<vmem>> -> memref<128xi32, #tpu.memory_space<vmem>>
      %dma_start3A_36 = arith.constant 0 : i32
      %dma_start3A_37 = arith.constant 0 : i32
      %dma_start3A_38 = tpu.memref_slice %arg2[%dma_start3A_36, %dma_start3A_37] : memref<10000x128xf32, #tpu.memory_space<hbm>> -> memref<10000x128xf32, #tpu.memory_space<hbm>>
      tpu.enqueue_indirect_dma source(%dma_start3A_38 : memref<10000x128xf32, #tpu.memory_space<hbm>>) target(%dma_start3A_32 : memref<128x128xf32, #tpu.memory_space<vmem>>) offsets(%dma_start3A_35 : memref<128xi32, #tpu.memory_space<vmem>>) semaphore(%arg11 : memref<!tpu.dma_semaphore, #tpu.memory_space<semaphore_mem>>)
      %dma_start3A_39 = arith.constant 1 : i32
      %dma_start3A_40 = arith.constant 1 : i32
      %dma_start3A_41 = arith.constant 0 : i32
      %dma_start3A_42 = arith.constant 0 : i32
      %dma_start3A_43 = tpu.memref_slice %arg9[%dma_start3A_40, %dma_start3A_41, %dma_start3A_42] : memref<2x128x128xf32, #tpu.memory_space<vmem>> -> memref<1x128x128xf32, #tpu.memory_space<vmem>>
      %dma_start3A_44 = tpu.memref_squeeze %dma_start3A_43 : memref<1x128x128xf32, #tpu.memory_space<vmem>> -> memref<128x128xf32, #tpu.memory_space<vmem>>
      %dma_start3A_45 = arith.constant 0 : i32
      %dma_start3A_46 = tpu.memref_slice %arg7[%dma_start3A_39, %dma_start3A_45] : memref<8x128xi32, #tpu.memory_space<vmem>> -> memref<1x128xi32, #tpu.memory_space<vmem>>
      %dma_start3A_47 = tpu.memref_squeeze %dma_start3A_46 : memref<1x128xi32, #tpu.memory_space<vmem>> -> memref<128xi32, #tpu.memory_space<vmem>>
      %dma_start3A_48 = arith.constant 0 : i32
      %dma_start3A_49 = arith.constant 0 : i32
      %dma_start3A_50 = tpu.memref_slice %arg2[%dma_start3A_48, %dma_start3A_49] : memref<10000x128xf32, #tpu.memory_space<hbm>> -> memref<10000x128xf32, #tpu.memory_space<hbm>>
      tpu.enqueue_indirect_dma source(%dma_start3A_50 : memref<10000x128xf32, #tpu.memory_space<hbm>>) target(%dma_start3A_44 : memref<128x128xf32, #tpu.memory_space<vmem>>) offsets(%dma_start3A_47 : memref<128xi32, #tpu.memory_space<vmem>>) semaphore(%arg12 : memref<!tpu.dma_semaphore, #tpu.memory_space<semaphore_mem>>)
      %dma_wait3A = arith.constant 0 : i32
      %dma_wait3A_51 = arith.constant 0 : i32
      %dma_wait3A_52 = arith.constant 0 : i32
      %dma_wait3A_53 = arith.constant 0 : i32
      %dma_wait3A_54 = tpu.memref_slice %arg9[%dma_wait3A_51, %dma_wait3A_52, %dma_wait3A_53] : memref<2x128x128xf32, #tpu.memory_space<vmem>> -> memref<1x128x128xf32, #tpu.memory_space<vmem>>
      %dma_wait3A_55 = tpu.memref_squeeze %dma_wait3A_54 : memref<1x128x128xf32, #tpu.memory_space<vmem>> -> memref<128x128xf32, #tpu.memory_space<vmem>>
      %dma_wait3A_56 = arith.constant 0 : i32
      %dma_wait3A_57 = tpu.memref_slice %arg7[%dma_wait3A, %dma_wait3A_56] : memref<8x128xi32, #tpu.memory_space<vmem>> -> memref<1x128xi32, #tpu.memory_space<vmem>>
      %dma_wait3A_58 = tpu.memref_squeeze %dma_wait3A_57 : memref<1x128xi32, #tpu.memory_space<vmem>> -> memref<128xi32, #tpu.memory_space<vmem>>
      %dma_wait3A_59 = arith.constant 0 : i32
      %dma_wait3A_60 = arith.constant 0 : i32
      %dma_wait3A_61 = tpu.memref_slice %arg2[%dma_wait3A_59, %dma_wait3A_60] : memref<10000x128xf32, #tpu.memory_space<hbm>> -> memref<10000x128xf32, #tpu.memory_space<hbm>>
      tpu.wait_indirect_dma semaphore(%arg11 : memref<!tpu.dma_semaphore, #tpu.memory_space<semaphore_mem>>) src(%dma_wait3A_61 : memref<10000x128xf32, #tpu.memory_space<hbm>>) dst(%dma_wait3A_55 : memref<128x128xf32, #tpu.memory_space<vmem>>)
      %run_scoped3A = arith.constant 0 : i32
      %run_scoped3A_62 = arith.constant 0 : i32
      "tpu.region"() ({
        %run_scoped3A_233 = tpu.sem_alloc : memref<!tpu.dma_semaphore, #tpu.memory_space<semaphore_mem>>
        %dma_start3A_234 = arith.constant 0 : i32
        %dma_start3A_235 = arith.constant 0 : i32
        %dma_start3A_236 = tpu.memref_slice %arg9[%run_scoped3A, %dma_start3A_234, %dma_start3A_235] : memref<2x128x128xf32, #tpu.memory_space<vmem>> -> memref<1x128x128xf32, #tpu.memory_space<vmem>>
        %dma_start3A_237 = tpu.memref_squeeze %dma_start3A_236 : memref<1x128x128xf32, #tpu.memory_space<vmem>> -> memref<128x128xf32, #tpu.memory_space<vmem>>
        %dma_start3A_238 = arith.constant 0 : i32
        %dma_start3A_239 = tpu.memref_slice %arg8[%run_scoped3A_62, %dma_start3A_238] : memref<8x128xi32, #tpu.memory_space<vmem>> -> memref<1x128xi32, #tpu.memory_space<vmem>>
        %dma_start3A_240 = tpu.memref_squeeze %dma_start3A_239 : memref<1x128xi32, #tpu.memory_space<vmem>> -> memref<128xi32, #tpu.memory_space<vmem>>
        %dma_start3A_241 = arith.constant 0 : i32
        %dma_start3A_242 = arith.constant 0 : i32
        %dma_start3A_243 = tpu.memref_slice %arg10[%dma_start3A_241, %dma_start3A_242] : memref<10112x128xf32, #tpu.memory_space<vmem_shared>> -> memref<10112x128xf32, #tpu.memory_space<vmem_shared>>
        tpu.enqueue_indirect_dma source(%dma_start3A_237 : memref<128x128xf32, #tpu.memory_space<vmem>>) target(%dma_start3A_243 : memref<10112x128xf32, #tpu.memory_space<vmem_shared>>) offsets(%dma_start3A_240 : memref<128xi32, #tpu.memory_space<vmem>>) semaphore(%run_scoped3A_233 : memref<!tpu.dma_semaphore, #tpu.memory_space<semaphore_mem>>) {add = true}
        %dma_wait3A_244 = arith.constant 0 : i32
        %dma_wait3A_245 = arith.constant 0 : i32
        %dma_wait3A_246 = tpu.memref_slice %arg9[%run_scoped3A, %dma_wait3A_244, %dma_wait3A_245] : memref<2x128x128xf32, #tpu.memory_space<vmem>> -> memref<1x128x128xf32, #tpu.memory_space<vmem>>
        %dma_wait3A_247 = tpu.memref_squeeze %dma_wait3A_246 : memref<1x128x128xf32, #tpu.memory_space<vmem>> -> memref<128x128xf32, #tpu.memory_space<vmem>>
        %dma_wait3A_248 = arith.constant 0 : i32
        %dma_wait3A_249 = tpu.memref_slice %arg8[%run_scoped3A_62, %dma_wait3A_248] : memref<8x128xi32, #tpu.memory_space<vmem>> -> memref<1x128xi32, #tpu.memory_space<vmem>>
        %dma_wait3A_250 = tpu.memref_squeeze %dma_wait3A_249 : memref<1x128xi32, #tpu.memory_space<vmem>> -> memref<128xi32, #tpu.memory_space<vmem>>
        %dma_wait3A_251 = arith.constant 0 : i32
        %dma_wait3A_252 = arith.constant 0 : i32
        %dma_wait3A_253 = tpu.memref_slice %arg10[%dma_wait3A_251, %dma_wait3A_252] : memref<10112x128xf32, #tpu.memory_space<vmem_shared>> -> memref<10112x128xf32, #tpu.memory_space<vmem_shared>>
        tpu.wait_indirect_dma semaphore(%run_scoped3A_233 : memref<!tpu.dma_semaphore, #tpu.memory_space<semaphore_mem>>) src(%dma_wait3A_247 : memref<128x128xf32, #tpu.memory_space<vmem>>) dst(%dma_wait3A_253 : memref<10112x128xf32, #tpu.memory_space<vmem_shared>>)
        tpu.yield
      }) : () -> ()
      %dma_start3A_63 = arith.constant 2 : i32
      %dma_start3A_64 = arith.constant 0 : i32
      %dma_start3A_65 = arith.constant 0 : i32
      %dma_start3A_66 = arith.constant 0 : i32
      %dma_start3A_67 = tpu.memref_slice %arg9[%dma_start3A_64, %dma_start3A_65, %dma_start3A_66] : memref<2x128x128xf32, #tpu.memory_space<vmem>> -> memref<1x128x128xf32, #tpu.memory_space<vmem>>
      %dma_start3A_68 = tpu.memref_squeeze %dma_start3A_67 : memref<1x128x128xf32, #tpu.memory_space<vmem>> -> memref<128x128xf32, #tpu.memory_space<vmem>>
      %dma_start3A_69 = arith.constant 0 : i32
      %dma_start3A_70 = tpu.memref_slice %arg7[%dma_start3A_63, %dma_start3A_69] : memref<8x128xi32, #tpu.memory_space<vmem>> -> memref<1x128xi32, #tpu.memory_space<vmem>>
      %dma_start3A_71 = tpu.memref_squeeze %dma_start3A_70 : memref<1x128xi32, #tpu.memory_space<vmem>> -> memref<128xi32, #tpu.memory_space<vmem>>
      %dma_start3A_72 = arith.constant 0 : i32
      %dma_start3A_73 = arith.constant 0 : i32
      %dma_start3A_74 = tpu.memref_slice %arg2[%dma_start3A_72, %dma_start3A_73] : memref<10000x128xf32, #tpu.memory_space<hbm>> -> memref<10000x128xf32, #tpu.memory_space<hbm>>
      tpu.enqueue_indirect_dma source(%dma_start3A_74 : memref<10000x128xf32, #tpu.memory_space<hbm>>) target(%dma_start3A_68 : memref<128x128xf32, #tpu.memory_space<vmem>>) offsets(%dma_start3A_71 : memref<128xi32, #tpu.memory_space<vmem>>) semaphore(%arg11 : memref<!tpu.dma_semaphore, #tpu.memory_space<semaphore_mem>>)
      %dma_wait3A_75 = arith.constant 1 : i32
      %dma_wait3A_76 = arith.constant 1 : i32
      %dma_wait3A_77 = arith.constant 0 : i32
      %dma_wait3A_78 = arith.constant 0 : i32
      %dma_wait3A_79 = tpu.memref_slice %arg9[%dma_wait3A_76, %dma_wait3A_77, %dma_wait3A_78] : memref<2x128x128xf32, #tpu.memory_space<vmem>> -> memref<1x128x128xf32, #tpu.memory_space<vmem>>
      %dma_wait3A_80 = tpu.memref_squeeze %dma_wait3A_79 : memref<1x128x128xf32, #tpu.memory_space<vmem>> -> memref<128x128xf32, #tpu.memory_space<vmem>>
      %dma_wait3A_81 = arith.constant 0 : i32
      %dma_wait3A_82 = tpu.memref_slice %arg7[%dma_wait3A_75, %dma_wait3A_81] : memref<8x128xi32, #tpu.memory_space<vmem>> -> memref<1x128xi32, #tpu.memory_space<vmem>>
      %dma_wait3A_83 = tpu.memref_squeeze %dma_wait3A_82 : memref<1x128xi32, #tpu.memory_space<vmem>> -> memref<128xi32, #tpu.memory_space<vmem>>
      %dma_wait3A_84 = arith.constant 0 : i32
      %dma_wait3A_85 = arith.constant 0 : i32
      %dma_wait3A_86 = tpu.memref_slice %arg2[%dma_wait3A_84, %dma_wait3A_85] : memref<10000x128xf32, #tpu.memory_space<hbm>> -> memref<10000x128xf32, #tpu.memory_space<hbm>>
      tpu.wait_indirect_dma semaphore(%arg12 : memref<!tpu.dma_semaphore, #tpu.memory_space<semaphore_mem>>) src(%dma_wait3A_86 : memref<10000x128xf32, #tpu.memory_space<hbm>>) dst(%dma_wait3A_80 : memref<128x128xf32, #tpu.memory_space<vmem>>)
      %run_scoped3A_87 = arith.constant 1 : i32
      %run_scoped3A_88 = arith.constant 1 : i32
      "tpu.region"() ({
        %run_scoped3A_233 = tpu.sem_alloc : memref<!tpu.dma_semaphore, #tpu.memory_space<semaphore_mem>>
        %dma_start3A_234 = arith.constant 0 : i32
        %dma_start3A_235 = arith.constant 0 : i32
        %dma_start3A_236 = tpu.memref_slice %arg9[%run_scoped3A_87, %dma_start3A_234, %dma_start3A_235] : memref<2x128x128xf32, #tpu.memory_space<vmem>> -> memref<1x128x128xf32, #tpu.memory_space<vmem>>
        %dma_start3A_237 = tpu.memref_squeeze %dma_start3A_236 : memref<1x128x128xf32, #tpu.memory_space<vmem>> -> memref<128x128xf32, #tpu.memory_space<vmem>>
        %dma_start3A_238 = arith.constant 0 : i32
        %dma_start3A_239 = tpu.memref_slice %arg8[%run_scoped3A_88, %dma_start3A_238] : memref<8x128xi32, #tpu.memory_space<vmem>> -> memref<1x128xi32, #tpu.memory_space<vmem>>
        %dma_start3A_240 = tpu.memref_squeeze %dma_start3A_239 : memref<1x128xi32, #tpu.memory_space<vmem>> -> memref<128xi32, #tpu.memory_space<vmem>>
        %dma_start3A_241 = arith.constant 0 : i32
        %dma_start3A_242 = arith.constant 0 : i32
        %dma_start3A_243 = tpu.memref_slice %arg10[%dma_start3A_241, %dma_start3A_242] : memref<10112x128xf32, #tpu.memory_space<vmem_shared>> -> memref<10112x128xf32, #tpu.memory_space<vmem_shared>>
        tpu.enqueue_indirect_dma source(%dma_start3A_237 : memref<128x128xf32, #tpu.memory_space<vmem>>) target(%dma_start3A_243 : memref<10112x128xf32, #tpu.memory_space<vmem_shared>>) offsets(%dma_start3A_240 : memref<128xi32, #tpu.memory_space<vmem>>) semaphore(%run_scoped3A_233 : memref<!tpu.dma_semaphore, #tpu.memory_space<semaphore_mem>>) {add = true}
        %dma_wait3A_244 = arith.constant 0 : i32
        %dma_wait3A_245 = arith.constant 0 : i32
        %dma_wait3A_246 = tpu.memref_slice %arg9[%run_scoped3A_87, %dma_wait3A_244, %dma_wait3A_245] : memref<2x128x128xf32, #tpu.memory_space<vmem>> -> memref<1x128x128xf32, #tpu.memory_space<vmem>>
        %dma_wait3A_247 = tpu.memref_squeeze %dma_wait3A_246 : memref<1x128x128xf32, #tpu.memory_space<vmem>> -> memref<128x128xf32, #tpu.memory_space<vmem>>
        %dma_wait3A_248 = arith.constant 0 : i32
        %dma_wait3A_249 = tpu.memref_slice %arg8[%run_scoped3A_88, %dma_wait3A_248] : memref<8x128xi32, #tpu.memory_space<vmem>> -> memref<1x128xi32, #tpu.memory_space<vmem>>
        %dma_wait3A_250 = tpu.memref_squeeze %dma_wait3A_249 : memref<1x128xi32, #tpu.memory_space<vmem>> -> memref<128xi32, #tpu.memory_space<vmem>>
        %dma_wait3A_251 = arith.constant 0 : i32
        %dma_wait3A_252 = arith.constant 0 : i32
        %dma_wait3A_253 = tpu.memref_slice %arg10[%dma_wait3A_251, %dma_wait3A_252] : memref<10112x128xf32, #tpu.memory_space<vmem_shared>> -> memref<10112x128xf32, #tpu.memory_space<vmem_shared>>
        tpu.wait_indirect_dma semaphore(%run_scoped3A_233 : memref<!tpu.dma_semaphore, #tpu.memory_space<semaphore_mem>>) src(%dma_wait3A_247 : memref<128x128xf32, #tpu.memory_space<vmem>>) dst(%dma_wait3A_253 : memref<10112x128xf32, #tpu.memory_space<vmem_shared>>)
        tpu.yield
      }) : () -> ()
      %dma_start3A_89 = arith.constant 3 : i32
      %dma_start3A_90 = arith.constant 1 : i32
      %dma_start3A_91 = arith.constant 0 : i32
      %dma_start3A_92 = arith.constant 0 : i32
      %dma_start3A_93 = tpu.memref_slice %arg9[%dma_start3A_90, %dma_start3A_91, %dma_start3A_92] : memref<2x128x128xf32, #tpu.memory_space<vmem>> -> memref<1x128x128xf32, #tpu.memory_space<vmem>>
      %dma_start3A_94 = tpu.memref_squeeze %dma_start3A_93 : memref<1x128x128xf32, #tpu.memory_space<vmem>> -> memref<128x128xf32, #tpu.memory_space<vmem>>
      %dma_start3A_95 = arith.constant 0 : i32
      %dma_start3A_96 = tpu.memref_slice %arg7[%dma_start3A_89, %dma_start3A_95] : memref<8x128xi32, #tpu.memory_space<vmem>> -> memref<1x128xi32, #tpu.memory_space<vmem>>
      %dma_start3A_97 = tpu.memref_squeeze %dma_start3A_96 : memref<1x128xi32, #tpu.memory_space<vmem>> -> memref<128xi32, #tpu.memory_space<vmem>>
      %dma_start3A_98 = arith.constant 0 : i32
      %dma_start3A_99 = arith.constant 0 : i32
      %dma_start3A_100 = tpu.memref_slice %arg2[%dma_start3A_98, %dma_start3A_99] : memref<10000x128xf32, #tpu.memory_space<hbm>> -> memref<10000x128xf32, #tpu.memory_space<hbm>>
      tpu.enqueue_indirect_dma source(%dma_start3A_100 : memref<10000x128xf32, #tpu.memory_space<hbm>>) target(%dma_start3A_94 : memref<128x128xf32, #tpu.memory_space<vmem>>) offsets(%dma_start3A_97 : memref<128xi32, #tpu.memory_space<vmem>>) semaphore(%arg12 : memref<!tpu.dma_semaphore, #tpu.memory_space<semaphore_mem>>)
      %dma_wait3A_101 = arith.constant 2 : i32
      %dma_wait3A_102 = arith.constant 0 : i32
      %dma_wait3A_103 = arith.constant 0 : i32
      %dma_wait3A_104 = arith.constant 0 : i32
      %dma_wait3A_105 = tpu.memref_slice %arg9[%dma_wait3A_102, %dma_wait3A_103, %dma_wait3A_104] : memref<2x128x128xf32, #tpu.memory_space<vmem>> -> memref<1x128x128xf32, #tpu.memory_space<vmem>>
      %dma_wait3A_106 = tpu.memref_squeeze %dma_wait3A_105 : memref<1x128x128xf32, #tpu.memory_space<vmem>> -> memref<128x128xf32, #tpu.memory_space<vmem>>
      %dma_wait3A_107 = arith.constant 0 : i32
      %dma_wait3A_108 = tpu.memref_slice %arg7[%dma_wait3A_101, %dma_wait3A_107] : memref<8x128xi32, #tpu.memory_space<vmem>> -> memref<1x128xi32, #tpu.memory_space<vmem>>
      %dma_wait3A_109 = tpu.memref_squeeze %dma_wait3A_108 : memref<1x128xi32, #tpu.memory_space<vmem>> -> memref<128xi32, #tpu.memory_space<vmem>>
      %dma_wait3A_110 = arith.constant 0 : i32
      %dma_wait3A_111 = arith.constant 0 : i32
      %dma_wait3A_112 = tpu.memref_slice %arg2[%dma_wait3A_110, %dma_wait3A_111] : memref<10000x128xf32, #tpu.memory_space<hbm>> -> memref<10000x128xf32, #tpu.memory_space<hbm>>
      tpu.wait_indirect_dma semaphore(%arg11 : memref<!tpu.dma_semaphore, #tpu.memory_space<semaphore_mem>>) src(%dma_wait3A_112 : memref<10000x128xf32, #tpu.memory_space<hbm>>) dst(%dma_wait3A_106 : memref<128x128xf32, #tpu.memory_space<vmem>>)
      %run_scoped3A_113 = arith.constant 0 : i32
      %run_scoped3A_114 = arith.constant 2 : i32
      "tpu.region"() ({
        %run_scoped3A_233 = tpu.sem_alloc : memref<!tpu.dma_semaphore, #tpu.memory_space<semaphore_mem>>
        %dma_start3A_234 = arith.constant 0 : i32
        %dma_start3A_235 = arith.constant 0 : i32
        %dma_start3A_236 = tpu.memref_slice %arg9[%run_scoped3A_113, %dma_start3A_234, %dma_start3A_235] : memref<2x128x128xf32, #tpu.memory_space<vmem>> -> memref<1x128x128xf32, #tpu.memory_space<vmem>>
        %dma_start3A_237 = tpu.memref_squeeze %dma_start3A_236 : memref<1x128x128xf32, #tpu.memory_space<vmem>> -> memref<128x128xf32, #tpu.memory_space<vmem>>
        %dma_start3A_238 = arith.constant 0 : i32
        %dma_start3A_239 = tpu.memref_slice %arg8[%run_scoped3A_114, %dma_start3A_238] : memref<8x128xi32, #tpu.memory_space<vmem>> -> memref<1x128xi32, #tpu.memory_space<vmem>>
        %dma_start3A_240 = tpu.memref_squeeze %dma_start3A_239 : memref<1x128xi32, #tpu.memory_space<vmem>> -> memref<128xi32, #tpu.memory_space<vmem>>
        %dma_start3A_241 = arith.constant 0 : i32
        %dma_start3A_242 = arith.constant 0 : i32
        %dma_start3A_243 = tpu.memref_slice %arg10[%dma_start3A_241, %dma_start3A_242] : memref<10112x128xf32, #tpu.memory_space<vmem_shared>> -> memref<10112x128xf32, #tpu.memory_space<vmem_shared>>
        tpu.enqueue_indirect_dma source(%dma_start3A_237 : memref<128x128xf32, #tpu.memory_space<vmem>>) target(%dma_start3A_243 : memref<10112x128xf32, #tpu.memory_space<vmem_shared>>) offsets(%dma_start3A_240 : memref<128xi32, #tpu.memory_space<vmem>>) semaphore(%run_scoped3A_233 : memref<!tpu.dma_semaphore, #tpu.memory_space<semaphore_mem>>) {add = true}
        %dma_wait3A_244 = arith.constant 0 : i32
        %dma_wait3A_245 = arith.constant 0 : i32
        %dma_wait3A_246 = tpu.memref_slice %arg9[%run_scoped3A_113, %dma_wait3A_244, %dma_wait3A_245] : memref<2x128x128xf32, #tpu.memory_space<vmem>> -> memref<1x128x128xf32, #tpu.memory_space<vmem>>
        %dma_wait3A_247 = tpu.memref_squeeze %dma_wait3A_246 : memref<1x128x128xf32, #tpu.memory_space<vmem>> -> memref<128x128xf32, #tpu.memory_space<vmem>>
        %dma_wait3A_248 = arith.constant 0 : i32
        %dma_wait3A_249 = tpu.memref_slice %arg8[%run_scoped3A_114, %dma_wait3A_248] : memref<8x128xi32, #tpu.memory_space<vmem>> -> memref<1x128xi32, #tpu.memory_space<vmem>>
        %dma_wait3A_250 = tpu.memref_squeeze %dma_wait3A_249 : memref<1x128xi32, #tpu.memory_space<vmem>> -> memref<128xi32, #tpu.memory_space<vmem>>
        %dma_wait3A_251 = arith.constant 0 : i32
        %dma_wait3A_252 = arith.constant 0 : i32
        %dma_wait3A_253 = tpu.memref_slice %arg10[%dma_wait3A_251, %dma_wait3A_252] : memref<10112x128xf32, #tpu.memory_space<vmem_shared>> -> memref<10112x128xf32, #tpu.memory_space<vmem_shared>>
        tpu.wait_indirect_dma semaphore(%run_scoped3A_233 : memref<!tpu.dma_semaphore, #tpu.memory_space<semaphore_mem>>) src(%dma_wait3A_247 : memref<128x128xf32, #tpu.memory_space<vmem>>) dst(%dma_wait3A_253 : memref<10112x128xf32, #tpu.memory_space<vmem_shared>>)
        tpu.yield
      }) : () -> ()
      %dma_start3A_115 = arith.constant 4 : i32
      %dma_start3A_116 = arith.constant 0 : i32
      %dma_start3A_117 = arith.constant 0 : i32
      %dma_start3A_118 = arith.constant 0 : i32
      %dma_start3A_119 = tpu.memref_slice %arg9[%dma_start3A_116, %dma_start3A_117, %dma_start3A_118] : memref<2x128x128xf32, #tpu.memory_space<vmem>> -> memref<1x128x128xf32, #tpu.memory_space<vmem>>
      %dma_start3A_120 = tpu.memref_squeeze %dma_start3A_119 : memref<1x128x128xf32, #tpu.memory_space<vmem>> -> memref<128x128xf32, #tpu.memory_space<vmem>>
      %dma_start3A_121 = arith.constant 0 : i32
      %dma_start3A_122 = tpu.memref_slice %arg7[%dma_start3A_115, %dma_start3A_121] : memref<8x128xi32, #tpu.memory_space<vmem>> -> memref<1x128xi32, #tpu.memory_space<vmem>>
      %dma_start3A_123 = tpu.memref_squeeze %dma_start3A_122 : memref<1x128xi32, #tpu.memory_space<vmem>> -> memref<128xi32, #tpu.memory_space<vmem>>
      %dma_start3A_124 = arith.constant 0 : i32
      %dma_start3A_125 = arith.constant 0 : i32
      %dma_start3A_126 = tpu.memref_slice %arg2[%dma_start3A_124, %dma_start3A_125] : memref<10000x128xf32, #tpu.memory_space<hbm>> -> memref<10000x128xf32, #tpu.memory_space<hbm>>
      tpu.enqueue_indirect_dma source(%dma_start3A_126 : memref<10000x128xf32, #tpu.memory_space<hbm>>) target(%dma_start3A_120 : memref<128x128xf32, #tpu.memory_space<vmem>>) offsets(%dma_start3A_123 : memref<128xi32, #tpu.memory_space<vmem>>) semaphore(%arg11 : memref<!tpu.dma_semaphore, #tpu.memory_space<semaphore_mem>>)
      %dma_wait3A_127 = arith.constant 3 : i32
      %dma_wait3A_128 = arith.constant 1 : i32
      %dma_wait3A_129 = arith.constant 0 : i32
      %dma_wait3A_130 = arith.constant 0 : i32
      %dma_wait3A_131 = tpu.memref_slice %arg9[%dma_wait3A_128, %dma_wait3A_129, %dma_wait3A_130] : memref<2x128x128xf32, #tpu.memory_space<vmem>> -> memref<1x128x128xf32, #tpu.memory_space<vmem>>
      %dma_wait3A_132 = tpu.memref_squeeze %dma_wait3A_131 : memref<1x128x128xf32, #tpu.memory_space<vmem>> -> memref<128x128xf32, #tpu.memory_space<vmem>>
      %dma_wait3A_133 = arith.constant 0 : i32
      %dma_wait3A_134 = tpu.memref_slice %arg7[%dma_wait3A_127, %dma_wait3A_133] : memref<8x128xi32, #tpu.memory_space<vmem>> -> memref<1x128xi32, #tpu.memory_space<vmem>>
      %dma_wait3A_135 = tpu.memref_squeeze %dma_wait3A_134 : memref<1x128xi32, #tpu.memory_space<vmem>> -> memref<128xi32, #tpu.memory_space<vmem>>
      %dma_wait3A_136 = arith.constant 0 : i32
      %dma_wait3A_137 = arith.constant 0 : i32
      %dma_wait3A_138 = tpu.memref_slice %arg2[%dma_wait3A_136, %dma_wait3A_137] : memref<10000x128xf32, #tpu.memory_space<hbm>> -> memref<10000x128xf32, #tpu.memory_space<hbm>>
      tpu.wait_indirect_dma semaphore(%arg12 : memref<!tpu.dma_semaphore, #tpu.memory_space<semaphore_mem>>) src(%dma_wait3A_138 : memref<10000x128xf32, #tpu.memory_space<hbm>>) dst(%dma_wait3A_132 : memref<128x128xf32, #tpu.memory_space<vmem>>)
      %run_scoped3A_139 = arith.constant 1 : i32
      %run_scoped3A_140 = arith.constant 3 : i32
      "tpu.region"() ({
        %run_scoped3A_233 = tpu.sem_alloc : memref<!tpu.dma_semaphore, #tpu.memory_space<semaphore_mem>>
        %dma_start3A_234 = arith.constant 0 : i32
        %dma_start3A_235 = arith.constant 0 : i32
        %dma_start3A_236 = tpu.memref_slice %arg9[%run_scoped3A_139, %dma_start3A_234, %dma_start3A_235] : memref<2x128x128xf32, #tpu.memory_space<vmem>> -> memref<1x128x128xf32, #tpu.memory_space<vmem>>
        %dma_start3A_237 = tpu.memref_squeeze %dma_start3A_236 : memref<1x128x128xf32, #tpu.memory_space<vmem>> -> memref<128x128xf32, #tpu.memory_space<vmem>>
        %dma_start3A_238 = arith.constant 0 : i32
        %dma_start3A_239 = tpu.memref_slice %arg8[%run_scoped3A_140, %dma_start3A_238] : memref<8x128xi32, #tpu.memory_space<vmem>> -> memref<1x128xi32, #tpu.memory_space<vmem>>
        %dma_start3A_240 = tpu.memref_squeeze %dma_start3A_239 : memref<1x128xi32, #tpu.memory_space<vmem>> -> memref<128xi32, #tpu.memory_space<vmem>>
        %dma_start3A_241 = arith.constant 0 : i32
        %dma_start3A_242 = arith.constant 0 : i32
        %dma_start3A_243 = tpu.memref_slice %arg10[%dma_start3A_241, %dma_start3A_242] : memref<10112x128xf32, #tpu.memory_space<vmem_shared>> -> memref<10112x128xf32, #tpu.memory_space<vmem_shared>>
        tpu.enqueue_indirect_dma source(%dma_start3A_237 : memref<128x128xf32, #tpu.memory_space<vmem>>) target(%dma_start3A_243 : memref<10112x128xf32, #tpu.memory_space<vmem_shared>>) offsets(%dma_start3A_240 : memref<128xi32, #tpu.memory_space<vmem>>) semaphore(%run_scoped3A_233 : memref<!tpu.dma_semaphore, #tpu.memory_space<semaphore_mem>>) {add = true}
        %dma_wait3A_244 = arith.constant 0 : i32
        %dma_wait3A_245 = arith.constant 0 : i32
        %dma_wait3A_246 = tpu.memref_slice %arg9[%run_scoped3A_139, %dma_wait3A_244, %dma_wait3A_245] : memref<2x128x128xf32, #tpu.memory_space<vmem>> -> memref<1x128x128xf32, #tpu.memory_space<vmem>>
        %dma_wait3A_247 = tpu.memref_squeeze %dma_wait3A_246 : memref<1x128x128xf32, #tpu.memory_space<vmem>> -> memref<128x128xf32, #tpu.memory_space<vmem>>
        %dma_wait3A_248 = arith.constant 0 : i32
        %dma_wait3A_249 = tpu.memref_slice %arg8[%run_scoped3A_140, %dma_wait3A_248] : memref<8x128xi32, #tpu.memory_space<vmem>> -> memref<1x128xi32, #tpu.memory_space<vmem>>
        %dma_wait3A_250 = tpu.memref_squeeze %dma_wait3A_249 : memref<1x128xi32, #tpu.memory_space<vmem>> -> memref<128xi32, #tpu.memory_space<vmem>>
        %dma_wait3A_251 = arith.constant 0 : i32
        %dma_wait3A_252 = arith.constant 0 : i32
        %dma_wait3A_253 = tpu.memref_slice %arg10[%dma_wait3A_251, %dma_wait3A_252] : memref<10112x128xf32, #tpu.memory_space<vmem_shared>> -> memref<10112x128xf32, #tpu.memory_space<vmem_shared>>
        tpu.wait_indirect_dma semaphore(%run_scoped3A_233 : memref<!tpu.dma_semaphore, #tpu.memory_space<semaphore_mem>>) src(%dma_wait3A_247 : memref<128x128xf32, #tpu.memory_space<vmem>>) dst(%dma_wait3A_253 : memref<10112x128xf32, #tpu.memory_space<vmem_shared>>)
        tpu.yield
      }) : () -> ()
      %dma_start3A_141 = arith.constant 5 : i32
      %dma_start3A_142 = arith.constant 1 : i32
      %dma_start3A_143 = arith.constant 0 : i32
      %dma_start3A_144 = arith.constant 0 : i32
      %dma_start3A_145 = tpu.memref_slice %arg9[%dma_start3A_142, %dma_start3A_143, %dma_start3A_144] : memref<2x128x128xf32, #tpu.memory_space<vmem>> -> memref<1x128x128xf32, #tpu.memory_space<vmem>>
      %dma_start3A_146 = tpu.memref_squeeze %dma_start3A_145 : memref<1x128x128xf32, #tpu.memory_space<vmem>> -> memref<128x128xf32, #tpu.memory_space<vmem>>
      %dma_start3A_147 = arith.constant 0 : i32
      %dma_start3A_148 = tpu.memref_slice %arg7[%dma_start3A_141, %dma_start3A_147] : memref<8x128xi32, #tpu.memory_space<vmem>> -> memref<1x128xi32, #tpu.memory_space<vmem>>
      %dma_start3A_149 = tpu.memref_squeeze %dma_start3A_148 : memref<1x128xi32, #tpu.memory_space<vmem>> -> memref<128xi32, #tpu.memory_space<vmem>>
      %dma_start3A_150 = arith.constant 0 : i32
      %dma_start3A_151 = arith.constant 0 : i32
      %dma_start3A_152 = tpu.memref_slice %arg2[%dma_start3A_150, %dma_start3A_151] : memref<10000x128xf32, #tpu.memory_space<hbm>> -> memref<10000x128xf32, #tpu.memory_space<hbm>>
      tpu.enqueue_indirect_dma source(%dma_start3A_152 : memref<10000x128xf32, #tpu.memory_space<hbm>>) target(%dma_start3A_146 : memref<128x128xf32, #tpu.memory_space<vmem>>) offsets(%dma_start3A_149 : memref<128xi32, #tpu.memory_space<vmem>>) semaphore(%arg12 : memref<!tpu.dma_semaphore, #tpu.memory_space<semaphore_mem>>)
      %dma_wait3A_153 = arith.constant 4 : i32
      %dma_wait3A_154 = arith.constant 0 : i32
      %dma_wait3A_155 = arith.constant 0 : i32
      %dma_wait3A_156 = arith.constant 0 : i32
      %dma_wait3A_157 = tpu.memref_slice %arg9[%dma_wait3A_154, %dma_wait3A_155, %dma_wait3A_156] : memref<2x128x128xf32, #tpu.memory_space<vmem>> -> memref<1x128x128xf32, #tpu.memory_space<vmem>>
      %dma_wait3A_158 = tpu.memref_squeeze %dma_wait3A_157 : memref<1x128x128xf32, #tpu.memory_space<vmem>> -> memref<128x128xf32, #tpu.memory_space<vmem>>
      %dma_wait3A_159 = arith.constant 0 : i32
      %dma_wait3A_160 = tpu.memref_slice %arg7[%dma_wait3A_153, %dma_wait3A_159] : memref<8x128xi32, #tpu.memory_space<vmem>> -> memref<1x128xi32, #tpu.memory_space<vmem>>
      %dma_wait3A_161 = tpu.memref_squeeze %dma_wait3A_160 : memref<1x128xi32, #tpu.memory_space<vmem>> -> memref<128xi32, #tpu.memory_space<vmem>>
      %dma_wait3A_162 = arith.constant 0 : i32
      %dma_wait3A_163 = arith.constant 0 : i32
      %dma_wait3A_164 = tpu.memref_slice %arg2[%dma_wait3A_162, %dma_wait3A_163] : memref<10000x128xf32, #tpu.memory_space<hbm>> -> memref<10000x128xf32, #tpu.memory_space<hbm>>
      tpu.wait_indirect_dma semaphore(%arg11 : memref<!tpu.dma_semaphore, #tpu.memory_space<semaphore_mem>>) src(%dma_wait3A_164 : memref<10000x128xf32, #tpu.memory_space<hbm>>) dst(%dma_wait3A_158 : memref<128x128xf32, #tpu.memory_space<vmem>>)
      %run_scoped3A_165 = arith.constant 0 : i32
      %run_scoped3A_166 = arith.constant 4 : i32
      "tpu.region"() ({
        %run_scoped3A_233 = tpu.sem_alloc : memref<!tpu.dma_semaphore, #tpu.memory_space<semaphore_mem>>
        %dma_start3A_234 = arith.constant 0 : i32
        %dma_start3A_235 = arith.constant 0 : i32
        %dma_start3A_236 = tpu.memref_slice %arg9[%run_scoped3A_165, %dma_start3A_234, %dma_start3A_235] : memref<2x128x128xf32, #tpu.memory_space<vmem>> -> memref<1x128x128xf32, #tpu.memory_space<vmem>>
        %dma_start3A_237 = tpu.memref_squeeze %dma_start3A_236 : memref<1x128x128xf32, #tpu.memory_space<vmem>> -> memref<128x128xf32, #tpu.memory_space<vmem>>
        %dma_start3A_238 = arith.constant 0 : i32
        %dma_start3A_239 = tpu.memref_slice %arg8[%run_scoped3A_166, %dma_start3A_238] : memref<8x128xi32, #tpu.memory_space<vmem>> -> memref<1x128xi32, #tpu.memory_space<vmem>>
        %dma_start3A_240 = tpu.memref_squeeze %dma_start3A_239 : memref<1x128xi32, #tpu.memory_space<vmem>> -> memref<128xi32, #tpu.memory_space<vmem>>
        %dma_start3A_241 = arith.constant 0 : i32
        %dma_start3A_242 = arith.constant 0 : i32
        %dma_start3A_243 = tpu.memref_slice %arg10[%dma_start3A_241, %dma_start3A_242] : memref<10112x128xf32, #tpu.memory_space<vmem_shared>> -> memref<10112x128xf32, #tpu.memory_space<vmem_shared>>
        tpu.enqueue_indirect_dma source(%dma_start3A_237 : memref<128x128xf32, #tpu.memory_space<vmem>>) target(%dma_start3A_243 : memref<10112x128xf32, #tpu.memory_space<vmem_shared>>) offsets(%dma_start3A_240 : memref<128xi32, #tpu.memory_space<vmem>>) semaphore(%run_scoped3A_233 : memref<!tpu.dma_semaphore, #tpu.memory_space<semaphore_mem>>) {add = true}
        %dma_wait3A_244 = arith.constant 0 : i32
        %dma_wait3A_245 = arith.constant 0 : i32
        %dma_wait3A_246 = tpu.memref_slice %arg9[%run_scoped3A_165, %dma_wait3A_244, %dma_wait3A_245] : memref<2x128x128xf32, #tpu.memory_space<vmem>> -> memref<1x128x128xf32, #tpu.memory_space<vmem>>
        %dma_wait3A_247 = tpu.memref_squeeze %dma_wait3A_246 : memref<1x128x128xf32, #tpu.memory_space<vmem>> -> memref<128x128xf32, #tpu.memory_space<vmem>>
        %dma_wait3A_248 = arith.constant 0 : i32
        %dma_wait3A_249 = tpu.memref_slice %arg8[%run_scoped3A_166, %dma_wait3A_248] : memref<8x128xi32, #tpu.memory_space<vmem>> -> memref<1x128xi32, #tpu.memory_space<vmem>>
        %dma_wait3A_250 = tpu.memref_squeeze %dma_wait3A_249 : memref<1x128xi32, #tpu.memory_space<vmem>> -> memref<128xi32, #tpu.memory_space<vmem>>
        %dma_wait3A_251 = arith.constant 0 : i32
        %dma_wait3A_252 = arith.constant 0 : i32
        %dma_wait3A_253 = tpu.memref_slice %arg10[%dma_wait3A_251, %dma_wait3A_252] : memref<10112x128xf32, #tpu.memory_space<vmem_shared>> -> memref<10112x128xf32, #tpu.memory_space<vmem_shared>>
        tpu.wait_indirect_dma semaphore(%run_scoped3A_233 : memref<!tpu.dma_semaphore, #tpu.memory_space<semaphore_mem>>) src(%dma_wait3A_247 : memref<128x128xf32, #tpu.memory_space<vmem>>) dst(%dma_wait3A_253 : memref<10112x128xf32, #tpu.memory_space<vmem_shared>>)
        tpu.yield
      }) : () -> ()
      %dma_start3A_167 = arith.constant 6 : i32
      %dma_start3A_168 = arith.constant 0 : i32
      %dma_start3A_169 = arith.constant 0 : i32
      %dma_start3A_170 = arith.constant 0 : i32
      %dma_start3A_171 = tpu.memref_slice %arg9[%dma_start3A_168, %dma_start3A_169, %dma_start3A_170] : memref<2x128x128xf32, #tpu.memory_space<vmem>> -> memref<1x128x128xf32, #tpu.memory_space<vmem>>
      %dma_start3A_172 = tpu.memref_squeeze %dma_start3A_171 : memref<1x128x128xf32, #tpu.memory_space<vmem>> -> memref<128x128xf32, #tpu.memory_space<vmem>>
      %dma_start3A_173 = arith.constant 0 : i32
      %dma_start3A_174 = tpu.memref_slice %arg7[%dma_start3A_167, %dma_start3A_173] : memref<8x128xi32, #tpu.memory_space<vmem>> -> memref<1x128xi32, #tpu.memory_space<vmem>>
      %dma_start3A_175 = tpu.memref_squeeze %dma_start3A_174 : memref<1x128xi32, #tpu.memory_space<vmem>> -> memref<128xi32, #tpu.memory_space<vmem>>
      %dma_start3A_176 = arith.constant 0 : i32
      %dma_start3A_177 = arith.constant 0 : i32
      %dma_start3A_178 = tpu.memref_slice %arg2[%dma_start3A_176, %dma_start3A_177] : memref<10000x128xf32, #tpu.memory_space<hbm>> -> memref<10000x128xf32, #tpu.memory_space<hbm>>
      tpu.enqueue_indirect_dma source(%dma_start3A_178 : memref<10000x128xf32, #tpu.memory_space<hbm>>) target(%dma_start3A_172 : memref<128x128xf32, #tpu.memory_space<vmem>>) offsets(%dma_start3A_175 : memref<128xi32, #tpu.memory_space<vmem>>) semaphore(%arg11 : memref<!tpu.dma_semaphore, #tpu.memory_space<semaphore_mem>>)
      %dma_wait3A_179 = arith.constant 5 : i32
      %dma_wait3A_180 = arith.constant 1 : i32
      %dma_wait3A_181 = arith.constant 0 : i32
      %dma_wait3A_182 = arith.constant 0 : i32
      %dma_wait3A_183 = tpu.memref_slice %arg9[%dma_wait3A_180, %dma_wait3A_181, %dma_wait3A_182] : memref<2x128x128xf32, #tpu.memory_space<vmem>> -> memref<1x128x128xf32, #tpu.memory_space<vmem>>
      %dma_wait3A_184 = tpu.memref_squeeze %dma_wait3A_183 : memref<1x128x128xf32, #tpu.memory_space<vmem>> -> memref<128x128xf32, #tpu.memory_space<vmem>>
      %dma_wait3A_185 = arith.constant 0 : i32
      %dma_wait3A_186 = tpu.memref_slice %arg7[%dma_wait3A_179, %dma_wait3A_185] : memref<8x128xi32, #tpu.memory_space<vmem>> -> memref<1x128xi32, #tpu.memory_space<vmem>>
      %dma_wait3A_187 = tpu.memref_squeeze %dma_wait3A_186 : memref<1x128xi32, #tpu.memory_space<vmem>> -> memref<128xi32, #tpu.memory_space<vmem>>
      %dma_wait3A_188 = arith.constant 0 : i32
      %dma_wait3A_189 = arith.constant 0 : i32
      %dma_wait3A_190 = tpu.memref_slice %arg2[%dma_wait3A_188, %dma_wait3A_189] : memref<10000x128xf32, #tpu.memory_space<hbm>> -> memref<10000x128xf32, #tpu.memory_space<hbm>>
      tpu.wait_indirect_dma semaphore(%arg12 : memref<!tpu.dma_semaphore, #tpu.memory_space<semaphore_mem>>) src(%dma_wait3A_190 : memref<10000x128xf32, #tpu.memory_space<hbm>>) dst(%dma_wait3A_184 : memref<128x128xf32, #tpu.memory_space<vmem>>)
      %run_scoped3A_191 = arith.constant 1 : i32
      %run_scoped3A_192 = arith.constant 5 : i32
      "tpu.region"() ({
        %run_scoped3A_233 = tpu.sem_alloc : memref<!tpu.dma_semaphore, #tpu.memory_space<semaphore_mem>>
        %dma_start3A_234 = arith.constant 0 : i32
        %dma_start3A_235 = arith.constant 0 : i32
        %dma_start3A_236 = tpu.memref_slice %arg9[%run_scoped3A_191, %dma_start3A_234, %dma_start3A_235] : memref<2x128x128xf32, #tpu.memory_space<vmem>> -> memref<1x128x128xf32, #tpu.memory_space<vmem>>
        %dma_start3A_237 = tpu.memref_squeeze %dma_start3A_236 : memref<1x128x128xf32, #tpu.memory_space<vmem>> -> memref<128x128xf32, #tpu.memory_space<vmem>>
        %dma_start3A_238 = arith.constant 0 : i32
        %dma_start3A_239 = tpu.memref_slice %arg8[%run_scoped3A_192, %dma_start3A_238] : memref<8x128xi32, #tpu.memory_space<vmem>> -> memref<1x128xi32, #tpu.memory_space<vmem>>
        %dma_start3A_240 = tpu.memref_squeeze %dma_start3A_239 : memref<1x128xi32, #tpu.memory_space<vmem>> -> memref<128xi32, #tpu.memory_space<vmem>>
        %dma_start3A_241 = arith.constant 0 : i32
        %dma_start3A_242 = arith.constant 0 : i32
        %dma_start3A_243 = tpu.memref_slice %arg10[%dma_start3A_241, %dma_start3A_242] : memref<10112x128xf32, #tpu.memory_space<vmem_shared>> -> memref<10112x128xf32, #tpu.memory_space<vmem_shared>>
        tpu.enqueue_indirect_dma source(%dma_start3A_237 : memref<128x128xf32, #tpu.memory_space<vmem>>) target(%dma_start3A_243 : memref<10112x128xf32, #tpu.memory_space<vmem_shared>>) offsets(%dma_start3A_240 : memref<128xi32, #tpu.memory_space<vmem>>) semaphore(%run_scoped3A_233 : memref<!tpu.dma_semaphore, #tpu.memory_space<semaphore_mem>>) {add = true}
        %dma_wait3A_244 = arith.constant 0 : i32
        %dma_wait3A_245 = arith.constant 0 : i32
        %dma_wait3A_246 = tpu.memref_slice %arg9[%run_scoped3A_191, %dma_wait3A_244, %dma_wait3A_245] : memref<2x128x128xf32, #tpu.memory_space<vmem>> -> memref<1x128x128xf32, #tpu.memory_space<vmem>>
        %dma_wait3A_247 = tpu.memref_squeeze %dma_wait3A_246 : memref<1x128x128xf32, #tpu.memory_space<vmem>> -> memref<128x128xf32, #tpu.memory_space<vmem>>
        %dma_wait3A_248 = arith.constant 0 : i32
        %dma_wait3A_249 = tpu.memref_slice %arg8[%run_scoped3A_192, %dma_wait3A_248] : memref<8x128xi32, #tpu.memory_space<vmem>> -> memref<1x128xi32, #tpu.memory_space<vmem>>
        %dma_wait3A_250 = tpu.memref_squeeze %dma_wait3A_249 : memref<1x128xi32, #tpu.memory_space<vmem>> -> memref<128xi32, #tpu.memory_space<vmem>>
        %dma_wait3A_251 = arith.constant 0 : i32
        %dma_wait3A_252 = arith.constant 0 : i32
        %dma_wait3A_253 = tpu.memref_slice %arg10[%dma_wait3A_251, %dma_wait3A_252] : memref<10112x128xf32, #tpu.memory_space<vmem_shared>> -> memref<10112x128xf32, #tpu.memory_space<vmem_shared>>
        tpu.wait_indirect_dma semaphore(%run_scoped3A_233 : memref<!tpu.dma_semaphore, #tpu.memory_space<semaphore_mem>>) src(%dma_wait3A_247 : memref<128x128xf32, #tpu.memory_space<vmem>>) dst(%dma_wait3A_253 : memref<10112x128xf32, #tpu.memory_space<vmem_shared>>)
        tpu.yield
      }) : () -> ()
      %dma_start3A_193 = arith.constant 7 : i32
      %dma_start3A_194 = arith.constant 1 : i32
      %dma_start3A_195 = arith.constant 0 : i32
      %dma_start3A_196 = arith.constant 0 : i32
      %dma_start3A_197 = tpu.memref_slice %arg9[%dma_start3A_194, %dma_start3A_195, %dma_start3A_196] : memref<2x128x128xf32, #tpu.memory_space<vmem>> -> memref<1x128x128xf32, #tpu.memory_space<vmem>>
      %dma_start3A_198 = tpu.memref_squeeze %dma_start3A_197 : memref<1x128x128xf32, #tpu.memory_space<vmem>> -> memref<128x128xf32, #tpu.memory_space<vmem>>
      %dma_start3A_199 = arith.constant 0 : i32
      %dma_start3A_200 = tpu.memref_slice %arg7[%dma_start3A_193, %dma_start3A_199] : memref<8x128xi32, #tpu.memory_space<vmem>> -> memref<1x128xi32, #tpu.memory_space<vmem>>
      %dma_start3A_201 = tpu.memref_squeeze %dma_start3A_200 : memref<1x128xi32, #tpu.memory_space<vmem>> -> memref<128xi32, #tpu.memory_space<vmem>>
      %dma_start3A_202 = arith.constant 0 : i32
      %dma_start3A_203 = arith.constant 0 : i32
      %dma_start3A_204 = tpu.memref_slice %arg2[%dma_start3A_202, %dma_start3A_203] : memref<10000x128xf32, #tpu.memory_space<hbm>> -> memref<10000x128xf32, #tpu.memory_space<hbm>>
      tpu.enqueue_indirect_dma source(%dma_start3A_204 : memref<10000x128xf32, #tpu.memory_space<hbm>>) target(%dma_start3A_198 : memref<128x128xf32, #tpu.memory_space<vmem>>) offsets(%dma_start3A_201 : memref<128xi32, #tpu.memory_space<vmem>>) semaphore(%arg12 : memref<!tpu.dma_semaphore, #tpu.memory_space<semaphore_mem>>)
      %dma_wait3A_205 = arith.constant 6 : i32
      %dma_wait3A_206 = arith.constant 0 : i32
      %dma_wait3A_207 = arith.constant 0 : i32
      %dma_wait3A_208 = arith.constant 0 : i32
      %dma_wait3A_209 = tpu.memref_slice %arg9[%dma_wait3A_206, %dma_wait3A_207, %dma_wait3A_208] : memref<2x128x128xf32, #tpu.memory_space<vmem>> -> memref<1x128x128xf32, #tpu.memory_space<vmem>>
      %dma_wait3A_210 = tpu.memref_squeeze %dma_wait3A_209 : memref<1x128x128xf32, #tpu.memory_space<vmem>> -> memref<128x128xf32, #tpu.memory_space<vmem>>
      %dma_wait3A_211 = arith.constant 0 : i32
      %dma_wait3A_212 = tpu.memref_slice %arg7[%dma_wait3A_205, %dma_wait3A_211] : memref<8x128xi32, #tpu.memory_space<vmem>> -> memref<1x128xi32, #tpu.memory_space<vmem>>
      %dma_wait3A_213 = tpu.memref_squeeze %dma_wait3A_212 : memref<1x128xi32, #tpu.memory_space<vmem>> -> memref<128xi32, #tpu.memory_space<vmem>>
      %dma_wait3A_214 = arith.constant 0 : i32
      %dma_wait3A_215 = arith.constant 0 : i32
      %dma_wait3A_216 = tpu.memref_slice %arg2[%dma_wait3A_214, %dma_wait3A_215] : memref<10000x128xf32, #tpu.memory_space<hbm>> -> memref<10000x128xf32, #tpu.memory_space<hbm>>
      tpu.wait_indirect_dma semaphore(%arg11 : memref<!tpu.dma_semaphore, #tpu.memory_space<semaphore_mem>>) src(%dma_wait3A_216 : memref<10000x128xf32, #tpu.memory_space<hbm>>) dst(%dma_wait3A_210 : memref<128x128xf32, #tpu.memory_space<vmem>>)
      %run_scoped3A_217 = arith.constant 0 : i32
      %run_scoped3A_218 = arith.constant 6 : i32
      "tpu.region"() ({
        %run_scoped3A_233 = tpu.sem_alloc : memref<!tpu.dma_semaphore, #tpu.memory_space<semaphore_mem>>
        %dma_start3A_234 = arith.constant 0 : i32
        %dma_start3A_235 = arith.constant 0 : i32
        %dma_start3A_236 = tpu.memref_slice %arg9[%run_scoped3A_217, %dma_start3A_234, %dma_start3A_235] : memref<2x128x128xf32, #tpu.memory_space<vmem>> -> memref<1x128x128xf32, #tpu.memory_space<vmem>>
        %dma_start3A_237 = tpu.memref_squeeze %dma_start3A_236 : memref<1x128x128xf32, #tpu.memory_space<vmem>> -> memref<128x128xf32, #tpu.memory_space<vmem>>
        %dma_start3A_238 = arith.constant 0 : i32
        %dma_start3A_239 = tpu.memref_slice %arg8[%run_scoped3A_218, %dma_start3A_238] : memref<8x128xi32, #tpu.memory_space<vmem>> -> memref<1x128xi32, #tpu.memory_space<vmem>>
        %dma_start3A_240 = tpu.memref_squeeze %dma_start3A_239 : memref<1x128xi32, #tpu.memory_space<vmem>> -> memref<128xi32, #tpu.memory_space<vmem>>
        %dma_start3A_241 = arith.constant 0 : i32
        %dma_start3A_242 = arith.constant 0 : i32
        %dma_start3A_243 = tpu.memref_slice %arg10[%dma_start3A_241, %dma_start3A_242] : memref<10112x128xf32, #tpu.memory_space<vmem_shared>> -> memref<10112x128xf32, #tpu.memory_space<vmem_shared>>
        tpu.enqueue_indirect_dma source(%dma_start3A_237 : memref<128x128xf32, #tpu.memory_space<vmem>>) target(%dma_start3A_243 : memref<10112x128xf32, #tpu.memory_space<vmem_shared>>) offsets(%dma_start3A_240 : memref<128xi32, #tpu.memory_space<vmem>>) semaphore(%run_scoped3A_233 : memref<!tpu.dma_semaphore, #tpu.memory_space<semaphore_mem>>) {add = true}
        %dma_wait3A_244 = arith.constant 0 : i32
        %dma_wait3A_245 = arith.constant 0 : i32
        %dma_wait3A_246 = tpu.memref_slice %arg9[%run_scoped3A_217, %dma_wait3A_244, %dma_wait3A_245] : memref<2x128x128xf32, #tpu.memory_space<vmem>> -> memref<1x128x128xf32, #tpu.memory_space<vmem>>
        %dma_wait3A_247 = tpu.memref_squeeze %dma_wait3A_246 : memref<1x128x128xf32, #tpu.memory_space<vmem>> -> memref<128x128xf32, #tpu.memory_space<vmem>>
        %dma_wait3A_248 = arith.constant 0 : i32
        %dma_wait3A_249 = tpu.memref_slice %arg8[%run_scoped3A_218, %dma_wait3A_248] : memref<8x128xi32, #tpu.memory_space<vmem>> -> memref<1x128xi32, #tpu.memory_space<vmem>>
        %dma_wait3A_250 = tpu.memref_squeeze %dma_wait3A_249 : memref<1x128xi32, #tpu.memory_space<vmem>> -> memref<128xi32, #tpu.memory_space<vmem>>
        %dma_wait3A_251 = arith.constant 0 : i32
        %dma_wait3A_252 = arith.constant 0 : i32
        %dma_wait3A_253 = tpu.memref_slice %arg10[%dma_wait3A_251, %dma_wait3A_252] : memref<10112x128xf32, #tpu.memory_space<vmem_shared>> -> memref<10112x128xf32, #tpu.memory_space<vmem_shared>>
        tpu.wait_indirect_dma semaphore(%run_scoped3A_233 : memref<!tpu.dma_semaphore, #tpu.memory_space<semaphore_mem>>) src(%dma_wait3A_247 : memref<128x128xf32, #tpu.memory_space<vmem>>) dst(%dma_wait3A_253 : memref<10112x128xf32, #tpu.memory_space<vmem_shared>>)
        tpu.yield
      }) : () -> ()
      %dma_wait3A_219 = arith.constant 7 : i32
      %dma_wait3A_220 = arith.constant 1 : i32
      %dma_wait3A_221 = arith.constant 0 : i32
      %dma_wait3A_222 = arith.constant 0 : i32
      %dma_wait3A_223 = tpu.memref_slice %arg9[%dma_wait3A_220, %dma_wait3A_221, %dma_wait3A_222] : memref<2x128x128xf32, #tpu.memory_space<vmem>> -> memref<1x128x128xf32, #tpu.memory_space<vmem>>
      %dma_wait3A_224 = tpu.memref_squeeze %dma_wait3A_223 : memref<1x128x128xf32, #tpu.memory_space<vmem>> -> memref<128x128xf32, #tpu.memory_space<vmem>>
      %dma_wait3A_225 = arith.constant 0 : i32
      %dma_wait3A_226 = tpu.memref_slice %arg7[%dma_wait3A_219, %dma_wait3A_225] : memref<8x128xi32, #tpu.memory_space<vmem>> -> memref<1x128xi32, #tpu.memory_space<vmem>>
      %dma_wait3A_227 = tpu.memref_squeeze %dma_wait3A_226 : memref<1x128xi32, #tpu.memory_space<vmem>> -> memref<128xi32, #tpu.memory_space<vmem>>
      %dma_wait3A_228 = arith.constant 0 : i32
      %dma_wait3A_229 = arith.constant 0 : i32
      %dma_wait3A_230 = tpu.memref_slice %arg2[%dma_wait3A_228, %dma_wait3A_229] : memref<10000x128xf32, #tpu.memory_space<hbm>> -> memref<10000x128xf32, #tpu.memory_space<hbm>>
      tpu.wait_indirect_dma semaphore(%arg12 : memref<!tpu.dma_semaphore, #tpu.memory_space<semaphore_mem>>) src(%dma_wait3A_230 : memref<10000x128xf32, #tpu.memory_space<hbm>>) dst(%dma_wait3A_224 : memref<128x128xf32, #tpu.memory_space<vmem>>)
      %run_scoped3A_231 = arith.constant 1 : i32
      %run_scoped3A_232 = arith.constant 7 : i32
      "tpu.region"() ({
        %run_scoped3A_233 = tpu.sem_alloc : memref<!tpu.dma_semaphore, #tpu.memory_space<semaphore_mem>>
        %dma_start3A_234 = arith.constant 0 : i32
        %dma_start3A_235 = arith.constant 0 : i32
        %dma_start3A_236 = tpu.memref_slice %arg9[%run_scoped3A_231, %dma_start3A_234, %dma_start3A_235] : memref<2x128x128xf32, #tpu.memory_space<vmem>> -> memref<1x128x128xf32, #tpu.memory_space<vmem>>
        %dma_start3A_237 = tpu.memref_squeeze %dma_start3A_236 : memref<1x128x128xf32, #tpu.memory_space<vmem>> -> memref<128x128xf32, #tpu.memory_space<vmem>>
        %dma_start3A_238 = arith.constant 0 : i32
        %dma_start3A_239 = tpu.memref_slice %arg8[%run_scoped3A_232, %dma_start3A_238] : memref<8x128xi32, #tpu.memory_space<vmem>> -> memref<1x128xi32, #tpu.memory_space<vmem>>
        %dma_start3A_240 = tpu.memref_squeeze %dma_start3A_239 : memref<1x128xi32, #tpu.memory_space<vmem>> -> memref<128xi32, #tpu.memory_space<vmem>>
        %dma_start3A_241 = arith.constant 0 : i32
        %dma_start3A_242 = arith.constant 0 : i32
        %dma_start3A_243 = tpu.memref_slice %arg10[%dma_start3A_241, %dma_start3A_242] : memref<10112x128xf32, #tpu.memory_space<vmem_shared>> -> memref<10112x128xf32, #tpu.memory_space<vmem_shared>>
        tpu.enqueue_indirect_dma source(%dma_start3A_237 : memref<128x128xf32, #tpu.memory_space<vmem>>) target(%dma_start3A_243 : memref<10112x128xf32, #tpu.memory_space<vmem_shared>>) offsets(%dma_start3A_240 : memref<128xi32, #tpu.memory_space<vmem>>) semaphore(%run_scoped3A_233 : memref<!tpu.dma_semaphore, #tpu.memory_space<semaphore_mem>>) {add = true}
        %dma_wait3A_244 = arith.constant 0 : i32
        %dma_wait3A_245 = arith.constant 0 : i32
        %dma_wait3A_246 = tpu.memref_slice %arg9[%run_scoped3A_231, %dma_wait3A_244, %dma_wait3A_245] : memref<2x128x128xf32, #tpu.memory_space<vmem>> -> memref<1x128x128xf32, #tpu.memory_space<vmem>>
        %dma_wait3A_247 = tpu.memref_squeeze %dma_wait3A_246 : memref<1x128x128xf32, #tpu.memory_space<vmem>> -> memref<128x128xf32, #tpu.memory_space<vmem>>
        %dma_wait3A_248 = arith.constant 0 : i32
        %dma_wait3A_249 = tpu.memref_slice %arg8[%run_scoped3A_232, %dma_wait3A_248] : memref<8x128xi32, #tpu.memory_space<vmem>> -> memref<1x128xi32, #tpu.memory_space<vmem>>
        %dma_wait3A_250 = tpu.memref_squeeze %dma_wait3A_249 : memref<1x128xi32, #tpu.memory_space<vmem>> -> memref<128xi32, #tpu.memory_space<vmem>>
        %dma_wait3A_251 = arith.constant 0 : i32
        %dma_wait3A_252 = arith.constant 0 : i32
        %dma_wait3A_253 = tpu.memref_slice %arg10[%dma_wait3A_251, %dma_wait3A_252] : memref<10112x128xf32, #tpu.memory_space<vmem_shared>> -> memref<10112x128xf32, #tpu.memory_space<vmem_shared>>
        tpu.wait_indirect_dma semaphore(%run_scoped3A_233 : memref<!tpu.dma_semaphore, #tpu.memory_space<semaphore_mem>>) src(%dma_wait3A_247 : memref<128x128xf32, #tpu.memory_space<vmem>>) dst(%dma_wait3A_253 : memref<10112x128xf32, #tpu.memory_space<vmem_shared>>)
        tpu.yield
      }) : () -> ()
    }
    %while3A_19 = arith.constant 1 : i32
    scf.for %while3A_21 = %while3A_17 to %while3A_13 step %while3A_19  : i32 {
      %mul3A_22 = arith.constant 8 : i32
      %mul3A_23 = arith.muli %while3A_21, %mul3A_22 : i32
      %add3A_24 = arith.addi %select_n3A, %mul3A_23 : i32
      "tpu.region"() ({
        %run_scoped3A_233 = tpu.sem_alloc : memref<!tpu.dma_semaphore, #tpu.memory_space<semaphore_mem>>
        %dma_start3A_234 = arith.constant 0 : i32
        %dma_start3A_235 = tpu.memref_slice %arg3[%add3A_24, %dma_start3A_234] : memref<2560x128xi32, #tpu.memory_space<hbm>> -> memref<8x128xi32, #tpu.memory_space<hbm>>
        %dma_start3A_236 = arith.constant 0 : i32
        %dma_start3A_237 = tpu.memref_slice %arg3[%add3A_24, %dma_start3A_236] : memref<2560x128xi32, #tpu.memory_space<hbm>> -> memref<8x128xi32, #tpu.memory_space<hbm>>
        tpu.enqueue_dma source(%dma_start3A_237 : memref<8x128xi32, #tpu.memory_space<hbm>>) target(%arg7 : memref<8x128xi32, #tpu.memory_space<vmem>>) target_semaphore(%run_scoped3A_233 : memref<!tpu.dma_semaphore, #tpu.memory_space<semaphore_mem>>)
        %dma_wait3A_238 = arith.constant 0 : i32
        %dma_wait3A_239 = tpu.memref_slice %arg3[%add3A_24, %dma_wait3A_238] : memref<2560x128xi32, #tpu.memory_space<hbm>> -> memref<8x128xi32, #tpu.memory_space<hbm>>
        %dma_wait3A_240 = arith.constant 0 : i32
        %dma_wait3A_241 = tpu.memref_slice %arg3[%add3A_24, %dma_wait3A_240] : memref<2560x128xi32, #tpu.memory_space<hbm>> -> memref<8x128xi32, #tpu.memory_space<hbm>>
        tpu.wait_dma2 semaphore(%run_scoped3A_233 : memref<!tpu.dma_semaphore, #tpu.memory_space<semaphore_mem>>) src(%dma_wait3A_241 : memref<8x128xi32, #tpu.memory_space<hbm>>) dst(%arg7 : memref<8x128xi32, #tpu.memory_space<vmem>>)
        tpu.yield
      }) : () -> ()
      %mul3A_25 = arith.constant 8 : i32
      %mul3A_26 = arith.muli %while3A_21, %mul3A_25 : i32
      %add3A_27 = arith.addi %select_n3A, %mul3A_26 : i32
      "tpu.region"() ({
        %run_scoped3A_233 = tpu.sem_alloc : memref<!tpu.dma_semaphore, #tpu.memory_space<semaphore_mem>>
        %dma_start3A_234 = arith.constant 0 : i32
        %dma_start3A_235 = tpu.memref_slice %arg4[%add3A_27, %dma_start3A_234] : memref<2560x128xi32, #tpu.memory_space<hbm>> -> memref<8x128xi32, #tpu.memory_space<hbm>>
        %dma_start3A_236 = arith.constant 0 : i32
        %dma_start3A_237 = tpu.memref_slice %arg4[%add3A_27, %dma_start3A_236] : memref<2560x128xi32, #tpu.memory_space<hbm>> -> memref<8x128xi32, #tpu.memory_space<hbm>>
        tpu.enqueue_dma source(%dma_start3A_237 : memref<8x128xi32, #tpu.memory_space<hbm>>) target(%arg8 : memref<8x128xi32, #tpu.memory_space<vmem>>) target_semaphore(%run_scoped3A_233 : memref<!tpu.dma_semaphore, #tpu.memory_space<semaphore_mem>>)
        %dma_wait3A_238 = arith.constant 0 : i32
        %dma_wait3A_239 = tpu.memref_slice %arg4[%add3A_27, %dma_wait3A_238] : memref<2560x128xi32, #tpu.memory_space<hbm>> -> memref<8x128xi32, #tpu.memory_space<hbm>>
        %dma_wait3A_240 = arith.constant 0 : i32
        %dma_wait3A_241 = tpu.memref_slice %arg4[%add3A_27, %dma_wait3A_240] : memref<2560x128xi32, #tpu.memory_space<hbm>> -> memref<8x128xi32, #tpu.memory_space<hbm>>
        tpu.wait_dma2 semaphore(%run_scoped3A_233 : memref<!tpu.dma_semaphore, #tpu.memory_space<semaphore_mem>>) src(%dma_wait3A_241 : memref<8x128xi32, #tpu.memory_space<hbm>>) dst(%arg8 : memref<8x128xi32, #tpu.memory_space<vmem>>)
        tpu.yield
      }) : () -> ()
      %dma_start3A = arith.constant 0 : i32
      %dma_start3A_28 = arith.constant 0 : i32
      %dma_start3A_29 = arith.constant 0 : i32
      %dma_start3A_30 = arith.constant 0 : i32
      %dma_start3A_31 = tpu.memref_slice %arg9[%dma_start3A_28, %dma_start3A_29, %dma_start3A_30] : memref<2x128x128xf32, #tpu.memory_space<vmem>> -> memref<1x128x128xf32, #tpu.memory_space<vmem>>
      %dma_start3A_32 = tpu.memref_squeeze %dma_start3A_31 : memref<1x128x128xf32, #tpu.memory_space<vmem>> -> memref<128x128xf32, #tpu.memory_space<vmem>>
      %dma_start3A_33 = arith.constant 0 : i32
      %dma_start3A_34 = tpu.memref_slice %arg7[%dma_start3A, %dma_start3A_33] : memref<8x128xi32, #tpu.memory_space<vmem>> -> memref<1x128xi32, #tpu.memory_space<vmem>>
      %dma_start3A_35 = tpu.memref_squeeze %dma_start3A_34 : memref<1x128xi32, #tpu.memory_space<vmem>> -> memref<128xi32, #tpu.memory_space<vmem>>
      %dma_start3A_36 = arith.constant 0 : i32
      %dma_start3A_37 = arith.constant 0 : i32
      %dma_start3A_38 = tpu.memref_slice %arg2[%dma_start3A_36, %dma_start3A_37] : memref<10000x128xf32, #tpu.memory_space<hbm>> -> memref<10000x128xf32, #tpu.memory_space<hbm>>
      tpu.enqueue_indirect_dma source(%dma_start3A_38 : memref<10000x128xf32, #tpu.memory_space<hbm>>) target(%dma_start3A_32 : memref<128x128xf32, #tpu.memory_space<vmem>>) offsets(%dma_start3A_35 : memref<128xi32, #tpu.memory_space<vmem>>) semaphore(%arg11 : memref<!tpu.dma_semaphore, #tpu.memory_space<semaphore_mem>>)
      %dma_start3A_39 = arith.constant 1 : i32
      %dma_start3A_40 = arith.constant 1 : i32
      %dma_start3A_41 = arith.constant 0 : i32
      %dma_start3A_42 = arith.constant 0 : i32
      %dma_start3A_43 = tpu.memref_slice %arg9[%dma_start3A_40, %dma_start3A_41, %dma_start3A_42] : memref<2x128x128xf32, #tpu.memory_space<vmem>> -> memref<1x128x128xf32, #tpu.memory_space<vmem>>
      %dma_start3A_44 = tpu.memref_squeeze %dma_start3A_43 : memref<1x128x128xf32, #tpu.memory_space<vmem>> -> memref<128x128xf32, #tpu.memory_space<vmem>>
      %dma_start3A_45 = arith.constant 0 : i32
      %dma_start3A_46 = tpu.memref_slice %arg7[%dma_start3A_39, %dma_start3A_45] : memref<8x128xi32, #tpu.memory_space<vmem>> -> memref<1x128xi32, #tpu.memory_space<vmem>>
      %dma_start3A_47 = tpu.memref_squeeze %dma_start3A_46 : memref<1x128xi32, #tpu.memory_space<vmem>> -> memref<128xi32, #tpu.memory_space<vmem>>
      %dma_start3A_48 = arith.constant 0 : i32
      %dma_start3A_49 = arith.constant 0 : i32
      %dma_start3A_50 = tpu.memref_slice %arg2[%dma_start3A_48, %dma_start3A_49] : memref<10000x128xf32, #tpu.memory_space<hbm>> -> memref<10000x128xf32, #tpu.memory_space<hbm>>
      tpu.enqueue_indirect_dma source(%dma_start3A_50 : memref<10000x128xf32, #tpu.memory_space<hbm>>) target(%dma_start3A_44 : memref<128x128xf32, #tpu.memory_space<vmem>>) offsets(%dma_start3A_47 : memref<128xi32, #tpu.memory_space<vmem>>) semaphore(%arg12 : memref<!tpu.dma_semaphore, #tpu.memory_space<semaphore_mem>>)
      %dma_wait3A = arith.constant 0 : i32
      %dma_wait3A_51 = arith.constant 0 : i32
      %dma_wait3A_52 = arith.constant 0 : i32
      %dma_wait3A_53 = arith.constant 0 : i32
      %dma_wait3A_54 = tpu.memref_slice %arg9[%dma_wait3A_51, %dma_wait3A_52, %dma_wait3A_53] : memref<2x128x128xf32, #tpu.memory_space<vmem>> -> memref<1x128x128xf32, #tpu.memory_space<vmem>>
      %dma_wait3A_55 = tpu.memref_squeeze %dma_wait3A_54 : memref<1x128x128xf32, #tpu.memory_space<vmem>> -> memref<128x128xf32, #tpu.memory_space<vmem>>
      %dma_wait3A_56 = arith.constant 0 : i32
      %dma_wait3A_57 = tpu.memref_slice %arg7[%dma_wait3A, %dma_wait3A_56] : memref<8x128xi32, #tpu.memory_space<vmem>> -> memref<1x128xi32, #tpu.memory_space<vmem>>
      %dma_wait3A_58 = tpu.memref_squeeze %dma_wait3A_57 : memref<1x128xi32, #tpu.memory_space<vmem>> -> memref<128xi32, #tpu.memory_space<vmem>>
      %dma_wait3A_59 = arith.constant 0 : i32
      %dma_wait3A_60 = arith.constant 0 : i32
      %dma_wait3A_61 = tpu.memref_slice %arg2[%dma_wait3A_59, %dma_wait3A_60] : memref<10000x128xf32, #tpu.memory_space<hbm>> -> memref<10000x128xf32, #tpu.memory_space<hbm>>
      tpu.wait_indirect_dma semaphore(%arg11 : memref<!tpu.dma_semaphore, #tpu.memory_space<semaphore_mem>>) src(%dma_wait3A_61 : memref<10000x128xf32, #tpu.memory_space<hbm>>) dst(%dma_wait3A_55 : memref<128x128xf32, #tpu.memory_space<vmem>>)
      %run_scoped3A = arith.constant 0 : i32
      %run_scoped3A_62 = arith.constant 0 : i32
      "tpu.region"() ({
        %run_scoped3A_233 = tpu.sem_alloc : memref<!tpu.dma_semaphore, #tpu.memory_space<semaphore_mem>>
        %dma_start3A_234 = arith.constant 0 : i32
        %dma_start3A_235 = arith.constant 0 : i32
        %dma_start3A_236 = tpu.memref_slice %arg9[%run_scoped3A, %dma_start3A_234, %dma_start3A_235] : memref<2x128x128xf32, #tpu.memory_space<vmem>> -> memref<1x128x128xf32, #tpu.memory_space<vmem>>
        %dma_start3A_237 = tpu.memref_squeeze %dma_start3A_236 : memref<1x128x128xf32, #tpu.memory_space<vmem>> -> memref<128x128xf32, #tpu.memory_space<vmem>>
        %dma_start3A_238 = arith.constant 0 : i32
        %dma_start3A_239 = tpu.memref_slice %arg8[%run_scoped3A_62, %dma_start3A_238] : memref<8x128xi32, #tpu.memory_space<vmem>> -> memref<1x128xi32, #tpu.memory_space<vmem>>
        %dma_start3A_240 = tpu.memref_squeeze %dma_start3A_239 : memref<1x128xi32, #tpu.memory_space<vmem>> -> memref<128xi32, #tpu.memory_space<vmem>>
        %dma_start3A_241 = arith.constant 0 : i32
        %dma_start3A_242 = arith.constant 0 : i32
        %dma_start3A_243 = tpu.memref_slice %arg10[%dma_start3A_241, %dma_start3A_242] : memref<10112x128xf32, #tpu.memory_space<vmem_shared>> -> memref<10112x128xf32, #tpu.memory_space<vmem_shared>>
        tpu.enqueue_indirect_dma source(%dma_start3A_237 : memref<128x128xf32, #tpu.memory_space<vmem>>) target(%dma_start3A_243 : memref<10112x128xf32, #tpu.memory_space<vmem_shared>>) offsets(%dma_start3A_240 : memref<128xi32, #tpu.memory_space<vmem>>) semaphore(%run_scoped3A_233 : memref<!tpu.dma_semaphore, #tpu.memory_space<semaphore_mem>>) {add = true}
        %dma_wait3A_244 = arith.constant 0 : i32
        %dma_wait3A_245 = arith.constant 0 : i32
        %dma_wait3A_246 = tpu.memref_slice %arg9[%run_scoped3A, %dma_wait3A_244, %dma_wait3A_245] : memref<2x128x128xf32, #tpu.memory_space<vmem>> -> memref<1x128x128xf32, #tpu.memory_space<vmem>>
        %dma_wait3A_247 = tpu.memref_squeeze %dma_wait3A_246 : memref<1x128x128xf32, #tpu.memory_space<vmem>> -> memref<128x128xf32, #tpu.memory_space<vmem>>
        %dma_wait3A_248 = arith.constant 0 : i32
        %dma_wait3A_249 = tpu.memref_slice %arg8[%run_scoped3A_62, %dma_wait3A_248] : memref<8x128xi32, #tpu.memory_space<vmem>> -> memref<1x128xi32, #tpu.memory_space<vmem>>
        %dma_wait3A_250 = tpu.memref_squeeze %dma_wait3A_249 : memref<1x128xi32, #tpu.memory_space<vmem>> -> memref<128xi32, #tpu.memory_space<vmem>>
        %dma_wait3A_251 = arith.constant 0 : i32
        %dma_wait3A_252 = arith.constant 0 : i32
        %dma_wait3A_253 = tpu.memref_slice %arg10[%dma_wait3A_251, %dma_wait3A_252] : memref<10112x128xf32, #tpu.memory_space<vmem_shared>> -> memref<10112x128xf32, #tpu.memory_space<vmem_shared>>
        tpu.wait_indirect_dma semaphore(%run_scoped3A_233 : memref<!tpu.dma_semaphore, #tpu.memory_space<semaphore_mem>>) src(%dma_wait3A_247 : memref<128x128xf32, #tpu.memory_space<vmem>>) dst(%dma_wait3A_253 : memref<10112x128xf32, #tpu.memory_space<vmem_shared>>)
        tpu.yield
      }) : () -> ()
      %dma_start3A_63 = arith.constant 2 : i32
      %dma_start3A_64 = arith.constant 0 : i32
      %dma_start3A_65 = arith.constant 0 : i32
      %dma_start3A_66 = arith.constant 0 : i32
      %dma_start3A_67 = tpu.memref_slice %arg9[%dma_start3A_64, %dma_start3A_65, %dma_start3A_66] : memref<2x128x128xf32, #tpu.memory_space<vmem>> -> memref<1x128x128xf32, #tpu.memory_space<vmem>>
      %dma_start3A_68 = tpu.memref_squeeze %dma_start3A_67 : memref<1x128x128xf32, #tpu.memory_space<vmem>> -> memref<128x128xf32, #tpu.memory_space<vmem>>
      %dma_start3A_69 = arith.constant 0 : i32
      %dma_start3A_70 = tpu.memref_slice %arg7[%dma_start3A_63, %dma_start3A_69] : memref<8x128xi32, #tpu.memory_space<vmem>> -> memref<1x128xi32, #tpu.memory_space<vmem>>
      %dma_start3A_71 = tpu.memref_squeeze %dma_start3A_70 : memref<1x128xi32, #tpu.memory_space<vmem>> -> memref<128xi32, #tpu.memory_space<vmem>>
      %dma_start3A_72 = arith.constant 0 : i32
      %dma_start3A_73 = arith.constant 0 : i32
      %dma_start3A_74 = tpu.memref_slice %arg2[%dma_start3A_72, %dma_start3A_73] : memref<10000x128xf32, #tpu.memory_space<hbm>> -> memref<10000x128xf32, #tpu.memory_space<hbm>>
      tpu.enqueue_indirect_dma source(%dma_start3A_74 : memref<10000x128xf32, #tpu.memory_space<hbm>>) target(%dma_start3A_68 : memref<128x128xf32, #tpu.memory_space<vmem>>) offsets(%dma_start3A_71 : memref<128xi32, #tpu.memory_space<vmem>>) semaphore(%arg11 : memref<!tpu.dma_semaphore, #tpu.memory_space<semaphore_mem>>)
      %dma_wait3A_75 = arith.constant 1 : i32
      %dma_wait3A_76 = arith.constant 1 : i32
      %dma_wait3A_77 = arith.constant 0 : i32
      %dma_wait3A_78 = arith.constant 0 : i32
      %dma_wait3A_79 = tpu.memref_slice %arg9[%dma_wait3A_76, %dma_wait3A_77, %dma_wait3A_78] : memref<2x128x128xf32, #tpu.memory_space<vmem>> -> memref<1x128x128xf32, #tpu.memory_space<vmem>>
      %dma_wait3A_80 = tpu.memref_squeeze %dma_wait3A_79 : memref<1x128x128xf32, #tpu.memory_space<vmem>> -> memref<128x128xf32, #tpu.memory_space<vmem>>
      %dma_wait3A_81 = arith.constant 0 : i32
      %dma_wait3A_82 = tpu.memref_slice %arg7[%dma_wait3A_75, %dma_wait3A_81] : memref<8x128xi32, #tpu.memory_space<vmem>> -> memref<1x128xi32, #tpu.memory_space<vmem>>
      %dma_wait3A_83 = tpu.memref_squeeze %dma_wait3A_82 : memref<1x128xi32, #tpu.memory_space<vmem>> -> memref<128xi32, #tpu.memory_space<vmem>>
      %dma_wait3A_84 = arith.constant 0 : i32
      %dma_wait3A_85 = arith.constant 0 : i32
      %dma_wait3A_86 = tpu.memref_slice %arg2[%dma_wait3A_84, %dma_wait3A_85] : memref<10000x128xf32, #tpu.memory_space<hbm>> -> memref<10000x128xf32, #tpu.memory_space<hbm>>
      tpu.wait_indirect_dma semaphore(%arg12 : memref<!tpu.dma_semaphore, #tpu.memory_space<semaphore_mem>>) src(%dma_wait3A_86 : memref<10000x128xf32, #tpu.memory_space<hbm>>) dst(%dma_wait3A_80 : memref<128x128xf32, #tpu.memory_space<vmem>>)
      %run_scoped3A_87 = arith.constant 1 : i32
      %run_scoped3A_88 = arith.constant 1 : i32
      "tpu.region"() ({
        %run_scoped3A_233 = tpu.sem_alloc : memref<!tpu.dma_semaphore, #tpu.memory_space<semaphore_mem>>
        %dma_start3A_234 = arith.constant 0 : i32
        %dma_start3A_235 = arith.constant 0 : i32
        %dma_start3A_236 = tpu.memref_slice %arg9[%run_scoped3A_87, %dma_start3A_234, %dma_start3A_235] : memref<2x128x128xf32, #tpu.memory_space<vmem>> -> memref<1x128x128xf32, #tpu.memory_space<vmem>>
        %dma_start3A_237 = tpu.memref_squeeze %dma_start3A_236 : memref<1x128x128xf32, #tpu.memory_space<vmem>> -> memref<128x128xf32, #tpu.memory_space<vmem>>
        %dma_start3A_238 = arith.constant 0 : i32
        %dma_start3A_239 = tpu.memref_slice %arg8[%run_scoped3A_88, %dma_start3A_238] : memref<8x128xi32, #tpu.memory_space<vmem>> -> memref<1x128xi32, #tpu.memory_space<vmem>>
        %dma_start3A_240 = tpu.memref_squeeze %dma_start3A_239 : memref<1x128xi32, #tpu.memory_space<vmem>> -> memref<128xi32, #tpu.memory_space<vmem>>
        %dma_start3A_241 = arith.constant 0 : i32
        %dma_start3A_242 = arith.constant 0 : i32
        %dma_start3A_243 = tpu.memref_slice %arg10[%dma_start3A_241, %dma_start3A_242] : memref<10112x128xf32, #tpu.memory_space<vmem_shared>> -> memref<10112x128xf32, #tpu.memory_space<vmem_shared>>
        tpu.enqueue_indirect_dma source(%dma_start3A_237 : memref<128x128xf32, #tpu.memory_space<vmem>>) target(%dma_start3A_243 : memref<10112x128xf32, #tpu.memory_space<vmem_shared>>) offsets(%dma_start3A_240 : memref<128xi32, #tpu.memory_space<vmem>>) semaphore(%run_scoped3A_233 : memref<!tpu.dma_semaphore, #tpu.memory_space<semaphore_mem>>) {add = true}
        %dma_wait3A_244 = arith.constant 0 : i32
        %dma_wait3A_245 = arith.constant 0 : i32
        %dma_wait3A_246 = tpu.memref_slice %arg9[%run_scoped3A_87, %dma_wait3A_244, %dma_wait3A_245] : memref<2x128x128xf32, #tpu.memory_space<vmem>> -> memref<1x128x128xf32, #tpu.memory_space<vmem>>
        %dma_wait3A_247 = tpu.memref_squeeze %dma_wait3A_246 : memref<1x128x128xf32, #tpu.memory_space<vmem>> -> memref<128x128xf32, #tpu.memory_space<vmem>>
        %dma_wait3A_248 = arith.constant 0 : i32
        %dma_wait3A_249 = tpu.memref_slice %arg8[%run_scoped3A_88, %dma_wait3A_248] : memref<8x128xi32, #tpu.memory_space<vmem>> -> memref<1x128xi32, #tpu.memory_space<vmem>>
        %dma_wait3A_250 = tpu.memref_squeeze %dma_wait3A_249 : memref<1x128xi32, #tpu.memory_space<vmem>> -> memref<128xi32, #tpu.memory_space<vmem>>
        %dma_wait3A_251 = arith.constant 0 : i32
        %dma_wait3A_252 = arith.constant 0 : i32
        %dma_wait3A_253 = tpu.memref_slice %arg10[%dma_wait3A_251, %dma_wait3A_252] : memref<10112x128xf32, #tpu.memory_space<vmem_shared>> -> memref<10112x128xf32, #tpu.memory_space<vmem_shared>>
        tpu.wait_indirect_dma semaphore(%run_scoped3A_233 : memref<!tpu.dma_semaphore, #tpu.memory_space<semaphore_mem>>) src(%dma_wait3A_247 : memref<128x128xf32, #tpu.memory_space<vmem>>) dst(%dma_wait3A_253 : memref<10112x128xf32, #tpu.memory_space<vmem_shared>>)
        tpu.yield
      }) : () -> ()
      %dma_start3A_89 = arith.constant 3 : i32
      %dma_start3A_90 = arith.constant 1 : i32
      %dma_start3A_91 = arith.constant 0 : i32
      %dma_start3A_92 = arith.constant 0 : i32
      %dma_start3A_93 = tpu.memref_slice %arg9[%dma_start3A_90, %dma_start3A_91, %dma_start3A_92] : memref<2x128x128xf32, #tpu.memory_space<vmem>> -> memref<1x128x128xf32, #tpu.memory_space<vmem>>
      %dma_start3A_94 = tpu.memref_squeeze %dma_start3A_93 : memref<1x128x128xf32, #tpu.memory_space<vmem>> -> memref<128x128xf32, #tpu.memory_space<vmem>>
      %dma_start3A_95 = arith.constant 0 : i32
      %dma_start3A_96 = tpu.memref_slice %arg7[%dma_start3A_89, %dma_start3A_95] : memref<8x128xi32, #tpu.memory_space<vmem>> -> memref<1x128xi32, #tpu.memory_space<vmem>>
      %dma_start3A_97 = tpu.memref_squeeze %dma_start3A_96 : memref<1x128xi32, #tpu.memory_space<vmem>> -> memref<128xi32, #tpu.memory_space<vmem>>
      %dma_start3A_98 = arith.constant 0 : i32
      %dma_start3A_99 = arith.constant 0 : i32
      %dma_start3A_100 = tpu.memref_slice %arg2[%dma_start3A_98, %dma_start3A_99] : memref<10000x128xf32, #tpu.memory_space<hbm>> -> memref<10000x128xf32, #tpu.memory_space<hbm>>
      tpu.enqueue_indirect_dma source(%dma_start3A_100 : memref<10000x128xf32, #tpu.memory_space<hbm>>) target(%dma_start3A_94 : memref<128x128xf32, #tpu.memory_space<vmem>>) offsets(%dma_start3A_97 : memref<128xi32, #tpu.memory_space<vmem>>) semaphore(%arg12 : memref<!tpu.dma_semaphore, #tpu.memory_space<semaphore_mem>>)
      %dma_wait3A_101 = arith.constant 2 : i32
      %dma_wait3A_102 = arith.constant 0 : i32
      %dma_wait3A_103 = arith.constant 0 : i32
      %dma_wait3A_104 = arith.constant 0 : i32
      %dma_wait3A_105 = tpu.memref_slice %arg9[%dma_wait3A_102, %dma_wait3A_103, %dma_wait3A_104] : memref<2x128x128xf32, #tpu.memory_space<vmem>> -> memref<1x128x128xf32, #tpu.memory_space<vmem>>
      %dma_wait3A_106 = tpu.memref_squeeze %dma_wait3A_105 : memref<1x128x128xf32, #tpu.memory_space<vmem>> -> memref<128x128xf32, #tpu.memory_space<vmem>>
      %dma_wait3A_107 = arith.constant 0 : i32
      %dma_wait3A_108 = tpu.memref_slice %arg7[%dma_wait3A_101, %dma_wait3A_107] : memref<8x128xi32, #tpu.memory_space<vmem>> -> memref<1x128xi32, #tpu.memory_space<vmem>>
      %dma_wait3A_109 = tpu.memref_squeeze %dma_wait3A_108 : memref<1x128xi32, #tpu.memory_space<vmem>> -> memref<128xi32, #tpu.memory_space<vmem>>
      %dma_wait3A_110 = arith.constant 0 : i32
      %dma_wait3A_111 = arith.constant 0 : i32
      %dma_wait3A_112 = tpu.memref_slice %arg2[%dma_wait3A_110, %dma_wait3A_111] : memref<10000x128xf32, #tpu.memory_space<hbm>> -> memref<10000x128xf32, #tpu.memory_space<hbm>>
      tpu.wait_indirect_dma semaphore(%arg11 : memref<!tpu.dma_semaphore, #tpu.memory_space<semaphore_mem>>) src(%dma_wait3A_112 : memref<10000x128xf32, #tpu.memory_space<hbm>>) dst(%dma_wait3A_106 : memref<128x128xf32, #tpu.memory_space<vmem>>)
      %run_scoped3A_113 = arith.constant 0 : i32
      %run_scoped3A_114 = arith.constant 2 : i32
      "tpu.region"() ({
        %run_scoped3A_233 = tpu.sem_alloc : memref<!tpu.dma_semaphore, #tpu.memory_space<semaphore_mem>>
        %dma_start3A_234 = arith.constant 0 : i32
        %dma_start3A_235 = arith.constant 0 : i32
        %dma_start3A_236 = tpu.memref_slice %arg9[%run_scoped3A_113, %dma_start3A_234, %dma_start3A_235] : memref<2x128x128xf32, #tpu.memory_space<vmem>> -> memref<1x128x128xf32, #tpu.memory_space<vmem>>
        %dma_start3A_237 = tpu.memref_squeeze %dma_start3A_236 : memref<1x128x128xf32, #tpu.memory_space<vmem>> -> memref<128x128xf32, #tpu.memory_space<vmem>>
        %dma_start3A_238 = arith.constant 0 : i32
        %dma_start3A_239 = tpu.memref_slice %arg8[%run_scoped3A_114, %dma_start3A_238] : memref<8x128xi32, #tpu.memory_space<vmem>> -> memref<1x128xi32, #tpu.memory_space<vmem>>
        %dma_start3A_240 = tpu.memref_squeeze %dma_start3A_239 : memref<1x128xi32, #tpu.memory_space<vmem>> -> memref<128xi32, #tpu.memory_space<vmem>>
        %dma_start3A_241 = arith.constant 0 : i32
        %dma_start3A_242 = arith.constant 0 : i32
        %dma_start3A_243 = tpu.memref_slice %arg10[%dma_start3A_241, %dma_start3A_242] : memref<10112x128xf32, #tpu.memory_space<vmem_shared>> -> memref<10112x128xf32, #tpu.memory_space<vmem_shared>>
        tpu.enqueue_indirect_dma source(%dma_start3A_237 : memref<128x128xf32, #tpu.memory_space<vmem>>) target(%dma_start3A_243 : memref<10112x128xf32, #tpu.memory_space<vmem_shared>>) offsets(%dma_start3A_240 : memref<128xi32, #tpu.memory_space<vmem>>) semaphore(%run_scoped3A_233 : memref<!tpu.dma_semaphore, #tpu.memory_space<semaphore_mem>>) {add = true}
        %dma_wait3A_244 = arith.constant 0 : i32
        %dma_wait3A_245 = arith.constant 0 : i32
        %dma_wait3A_246 = tpu.memref_slice %arg9[%run_scoped3A_113, %dma_wait3A_244, %dma_wait3A_245] : memref<2x128x128xf32, #tpu.memory_space<vmem>> -> memref<1x128x128xf32, #tpu.memory_space<vmem>>
        %dma_wait3A_247 = tpu.memref_squeeze %dma_wait3A_246 : memref<1x128x128xf32, #tpu.memory_space<vmem>> -> memref<128x128xf32, #tpu.memory_space<vmem>>
        %dma_wait3A_248 = arith.constant 0 : i32
        %dma_wait3A_249 = tpu.memref_slice %arg8[%run_scoped3A_114, %dma_wait3A_248] : memref<8x128xi32, #tpu.memory_space<vmem>> -> memref<1x128xi32, #tpu.memory_space<vmem>>
        %dma_wait3A_250 = tpu.memref_squeeze %dma_wait3A_249 : memref<1x128xi32, #tpu.memory_space<vmem>> -> memref<128xi32, #tpu.memory_space<vmem>>
        %dma_wait3A_251 = arith.constant 0 : i32
        %dma_wait3A_252 = arith.constant 0 : i32
        %dma_wait3A_253 = tpu.memref_slice %arg10[%dma_wait3A_251, %dma_wait3A_252] : memref<10112x128xf32, #tpu.memory_space<vmem_shared>> -> memref<10112x128xf32, #tpu.memory_space<vmem_shared>>
        tpu.wait_indirect_dma semaphore(%run_scoped3A_233 : memref<!tpu.dma_semaphore, #tpu.memory_space<semaphore_mem>>) src(%dma_wait3A_247 : memref<128x128xf32, #tpu.memory_space<vmem>>) dst(%dma_wait3A_253 : memref<10112x128xf32, #tpu.memory_space<vmem_shared>>)
        tpu.yield
      }) : () -> ()
      %dma_start3A_115 = arith.constant 4 : i32
      %dma_start3A_116 = arith.constant 0 : i32
      %dma_start3A_117 = arith.constant 0 : i32
      %dma_start3A_118 = arith.constant 0 : i32
      %dma_start3A_119 = tpu.memref_slice %arg9[%dma_start3A_116, %dma_start3A_117, %dma_start3A_118] : memref<2x128x128xf32, #tpu.memory_space<vmem>> -> memref<1x128x128xf32, #tpu.memory_space<vmem>>
      %dma_start3A_120 = tpu.memref_squeeze %dma_start3A_119 : memref<1x128x128xf32, #tpu.memory_space<vmem>> -> memref<128x128xf32, #tpu.memory_space<vmem>>
      %dma_start3A_121 = arith.constant 0 : i32
      %dma_start3A_122 = tpu.memref_slice %arg7[%dma_start3A_115, %dma_start3A_121] : memref<8x128xi32, #tpu.memory_space<vmem>> -> memref<1x128xi32, #tpu.memory_space<vmem>>
      %dma_start3A_123 = tpu.memref_squeeze %dma_start3A_122 : memref<1x128xi32, #tpu.memory_space<vmem>> -> memref<128xi32, #tpu.memory_space<vmem>>
      %dma_start3A_124 = arith.constant 0 : i32
      %dma_start3A_125 = arith.constant 0 : i32
      %dma_start3A_126 = tpu.memref_slice %arg2[%dma_start3A_124, %dma_start3A_125] : memref<10000x128xf32, #tpu.memory_space<hbm>> -> memref<10000x128xf32, #tpu.memory_space<hbm>>
      tpu.enqueue_indirect_dma source(%dma_start3A_126 : memref<10000x128xf32, #tpu.memory_space<hbm>>) target(%dma_start3A_120 : memref<128x128xf32, #tpu.memory_space<vmem>>) offsets(%dma_start3A_123 : memref<128xi32, #tpu.memory_space<vmem>>) semaphore(%arg11 : memref<!tpu.dma_semaphore, #tpu.memory_space<semaphore_mem>>)
      %dma_wait3A_127 = arith.constant 3 : i32
      %dma_wait3A_128 = arith.constant 1 : i32
      %dma_wait3A_129 = arith.constant 0 : i32
      %dma_wait3A_130 = arith.constant 0 : i32
      %dma_wait3A_131 = tpu.memref_slice %arg9[%dma_wait3A_128, %dma_wait3A_129, %dma_wait3A_130] : memref<2x128x128xf32, #tpu.memory_space<vmem>> -> memref<1x128x128xf32, #tpu.memory_space<vmem>>
      %dma_wait3A_132 = tpu.memref_squeeze %dma_wait3A_131 : memref<1x128x128xf32, #tpu.memory_space<vmem>> -> memref<128x128xf32, #tpu.memory_space<vmem>>
      %dma_wait3A_133 = arith.constant 0 : i32
      %dma_wait3A_134 = tpu.memref_slice %arg7[%dma_wait3A_127, %dma_wait3A_133] : memref<8x128xi32, #tpu.memory_space<vmem>> -> memref<1x128xi32, #tpu.memory_space<vmem>>
      %dma_wait3A_135 = tpu.memref_squeeze %dma_wait3A_134 : memref<1x128xi32, #tpu.memory_space<vmem>> -> memref<128xi32, #tpu.memory_space<vmem>>
      %dma_wait3A_136 = arith.constant 0 : i32
      %dma_wait3A_137 = arith.constant 0 : i32
      %dma_wait3A_138 = tpu.memref_slice %arg2[%dma_wait3A_136, %dma_wait3A_137] : memref<10000x128xf32, #tpu.memory_space<hbm>> -> memref<10000x128xf32, #tpu.memory_space<hbm>>
      tpu.wait_indirect_dma semaphore(%arg12 : memref<!tpu.dma_semaphore, #tpu.memory_space<semaphore_mem>>) src(%dma_wait3A_138 : memref<10000x128xf32, #tpu.memory_space<hbm>>) dst(%dma_wait3A_132 : memref<128x128xf32, #tpu.memory_space<vmem>>)
      %run_scoped3A_139 = arith.constant 1 : i32
      %run_scoped3A_140 = arith.constant 3 : i32
      "tpu.region"() ({
        %run_scoped3A_233 = tpu.sem_alloc : memref<!tpu.dma_semaphore, #tpu.memory_space<semaphore_mem>>
        %dma_start3A_234 = arith.constant 0 : i32
        %dma_start3A_235 = arith.constant 0 : i32
        %dma_start3A_236 = tpu.memref_slice %arg9[%run_scoped3A_139, %dma_start3A_234, %dma_start3A_235] : memref<2x128x128xf32, #tpu.memory_space<vmem>> -> memref<1x128x128xf32, #tpu.memory_space<vmem>>
        %dma_start3A_237 = tpu.memref_squeeze %dma_start3A_236 : memref<1x128x128xf32, #tpu.memory_space<vmem>> -> memref<128x128xf32, #tpu.memory_space<vmem>>
        %dma_start3A_238 = arith.constant 0 : i32
        %dma_start3A_239 = tpu.memref_slice %arg8[%run_scoped3A_140, %dma_start3A_238] : memref<8x128xi32, #tpu.memory_space<vmem>> -> memref<1x128xi32, #tpu.memory_space<vmem>>
        %dma_start3A_240 = tpu.memref_squeeze %dma_start3A_239 : memref<1x128xi32, #tpu.memory_space<vmem>> -> memref<128xi32, #tpu.memory_space<vmem>>
        %dma_start3A_241 = arith.constant 0 : i32
        %dma_start3A_242 = arith.constant 0 : i32
        %dma_start3A_243 = tpu.memref_slice %arg10[%dma_start3A_241, %dma_start3A_242] : memref<10112x128xf32, #tpu.memory_space<vmem_shared>> -> memref<10112x128xf32, #tpu.memory_space<vmem_shared>>
        tpu.enqueue_indirect_dma source(%dma_start3A_237 : memref<128x128xf32, #tpu.memory_space<vmem>>) target(%dma_start3A_243 : memref<10112x128xf32, #tpu.memory_space<vmem_shared>>) offsets(%dma_start3A_240 : memref<128xi32, #tpu.memory_space<vmem>>) semaphore(%run_scoped3A_233 : memref<!tpu.dma_semaphore, #tpu.memory_space<semaphore_mem>>) {add = true}
        %dma_wait3A_244 = arith.constant 0 : i32
        %dma_wait3A_245 = arith.constant 0 : i32
        %dma_wait3A_246 = tpu.memref_slice %arg9[%run_scoped3A_139, %dma_wait3A_244, %dma_wait3A_245] : memref<2x128x128xf32, #tpu.memory_space<vmem>> -> memref<1x128x128xf32, #tpu.memory_space<vmem>>
        %dma_wait3A_247 = tpu.memref_squeeze %dma_wait3A_246 : memref<1x128x128xf32, #tpu.memory_space<vmem>> -> memref<128x128xf32, #tpu.memory_space<vmem>>
        %dma_wait3A_248 = arith.constant 0 : i32
        %dma_wait3A_249 = tpu.memref_slice %arg8[%run_scoped3A_140, %dma_wait3A_248] : memref<8x128xi32, #tpu.memory_space<vmem>> -> memref<1x128xi32, #tpu.memory_space<vmem>>
        %dma_wait3A_250 = tpu.memref_squeeze %dma_wait3A_249 : memref<1x128xi32, #tpu.memory_space<vmem>> -> memref<128xi32, #tpu.memory_space<vmem>>
        %dma_wait3A_251 = arith.constant 0 : i32
        %dma_wait3A_252 = arith.constant 0 : i32
        %dma_wait3A_253 = tpu.memref_slice %arg10[%dma_wait3A_251, %dma_wait3A_252] : memref<10112x128xf32, #tpu.memory_space<vmem_shared>> -> memref<10112x128xf32, #tpu.memory_space<vmem_shared>>
        tpu.wait_indirect_dma semaphore(%run_scoped3A_233 : memref<!tpu.dma_semaphore, #tpu.memory_space<semaphore_mem>>) src(%dma_wait3A_247 : memref<128x128xf32, #tpu.memory_space<vmem>>) dst(%dma_wait3A_253 : memref<10112x128xf32, #tpu.memory_space<vmem_shared>>)
        tpu.yield
      }) : () -> ()
      %dma_start3A_141 = arith.constant 5 : i32
      %dma_start3A_142 = arith.constant 1 : i32
      %dma_start3A_143 = arith.constant 0 : i32
      %dma_start3A_144 = arith.constant 0 : i32
      %dma_start3A_145 = tpu.memref_slice %arg9[%dma_start3A_142, %dma_start3A_143, %dma_start3A_144] : memref<2x128x128xf32, #tpu.memory_space<vmem>> -> memref<1x128x128xf32, #tpu.memory_space<vmem>>
      %dma_start3A_146 = tpu.memref_squeeze %dma_start3A_145 : memref<1x128x128xf32, #tpu.memory_space<vmem>> -> memref<128x128xf32, #tpu.memory_space<vmem>>
      %dma_start3A_147 = arith.constant 0 : i32
      %dma_start3A_148 = tpu.memref_slice %arg7[%dma_start3A_141, %dma_start3A_147] : memref<8x128xi32, #tpu.memory_space<vmem>> -> memref<1x128xi32, #tpu.memory_space<vmem>>
      %dma_start3A_149 = tpu.memref_squeeze %dma_start3A_148 : memref<1x128xi32, #tpu.memory_space<vmem>> -> memref<128xi32, #tpu.memory_space<vmem>>
      %dma_start3A_150 = arith.constant 0 : i32
      %dma_start3A_151 = arith.constant 0 : i32
      %dma_start3A_152 = tpu.memref_slice %arg2[%dma_start3A_150, %dma_start3A_151] : memref<10000x128xf32, #tpu.memory_space<hbm>> -> memref<10000x128xf32, #tpu.memory_space<hbm>>
      tpu.enqueue_indirect_dma source(%dma_start3A_152 : memref<10000x128xf32, #tpu.memory_space<hbm>>) target(%dma_start3A_146 : memref<128x128xf32, #tpu.memory_space<vmem>>) offsets(%dma_start3A_149 : memref<128xi32, #tpu.memory_space<vmem>>) semaphore(%arg12 : memref<!tpu.dma_semaphore, #tpu.memory_space<semaphore_mem>>)
      %dma_wait3A_153 = arith.constant 4 : i32
      %dma_wait3A_154 = arith.constant 0 : i32
      %dma_wait3A_155 = arith.constant 0 : i32
      %dma_wait3A_156 = arith.constant 0 : i32
      %dma_wait3A_157 = tpu.memref_slice %arg9[%dma_wait3A_154, %dma_wait3A_155, %dma_wait3A_156] : memref<2x128x128xf32, #tpu.memory_space<vmem>> -> memref<1x128x128xf32, #tpu.memory_space<vmem>>
      %dma_wait3A_158 = tpu.memref_squeeze %dma_wait3A_157 : memref<1x128x128xf32, #tpu.memory_space<vmem>> -> memref<128x128xf32, #tpu.memory_space<vmem>>
      %dma_wait3A_159 = arith.constant 0 : i32
      %dma_wait3A_160 = tpu.memref_slice %arg7[%dma_wait3A_153, %dma_wait3A_159] : memref<8x128xi32, #tpu.memory_space<vmem>> -> memref<1x128xi32, #tpu.memory_space<vmem>>
      %dma_wait3A_161 = tpu.memref_squeeze %dma_wait3A_160 : memref<1x128xi32, #tpu.memory_space<vmem>> -> memref<128xi32, #tpu.memory_space<vmem>>
      %dma_wait3A_162 = arith.constant 0 : i32
      %dma_wait3A_163 = arith.constant 0 : i32
      %dma_wait3A_164 = tpu.memref_slice %arg2[%dma_wait3A_162, %dma_wait3A_163] : memref<10000x128xf32, #tpu.memory_space<hbm>> -> memref<10000x128xf32, #tpu.memory_space<hbm>>
      tpu.wait_indirect_dma semaphore(%arg11 : memref<!tpu.dma_semaphore, #tpu.memory_space<semaphore_mem>>) src(%dma_wait3A_164 : memref<10000x128xf32, #tpu.memory_space<hbm>>) dst(%dma_wait3A_158 : memref<128x128xf32, #tpu.memory_space<vmem>>)
      %run_scoped3A_165 = arith.constant 0 : i32
      %run_scoped3A_166 = arith.constant 4 : i32
      "tpu.region"() ({
        %run_scoped3A_233 = tpu.sem_alloc : memref<!tpu.dma_semaphore, #tpu.memory_space<semaphore_mem>>
        %dma_start3A_234 = arith.constant 0 : i32
        %dma_start3A_235 = arith.constant 0 : i32
        %dma_start3A_236 = tpu.memref_slice %arg9[%run_scoped3A_165, %dma_start3A_234, %dma_start3A_235] : memref<2x128x128xf32, #tpu.memory_space<vmem>> -> memref<1x128x128xf32, #tpu.memory_space<vmem>>
        %dma_start3A_237 = tpu.memref_squeeze %dma_start3A_236 : memref<1x128x128xf32, #tpu.memory_space<vmem>> -> memref<128x128xf32, #tpu.memory_space<vmem>>
        %dma_start3A_238 = arith.constant 0 : i32
        %dma_start3A_239 = tpu.memref_slice %arg8[%run_scoped3A_166, %dma_start3A_238] : memref<8x128xi32, #tpu.memory_space<vmem>> -> memref<1x128xi32, #tpu.memory_space<vmem>>
        %dma_start3A_240 = tpu.memref_squeeze %dma_start3A_239 : memref<1x128xi32, #tpu.memory_space<vmem>> -> memref<128xi32, #tpu.memory_space<vmem>>
        %dma_start3A_241 = arith.constant 0 : i32
        %dma_start3A_242 = arith.constant 0 : i32
        %dma_start3A_243 = tpu.memref_slice %arg10[%dma_start3A_241, %dma_start3A_242] : memref<10112x128xf32, #tpu.memory_space<vmem_shared>> -> memref<10112x128xf32, #tpu.memory_space<vmem_shared>>
        tpu.enqueue_indirect_dma source(%dma_start3A_237 : memref<128x128xf32, #tpu.memory_space<vmem>>) target(%dma_start3A_243 : memref<10112x128xf32, #tpu.memory_space<vmem_shared>>) offsets(%dma_start3A_240 : memref<128xi32, #tpu.memory_space<vmem>>) semaphore(%run_scoped3A_233 : memref<!tpu.dma_semaphore, #tpu.memory_space<semaphore_mem>>) {add = true}
        %dma_wait3A_244 = arith.constant 0 : i32
        %dma_wait3A_245 = arith.constant 0 : i32
        %dma_wait3A_246 = tpu.memref_slice %arg9[%run_scoped3A_165, %dma_wait3A_244, %dma_wait3A_245] : memref<2x128x128xf32, #tpu.memory_space<vmem>> -> memref<1x128x128xf32, #tpu.memory_space<vmem>>
        %dma_wait3A_247 = tpu.memref_squeeze %dma_wait3A_246 : memref<1x128x128xf32, #tpu.memory_space<vmem>> -> memref<128x128xf32, #tpu.memory_space<vmem>>
        %dma_wait3A_248 = arith.constant 0 : i32
        %dma_wait3A_249 = tpu.memref_slice %arg8[%run_scoped3A_166, %dma_wait3A_248] : memref<8x128xi32, #tpu.memory_space<vmem>> -> memref<1x128xi32, #tpu.memory_space<vmem>>
        %dma_wait3A_250 = tpu.memref_squeeze %dma_wait3A_249 : memref<1x128xi32, #tpu.memory_space<vmem>> -> memref<128xi32, #tpu.memory_space<vmem>>
        %dma_wait3A_251 = arith.constant 0 : i32
        %dma_wait3A_252 = arith.constant 0 : i32
        %dma_wait3A_253 = tpu.memref_slice %arg10[%dma_wait3A_251, %dma_wait3A_252] : memref<10112x128xf32, #tpu.memory_space<vmem_shared>> -> memref<10112x128xf32, #tpu.memory_space<vmem_shared>>
        tpu.wait_indirect_dma semaphore(%run_scoped3A_233 : memref<!tpu.dma_semaphore, #tpu.memory_space<semaphore_mem>>) src(%dma_wait3A_247 : memref<128x128xf32, #tpu.memory_space<vmem>>) dst(%dma_wait3A_253 : memref<10112x128xf32, #tpu.memory_space<vmem_shared>>)
        tpu.yield
      }) : () -> ()
      %dma_start3A_167 = arith.constant 6 : i32
      %dma_start3A_168 = arith.constant 0 : i32
      %dma_start3A_169 = arith.constant 0 : i32
      %dma_start3A_170 = arith.constant 0 : i32
      %dma_start3A_171 = tpu.memref_slice %arg9[%dma_start3A_168, %dma_start3A_169, %dma_start3A_170] : memref<2x128x128xf32, #tpu.memory_space<vmem>> -> memref<1x128x128xf32, #tpu.memory_space<vmem>>
      %dma_start3A_172 = tpu.memref_squeeze %dma_start3A_171 : memref<1x128x128xf32, #tpu.memory_space<vmem>> -> memref<128x128xf32, #tpu.memory_space<vmem>>
      %dma_start3A_173 = arith.constant 0 : i32
      %dma_start3A_174 = tpu.memref_slice %arg7[%dma_start3A_167, %dma_start3A_173] : memref<8x128xi32, #tpu.memory_space<vmem>> -> memref<1x128xi32, #tpu.memory_space<vmem>>
      %dma_start3A_175 = tpu.memref_squeeze %dma_start3A_174 : memref<1x128xi32, #tpu.memory_space<vmem>> -> memref<128xi32, #tpu.memory_space<vmem>>
      %dma_start3A_176 = arith.constant 0 : i32
      %dma_start3A_177 = arith.constant 0 : i32
      %dma_start3A_178 = tpu.memref_slice %arg2[%dma_start3A_176, %dma_start3A_177] : memref<10000x128xf32, #tpu.memory_space<hbm>> -> memref<10000x128xf32, #tpu.memory_space<hbm>>
      tpu.enqueue_indirect_dma source(%dma_start3A_178 : memref<10000x128xf32, #tpu.memory_space<hbm>>) target(%dma_start3A_172 : memref<128x128xf32, #tpu.memory_space<vmem>>) offsets(%dma_start3A_175 : memref<128xi32, #tpu.memory_space<vmem>>) semaphore(%arg11 : memref<!tpu.dma_semaphore, #tpu.memory_space<semaphore_mem>>)
      %dma_wait3A_179 = arith.constant 5 : i32
      %dma_wait3A_180 = arith.constant 1 : i32
      %dma_wait3A_181 = arith.constant 0 : i32
      %dma_wait3A_182 = arith.constant 0 : i32
      %dma_wait3A_183 = tpu.memref_slice %arg9[%dma_wait3A_180, %dma_wait3A_181, %dma_wait3A_182] : memref<2x128x128xf32, #tpu.memory_space<vmem>> -> memref<1x128x128xf32, #tpu.memory_space<vmem>>
      %dma_wait3A_184 = tpu.memref_squeeze %dma_wait3A_183 : memref<1x128x128xf32, #tpu.memory_space<vmem>> -> memref<128x128xf32, #tpu.memory_space<vmem>>
      %dma_wait3A_185 = arith.constant 0 : i32
      %dma_wait3A_186 = tpu.memref_slice %arg7[%dma_wait3A_179, %dma_wait3A_185] : memref<8x128xi32, #tpu.memory_space<vmem>> -> memref<1x128xi32, #tpu.memory_space<vmem>>
      %dma_wait3A_187 = tpu.memref_squeeze %dma_wait3A_186 : memref<1x128xi32, #tpu.memory_space<vmem>> -> memref<128xi32, #tpu.memory_space<vmem>>
      %dma_wait3A_188 = arith.constant 0 : i32
      %dma_wait3A_189 = arith.constant 0 : i32
      %dma_wait3A_190 = tpu.memref_slice %arg2[%dma_wait3A_188, %dma_wait3A_189] : memref<10000x128xf32, #tpu.memory_space<hbm>> -> memref<10000x128xf32, #tpu.memory_space<hbm>>
      tpu.wait_indirect_dma semaphore(%arg12 : memref<!tpu.dma_semaphore, #tpu.memory_space<semaphore_mem>>) src(%dma_wait3A_190 : memref<10000x128xf32, #tpu.memory_space<hbm>>) dst(%dma_wait3A_184 : memref<128x128xf32, #tpu.memory_space<vmem>>)
      %run_scoped3A_191 = arith.constant 1 : i32
      %run_scoped3A_192 = arith.constant 5 : i32
      "tpu.region"() ({
        %run_scoped3A_233 = tpu.sem_alloc : memref<!tpu.dma_semaphore, #tpu.memory_space<semaphore_mem>>
        %dma_start3A_234 = arith.constant 0 : i32
        %dma_start3A_235 = arith.constant 0 : i32
        %dma_start3A_236 = tpu.memref_slice %arg9[%run_scoped3A_191, %dma_start3A_234, %dma_start3A_235] : memref<2x128x128xf32, #tpu.memory_space<vmem>> -> memref<1x128x128xf32, #tpu.memory_space<vmem>>
        %dma_start3A_237 = tpu.memref_squeeze %dma_start3A_236 : memref<1x128x128xf32, #tpu.memory_space<vmem>> -> memref<128x128xf32, #tpu.memory_space<vmem>>
        %dma_start3A_238 = arith.constant 0 : i32
        %dma_start3A_239 = tpu.memref_slice %arg8[%run_scoped3A_192, %dma_start3A_238] : memref<8x128xi32, #tpu.memory_space<vmem>> -> memref<1x128xi32, #tpu.memory_space<vmem>>
        %dma_start3A_240 = tpu.memref_squeeze %dma_start3A_239 : memref<1x128xi32, #tpu.memory_space<vmem>> -> memref<128xi32, #tpu.memory_space<vmem>>
        %dma_start3A_241 = arith.constant 0 : i32
        %dma_start3A_242 = arith.constant 0 : i32
        %dma_start3A_243 = tpu.memref_slice %arg10[%dma_start3A_241, %dma_start3A_242] : memref<10112x128xf32, #tpu.memory_space<vmem_shared>> -> memref<10112x128xf32, #tpu.memory_space<vmem_shared>>
        tpu.enqueue_indirect_dma source(%dma_start3A_237 : memref<128x128xf32, #tpu.memory_space<vmem>>) target(%dma_start3A_243 : memref<10112x128xf32, #tpu.memory_space<vmem_shared>>) offsets(%dma_start3A_240 : memref<128xi32, #tpu.memory_space<vmem>>) semaphore(%run_scoped3A_233 : memref<!tpu.dma_semaphore, #tpu.memory_space<semaphore_mem>>) {add = true}
        %dma_wait3A_244 = arith.constant 0 : i32
        %dma_wait3A_245 = arith.constant 0 : i32
        %dma_wait3A_246 = tpu.memref_slice %arg9[%run_scoped3A_191, %dma_wait3A_244, %dma_wait3A_245] : memref<2x128x128xf32, #tpu.memory_space<vmem>> -> memref<1x128x128xf32, #tpu.memory_space<vmem>>
        %dma_wait3A_247 = tpu.memref_squeeze %dma_wait3A_246 : memref<1x128x128xf32, #tpu.memory_space<vmem>> -> memref<128x128xf32, #tpu.memory_space<vmem>>
        %dma_wait3A_248 = arith.constant 0 : i32
        %dma_wait3A_249 = tpu.memref_slice %arg8[%run_scoped3A_192, %dma_wait3A_248] : memref<8x128xi32, #tpu.memory_space<vmem>> -> memref<1x128xi32, #tpu.memory_space<vmem>>
        %dma_wait3A_250 = tpu.memref_squeeze %dma_wait3A_249 : memref<1x128xi32, #tpu.memory_space<vmem>> -> memref<128xi32, #tpu.memory_space<vmem>>
        %dma_wait3A_251 = arith.constant 0 : i32
        %dma_wait3A_252 = arith.constant 0 : i32
        %dma_wait3A_253 = tpu.memref_slice %arg10[%dma_wait3A_251, %dma_wait3A_252] : memref<10112x128xf32, #tpu.memory_space<vmem_shared>> -> memref<10112x128xf32, #tpu.memory_space<vmem_shared>>
        tpu.wait_indirect_dma semaphore(%run_scoped3A_233 : memref<!tpu.dma_semaphore, #tpu.memory_space<semaphore_mem>>) src(%dma_wait3A_247 : memref<128x128xf32, #tpu.memory_space<vmem>>) dst(%dma_wait3A_253 : memref<10112x128xf32, #tpu.memory_space<vmem_shared>>)
        tpu.yield
      }) : () -> ()
      %dma_start3A_193 = arith.constant 7 : i32
      %dma_start3A_194 = arith.constant 1 : i32
      %dma_start3A_195 = arith.constant 0 : i32
      %dma_start3A_196 = arith.constant 0 : i32
      %dma_start3A_197 = tpu.memref_slice %arg9[%dma_start3A_194, %dma_start3A_195, %dma_start3A_196] : memref<2x128x128xf32, #tpu.memory_space<vmem>> -> memref<1x128x128xf32, #tpu.memory_space<vmem>>
      %dma_start3A_198 = tpu.memref_squeeze %dma_start3A_197 : memref<1x128x128xf32, #tpu.memory_space<vmem>> -> memref<128x128xf32, #tpu.memory_space<vmem>>
      %dma_start3A_199 = arith.constant 0 : i32
      %dma_start3A_200 = tpu.memref_slice %arg7[%dma_start3A_193, %dma_start3A_199] : memref<8x128xi32, #tpu.memory_space<vmem>> -> memref<1x128xi32, #tpu.memory_space<vmem>>
      %dma_start3A_201 = tpu.memref_squeeze %dma_start3A_200 : memref<1x128xi32, #tpu.memory_space<vmem>> -> memref<128xi32, #tpu.memory_space<vmem>>
      %dma_start3A_202 = arith.constant 0 : i32
      %dma_start3A_203 = arith.constant 0 : i32
      %dma_start3A_204 = tpu.memref_slice %arg2[%dma_start3A_202, %dma_start3A_203] : memref<10000x128xf32, #tpu.memory_space<hbm>> -> memref<10000x128xf32, #tpu.memory_space<hbm>>
      tpu.enqueue_indirect_dma source(%dma_start3A_204 : memref<10000x128xf32, #tpu.memory_space<hbm>>) target(%dma_start3A_198 : memref<128x128xf32, #tpu.memory_space<vmem>>) offsets(%dma_start3A_201 : memref<128xi32, #tpu.memory_space<vmem>>) semaphore(%arg12 : memref<!tpu.dma_semaphore, #tpu.memory_space<semaphore_mem>>)
      %dma_wait3A_205 = arith.constant 6 : i32
      %dma_wait3A_206 = arith.constant 0 : i32
      %dma_wait3A_207 = arith.constant 0 : i32
      %dma_wait3A_208 = arith.constant 0 : i32
      %dma_wait3A_209 = tpu.memref_slice %arg9[%dma_wait3A_206, %dma_wait3A_207, %dma_wait3A_208] : memref<2x128x128xf32, #tpu.memory_space<vmem>> -> memref<1x128x128xf32, #tpu.memory_space<vmem>>
      %dma_wait3A_210 = tpu.memref_squeeze %dma_wait3A_209 : memref<1x128x128xf32, #tpu.memory_space<vmem>> -> memref<128x128xf32, #tpu.memory_space<vmem>>
      %dma_wait3A_211 = arith.constant 0 : i32
      %dma_wait3A_212 = tpu.memref_slice %arg7[%dma_wait3A_205, %dma_wait3A_211] : memref<8x128xi32, #tpu.memory_space<vmem>> -> memref<1x128xi32, #tpu.memory_space<vmem>>
      %dma_wait3A_213 = tpu.memref_squeeze %dma_wait3A_212 : memref<1x128xi32, #tpu.memory_space<vmem>> -> memref<128xi32, #tpu.memory_space<vmem>>
      %dma_wait3A_214 = arith.constant 0 : i32
      %dma_wait3A_215 = arith.constant 0 : i32
      %dma_wait3A_216 = tpu.memref_slice %arg2[%dma_wait3A_214, %dma_wait3A_215] : memref<10000x128xf32, #tpu.memory_space<hbm>> -> memref<10000x128xf32, #tpu.memory_space<hbm>>
      tpu.wait_indirect_dma semaphore(%arg11 : memref<!tpu.dma_semaphore, #tpu.memory_space<semaphore_mem>>) src(%dma_wait3A_216 : memref<10000x128xf32, #tpu.memory_space<hbm>>) dst(%dma_wait3A_210 : memref<128x128xf32, #tpu.memory_space<vmem>>)
      %run_scoped3A_217 = arith.constant 0 : i32
      %run_scoped3A_218 = arith.constant 6 : i32
      "tpu.region"() ({
        %run_scoped3A_233 = tpu.sem_alloc : memref<!tpu.dma_semaphore, #tpu.memory_space<semaphore_mem>>
        %dma_start3A_234 = arith.constant 0 : i32
        %dma_start3A_235 = arith.constant 0 : i32
        %dma_start3A_236 = tpu.memref_slice %arg9[%run_scoped3A_217, %dma_start3A_234, %dma_start3A_235] : memref<2x128x128xf32, #tpu.memory_space<vmem>> -> memref<1x128x128xf32, #tpu.memory_space<vmem>>
        %dma_start3A_237 = tpu.memref_squeeze %dma_start3A_236 : memref<1x128x128xf32, #tpu.memory_space<vmem>> -> memref<128x128xf32, #tpu.memory_space<vmem>>
        %dma_start3A_238 = arith.constant 0 : i32
        %dma_start3A_239 = tpu.memref_slice %arg8[%run_scoped3A_218, %dma_start3A_238] : memref<8x128xi32, #tpu.memory_space<vmem>> -> memref<1x128xi32, #tpu.memory_space<vmem>>
        %dma_start3A_240 = tpu.memref_squeeze %dma_start3A_239 : memref<1x128xi32, #tpu.memory_space<vmem>> -> memref<128xi32, #tpu.memory_space<vmem>>
        %dma_start3A_241 = arith.constant 0 : i32
        %dma_start3A_242 = arith.constant 0 : i32
        %dma_start3A_243 = tpu.memref_slice %arg10[%dma_start3A_241, %dma_start3A_242] : memref<10112x128xf32, #tpu.memory_space<vmem_shared>> -> memref<10112x128xf32, #tpu.memory_space<vmem_shared>>
        tpu.enqueue_indirect_dma source(%dma_start3A_237 : memref<128x128xf32, #tpu.memory_space<vmem>>) target(%dma_start3A_243 : memref<10112x128xf32, #tpu.memory_space<vmem_shared>>) offsets(%dma_start3A_240 : memref<128xi32, #tpu.memory_space<vmem>>) semaphore(%run_scoped3A_233 : memref<!tpu.dma_semaphore, #tpu.memory_space<semaphore_mem>>) {add = true}
        %dma_wait3A_244 = arith.constant 0 : i32
        %dma_wait3A_245 = arith.constant 0 : i32
        %dma_wait3A_246 = tpu.memref_slice %arg9[%run_scoped3A_217, %dma_wait3A_244, %dma_wait3A_245] : memref<2x128x128xf32, #tpu.memory_space<vmem>> -> memref<1x128x128xf32, #tpu.memory_space<vmem>>
        %dma_wait3A_247 = tpu.memref_squeeze %dma_wait3A_246 : memref<1x128x128xf32, #tpu.memory_space<vmem>> -> memref<128x128xf32, #tpu.memory_space<vmem>>
        %dma_wait3A_248 = arith.constant 0 : i32
        %dma_wait3A_249 = tpu.memref_slice %arg8[%run_scoped3A_218, %dma_wait3A_248] : memref<8x128xi32, #tpu.memory_space<vmem>> -> memref<1x128xi32, #tpu.memory_space<vmem>>
        %dma_wait3A_250 = tpu.memref_squeeze %dma_wait3A_249 : memref<1x128xi32, #tpu.memory_space<vmem>> -> memref<128xi32, #tpu.memory_space<vmem>>
        %dma_wait3A_251 = arith.constant 0 : i32
        %dma_wait3A_252 = arith.constant 0 : i32
        %dma_wait3A_253 = tpu.memref_slice %arg10[%dma_wait3A_251, %dma_wait3A_252] : memref<10112x128xf32, #tpu.memory_space<vmem_shared>> -> memref<10112x128xf32, #tpu.memory_space<vmem_shared>>
        tpu.wait_indirect_dma semaphore(%run_scoped3A_233 : memref<!tpu.dma_semaphore, #tpu.memory_space<semaphore_mem>>) src(%dma_wait3A_247 : memref<128x128xf32, #tpu.memory_space<vmem>>) dst(%dma_wait3A_253 : memref<10112x128xf32, #tpu.memory_space<vmem_shared>>)
        tpu.yield
      }) : () -> ()
      %dma_wait3A_219 = arith.constant 7 : i32
      %dma_wait3A_220 = arith.constant 1 : i32
      %dma_wait3A_221 = arith.constant 0 : i32
      %dma_wait3A_222 = arith.constant 0 : i32
      %dma_wait3A_223 = tpu.memref_slice %arg9[%dma_wait3A_220, %dma_wait3A_221, %dma_wait3A_222] : memref<2x128x128xf32, #tpu.memory_space<vmem>> -> memref<1x128x128xf32, #tpu.memory_space<vmem>>
      %dma_wait3A_224 = tpu.memref_squeeze %dma_wait3A_223 : memref<1x128x128xf32, #tpu.memory_space<vmem>> -> memref<128x128xf32, #tpu.memory_space<vmem>>
      %dma_wait3A_225 = arith.constant 0 : i32
      %dma_wait3A_226 = tpu.memref_slice %arg7[%dma_wait3A_219, %dma_wait3A_225] : memref<8x128xi32, #tpu.memory_space<vmem>> -> memref<1x128xi32, #tpu.memory_space<vmem>>
      %dma_wait3A_227 = tpu.memref_squeeze %dma_wait3A_226 : memref<1x128xi32, #tpu.memory_space<vmem>> -> memref<128xi32, #tpu.memory_space<vmem>>
      %dma_wait3A_228 = arith.constant 0 : i32
      %dma_wait3A_229 = arith.constant 0 : i32
      %dma_wait3A_230 = tpu.memref_slice %arg2[%dma_wait3A_228, %dma_wait3A_229] : memref<10000x128xf32, #tpu.memory_space<hbm>> -> memref<10000x128xf32, #tpu.memory_space<hbm>>
      tpu.wait_indirect_dma semaphore(%arg12 : memref<!tpu.dma_semaphore, #tpu.memory_space<semaphore_mem>>) src(%dma_wait3A_230 : memref<10000x128xf32, #tpu.memory_space<hbm>>) dst(%dma_wait3A_224 : memref<128x128xf32, #tpu.memory_space<vmem>>)
      %run_scoped3A_231 = arith.constant 1 : i32
      %run_scoped3A_232 = arith.constant 7 : i32
      "tpu.region"() ({
        %run_scoped3A_233 = tpu.sem_alloc : memref<!tpu.dma_semaphore, #tpu.memory_space<semaphore_mem>>
        %dma_start3A_234 = arith.constant 0 : i32
        %dma_start3A_235 = arith.constant 0 : i32
        %dma_start3A_236 = tpu.memref_slice %arg9[%run_scoped3A_231, %dma_start3A_234, %dma_start3A_235] : memref<2x128x128xf32, #tpu.memory_space<vmem>> -> memref<1x128x128xf32, #tpu.memory_space<vmem>>
        %dma_start3A_237 = tpu.memref_squeeze %dma_start3A_236 : memref<1x128x128xf32, #tpu.memory_space<vmem>> -> memref<128x128xf32, #tpu.memory_space<vmem>>
        %dma_start3A_238 = arith.constant 0 : i32
        %dma_start3A_239 = tpu.memref_slice %arg8[%run_scoped3A_232, %dma_start3A_238] : memref<8x128xi32, #tpu.memory_space<vmem>> -> memref<1x128xi32, #tpu.memory_space<vmem>>
        %dma_start3A_240 = tpu.memref_squeeze %dma_start3A_239 : memref<1x128xi32, #tpu.memory_space<vmem>> -> memref<128xi32, #tpu.memory_space<vmem>>
        %dma_start3A_241 = arith.constant 0 : i32
        %dma_start3A_242 = arith.constant 0 : i32
        %dma_start3A_243 = tpu.memref_slice %arg10[%dma_start3A_241, %dma_start3A_242] : memref<10112x128xf32, #tpu.memory_space<vmem_shared>> -> memref<10112x128xf32, #tpu.memory_space<vmem_shared>>
        tpu.enqueue_indirect_dma source(%dma_start3A_237 : memref<128x128xf32, #tpu.memory_space<vmem>>) target(%dma_start3A_243 : memref<10112x128xf32, #tpu.memory_space<vmem_shared>>) offsets(%dma_start3A_240 : memref<128xi32, #tpu.memory_space<vmem>>) semaphore(%run_scoped3A_233 : memref<!tpu.dma_semaphore, #tpu.memory_space<semaphore_mem>>) {add = true}
        %dma_wait3A_244 = arith.constant 0 : i32
        %dma_wait3A_245 = arith.constant 0 : i32
        %dma_wait3A_246 = tpu.memref_slice %arg9[%run_scoped3A_231, %dma_wait3A_244, %dma_wait3A_245] : memref<2x128x128xf32, #tpu.memory_space<vmem>> -> memref<1x128x128xf32, #tpu.memory_space<vmem>>
        %dma_wait3A_247 = tpu.memref_squeeze %dma_wait3A_246 : memref<1x128x128xf32, #tpu.memory_space<vmem>> -> memref<128x128xf32, #tpu.memory_space<vmem>>
        %dma_wait3A_248 = arith.constant 0 : i32
        %dma_wait3A_249 = tpu.memref_slice %arg8[%run_scoped3A_232, %dma_wait3A_248] : memref<8x128xi32, #tpu.memory_space<vmem>> -> memref<1x128xi32, #tpu.memory_space<vmem>>
        %dma_wait3A_250 = tpu.memref_squeeze %dma_wait3A_249 : memref<1x128xi32, #tpu.memory_space<vmem>> -> memref<128xi32, #tpu.memory_space<vmem>>
        %dma_wait3A_251 = arith.constant 0 : i32
        %dma_wait3A_252 = arith.constant 0 : i32
        %dma_wait3A_253 = tpu.memref_slice %arg10[%dma_wait3A_251, %dma_wait3A_252] : memref<10112x128xf32, #tpu.memory_space<vmem_shared>> -> memref<10112x128xf32, #tpu.memory_space<vmem_shared>>
        tpu.wait_indirect_dma semaphore(%run_scoped3A_233 : memref<!tpu.dma_semaphore, #tpu.memory_space<semaphore_mem>>) src(%dma_wait3A_247 : memref<128x128xf32, #tpu.memory_space<vmem>>) dst(%dma_wait3A_253 : memref<10112x128xf32, #tpu.memory_space<vmem_shared>>)
        tpu.yield
      }) : () -> ()
    }
    %barrier3A_20 = arith.constant 0 : index
    tpu.barrier barrier_id(%barrier3A_20)
    "tpu.region"() ({
      %run_scoped3A = tpu.sem_alloc : memref<!tpu.dma_semaphore, #tpu.memory_space<semaphore_mem>>
      %dma_start3A = arith.constant 0 : i32
      %dma_start3A_21 = tpu.memref_slice %arg6[%arg0, %mul3A_10, %dma_start3A] : memref<2x10112x128xf32, #tpu.memory_space<hbm>> -> memref<1x632x128xf32, #tpu.memory_space<hbm>>
      %dma_start3A_22 = tpu.memref_squeeze %dma_start3A_21 : memref<1x632x128xf32, #tpu.memory_space<hbm>> -> memref<632x128xf32, #tpu.memory_space<hbm>>
      %dma_start3A_23 = arith.constant 0 : i32
      %dma_start3A_24 = tpu.memref_slice %arg10[%mul3A_10, %dma_start3A_23] : memref<10112x128xf32, #tpu.memory_space<vmem_shared>> -> memref<632x128xf32, #tpu.memory_space<vmem_shared>>
      tpu.enqueue_dma source(%dma_start3A_24 : memref<632x128xf32, #tpu.memory_space<vmem_shared>>) target(%dma_start3A_22 : memref<632x128xf32, #tpu.memory_space<hbm>>) target_semaphore(%run_scoped3A : memref<!tpu.dma_semaphore, #tpu.memory_space<semaphore_mem>>)
      %dma_wait3A = arith.constant 0 : i32
      %dma_wait3A_25 = tpu.memref_slice %arg6[%arg0, %mul3A_10, %dma_wait3A] : memref<2x10112x128xf32, #tpu.memory_space<hbm>> -> memref<1x632x128xf32, #tpu.memory_space<hbm>>
      %dma_wait3A_26 = tpu.memref_squeeze %dma_wait3A_25 : memref<1x632x128xf32, #tpu.memory_space<hbm>> -> memref<632x128xf32, #tpu.memory_space<hbm>>
      %dma_wait3A_27 = arith.constant 0 : i32
      %dma_wait3A_28 = tpu.memref_slice %arg10[%mul3A_10, %dma_wait3A_27] : memref<10112x128xf32, #tpu.memory_space<vmem_shared>> -> memref<632x128xf32, #tpu.memory_space<vmem_shared>>
      tpu.wait_dma2 semaphore(%run_scoped3A : memref<!tpu.dma_semaphore, #tpu.memory_space<semaphore_mem>>) src(%dma_wait3A_28 : memref<632x128xf32, #tpu.memory_space<vmem_shared>>) dst(%dma_wait3A_26 : memref<632x128xf32, #tpu.memory_space<hbm>>)
      tpu.yield
    }) : () -> ()
    return
  }
}

module attributes {stable_mosaic.version = 14 : i64} {
  func.func @_k1_body(%arg0: i32, %arg1: memref<1000x128xf32, #tpu.memory_space<vmem>>, %arg2: memref<128x128xf32, #tpu.memory_space<vmem>>, %arg3: memref<1000x128xf32, #tpu.memory_space<vmem>>) attributes {dimension_semantics = [#tpu.dimension_semantics<arbitrary>], iteration_bounds = array<i64: 10>, scalar_prefetch = 0 : i64, scratch_operands = 0 : i64, tpu.core_type = #tpu.core_type<tc>, window_params = [{transform_indices = @transform_0, window_bounds = array<i64: 1000, 128>}, {pipeline_mode = #tpu.pipeline_mode<synchronous>, transform_indices = @transform_1, window_bounds = array<i64: 128, 128>}, {transform_indices = @transform_2, window_bounds = array<i64: 1000, 128>}]} {
    %get3A = arith.constant 0 : index
    %get3A_0 = arith.constant 0 : index
    %get3A_1 = vector.load %arg1[%get3A, %get3A_0] : memref<1000x128xf32, #tpu.memory_space<vmem>>, vector<1000x128xf32>
    %get3A_2 = arith.constant 0 : index
    %get3A_3 = arith.constant 0 : index
    %get3A_4 = vector.load %arg2[%get3A_2, %get3A_3] : memref<128x128xf32, #tpu.memory_space<vmem>>, vector<128x128xf32>
    %dot_general3A = arith.constant dense<0.000000e+00> : vector<1000x128xf32>
    %dot_general3A_5 = tpu.matmul %get3A_1, %get3A_4, %dot_general3A {dimension_numbers = #tpu.dot_dimension_numbers<[1], [0], [0], [1], [0, 0, 1, 1], [], []>, precision = #tpu.contract_precision<fp32>, transpose_lhs_hint = false} : vector<1000x128xf32>, vector<128x128xf32>, vector<1000x128xf32> -> vector<1000x128xf32>
    %swap3A = arith.constant 0 : index
    %swap3A_6 = arith.constant 0 : index
    %swap3A_7 = vector.load %arg3[%swap3A, %swap3A_6] : memref<1000x128xf32, #tpu.memory_space<vmem>>, vector<1000x128xf32>
    tpu.vector_store %arg3[%swap3A, %swap3A_6], %dot_general3A_5 {strides = array<i32>} : memref<1000x128xf32, #tpu.memory_space<vmem>>, vector<1000x128xf32>,
    return
  }
  func.func @transform_0(%arg0: i32) -> (i32, i32) {
    %c0_i32 = arith.constant 0 : i32
    %c0_i32_0 = arith.constant 0 : i32
    return %arg0, %c0_i32 : i32, i32
  }
  func.func @transform_1(%arg0: i32) -> (i32, i32) {
    %c0_i32 = arith.constant 0 : i32
    %c0_i32_0 = arith.constant 0 : i32
    %c0_i32_1 = arith.constant 0 : i32
    return %c0_i32, %c0_i32_0 : i32, i32
  }
  func.func @transform_2(%arg0: i32) -> (i32, i32) {
    %c0_i32 = arith.constant 0 : i32
    %c0_i32_0 = arith.constant 0 : i32
    return %arg0, %c0_i32 : i32, i32
  }
}

module attributes {stable_mosaic.version = 14 : i64} {
  func.func @_k2_body(%arg0: i32, %arg1: memref<1000x128xf32, #tpu.memory_space<vmem>>, %arg2: memref<1x1000x128xf32, #tpu.memory_space<vmem>>, %arg3: memref<1x1000x128xf32, #tpu.memory_space<vmem>>, %arg4: memref<1x1000x128xf32, #tpu.memory_space<vmem>>, %arg5: memref<1x1000x128xf32, #tpu.memory_space<vmem>>, %arg6: memref<128x128xf32, #tpu.memory_space<vmem>>, %arg7: memref<1x128xf32, #tpu.memory_space<vmem>>, %arg8: memref<128x128xf32, #tpu.memory_space<vmem>>, %arg9: memref<128x128xf32, #tpu.memory_space<vmem>>, %arg10: memref<1x128xf32, #tpu.memory_space<vmem>>, %arg11: memref<1000x128xf32, #tpu.memory_space<vmem>>, %arg12: memref<1000x128xf32, #tpu.memory_space<vmem>>, %arg13: memref<1000x16xf32, #tpu.memory_space<vmem>>) attributes {dimension_semantics = [#tpu.dimension_semantics<arbitrary>], iteration_bounds = array<i64: 10>, scalar_prefetch = 0 : i64, scratch_operands = 0 : i64, tpu.core_type = #tpu.core_type<tc>, window_params = [{transform_indices = @transform_0, window_bounds = array<i64: 1000, 128>}, {transform_indices = @transform_1, window_bounds = array<i64: 1, 1000, 128>}, {transform_indices = @transform_2, window_bounds = array<i64: 1, 1000, 128>}, {transform_indices = @transform_3, window_bounds = array<i64: 1, 1000, 128>}, {transform_indices = @transform_4, window_bounds = array<i64: 1, 1000, 128>}, {pipeline_mode = #tpu.pipeline_mode<synchronous>, transform_indices = @transform_5, window_bounds = array<i64: 128, 128>}, {pipeline_mode = #tpu.pipeline_mode<synchronous>, transform_indices = @transform_6, window_bounds = array<i64: 1, 128>}, {pipeline_mode = #tpu.pipeline_mode<synchronous>, transform_indices = @transform_7, window_bounds = array<i64: 128, 128>}, {pipeline_mode = #tpu.pipeline_mode<synchronous>, transform_indices = @transform_8, window_bounds = array<i64: 128, 128>}, {pipeline_mode = #tpu.pipeline_mode<synchronous>, transform_indices = @transform_9, window_bounds = array<i64: 1, 128>}, {transform_indices = @transform_10, window_bounds = array<i64: 1000, 128>}, {transform_indices = @transform_11, window_bounds = array<i64: 1000, 128>}, {transform_indices = @transform_12, window_bounds = array<i64: 1000, 16>}]} {
    %get3A = arith.constant 0 : index
    %get3A_0 = arith.constant 0 : index
    %get3A_1 = arith.constant 0 : index
    %get3A_2 = vector.load %arg2[%get3A, %get3A_0, %get3A_1] : memref<1x1000x128xf32, #tpu.memory_space<vmem>>, vector<1x1000x128xf32>
    %get3A_3 = vector.shape_cast %get3A_2 : vector<1x1000x128xf32> to vector<1000x128xf32>
    %get3A_4 = arith.constant 0 : index
    %get3A_5 = arith.constant 0 : index
    %get3A_6 = arith.constant 0 : index
    %get3A_7 = vector.load %arg3[%get3A_4, %get3A_5, %get3A_6] : memref<1x1000x128xf32, #tpu.memory_space<vmem>>, vector<1x1000x128xf32>
    %get3A_8 = vector.shape_cast %get3A_7 : vector<1x1000x128xf32> to vector<1000x128xf32>
    %add3A = arith.addf %get3A_3, %get3A_8 : vector<1000x128xf32>
    %get3A_9 = arith.constant 0 : index
    %get3A_10 = arith.constant 0 : index
    %get3A_11 = arith.constant 0 : index
    %get3A_12 = vector.load %arg4[%get3A_9, %get3A_10, %get3A_11] : memref<1x1000x128xf32, #tpu.memory_space<vmem>>, vector<1x1000x128xf32>
    %get3A_13 = vector.shape_cast %get3A_12 : vector<1x1000x128xf32> to vector<1000x128xf32>
    %slice3A = vector.extract_strided_slice %get3A_13 {offsets = [0, 0], sizes = [1000, 1], strides = [1, 1]} : vector<1000x128xf32> to vector<1000x1xf32>
    %get3A_14 = arith.constant 0 : index
    %get3A_15 = arith.constant 0 : index
    %get3A_16 = arith.constant 0 : index
    %get3A_17 = vector.load %arg5[%get3A_14, %get3A_15, %get3A_16] : memref<1x1000x128xf32, #tpu.memory_space<vmem>>, vector<1x1000x128xf32>
    %get3A_18 = vector.shape_cast %get3A_17 : vector<1x1000x128xf32> to vector<1000x128xf32>
    %slice3A_19 = vector.extract_strided_slice %get3A_18 {offsets = [0, 0], sizes = [1000, 1], strides = [1, 1]} : vector<1000x128xf32> to vector<1000x1xf32>
    %add3A_20 = arith.addf %slice3A, %slice3A_19 : vector<1000x1xf32>
    %max3A = arith.constant 1.000000e+00 : f32
    %max3A_21 = vector.broadcast %max3A : f32 to vector<1000x1xf32>
    %max3A_22 = arith.maximumf %add3A_20, %max3A_21 : vector<1000x1xf32>
    %div3A = arith.constant 1.000000e+00 : f32
    %div3A_23 = vector.broadcast %div3A : f32 to vector<1000x1xf32>
    %div3A_24 = arith.divf %div3A_23, %max3A_22 : vector<1000x1xf32>
    %mul3A = vector.broadcast %div3A_24 : vector<1000x1xf32> to vector<1000x128xf32>
    %mul3A_25 = arith.mulf %add3A, %mul3A : vector<1000x128xf32>
    %get3A_26 = arith.constant 0 : index
    %get3A_27 = arith.constant 0 : index
    %get3A_28 = vector.load %arg1[%get3A_26, %get3A_27] : memref<1000x128xf32, #tpu.memory_space<vmem>>, vector<1000x128xf32>
    %get3A_29 = arith.constant 0 : index
    %get3A_30 = arith.constant 0 : index
    %get3A_31 = vector.load %arg6[%get3A_29, %get3A_30] : memref<128x128xf32, #tpu.memory_space<vmem>>, vector<128x128xf32>
    %dot_general3A = arith.constant dense<0.000000e+00> : vector<1000x128xf32>
    %dot_general3A_32 = tpu.matmul %get3A_28, %get3A_31, %dot_general3A {dimension_numbers = #tpu.dot_dimension_numbers<[1], [0], [0], [1], [0, 0, 1, 1], [], []>, precision = #tpu.contract_precision<fp32>, transpose_lhs_hint = false} : vector<1000x128xf32>, vector<128x128xf32>, vector<1000x128xf32> -> vector<1000x128xf32>
    %add3A_33 = arith.addf %mul3A_25, %dot_general3A_32 : vector<1000x128xf32>
    %get3A_34 = arith.constant 0 : index
    %get3A_35 = arith.constant 0 : index
    %get3A_36 = vector.load %arg7[%get3A_34, %get3A_35] : memref<1x128xf32, #tpu.memory_space<vmem>>, vector<1x128xf32>
    %add3A_37 = vector.broadcast %get3A_36 : vector<1x128xf32> to vector<1000x128xf32>
    %add3A_38 = arith.addf %add3A_33, %add3A_37 : vector<1000x128xf32>
    %max3A_39 = arith.constant 0.000000e+00 : f32
    %max3A_40 = vector.broadcast %max3A_39 : f32 to vector<1000x128xf32>
    %max3A_41 = arith.maximumf %add3A_38, %max3A_40 : vector<1000x128xf32>
    %get3A_42 = arith.constant 0 : index
    %get3A_43 = arith.constant 0 : index
    %get3A_44 = vector.load %arg8[%get3A_42, %get3A_43] : memref<128x128xf32, #tpu.memory_space<vmem>>, vector<128x128xf32>
    %dot_general3A_45 = arith.constant dense<0.000000e+00> : vector<1000x128xf32>
    %dot_general3A_46 = tpu.matmul %max3A_41, %get3A_44, %dot_general3A_45 {dimension_numbers = #tpu.dot_dimension_numbers<[1], [0], [0], [1], [0, 0, 1, 1], [], []>, precision = #tpu.contract_precision<fp32>, transpose_lhs_hint = false} : vector<1000x128xf32>, vector<128x128xf32>, vector<1000x128xf32> -> vector<1000x128xf32>
    %swap3A = arith.constant 0 : index
    %swap3A_47 = arith.constant 0 : index
    %swap3A_48 = vector.load %arg11[%swap3A, %swap3A_47] : memref<1000x128xf32, #tpu.memory_space<vmem>>, vector<1000x128xf32>
    tpu.vector_store %arg11[%swap3A, %swap3A_47], %dot_general3A_46 {strides = array<i32>} : memref<1000x128xf32, #tpu.memory_space<vmem>>, vector<1000x128xf32>,
    %get3A_49 = arith.constant 0 : index
    %get3A_50 = arith.constant 0 : index
    %get3A_51 = vector.load %arg9[%get3A_49, %get3A_50] : memref<128x128xf32, #tpu.memory_space<vmem>>, vector<128x128xf32>
    %dot_general3A_52 = arith.constant dense<0.000000e+00> : vector<1000x128xf32>
    %dot_general3A_53 = tpu.matmul %max3A_41, %get3A_51, %dot_general3A_52 {dimension_numbers = #tpu.dot_dimension_numbers<[1], [0], [0], [1], [0, 0, 1, 1], [], []>, precision = #tpu.contract_precision<fp32>, transpose_lhs_hint = false} : vector<1000x128xf32>, vector<128x128xf32>, vector<1000x128xf32> -> vector<1000x128xf32>
    %get3A_54 = arith.constant 0 : index
    %get3A_55 = arith.constant 0 : index
    %get3A_56 = vector.load %arg10[%get3A_54, %get3A_55] : memref<1x128xf32, #tpu.memory_space<vmem>>, vector<1x128xf32>
    %add3A_57 = vector.broadcast %get3A_56 : vector<1x128xf32> to vector<1000x128xf32>
    %add3A_58 = arith.addf %dot_general3A_53, %add3A_57 : vector<1000x128xf32>
    %swap3A_59 = arith.constant 0 : index
    %swap3A_60 = arith.constant 0 : index
    %swap3A_61 = vector.load %arg12[%swap3A_59, %swap3A_60] : memref<1000x128xf32, #tpu.memory_space<vmem>>, vector<1000x128xf32>
    tpu.vector_store %arg12[%swap3A_59, %swap3A_60], %add3A_58 {strides = array<i32>} : memref<1000x128xf32, #tpu.memory_space<vmem>>, vector<1000x128xf32>,
    %broadcast_in_dim3A = vector.shape_cast %div3A_24 : vector<1000x1xf32> to vector<1000x1xf32>
    %broadcast_in_dim3A_62 = vector.broadcast %broadcast_in_dim3A : vector<1000x1xf32> to vector<1000x16xf32>
    %swap3A_63 = arith.constant 0 : index
    %swap3A_64 = arith.constant 0 : index
    %swap3A_65 = vector.load %arg13[%swap3A_63, %swap3A_64] : memref<1000x16xf32, #tpu.memory_space<vmem>>, vector<1000x16xf32>
    tpu.vector_store %arg13[%swap3A_63, %swap3A_64], %broadcast_in_dim3A_62 {strides = array<i32>} : memref<1000x16xf32, #tpu.memory_space<vmem>>, vector<1000x16xf32>,
    return
  }
  func.func @transform_0(%arg0: i32) -> (i32, i32) {
    %c0_i32 = arith.constant 0 : i32
    %c0_i32_0 = arith.constant 0 : i32
    return %arg0, %c0_i32 : i32, i32
  }
  func.func @transform_1(%arg0: i32) -> (i32, i32, i32) {
    %c0_i32 = arith.constant 0 : i32
    %c0_i32_0 = arith.constant 0 : i32
    %c0_i32_1 = arith.constant 0 : i32
    return %c0_i32, %arg0, %c0_i32_0 : i32, i32, i32
  }
  func.func @transform_2(%arg0: i32) -> (i32, i32, i32) {
    %c1_i32 = arith.constant 1 : i32
    %c0_i32 = arith.constant 0 : i32
    %c0_i32_0 = arith.constant 0 : i32
    return %c1_i32, %arg0, %c0_i32 : i32, i32, i32
  }
  func.func @transform_3(%arg0: i32) -> (i32, i32, i32) {
    %c0_i32 = arith.constant 0 : i32
    %c0_i32_0 = arith.constant 0 : i32
    %c0_i32_1 = arith.constant 0 : i32
    return %c0_i32, %arg0, %c0_i32_0 : i32, i32, i32
  }
  func.func @transform_4(%arg0: i32) -> (i32, i32, i32) {
    %c1_i32 = arith.constant 1 : i32
    %c0_i32 = arith.constant 0 : i32
    %c0_i32_0 = arith.constant 0 : i32
    return %c1_i32, %arg0, %c0_i32 : i32, i32, i32
  }
  func.func @transform_5(%arg0: i32) -> (i32, i32) {
    %c0_i32 = arith.constant 0 : i32
    %c0_i32_0 = arith.constant 0 : i32
    %c0_i32_1 = arith.constant 0 : i32
    return %c0_i32, %c0_i32_0 : i32, i32
  }
  func.func @transform_6(%arg0: i32) -> (i32, i32) {
    %c0_i32 = arith.constant 0 : i32
    %c0_i32_0 = arith.constant 0 : i32
    %c0_i32_1 = arith.constant 0 : i32
    return %c0_i32, %c0_i32_0 : i32, i32
  }
  func.func @transform_7(%arg0: i32) -> (i32, i32) {
    %c0_i32 = arith.constant 0 : i32
    %c0_i32_0 = arith.constant 0 : i32
    %c0_i32_1 = arith.constant 0 : i32
    return %c0_i32, %c0_i32_0 : i32, i32
  }
  func.func @transform_8(%arg0: i32) -> (i32, i32) {
    %c0_i32 = arith.constant 0 : i32
    %c0_i32_0 = arith.constant 0 : i32
    %c0_i32_1 = arith.constant 0 : i32
    return %c0_i32, %c0_i32_0 : i32, i32
  }
  func.func @transform_9(%arg0: i32) -> (i32, i32) {
    %c0_i32 = arith.constant 0 : i32
    %c0_i32_0 = arith.constant 0 : i32
    %c0_i32_1 = arith.constant 0 : i32
    return %c0_i32, %c0_i32_0 : i32, i32
  }
  func.func @transform_10(%arg0: i32) -> (i32, i32) {
    %c0_i32 = arith.constant 0 : i32
    %c0_i32_0 = arith.constant 0 : i32
    return %arg0, %c0_i32 : i32, i32
  }
  func.func @transform_11(%arg0: i32) -> (i32, i32) {
    %c0_i32 = arith.constant 0 : i32
    %c0_i32_0 = arith.constant 0 : i32
    return %arg0, %c0_i32 : i32, i32
  }
  func.func @transform_12(%arg0: i32) -> (i32, i32) {
    %c0_i32 = arith.constant 0 : i32
    %c0_i32_0 = arith.constant 0 : i32
    return %arg0, %c0_i32 : i32, i32
  }
}

module attributes {stable_mosaic.version = 14 : i64} {
  func.func @_k3_body(%arg0: i32, %arg1: memref<1x1000x128xf32, #tpu.memory_space<vmem>>, %arg2: memref<1x1000x128xf32, #tpu.memory_space<vmem>>, %arg3: memref<1000x16xf32, #tpu.memory_space<vmem>>, %arg4: memref<1000x128xf32, #tpu.memory_space<vmem>>, %arg5: memref<1000x128xf32, #tpu.memory_space<vmem>>) attributes {dimension_semantics = [#tpu.dimension_semantics<arbitrary>], iteration_bounds = array<i64: 10>, scalar_prefetch = 0 : i64, scratch_operands = 0 : i64, tpu.core_type = #tpu.core_type<tc>, window_params = [{transform_indices = @transform_0, window_bounds = array<i64: 1, 1000, 128>}, {transform_indices = @transform_1, window_bounds = array<i64: 1, 1000, 128>}, {transform_indices = @transform_2, window_bounds = array<i64: 1000, 16>}, {transform_indices = @transform_3, window_bounds = array<i64: 1000, 128>}, {transform_indices = @transform_4, window_bounds = array<i64: 1000, 128>}]} {
    %get3A = arith.constant 0 : index
    %get3A_0 = arith.constant 0 : index
    %get3A_1 = arith.constant 0 : index
    %get3A_2 = vector.load %arg1[%get3A, %get3A_0, %get3A_1] : memref<1x1000x128xf32, #tpu.memory_space<vmem>>, vector<1x1000x128xf32>
    %get3A_3 = vector.shape_cast %get3A_2 : vector<1x1000x128xf32> to vector<1000x128xf32>
    %get3A_4 = arith.constant 0 : index
    %get3A_5 = arith.constant 0 : index
    %get3A_6 = arith.constant 0 : index
    %get3A_7 = vector.load %arg2[%get3A_4, %get3A_5, %get3A_6] : memref<1x1000x128xf32, #tpu.memory_space<vmem>>, vector<1x1000x128xf32>
    %get3A_8 = vector.shape_cast %get3A_7 : vector<1x1000x128xf32> to vector<1000x128xf32>
    %add3A = arith.addf %get3A_3, %get3A_8 : vector<1000x128xf32>
    %get3A_9 = arith.constant 0 : index
    %get3A_10 = arith.constant 0 : index
    %get3A_11 = vector.load %arg3[%get3A_9, %get3A_10] : memref<1000x16xf32, #tpu.memory_space<vmem>>, vector<1000x1xf32>
    %mul3A = vector.broadcast %get3A_11 : vector<1000x1xf32> to vector<1000x128xf32>
    %mul3A_12 = arith.mulf %add3A, %mul3A : vector<1000x128xf32>
    %get3A_13 = arith.constant 0 : index
    %get3A_14 = arith.constant 0 : index
    %get3A_15 = vector.load %arg4[%get3A_13, %get3A_14] : memref<1000x128xf32, #tpu.memory_space<vmem>>, vector<1000x128xf32>
    %add3A_16 = arith.addf %mul3A_12, %get3A_15 : vector<1000x128xf32>
    %swap3A = arith.constant 0 : index
    %swap3A_17 = arith.constant 0 : index
    %swap3A_18 = vector.load %arg5[%swap3A, %swap3A_17] : memref<1000x128xf32, #tpu.memory_space<vmem>>, vector<1000x128xf32>
    tpu.vector_store %arg5[%swap3A, %swap3A_17], %add3A_16 {strides = array<i32>} : memref<1000x128xf32, #tpu.memory_space<vmem>>, vector<1000x128xf32>,
    return
  }
  func.func @transform_0(%arg0: i32) -> (i32, i32, i32) {
    %c0_i32 = arith.constant 0 : i32
    %c0_i32_0 = arith.constant 0 : i32
    %c0_i32_1 = arith.constant 0 : i32
    return %c0_i32, %arg0, %c0_i32_0 : i32, i32, i32
  }
  func.func @transform_1(%arg0: i32) -> (i32, i32, i32) {
    %c1_i32 = arith.constant 1 : i32
    %c0_i32 = arith.constant 0 : i32
    %c0_i32_0 = arith.constant 0 : i32
    return %c1_i32, %arg0, %c0_i32 : i32, i32, i32
  }
  func.func @transform_2(%arg0: i32) -> (i32, i32) {
    %c0_i32 = arith.constant 0 : i32
    %c0_i32_0 = arith.constant 0 : i32
    return %arg0, %c0_i32 : i32, i32
  }
  func.func @transform_3(%arg0: i32) -> (i32, i32) {
    %c0_i32 = arith.constant 0 : i32
    %c0_i32_0 = arith.constant 0 : i32
    return %arg0, %c0_i32 : i32, i32
  }
  func.func @transform_4(%arg0: i32) -> (i32, i32) {
    %c0_i32 = arith.constant 0 : i32
    %c0_i32_0 = arith.constant 0 : i32
    return %arg0, %c0_i32 : i32, i32
  }
}

</mosaic_0001>

<sc_bundles>
// kernel: kernel.10.cloned.1.call-start
scs
__scs_entry_jumppad:
0x0: {  	(pc) =	sbr.rel $0x88, $3  }
0x1: {  	(tag) =	ssettag $0x0;
	lr =	simm.s32 $0x1  }
0x2: {  	[smem:$0x3F99] =	sst lr;
	_ =	strace $0xD0000000  }
0x3: {  	_ = 	snop  }
0x4: {  	_ = 	snop  }
0x5: {  	_ = 	snop  }
0x6: {  	_ = 	snop  }
0x7: {  	_ = 	snop  }
__scs_overlays_trampoline_lowered:
0x8: {  	[smem:$0x3FA8] =	sst s0  }
0x9: {  	[smem:$0x3FA9] =	sst s1  }
0xa: {  	[smem:$0x3FAA] =	sst s2  }
0xb: {  	[smem:$0x3FAB] =	sst s3  }
0xc: {  	[smem:$0x3FAC] =	sst s4  }
0xd: {  	[smem:$0x3FAD] =	sst s5  }
0xe: {  	[smem:$0x3FAE] =	sst s6  }
0xf: {  	[smem:$0x3FAF] =	sst s7  }
0x10: {  	[smem:$0x3FB0] =	sst s8  }
0x11: {  	[smem:$0x3FB1] =	sst s9;
	s0 =	simm.s32 @!p0 $0x0  }
0x12: {  	s1 =	sld [smem:$0x3F97];
	s0 =	simm.s32 @p0 $0x1  }
0x13: {  	[smem:$0x3FB2] =	sst s0;
	s0 =	simm.s32 @!p1 $0x0  }
0x14: {  	s2 =	sld [smem:$0x3F96];
	s0 =	simm.s32 @p1 $0x1  }
0x15: {  	[smem:$0x3FB3] =	sst s0;
	s0 =	simm.s32 @!p2 $0x0  }
0x16: {  	s3 =	sld [smem:$0x3FDB];
	s0 =	simm.s32 @p2 $0x1  }
0x17: {  	s4 =	simm.s32 $0x1BF5;
	[smem:$0x3FB5] =	sst s0  }
0x18: {  	s0 =	sld [smem:$0x3F98];
	_ =	swait.ge [sflag:s4], $0x0  }
0x19: {  	s7 =	sld [smem:$0x3F99]  }
0x1a: {  	s8 =	sadd.s32 $0xFFFFE003, lr  }
0x1b: {  	s9 =	sadd.s32 $0xFFFFFEF7, lr;
	s5 =	simm.s32 $0xFFFFFFFF;
	p2 =	slt.u32 s8, $0xFFFFF086  }
0x1c: {  	p1 =	slt.u32 s9, $0xF7A;
	s5 =	simm.s32 @!p2 $0x0  }
0x1d: {  	s5 =	simm.s32 @p1 $0x1;
	p0 =	seq.s32 s7, s2  }
0x1e: {  	s7 =	smul.u32 @!p0 $0xF7A, s2;
	p2 =	seq.s32 @!p0 s5, $0x0  }
0x1f: {  	s9 =	smul.u32 $0xF7A, s1;
	s8 =	simm.s32 @!p0 $0x1BF5;
	p2 =	por !p2, p0  }
0x20: {  	[sflag:s8] =	ssyncset.s32 @!p0 $0xFFFFF086;
	s6 =	sadd.s32 @!p0 s3, s7;
	s7 =	simm.s32 @!p0 $0x108  }
0x21: {  	s3 =	sadd.s32 s3, s9;
	s6 =	sadd.s32 @!p0 $0x88, s6;
	s7 =	simm.s32 @p2 $0x1082  }
0x22: {  	[simem:s7], [sflag:s8] =	dma.local @!p0 [hbm:s6], $0xF7A  }
0x23: {  	s9 =	sor.u32 $0xD0000000, s2;
	s6 =	simm.s32 $0x108;
	_ =	swait.ge @!p0 [sflag:s8], $0x0  }
0x24: {  	s3 =	sadd.s32 $0x88, s3;
	s6 =	simm.s32 @!p1 $0x1082;
	[sflag:s4] =	ssyncset.s32 $0xFFFFF086  }
0x25: {  	[simem:s6], [sflag:s4] =	dma.local [hbm:s3], $0xF7A  }
0x26: {  	[smem:$0x3F99] =	sst s1;
	(tag) =	ssettag s2;
	_ =	strace s9  }
0x27: {  	s1 =	sld [smem:$0x3FA9]  }
0x28: {  	s2 =	sld [smem:$0x3FAA]  }
0x29: {  	s4 =	sld [smem:$0x3FAC]  }
0x2a: {  	p0 =	seq.s32 s5, $0x0;
	s5 =	sld [smem:$0x3FAD]  }
0x2b: {  	s6 =	sld [smem:$0x3FAE]  }
0x2c: {  	s7 =	sld [smem:$0x3FAF]  }
0x2d: {  	s3 =	simm.s32 $0x108;
	s8 =	sld [smem:$0x3FB0]  }
0x2e: {  	s3 =	simm.s32 @!p0 $0x1082;
	s9 =	sld [smem:$0x3FB1]  }
0x2f: {  	lr =	sadd.s32 s0, s3;
	s0 =	sld [smem:$0x3FA8]  }
0x30: {  	s3 =	sld [smem:$0x3FAB]  }
0x31: {  	[smem:$0x3FB4] =	sst s10  }
0x32: {  	s10 =	sld [smem:$0x3FB2];
	_ =	sdelay $0x3  }
0x33: {  	p0 =	seq.s32 s10, $0x1;
	s10 =	sld [smem:$0x3FB4];
	_ =	sdelay $0x3  }
0x34: {  	[smem:$0x3FB4] =	sst s10  }
0x35: {  	s10 =	sld [smem:$0x3FB3];
	_ =	sdelay $0x3  }
0x36: {  	p1 =	seq.s32 s10, $0x1;
	s10 =	sld [smem:$0x3FB4];
	_ =	sdelay $0x3  }
0x37: {  	[smem:$0x3FB4] =	sst s10  }
0x38: {  	s10 =	sld [smem:$0x3FB5]  }
0x39: {  	_ = 	snop;
	(pc) =	sbr.ind lr, $3  }
0x3a: {  	_ = 	snop  }
0x3b: {  	_ = 	snop  }
0x3c: {  	p2 =	seq.s32 s10, $0x1;
	s10 =	sld [smem:$0x3FB4]  }
0x3d: {  	_ =	shalt  }
0x3e: {  	_ =	shalt  }
0x3f: {  	_ =	shalt  }
0x40: {  	_ =	shalt  }
0x41: {  	_ =	shalt  }
0x42: {  	_ =	shalt  }
0x43: {  	_ =	shalt  }
0x44: {  	_ =	shalt  }
0x45: {  	_ =	shalt  }
0x46: {  	_ =	shalt  }
0x47: {  	_ =	shalt  }
0x48: {  	_ =	shalt  }
0x49: {  	_ =	shalt  }
0x4a: {  	_ =	shalt  }
0x4b: {  	_ =	shalt  }
0x4c: {  	_ =	shalt  }
0x4d: {  	_ =	shalt  }
0x4e: {  	_ =	shalt  }
0x4f: {  	_ =	shalt  }
0x50: {  	_ =	shalt  }
0x51: {  	_ =	shalt  }
0x52: {  	_ =	shalt  }
0x53: {  	_ =	shalt  }
0x54: {  	_ =	shalt  }
0x55: {  	_ =	shalt  }
0x56: {  	_ =	shalt  }
0x57: {  	_ =	shalt  }
0x58: {  	_ =	shalt  }
0x59: {  	_ =	shalt  }
0x5a: {  	_ =	shalt  }
0x5b: {  	_ =	shalt  }
0x5c: {  	_ =	shalt  }
0x5d: {  	_ =	shalt  }
0x5e: {  	_ =	shalt  }
0x5f: {  	_ =	shalt  }
0x60: {  	_ =	shalt  }
0x61: {  	_ =	shalt  }
0x62: {  	_ =	shalt  }
0x63: {  	_ =	shalt  }
0x64: {  	_ =	shalt  }
0x65: {  	_ =	shalt  }
0x66: {  	_ =	shalt  }
0x67: {  	_ =	shalt  }
0x68: {  	_ =	shalt  }
0x69: {  	_ =	shalt  }
0x6a: {  	_ =	shalt  }
0x6b: {  	_ =	shalt  }
0x6c: {  	_ =	shalt  }
0x6d: {  	_ =	shalt  }
0x6e: {  	_ =	shalt  }
0x6f: {  	_ =	shalt  }
0x70: {  	_ =	shalt  }
0x71: {  	_ =	shalt  }
0x72: {  	_ =	shalt  }
0x73: {  	_ =	shalt  }
0x74: {  	_ =	shalt  }
0x75: {  	_ =	shalt  }
0x76: {  	_ =	shalt  }
0x77: {  	_ =	shalt  }
0x78: {  	_ =	shalt  }
0x79: {  	_ =	shalt  }
0x7a: {  	_ =	shalt  }
0x7b: {  	_ =	shalt  }
0x7c: {  	_ =	shalt  }
0x7d: {  	_ =	shalt  }
0x7e: {  	_ =	shalt  }
0x7f: {  	_ =	shalt  }
0x80: {  	_ =	shalt  }
0x81: {  	_ =	shalt  }
0x82: {  	_ =	shalt  }
0x83: {  	_ =	shalt  }
0x84: {  	_ =	shalt  }
0x85: {  	_ =	shalt  }
0x86: {  	_ =	shalt  }
0x87: {  	_ =	shalt  }
.Lfunc_end0:
.L_simem_size_0:
called_computation.1_lowered:
.L_overlay_start_0:
0x88: {  	s2 =	sld [smem:$0x3FD9]  }
0x89: {  	s3 =	sld [smem:$0x3FFE];
	_ =	sdelay $0x1  }
0x8a: {  	s1 =	srdreg.scid  }
0x8b: {  	s0 =	sand.u32 $0x1, s1  }
0x8c: {  	s17 =	sshll.u32 s0, $0xA;
	s2 =	sadd.s32 s3, s2  }
0x8d: {  	s2 =	sadd.s32 s2, s17  }
0x8e: {  	[smem:$0x3FC0] =	sst s2  }
0x8f: {  	_ = 	snop  }
0x90: {  	s2 =	sld [smem:$0x3FD0];
	(tm) =	ssettm $0x1  }
0x91: {  	s18 =	sld [smem:$0x3FFB];
	_ =	sdelay $0x3  }
0x92: {  	_ =	strace s18  }
0x93: {  	s3 =	sld [smem:$0x3FFC];
	_ =	sdelay $0x3  }
0x94: {  	_ =	strace s3  }
0x95: {  	s3 =	sld [smem:$0x3FFD];
	_ =	sdelay $0x3  }
0x96: {  	_ =	strace s3  }
0x97: {  	_ =	strace $0x8FFFFFFF  }
0x98: {  	s19 =	sld [smem:$0x3FDB];
	_ =	sdelay $0x1  }
0x99: {  	s4 =	simm.s32 $_scs_section_size  }
0x9a: {  	s5 =	simm.s32 $_size__tile_overlayer_lowered;
	s6 =	simm.s32 $_tile_overlayer_lowered  }
0x9b: {  	s22 =	simm.s32 $0x1BFF;
	s21 =	sshll.u32 s6, $0x1;
	s3 =	sadd.s32 s4, s19  }
0x9c: {  	s7 =	simm.s32 $0x0;
	s20 =	sshll.u32 s5, $0x1;
	s5 =	sadd.s32 s21, s3  }
0x9d: {  	[timem:s7], [sflag:s22] =	dma.local [hbm:s5], s20  }
0x9e: {  	_ =	swait.ge [sflag:s22], s20  }
0x9f: {  	s4 =	ssub.s32 $0x0, s20;
	[sflag:s22] =	ssyncset.done $0x0  }
0xa0: {  	[sflag:s22] =	ssyncadd.s32 s4;
	_ =	sdelay $0x1  }
0xa1: {  	s23 =	simm.s32 $0x1B8B  }
0xa2: {  	_ =	swait.ge [sflag:s23], $0x1  }
0xa3: {  	[sflag:s23] =	ssyncset.done $0x0  }
0xa4: {  	s25 =	simm.s32 $0x1B8E;
	s24 =	sld [smem:$0x3FFE];
	[sflag:s23] =	ssyncadd.s32 $0xFFFFFFFF  }
0xa5: {  	s26 =	simm.s32 $execute0_lowered;
	[smem:$0x3FD2] =	sst s25  }
0xa6: {  	s5 =	sshll.u32 s26, $0x1;
	_ =	strace $0x80000049;
	[dreg:$0x1] =	wrdreg $0xFFFFFFFF  }
0xa7: {  	s28 =	simm.s32 $_size_execute0_lowered;
	s3 =	sadd.s32 s3, s5;
	[dreg:$0x0] =	wrdreg $0x0  }
0xa8: {  	s5 =	sshll.u32 s28, $0x1;
	[dreg:$0x2] =	wrdreg s3  }
0xa9: {  	[dreg:$0x3] =	wrdreg s5  }
0xaa: {  	[dreg:$0x4] =	wrdreg $0xC0  }
0xab: {  	_ =	task [dreg:s7], $0x5FFFF  }
0xac: {  	[dreg:$0x1] =	wrdreg $0xFFFFFFFF  }
0xad: {  	[dreg:$0x0] =	wrdreg $0x60  }
0xae: {  	[dreg:$0x2] =	wrdreg s2  }
0xaf: {  	[dreg:$0x3] =	wrdreg s24  }
0xb0: {  	[dreg:$0x4] =	wrdreg $0x88000  }
0xb1: {  	[dreg:$0x5] =	wrdreg $0x9  }
0xb2: {  	_ =	task.clear_ibuf [dreg:s7], $0x6FFFF;
	_ =	strace $0x90000049  }
0xb3: {  	s29 =	simm.s32 $0x9;
	_ =	strace $0x8000004B  }
0xb4: {  	_ =	swait.ge [sflag:s29], $0x1  }
0xb5: {  	[sflag:s29] =	ssyncadd.s32 $0xFFFFFFFF  }
0xb6: {  	_ =	strace $0x9000004B  }
0xb7: {  	_ =	sfence  }
0xb8: {  	s30 =	sld [smem:$0x0];
	_ =	sdelay $0x2  }
0xb9: {  	s31 =	sshll.u32 s1, $0xD;
	s1 =	sshrl.u32 s1, $0x2  }
0xba: {  	s3 =	sand.u32 $0x4000, s31;
	s1 =	sadd.s32 s1, s30  }
0xbb: {  	s0 =	sor.u32 s3, s0;
	s1 =	sshll.u32 s1, $0x11  }
0xbc: {  	s0 =	sor.u32 s1, s0  }
0xbd: {  	s0 =	sadd.s32 $0x8F2B, s0  }
0xbe: {  	[sflag:s0] =	ssyncadd.remote.s32 $0x1  }
0xbf: {  	_ =	sfence.sel $0xFFFF  }
0xc0: {  	[dreg:$0x0] =	wrdreg $0xFFFFFFFF;
	(pc) =	sbr.abs _section_cstart, $3  }
0xc1: {  	[dreg:$0x1] =	wrdreg $0xFFFFFFFF  }
0xc2: {  	_ =	task.clear_ibuf [dreg:s7], $0x2FFFF;
	_ =	strace $0x9FFFFFFF  }
0xc3: {  	(tm) =	ssettm $0x7FFFFFFF  }
tec
execute0_lowered:
.L_overlay_start_1:
0x0: {  	(tag) =	ssettag $0x1  }
0x1: {  	s2 =	rddreg [dreg:$0x0]  }
0x2: {  	s0 =	rddreg [dreg:$0x1]  }
0x3: {  	s3 =	rddreg [dreg:$0x2];
	s9 =	stileid.u32  }
0x4: {  	s4 =	simm.s32 $0x0;
	s1 =	srdreg.scid;
	s13 =	simm.s32 $0x3  }
0x5: {  	s14 =	simm.s32 $0x400;
	s15 =	simm.s32 $0x80;
	s16 =	simm.s32 $0x800  }
0x6: {  	s17 =	simm.s32 $0x4800;
	s18 =	simm.s32 $0x1;
	s19 =	simm.s32 $0x100  }
0x7: {  	s28 =	simm.s32 $0x600;
	s29 =	simm.s32 $0x300;
	s5 =	smul.u32 $0x28, s9  }
0x8: {  	s30 =	simm.s32 $0x680;
	s31 =	simm.s32 $0x380;
	s6 =	smul.u32 $0x78, s9  }
0x9: {  	[smem:$0x7FF] =	sst s4;
	s1 =	sand.u32 $0x1, s1;
	s7 =	smul.u32 $0x13C00, s9  }
0xa: {  	s22 =	smul.u32 $0x4F000, s9;
	s25 =	sshll.u32 s9, $0x6;
	p0 =	seq.s32 s1, $0x0  }
0xb: {  	s20 =	smul.u32 $0x13C000, s1;
	_ =	strace $0x8000004A;
	s1 =	ssub.s32 $0x2, s1  }
0xc: {  	s11 =	sor.u32 $0x1C03, s25;
	s25 =	simm.s32 $0x580;
	s5 =	sadd.s32 $0x780, s5  }
0xd: {  	s8 =	sshrl.u32 s7, $0x3;
	s23 =	sshrl.u32 s1, $0x1;
	s5 =	smov.u32 @p0 s6  }
0xe: {  	s8 =	sadd.s32 s8, s0;
	s21 =	sadd.s32 s7, s20;
	s1 =	ssub.s32 s1, s23  }
0xf: {  	s6 =	sshrl.u32 s22, $0x2;
	s20 =	simm.s32 $0x2;
	s22 =	simm.s32 $0x180  }
0x10: {  	s23 =	simm.s32 $0x500;
	s5 =	sshll.u32 s5, $0x4;
	s6 =	sadd.s32 s6, s3  }
0x11: {  	s24 =	sadd.s32 $0x16400, s8;
	s26 =	smax.u32 s1, $0x1;
	s1 =	simm.s32 $0x780  }
0x12: {  	s10 =	sadd.s32 s5, s0;
	s5 =	sshrl.u32 s21, $0x3;
	[dreg:$0x4] =	wrdreg s24  }
0x13: {  	[dreg:$0x7] =	wrdreg s26;
	s12 =	sshrl.u32 s6, $0x3;
	s21 =	simm.s32 $0x480  }
0x14: {  	s24 =	simm.s32 $0x200;
	s0 =	sadd.s32 s5, s0;
	s5 =	simm.s32 $0xF  }
0x15: {  	s26 =	simm.s32 $0x280;
	s6 =	simm.s32 $0x0;
	s5 =	simm.s32 @!p0 $0x5  }
0x16: {  	s9 =	sadd.s32 $0x1C00, s10;
	s0 =	sadd.s32 $0x3DC00, s0;
	[dreg:$0x5] =	wrdreg s5  }
0x17: {  	s7 =	sadd.s32 $0xBC00, s10;
	[dreg:$0x6] =	wrdreg s0;
	s0 =	simm.s32 $0x700  }
.LBB2_1:
0x18: {  	s8 =	rddreg [dreg:$0x4]  }
0x19: {  	[spmem:s12], [sflag:s11] =	dma.local [hbm:s8], $0x2780  }
0x1a: {  	_ =	swait.ge [sflag:s13], $0x2780  }
0x1b: {  	[sflag:s13] =	ssyncset.done $0x0  }
0x1c: {  	[sflag:s13] =	ssyncadd.s32 $0xFFFFD880  }
0x1d: {  	[bflag:$0x0] =	sbarrier.arrive $0xFFFF  }
0x1e: {  	[tilespmem:s4], [sflag:$0x3] =	stream.linear.gather [hbm4b:s7+s4], $0x400, $0x38;
	[tilespmem:$0x1C400] =	vst v63  }
0x1f: {  	_ =	swait.ge [sflag:s13], $0x400  }
0x20: {  	[sflag:s13] =	ssyncset.done $0x0  }
0x21: {  	[sflag:s13] =	ssyncadd.s32 $0xFFFFFC00  }
0x22: {  	[tilespmem:s14], [sflag:$0x3] =	stream.linear.gather [hbm4b:s9+s4], $0x400, $0x38;
	[tilespmem:$0x1C400] =	vst v63  }
0x23: {  	_ =	swait.ge [sflag:s13], $0x400  }
0x24: {  	[sflag:s13] =	ssyncset.done $0x0  }
0x25: {  	[sflag:s13] =	ssyncadd.s32 $0xFFFFFC00  }
0x26: {  	[tilespmem:s16], [sflag:$0x1] =	stream.indirect.gather [hbm4b:s2+s15], $0x80, s4, s15, $0xb8;
	[tilespmem:$0x1C400] =	vst v63  }
0x27: {  	_ = 	snop  }
0x28: {  	[tilespmem:s17], [sflag:$0x2] =	stream.indirect.gather [hbm4b:s2+s15], $0x80, s15, s15, $0xb8;
	[tilespmem:$0x1C400] =	vst v63  }
0x29: {  	_ =	swait.ge [sflag:s18], $0x4000  }
0x2a: {  	[sflag:s18] =	ssyncset.done $0x0  }
0x2b: {  	[sflag:s18] =	ssyncadd.s32 $0xFFFFC000  }
0x2c: {  	[spmem:s3] =	stream.indirect.scatter.add.f32 [tilespmem:s16], [sflag:$0x3], $0x80, s14, s15, $0xb8;
	[tilespmem:$0x1C400] =	vst v63  }
0x2d: {  	_ =	swait.ge [sflag:s13], $0x4000  }
0x2e: {  	[sflag:s13] =	ssyncset.done $0x0  }
0x2f: {  	[sflag:s13] =	ssyncadd.s32 $0xFFFFC000  }
0x30: {  	[tilespmem:s16], [sflag:$0x1] =	stream.indirect.gather [hbm4b:s2+s15], $0x80, s19, s15, $0xb8;
	[tilespmem:$0x1C400] =	vst v63  }
0x31: {  	_ =	swait.ge [sflag:s20], $0x4000  }
0x32: {  	[sflag:s20] =	ssyncset.done $0x0  }
0x33: {  	[sflag:s20] =	ssyncadd.s32 $0xFFFFC000  }
0x34: {  	[spmem:s3] =	stream.indirect.scatter.add.f32 [tilespmem:s17], [sflag:$0x3], $0x80, s21, s15, $0xb8;
	[tilespmem:$0x1C400] =	vst v63  }
0x35: {  	_ =	swait.ge [sflag:s13], $0x4000  }
0x36: {  	[sflag:s13] =	ssyncset.done $0x0  }
0x37: {  	[sflag:s13] =	ssyncadd.s32 $0xFFFFC000  }
0x38: {  	[tilespmem:s17], [sflag:$0x2] =	stream.indirect.gather [hbm4b:s2+s15], $0x80, s22, s15, $0xb8;
	[tilespmem:$0x1C400] =	vst v63  }
0x39: {  	_ =	swait.ge [sflag:s18], $0x4000  }
0x3a: {  	[sflag:s18] =	ssyncset.done $0x0  }
0x3b: {  	[sflag:s18] =	ssyncadd.s32 $0xFFFFC000  }
0x3c: {  	[spmem:s3] =	stream.indirect.scatter.add.f32 [tilespmem:s16], [sflag:$0x3], $0x80, s23, s15, $0xb8;
	[tilespmem:$0x1C400] =	vst v63  }
0x3d: {  	_ =	swait.ge [sflag:s13], $0x4000  }
0x3e: {  	[sflag:s13] =	ssyncset.done $0x0  }
0x3f: {  	[sflag:s13] =	ssyncadd.s32 $0xFFFFC000  }
0x40: {  	[tilespmem:s16], [sflag:$0x1] =	stream.indirect.gather [hbm4b:s2+s15], $0x80, s24, s15, $0xb8;
	[tilespmem:$0x1C400] =	vst v63  }
0x41: {  	_ =	swait.ge [sflag:s20], $0x4000  }
0x42: {  	[sflag:s20] =	ssyncset.done $0x0  }
0x43: {  	[sflag:s20] =	ssyncadd.s32 $0xFFFFC000  }
0x44: {  	[spmem:s3] =	stream.indirect.scatter.add.f32 [tilespmem:s17], [sflag:$0x3], $0x80, s25, s15, $0xb8;
	[tilespmem:$0x1C400] =	vst v63  }
0x45: {  	_ =	swait.ge [sflag:s13], $0x4000  }
0x46: {  	[sflag:s13] =	ssyncset.done $0x0  }
0x47: {  	[sflag:s13] =	ssyncadd.s32 $0xFFFFC000  }
0x48: {  	[tilespmem:s17], [sflag:$0x2] =	stream.indirect.gather [hbm4b:s2+s15], $0x80, s26, s15, $0xb8;
	[tilespmem:$0x1C400] =	vst v63  }
0x49: {  	_ =	swait.ge [sflag:s18], $0x4000  }
0x4a: {  	[sflag:s18] =	ssyncset.done $0x0  }
0x4b: {  	[sflag:s18] =	ssyncadd.s32 $0xFFFFC000  }
0x4c: {  	[spmem:s3] =	stream.indirect.scatter.add.f32 [tilespmem:s16], [sflag:$0x3], $0x80, s28, s15, $0xb8;
	[tilespmem:$0x1C400] =	vst v63  }
0x4d: {  	_ =	swait.ge [sflag:s13], $0x4000  }
0x4e: {  	[sflag:s13] =	ssyncset.done $0x0  }
0x4f: {  	[sflag:s13] =	ssyncadd.s32 $0xFFFFC000  }
0x50: {  	[tilespmem:s16], [sflag:$0x1] =	stream.indirect.gather [hbm4b:s2+s15], $0x80, s29, s15, $0xb8;
	[tilespmem:$0x1C400] =	vst v63  }
0x51: {  	_ =	swait.ge [sflag:s20], $0x4000  }
0x52: {  	[sflag:s20] =	ssyncset.done $0x0  }
0x53: {  	[sflag:s20] =	ssyncadd.s32 $0xFFFFC000  }
0x54: {  	[spmem:s3] =	stream.indirect.scatter.add.f32 [tilespmem:s17], [sflag:$0x3], $0x80, s30, s15, $0xb8;
	[tilespmem:$0x1C400] =	vst v63  }
0x55: {  	_ =	swait.ge [sflag:s13], $0x4000  }
0x56: {  	[sflag:s13] =	ssyncset.done $0x0  }
0x57: {  	[sflag:s13] =	ssyncadd.s32 $0xFFFFC000  }
0x58: {  	[tilespmem:s17], [sflag:$0x2] =	stream.indirect.gather [hbm4b:s2+s15], $0x80, s31, s15, $0xb8;
	[tilespmem:$0x1C400] =	vst v63  }
0x59: {  	_ =	swait.ge [sflag:s18], $0x4000  }
0x5a: {  	[sflag:s18] =	ssyncset.done $0x0  }
0x5b: {  	[sflag:s18] =	ssyncadd.s32 $0xFFFFC000  }
0x5c: {  	[spmem:s3] =	stream.indirect.scatter.add.f32 [tilespmem:s16], [sflag:$0x3], $0x80, s0, s15, $0xb8;
	[tilespmem:$0x1C400] =	vst v63  }
0x5d: {  	_ =	swait.ge [sflag:s13], $0x4000  }
0x5e: {  	[sflag:s13] =	ssyncset.done $0x0  }
0x5f: {  	[sflag:s13] =	ssyncadd.s32 $0xFFFFC000  }
0x60: {  	_ =	swait.ge [sflag:s20], $0x4000  }
0x61: {  	s5 =	smov.u32 s11;
	s11 =	rddreg [dreg:$0x5]  }
0x62: {  	p0 =	sne.s32 s11, $0x1  }
.Ltmp0:
0x63: {  	[sflag:s20] =	ssyncset.done $0x0;
	(pc) =	sbr.rel @!p0 .LBB2_3-.Ltmp0, $4  }
0x64: {  	[sflag:s20] =	ssyncadd.s32 $0xFFFFC000  }
0x65: {  	[spmem:s3] =	stream.indirect.scatter.add.f32 [tilespmem:s17], [sflag:$0x3], $0x80, s1, s15, $0xb8;
	[tilespmem:$0x1C400] =	vst v63  }
0x66: {  	s10 =	smov.u32 s9;
	_ =	swait.ge [sflag:s13], $0x4000  }
0x67: {  	s8 =	sadd.s32 $0xFFFFFFFF, s11;
	s11 =	smov.u32 s7;
	[sflag:s13] =	ssyncset.done $0x0  }
.LBB2_2:
0x68: {  	[sflag:s13] =	ssyncadd.s32 $0xFFFFC000;
	s10 =	sadd.s32 $0x80, s10;
	s11 =	sadd.s32 $0x80, s11  }
0x69: {  	[tilespmem:s4], [sflag:$0x3] =	stream.linear.gather [hbm4b:s11+s4], $0x400, $0x38;
	[tilespmem:$0x1C400] =	vst v63  }
0x6a: {  	p0 =	sne.s32 s8, $0x1;
	s8 =	sadd.s32 $0xFFFFFFFF, s8;
	_ =	swait.ge [sflag:s13], $0x400  }
0x6b: {  	[sflag:s13] =	ssyncset.done $0x0  }
0x6c: {  	[sflag:s13] =	ssyncadd.s32 $0xFFFFFC00  }
0x6d: {  	[tilespmem:s14], [sflag:$0x3] =	stream.linear.gather [hbm4b:s10+s4], $0x400, $0x38;
	[tilespmem:$0x1C400] =	vst v63  }
0x6e: {  	_ =	swait.ge [sflag:s13], $0x400  }
0x6f: {  	[sflag:s13] =	ssyncset.done $0x0  }
0x70: {  	[sflag:s13] =	ssyncadd.s32 $0xFFFFFC00  }
0x71: {  	[tilespmem:s16], [sflag:$0x1] =	stream.indirect.gather [hbm4b:s2+s15], $0x80, s4, s15, $0xb8;
	[tilespmem:$0x1C400] =	vst v63  }
0x72: {  	_ = 	snop  }
0x73: {  	[tilespmem:s17], [sflag:$0x2] =	stream.indirect.gather [hbm4b:s2+s15], $0x80, s15, s15, $0xb8;
	[tilespmem:$0x1C400] =	vst v63  }
0x74: {  	_ =	swait.ge [sflag:s18], $0x4000  }
0x75: {  	[sflag:s18] =	ssyncset.done $0x0  }
0x76: {  	[sflag:s18] =	ssyncadd.s32 $0xFFFFC000  }
0x77: {  	[spmem:s3] =	stream.indirect.scatter.add.f32 [tilespmem:s16], [sflag:$0x3], $0x80, s14, s15, $0xb8;
	[tilespmem:$0x1C400] =	vst v63  }
0x78: {  	_ =	swait.ge [sflag:s13], $0x4000  }
0x79: {  	[sflag:s13] =	ssyncset.done $0x0  }
0x7a: {  	[sflag:s13] =	ssyncadd.s32 $0xFFFFC000  }
0x7b: {  	[tilespmem:s16], [sflag:$0x1] =	stream.indirect.gather [hbm4b:s2+s15], $0x80, s19, s15, $0xb8;
	[tilespmem:$0x1C400] =	vst v63  }
0x7c: {  	_ =	swait.ge [sflag:s20], $0x4000  }
0x7d: {  	[sflag:s20] =	ssyncset.done $0x0  }
0x7e: {  	[sflag:s20] =	ssyncadd.s32 $0xFFFFC000  }
0x7f: {  	[spmem:s3] =	stream.indirect.scatter.add.f32 [tilespmem:s17], [sflag:$0x3], $0x80, s21, s15, $0xb8;
	[tilespmem:$0x1C400] =	vst v63  }
0x80: {  	_ =	swait.ge [sflag:s13], $0x4000  }
0x81: {  	[sflag:s13] =	ssyncset.done $0x0  }
0x82: {  	[sflag:s13] =	ssyncadd.s32 $0xFFFFC000  }
0x83: {  	[tilespmem:s17], [sflag:$0x2] =	stream.indirect.gather [hbm4b:s2+s15], $0x80, s22, s15, $0xb8;
	[tilespmem:$0x1C400] =	vst v63  }
0x84: {  	_ =	swait.ge [sflag:s18], $0x4000  }
0x85: {  	[sflag:s18] =	ssyncset.done $0x0  }
0x86: {  	[sflag:s18] =	ssyncadd.s32 $0xFFFFC000  }
0x87: {  	[spmem:s3] =	stream.indirect.scatter.add.f32 [tilespmem:s16], [sflag:$0x3], $0x80, s23, s15, $0xb8;
	[tilespmem:$0x1C400] =	vst v63  }
0x88: {  	_ =	swait.ge [sflag:s13], $0x4000  }
0x89: {  	[sflag:s13] =	ssyncset.done $0x0  }
0x8a: {  	[sflag:s13] =	ssyncadd.s32 $0xFFFFC000  }
0x8b: {  	[tilespmem:s16], [sflag:$0x1] =	stream.indirect.gather [hbm4b:s2+s15], $0x80, s24, s15, $0xb8;
	[tilespmem:$0x1C400] =	vst v63  }
0x8c: {  	_ =	swait.ge [sflag:s20], $0x4000  }
0x8d: {  	[sflag:s20] =	ssyncset.done $0x0  }
0x8e: {  	[sflag:s20] =	ssyncadd.s32 $0xFFFFC000  }
0x8f: {  	[spmem:s3] =	stream.indirect.scatter.add.f32 [tilespmem:s17], [sflag:$0x3], $0x80, s25, s15, $0xb8;
	[tilespmem:$0x1C400] =	vst v63  }
0x90: {  	_ =	swait.ge [sflag:s13], $0x4000  }
0x91: {  	[sflag:s13] =	ssyncset.done $0x0  }
0x92: {  	[sflag:s13] =	ssyncadd.s32 $0xFFFFC000  }
0x93: {  	[tilespmem:s17], [sflag:$0x2] =	stream.indirect.gather [hbm4b:s2+s15], $0x80, s26, s15, $0xb8;
	[tilespmem:$0x1C400] =	vst v63  }
0x94: {  	_ =	swait.ge [sflag:s18], $0x4000  }
0x95: {  	[sflag:s18] =	ssyncset.done $0x0  }
0x96: {  	[sflag:s18] =	ssyncadd.s32 $0xFFFFC000  }
0x97: {  	[spmem:s3] =	stream.indirect.scatter.add.f32 [tilespmem:s16], [sflag:$0x3], $0x80, s28, s15, $0xb8;
	[tilespmem:$0x1C400] =	vst v63  }
0x98: {  	_ =	swait.ge [sflag:s13], $0x4000  }
0x99: {  	[sflag:s13] =	ssyncset.done $0x0  }
0x9a: {  	[sflag:s13] =	ssyncadd.s32 $0xFFFFC000  }
0x9b: {  	[tilespmem:s16], [sflag:$0x1] =	stream.indirect.gather [hbm4b:s2+s15], $0x80, s29, s15, $0xb8;
	[tilespmem:$0x1C400] =	vst v63  }
0x9c: {  	_ =	swait.ge [sflag:s20], $0x4000  }
0x9d: {  	[sflag:s20] =	ssyncset.done $0x0  }
0x9e: {  	[sflag:s20] =	ssyncadd.s32 $0xFFFFC000  }
0x9f: {  	[spmem:s3] =	stream.indirect.scatter.add.f32 [tilespmem:s17], [sflag:$0x3], $0x80, s30, s15, $0xb8;
	[tilespmem:$0x1C400] =	vst v63  }
0xa0: {  	_ =	swait.ge [sflag:s13], $0x4000  }
0xa1: {  	[sflag:s13] =	ssyncset.done $0x0  }
0xa2: {  	[sflag:s13] =	ssyncadd.s32 $0xFFFFC000  }
0xa3: {  	[tilespmem:s17], [sflag:$0x2] =	stream.indirect.gather [hbm4b:s2+s15], $0x80, s31, s15, $0xb8;
	[tilespmem:$0x1C400] =	vst v63  }
0xa4: {  	_ =	swait.ge [sflag:s18], $0x4000  }
0xa5: {  	[sflag:s18] =	ssyncset.done $0x0  }
0xa6: {  	[sflag:s18] =	ssyncadd.s32 $0xFFFFC000  }
0xa7: {  	[spmem:s3] =	stream.indirect.scatter.add.f32 [tilespmem:s16], [sflag:$0x3], $0x80, s0, s15, $0xb8;
	[tilespmem:$0x1C400] =	vst v63  }
0xa8: {  	_ =	swait.ge [sflag:s13], $0x4000  }
0xa9: {  	[sflag:s13] =	ssyncset.done $0x0  }
0xaa: {  	[sflag:s13] =	ssyncadd.s32 $0xFFFFC000  }
0xab: {  	_ =	swait.ge [sflag:s20], $0x4000  }
.Ltmp1:
0xac: {  	[sflag:s20] =	ssyncset.done $0x0;
	(pc) =	sbr.rel @p0 .LBB2_2-.Ltmp1, $4  }
0xad: {  	[sflag:s20] =	ssyncadd.s32 $0xFFFFC000  }
0xae: {  	[spmem:s3] =	stream.indirect.scatter.add.f32 [tilespmem:s17], [sflag:$0x3], $0x80, s1, s15, $0xb8;
	[tilespmem:$0x1C400] =	vst v63  }
0xaf: {  	_ =	swait.ge [sflag:s13], $0x4000  }
0xb0: {  	[sflag:s13] =	ssyncset.done $0x0  }
.LBB2_3:
0xb1: {  	[sflag:s13] =	ssyncadd.s32 $0xFFFFC000  }
0xb2: {  	[bflag:$0x0] =	sbarrier.arrive $0xFFFF  }
0xb3: {  	s11 =	smov.u32 s5;
	s8 =	rddreg [dreg:$0x6]  }
0xb4: {  	[hbm:s8], [sflag:s11] =	dma.local [spmem:s12], $0x2780  }
0xb5: {  	_ =	swait.ge [sflag:s13], $0x2780  }
0xb6: {  	s6 =	sadd.s32 $0x1, s6;
	s10 =	rddreg [dreg:$0x7]  }
0xb7: {  	p0 =	sne.s32 s6, s10  }
.Ltmp2:
0xb8: {  	_ = 	snop;
	(pc) =	sbr.rel @p0 .LBB2_1-.Ltmp2, $3  }
0xb9: {  	_ =	sdelay $0x1  }
0xba: {  	[sflag:s13] =	ssyncset.done $0x0  }
0xbb: {  	[sflag:s13] =	ssyncadd.s32 $0xFFFFD880  }
0xbc: {  	_ =	sfence.sel $0x180000  }
0xbd: {  	[bflag:$0x0] =	sbarrier.arrive $0xFFFF  }
0xbe: {  	_ =	strace $0x9000004A  }
0xbf: {  	s0 =	stileid.u32;
	[bflag:$0x2] =	sbarrier.arrive $0xFFFF  }
0xc0: {  	p0 =	sne.s32 s0, $0x0;
	s0 =	rddreg [dreg:$0x3]  }
0xc1: {  	s0 =	sadd.s32 @!p0 $0x100000, s0  }
0xc2: {  	[sflag:s0] =	ssyncadd.tile.s32 @!p0 $0x1;
	_ =	shalt  }
.Lfunc_end2:
_tile_overlayer_lowered:
.L_overlay_start_2:
0xc3: {  	(tag) =	ssettag $0x2  }
0xc4: {  	s0 =	rddreg [dreg:$0x0];
	s2 =	stileid.u32  }
0xc5: {  	s1 =	rddreg [dreg:$0x1];
	p0 =	sne.s32 s2, $0x0  }
0xc6: {  	s3 =	rddreg [dreg:$0x2];
	[bflag:$0x3] =	sbarrier.arrive $0xFFFF;
	s2 =	simm.s32 @!p0 $0x1C03  }
0xc7: {  	[timem:s3], [sflag:s2] =	dma.local @!p0 [hbm:s0], s1  }
0xc8: {  	s0 =	simm.s32 @!p0 $0x3  }
0xc9: {  	_ =	swait.ge @!p0 [sflag:s0], s1  }
0xca: {  	s1 =	ssub.s32 @!p0 $0x0, s1;
	[sflag:s0] =	ssyncset.done @!p0 $0x0  }
0xcb: {  	[sflag:s0] =	ssyncadd.s32 @!p0 s1  }
0xcc: {  	[bflag:$0x3] =	sbarrier.arrive $0xFFFF  }
0xcd: {  	_ =	shalt  }

// kernel: kernel.7.cloned.1.call-start
scs
__scs_entry_jumppad:
0x0: {  	(pc) =	sbr.rel $0x88, $3  }
0x1: {  	(tag) =	ssettag $0x0;
	lr =	simm.s32 $0x1  }
0x2: {  	[smem:$0x3F99] =	sst lr;
	_ =	strace $0xD0000000  }
0x3: {  	_ = 	snop  }
0x4: {  	_ = 	snop  }
0x5: {  	_ = 	snop  }
0x6: {  	_ = 	snop  }
0x7: {  	_ = 	snop  }
__scs_overlays_trampoline_lowered:
0x8: {  	[smem:$0x3FA8] =	sst s0  }
0x9: {  	[smem:$0x3FA9] =	sst s1  }
0xa: {  	[smem:$0x3FAA] =	sst s2  }
0xb: {  	[smem:$0x3FAB] =	sst s3  }
0xc: {  	[smem:$0x3FAC] =	sst s4  }
0xd: {  	[smem:$0x3FAD] =	sst s5  }
0xe: {  	[smem:$0x3FAE] =	sst s6  }
0xf: {  	[smem:$0x3FAF] =	sst s7  }
0x10: {  	[smem:$0x3FB0] =	sst s8  }
0x11: {  	[smem:$0x3FB1] =	sst s9;
	s0 =	simm.s32 @!p0 $0x0  }
0x12: {  	s1 =	sld [smem:$0x3F97];
	s0 =	simm.s32 @p0 $0x1  }
0x13: {  	[smem:$0x3FB2] =	sst s0;
	s0 =	simm.s32 @!p1 $0x0  }
0x14: {  	s2 =	sld [smem:$0x3F96];
	s0 =	simm.s32 @p1 $0x1  }
0x15: {  	[smem:$0x3FB3] =	sst s0;
	s0 =	simm.s32 @!p2 $0x0  }
0x16: {  	s3 =	sld [smem:$0x3FDB];
	s0 =	simm.s32 @p2 $0x1  }
0x17: {  	s4 =	simm.s32 $0x1BF5;
	[smem:$0x3FB5] =	sst s0  }
0x18: {  	s0 =	sld [smem:$0x3F98];
	_ =	swait.ge [sflag:s4], $0x0  }
0x19: {  	s7 =	sld [smem:$0x3F99]  }
0x1a: {  	s8 =	sadd.s32 $0xFFFFE003, lr  }
0x1b: {  	s9 =	sadd.s32 $0xFFFFFEF7, lr;
	s5 =	simm.s32 $0xFFFFFFFF;
	p2 =	slt.u32 s8, $0xFFFFF086  }
0x1c: {  	p1 =	slt.u32 s9, $0xF7A;
	s5 =	simm.s32 @!p2 $0x0  }
0x1d: {  	s5 =	simm.s32 @p1 $0x1;
	p0 =	seq.s32 s7, s2  }
0x1e: {  	s7 =	smul.u32 @!p0 $0xF7A, s2;
	p2 =	seq.s32 @!p0 s5, $0x0  }
0x1f: {  	s9 =	smul.u32 $0xF7A, s1;
	s8 =	simm.s32 @!p0 $0x1BF5;
	p2 =	por !p2, p0  }
0x20: {  	[sflag:s8] =	ssyncset.s32 @!p0 $0xFFFFF086;
	s6 =	sadd.s32 @!p0 s3, s7;
	s7 =	simm.s32 @!p0 $0x108  }
0x21: {  	s3 =	sadd.s32 s3, s9;
	s6 =	sadd.s32 @!p0 $0x88, s6;
	s7 =	simm.s32 @p2 $0x1082  }
0x22: {  	[simem:s7], [sflag:s8] =	dma.local @!p0 [hbm:s6], $0xF7A  }
0x23: {  	s9 =	sor.u32 $0xD0000000, s2;
	s6 =	simm.s32 $0x108;
	_ =	swait.ge @!p0 [sflag:s8], $0x0  }
0x24: {  	s3 =	sadd.s32 $0x88, s3;
	s6 =	simm.s32 @!p1 $0x1082;
	[sflag:s4] =	ssyncset.s32 $0xFFFFF086  }
0x25: {  	[simem:s6], [sflag:s4] =	dma.local [hbm:s3], $0xF7A  }
0x26: {  	[smem:$0x3F99] =	sst s1;
	(tag) =	ssettag s2;
	_ =	strace s9  }
0x27: {  	s1 =	sld [smem:$0x3FA9]  }
0x28: {  	s2 =	sld [smem:$0x3FAA]  }
0x29: {  	s4 =	sld [smem:$0x3FAC]  }
0x2a: {  	p0 =	seq.s32 s5, $0x0;
	s5 =	sld [smem:$0x3FAD]  }
0x2b: {  	s6 =	sld [smem:$0x3FAE]  }
0x2c: {  	s7 =	sld [smem:$0x3FAF]  }
0x2d: {  	s3 =	simm.s32 $0x108;
	s8 =	sld [smem:$0x3FB0]  }
0x2e: {  	s3 =	simm.s32 @!p0 $0x1082;
	s9 =	sld [smem:$0x3FB1]  }
0x2f: {  	lr =	sadd.s32 s0, s3;
	s0 =	sld [smem:$0x3FA8]  }
0x30: {  	s3 =	sld [smem:$0x3FAB]  }
0x31: {  	[smem:$0x3FB4] =	sst s10  }
0x32: {  	s10 =	sld [smem:$0x3FB2];
	_ =	sdelay $0x3  }
0x33: {  	p0 =	seq.s32 s10, $0x1;
	s10 =	sld [smem:$0x3FB4];
	_ =	sdelay $0x3  }
0x34: {  	[smem:$0x3FB4] =	sst s10  }
0x35: {  	s10 =	sld [smem:$0x3FB3];
	_ =	sdelay $0x3  }
0x36: {  	p1 =	seq.s32 s10, $0x1;
	s10 =	sld [smem:$0x3FB4];
	_ =	sdelay $0x3  }
0x37: {  	[smem:$0x3FB4] =	sst s10  }
0x38: {  	s10 =	sld [smem:$0x3FB5]  }
0x39: {  	_ = 	snop;
	(pc) =	sbr.ind lr, $3  }
0x3a: {  	_ = 	snop  }
0x3b: {  	_ = 	snop  }
0x3c: {  	p2 =	seq.s32 s10, $0x1;
	s10 =	sld [smem:$0x3FB4]  }
0x3d: {  	_ =	shalt  }
0x3e: {  	_ =	shalt  }
0x3f: {  	_ =	shalt  }
0x40: {  	_ =	shalt  }
0x41: {  	_ =	shalt  }
0x42: {  	_ =	shalt  }
0x43: {  	_ =	shalt  }
0x44: {  	_ =	shalt  }
0x45: {  	_ =	shalt  }
0x46: {  	_ =	shalt  }
0x47: {  	_ =	shalt  }
0x48: {  	_ =	shalt  }
0x49: {  	_ =	shalt  }
0x4a: {  	_ =	shalt  }
0x4b: {  	_ =	shalt  }
0x4c: {  	_ =	shalt  }
0x4d: {  	_ =	shalt  }
0x4e: {  	_ =	shalt  }
0x4f: {  	_ =	shalt  }
0x50: {  	_ =	shalt  }
0x51: {  	_ =	shalt  }
0x52: {  	_ =	shalt  }
0x53: {  	_ =	shalt  }
0x54: {  	_ =	shalt  }
0x55: {  	_ =	shalt  }
0x56: {  	_ =	shalt  }
0x57: {  	_ =	shalt  }
0x58: {  	_ =	shalt  }
0x59: {  	_ =	shalt  }
0x5a: {  	_ =	shalt  }
0x5b: {  	_ =	shalt  }
0x5c: {  	_ =	shalt  }
0x5d: {  	_ =	shalt  }
0x5e: {  	_ =	shalt  }
0x5f: {  	_ =	shalt  }
0x60: {  	_ =	shalt  }
0x61: {  	_ =	shalt  }
0x62: {  	_ =	shalt  }
0x63: {  	_ =	shalt  }
0x64: {  	_ =	shalt  }
0x65: {  	_ =	shalt  }
0x66: {  	_ =	shalt  }
0x67: {  	_ =	shalt  }
0x68: {  	_ =	shalt  }
0x69: {  	_ =	shalt  }
0x6a: {  	_ =	shalt  }
0x6b: {  	_ =	shalt  }
0x6c: {  	_ =	shalt  }
0x6d: {  	_ =	shalt  }
0x6e: {  	_ =	shalt  }
0x6f: {  	_ =	shalt  }
0x70: {  	_ =	shalt  }
0x71: {  	_ =	shalt  }
0x72: {  	_ =	shalt  }
0x73: {  	_ =	shalt  }
0x74: {  	_ =	shalt  }
0x75: {  	_ =	shalt  }
0x76: {  	_ =	shalt  }
0x77: {  	_ =	shalt  }
0x78: {  	_ =	shalt  }
0x79: {  	_ =	shalt  }
0x7a: {  	_ =	shalt  }
0x7b: {  	_ =	shalt  }
0x7c: {  	_ =	shalt  }
0x7d: {  	_ =	shalt  }
0x7e: {  	_ =	shalt  }
0x7f: {  	_ =	shalt  }
0x80: {  	_ =	shalt  }
0x81: {  	_ =	shalt  }
0x82: {  	_ =	shalt  }
0x83: {  	_ =	shalt  }
0x84: {  	_ =	shalt  }
0x85: {  	_ =	shalt  }
0x86: {  	_ =	shalt  }
0x87: {  	_ =	shalt  }
.Lfunc_end0:
.L_simem_size_0:
called_computation_lowered:
.L_overlay_start_0:
0x88: {  	s2 =	sld [smem:$0x3FD9]  }
0x89: {  	s3 =	sld [smem:$0x3FFE];
	_ =	sdelay $0x1  }
0x8a: {  	s1 =	srdreg.scid  }
0x8b: {  	s0 =	sand.u32 $0x1, s1  }
0x8c: {  	s17 =	sshll.u32 s0, $0xA;
	s2 =	sadd.s32 s3, s2  }
0x8d: {  	s2 =	sadd.s32 s2, s17  }
0x8e: {  	[smem:$0x3FC0] =	sst s2  }
0x8f: {  	_ = 	snop  }
0x90: {  	s2 =	sld [smem:$0x3FD0];
	(tm) =	ssettm $0x1  }
0x91: {  	s18 =	sld [smem:$0x3FFB];
	_ =	sdelay $0x3  }
0x92: {  	_ =	strace s18  }
0x93: {  	s3 =	sld [smem:$0x3FFC];
	_ =	sdelay $0x3  }
0x94: {  	_ =	strace s3  }
0x95: {  	s3 =	sld [smem:$0x3FFD];
	_ =	sdelay $0x3  }
0x96: {  	_ =	strace s3  }
0x97: {  	_ =	strace $0x8FFFFFFF  }
0x98: {  	s19 =	sld [smem:$0x3FDB];
	_ =	sdelay $0x1  }
0x99: {  	s4 =	simm.s32 $_scs_section_size  }
0x9a: {  	s5 =	simm.s32 $_size__tile_overlayer_lowered;
	s6 =	simm.s32 $_tile_overlayer_lowered  }
0x9b: {  	s22 =	simm.s32 $0x1BFF;
	s21 =	sshll.u32 s6, $0x1;
	s3 =	sadd.s32 s4, s19  }
0x9c: {  	s7 =	simm.s32 $0x0;
	s20 =	sshll.u32 s5, $0x1;
	s5 =	sadd.s32 s21, s3  }
0x9d: {  	[timem:s7], [sflag:s22] =	dma.local [hbm:s5], s20  }
0x9e: {  	_ =	swait.ge [sflag:s22], s20  }
0x9f: {  	s4 =	ssub.s32 $0x0, s20;
	[sflag:s22] =	ssyncset.done $0x0  }
0xa0: {  	[sflag:s22] =	ssyncadd.s32 s4;
	_ =	sdelay $0x1  }
0xa1: {  	s23 =	simm.s32 $0x1B8B  }
0xa2: {  	_ =	swait.ge [sflag:s23], $0x1  }
0xa3: {  	[sflag:s23] =	ssyncset.done $0x0  }
0xa4: {  	s25 =	simm.s32 $0x1B8E;
	s24 =	sld [smem:$0x3FFE];
	[sflag:s23] =	ssyncadd.s32 $0xFFFFFFFF  }
0xa5: {  	s26 =	simm.s32 $execute0_lowered;
	[smem:$0x3FD2] =	sst s25  }
0xa6: {  	s5 =	sshll.u32 s26, $0x1;
	_ =	strace $0x80000046;
	[dreg:$0x1] =	wrdreg $0xFFFFFFFF  }
0xa7: {  	s28 =	simm.s32 $_size_execute0_lowered;
	s3 =	sadd.s32 s3, s5;
	[dreg:$0x0] =	wrdreg $0x0  }
0xa8: {  	s5 =	sshll.u32 s28, $0x1;
	[dreg:$0x2] =	wrdreg s3  }
0xa9: {  	[dreg:$0x3] =	wrdreg s5  }
0xaa: {  	[dreg:$0x4] =	wrdreg $0xC0  }
0xab: {  	_ =	task [dreg:s7], $0x5FFFF  }
0xac: {  	[dreg:$0x1] =	wrdreg $0xFFFFFFFF  }
0xad: {  	[dreg:$0x0] =	wrdreg $0x60  }
0xae: {  	[dreg:$0x2] =	wrdreg s2  }
0xaf: {  	[dreg:$0x3] =	wrdreg s24  }
0xb0: {  	[dreg:$0x4] =	wrdreg $0x88000  }
0xb1: {  	[dreg:$0x5] =	wrdreg $0x9  }
0xb2: {  	_ =	task.clear_ibuf [dreg:s7], $0x6FFFF;
	_ =	strace $0x90000046  }
0xb3: {  	s29 =	simm.s32 $0x9;
	_ =	strace $0x80000048  }
0xb4: {  	_ =	swait.ge [sflag:s29], $0x1  }
0xb5: {  	[sflag:s29] =	ssyncadd.s32 $0xFFFFFFFF  }
0xb6: {  	_ =	strace $0x90000048  }
0xb7: {  	_ =	sfence  }
0xb8: {  	s30 =	sld [smem:$0x0];
	_ =	sdelay $0x2  }
0xb9: {  	s31 =	sshll.u32 s1, $0xD;
	s1 =	sshrl.u32 s1, $0x2  }
0xba: {  	s3 =	sand.u32 $0x4000, s31;
	s1 =	sadd.s32 s1, s30  }
0xbb: {  	s0 =	sor.u32 s3, s0;
	s1 =	sshll.u32 s1, $0x11  }
0xbc: {  	s0 =	sor.u32 s1, s0  }
0xbd: {  	s0 =	sadd.s32 $0x8F2B, s0  }
0xbe: {  	[sflag:s0] =	ssyncadd.remote.s32 $0x1  }
0xbf: {  	_ =	sfence.sel $0xFFFF  }
0xc0: {  	[dreg:$0x0] =	wrdreg $0xFFFFFFFF;
	(pc) =	sbr.abs _section_cstart, $3  }
0xc1: {  	[dreg:$0x1] =	wrdreg $0xFFFFFFFF  }
0xc2: {  	_ =	task.clear_ibuf [dreg:s7], $0x2FFFF;
	_ =	strace $0x9FFFFFFF  }
0xc3: {  	(tm) =	ssettm $0x7FFFFFFF  }
tec
execute0_lowered:
.L_overlay_start_1:
0x0: {  	(tag) =	ssettag $0x1  }
0x1: {  	s2 =	rddreg [dreg:$0x0]  }
0x2: {  	s0 =	rddreg [dreg:$0x1]  }
0x3: {  	s3 =	rddreg [dreg:$0x2];
	s9 =	stileid.u32  }
0x4: {  	s4 =	simm.s32 $0x0;
	s1 =	srdreg.scid;
	s12 =	simm.s32 $0xF  }
0x5: {  	s15 =	simm.s32 $0x4;
	s16 =	simm.s32 $0x400;
	s17 =	simm.s32 $0x80  }
0x6: {  	s18 =	simm.s32 $0x800;
	s28 =	simm.s32 $0x580;
	s5 =	smul.u32 $0x28, s9  }
0x7: {  	s29 =	simm.s32 $0x280;
	s30 =	simm.s32 $0x600;
	s6 =	smul.u32 $0x78, s9  }
0x8: {  	s31 =	simm.s32 $0x300;
	s11 =	simm.s32 $0x0;
	s7 =	smul.u32 $0x13C00, s9  }
0x9: {  	[smem:$0x7FF] =	sst s4;
	s1 =	sand.u32 $0x1, s1;
	s20 =	smul.u32 $0x4F000, s9  }
0xa: {  	s10 =	sadd.s32 $0x15C00, s0;
	s23 =	sshll.u32 s9, $0x6;
	s9 =	simm.s32 $0x780  }
0xb: {  	p0 =	seq.s32 s1, $0x0;
	s19 =	smul.u32 $0x13C000, s1;
	_ =	strace $0x80000047  }
0xc: {  	s1 =	ssub.s32 $0x2, s1;
	[dreg:$0x4] =	wrdreg s10;
	s10 =	simm.s32 $0x3  }
0xd: {  	s5 =	sadd.s32 $0x780, s5;
	s8 =	sshrl.u32 s7, $0x3;
	s21 =	sshrl.u32 s1, $0x1  }
0xe: {  	s22 =	sshrl.u32 s20, $0x2;
	s12 =	simm.s32 @!p0 $0x5;
	s20 =	simm.s32 $0x1  }
0xf: {  	s5 =	smov.u32 @p0 s6;
	s8 =	sadd.s32 s8, s0;
	s6 =	sadd.s32 s7, s19  }
0x10: {  	s1 =	ssub.s32 s1, s21;
	s19 =	simm.s32 $0x4800;
	s21 =	simm.s32 $0x100  }
0x11: {  	[dreg:$0x5] =	wrdreg s12;
	s5 =	sshll.u32 s5, $0x4;
	s6 =	sshrl.u32 s6, $0x3  }
0x12: {  	s8 =	sadd.s32 $0x16400, s8;
	s25 =	smax.u32 s1, $0x1;
	s1 =	simm.s32 $0x380  }
0x13: {  	s5 =	sadd.s32 s5, s0;
	s0 =	sadd.s32 s6, s0;
	[dreg:$0x6] =	wrdreg s8  }
0x14: {  	s6 =	sadd.s32 s22, s3;
	s8 =	sor.u32 $0x1C04, s23;
	[dreg:$0x9] =	wrdreg s25  }
0x15: {  	s22 =	simm.s32 $0x2;
	s23 =	simm.s32 $0x480;
	s24 =	sadd.s32 $0x3DC00, s0  }
0x16: {  	s25 =	simm.s32 $0x500;
	s0 =	sadd.s32 $0x8CC00, s0;
	[dreg:$0x7] =	wrdreg s24  }
0x17: {  	s13 =	sadd.s32 $0x1C00, s5;
	s26 =	sadd.s32 $0xBC00, s5;
	[dreg:$0x8] =	wrdreg s0  }
0x18: {  	s14 =	sshrl.u32 s6, $0x3;
	s5 =	simm.s32 $0x700;
	[dreg:$0xa] =	wrdreg s26  }
0x19: {  	s24 =	simm.s32 $0x180;
	s26 =	simm.s32 $0x200;
	s0 =	simm.s32 $0x680  }
.LBB2_1:
0x1a: {  	s6 =	rddreg [dreg:$0x6]  }
0x1b: {  	[spmem:s14], [sflag:s8] =	dma.local [hbm:s6], $0x2780  }
0x1c: {  	_ =	swait.ge [sflag:s15], $0x2780  }
0x1d: {  	[sflag:s15] =	ssyncset.done $0x0  }
0x1e: {  	[sflag:s15] =	ssyncadd.s32 $0xFFFFD880  }
0x1f: {  	[bflag:$0x0] =	sbarrier.arrive $0xFFFF  }
0x20: {  	s6 =	rddreg [dreg:$0xa]  }
0x21: {  	[tilespmem:s4], [sflag:$0x4] =	stream.linear.gather [hbm4b:s6+s4], $0x400, $0x38;
	[tilespmem:$0x1C400] =	vst v63  }
0x22: {  	_ =	swait.ge [sflag:s15], $0x400  }
0x23: {  	[sflag:s15] =	ssyncset.done $0x0  }
0x24: {  	[sflag:s15] =	ssyncadd.s32 $0xFFFFFC00  }
0x25: {  	[tilespmem:s16], [sflag:$0x4] =	stream.linear.gather [hbm4b:s13+s4], $0x400, $0x38;
	[tilespmem:$0x1C400] =	vst v63  }
0x26: {  	_ =	swait.ge [sflag:s15], $0x400  }
0x27: {  	[sflag:s15] =	ssyncset.done $0x0  }
0x28: {  	[sflag:s15] =	ssyncadd.s32 $0xFFFFFC00  }
0x29: {  	[tilespmem:s18], [sflag:$0x1] =	stream.indirect.gather [hbm4b:s2+s17], $0x80, s4, s17, $0xb8;
	[tilespmem:$0x1C400] =	vst v63  }
0x2a: {  	_ = 	snop  }
0x2b: {  	[tilespmem:s19], [sflag:$0x2] =	stream.indirect.gather [hbm4b:s2+s17], $0x80, s17, s17, $0xb8;
	[tilespmem:$0x1C400] =	vst v63  }
0x2c: {  	_ =	swait.ge [sflag:s20], $0x4000  }
0x2d: {  	[sflag:s20] =	ssyncset.done $0x0  }
0x2e: {  	[sflag:s20] =	ssyncadd.s32 $0xFFFFC000  }
0x2f: {  	[spmem:s3] =	stream.indirect.scatter.add.f32 [tilespmem:s18], [sflag:$0x4], $0x80, s16, s17, $0xb8;
	[tilespmem:$0x1C400] =	vst v63  }
0x30: {  	_ =	swait.ge [sflag:s15], $0x4000  }
0x31: {  	[sflag:s15] =	ssyncset.done $0x0  }
0x32: {  	[sflag:s15] =	ssyncadd.s32 $0xFFFFC000  }
0x33: {  	[tilespmem:s18], [sflag:$0x1] =	stream.indirect.gather [hbm4b:s2+s17], $0x80, s21, s17, $0xb8;
	[tilespmem:$0x1C400] =	vst v63  }
0x34: {  	_ =	swait.ge [sflag:s22], $0x4000  }
0x35: {  	[sflag:s22] =	ssyncset.done $0x0  }
0x36: {  	[sflag:s22] =	ssyncadd.s32 $0xFFFFC000  }
0x37: {  	[spmem:s3] =	stream.indirect.scatter.add.f32 [tilespmem:s19], [sflag:$0x4], $0x80, s23, s17, $0xb8;
	[tilespmem:$0x1C400] =	vst v63  }
0x38: {  	_ =	swait.ge [sflag:s15], $0x4000  }
0x39: {  	[sflag:s15] =	ssyncset.done $0x0  }
0x3a: {  	[sflag:s15] =	ssyncadd.s32 $0xFFFFC000  }
0x3b: {  	[tilespmem:s19], [sflag:$0x2] =	stream.indirect.gather [hbm4b:s2+s17], $0x80, s24, s17, $0xb8;
	[tilespmem:$0x1C400] =	vst v63  }
0x3c: {  	_ =	swait.ge [sflag:s20], $0x4000  }
0x3d: {  	[sflag:s20] =	ssyncset.done $0x0  }
0x3e: {  	[sflag:s20] =	ssyncadd.s32 $0xFFFFC000  }
0x3f: {  	[spmem:s3] =	stream.indirect.scatter.add.f32 [tilespmem:s18], [sflag:$0x4], $0x80, s25, s17, $0xb8;
	[tilespmem:$0x1C400] =	vst v63  }
0x40: {  	_ =	swait.ge [sflag:s15], $0x4000  }
0x41: {  	[sflag:s15] =	ssyncset.done $0x0  }
0x42: {  	[sflag:s15] =	ssyncadd.s32 $0xFFFFC000  }
0x43: {  	[tilespmem:s18], [sflag:$0x1] =	stream.indirect.gather [hbm4b:s2+s17], $0x80, s26, s17, $0xb8;
	[tilespmem:$0x1C400] =	vst v63  }
0x44: {  	_ =	swait.ge [sflag:s22], $0x4000  }
0x45: {  	[sflag:s22] =	ssyncset.done $0x0  }
0x46: {  	[sflag:s22] =	ssyncadd.s32 $0xFFFFC000  }
0x47: {  	[spmem:s3] =	stream.indirect.scatter.add.f32 [tilespmem:s19], [sflag:$0x4], $0x80, s28, s17, $0xb8;
	[tilespmem:$0x1C400] =	vst v63  }
0x48: {  	_ =	swait.ge [sflag:s15], $0x4000  }
0x49: {  	[sflag:s15] =	ssyncset.done $0x0  }
0x4a: {  	[sflag:s15] =	ssyncadd.s32 $0xFFFFC000  }
0x4b: {  	[tilespmem:s19], [sflag:$0x2] =	stream.indirect.gather [hbm4b:s2+s17], $0x80, s29, s17, $0xb8;
	[tilespmem:$0x1C400] =	vst v63  }
0x4c: {  	_ =	swait.ge [sflag:s20], $0x4000  }
0x4d: {  	[sflag:s20] =	ssyncset.done $0x0  }
0x4e: {  	[sflag:s20] =	ssyncadd.s32 $0xFFFFC000  }
0x4f: {  	[spmem:s3] =	stream.indirect.scatter.add.f32 [tilespmem:s18], [sflag:$0x4], $0x80, s30, s17, $0xb8;
	[tilespmem:$0x1C400] =	vst v63  }
0x50: {  	_ =	swait.ge [sflag:s15], $0x4000  }
0x51: {  	[sflag:s15] =	ssyncset.done $0x0  }
0x52: {  	[sflag:s15] =	ssyncadd.s32 $0xFFFFC000  }
0x53: {  	[tilespmem:s18], [sflag:$0x1] =	stream.indirect.gather [hbm4b:s2+s17], $0x80, s31, s17, $0xb8;
	[tilespmem:$0x1C400] =	vst v63  }
0x54: {  	_ =	swait.ge [sflag:s22], $0x4000  }
0x55: {  	[sflag:s22] =	ssyncset.done $0x0  }
0x56: {  	[sflag:s22] =	ssyncadd.s32 $0xFFFFC000  }
0x57: {  	[spmem:s3] =	stream.indirect.scatter.add.f32 [tilespmem:s19], [sflag:$0x4], $0x80, s0, s17, $0xb8;
	[tilespmem:$0x1C400] =	vst v63  }
0x58: {  	_ =	swait.ge [sflag:s15], $0x4000  }
0x59: {  	[sflag:s15] =	ssyncset.done $0x0  }
0x5a: {  	[sflag:s15] =	ssyncadd.s32 $0xFFFFC000  }
0x5b: {  	[tilespmem:s19], [sflag:$0x2] =	stream.indirect.gather [hbm4b:s2+s17], $0x80, s1, s17, $0xb8;
	[tilespmem:$0x1C400] =	vst v63  }
0x5c: {  	_ =	swait.ge [sflag:s20], $0x4000  }
0x5d: {  	[sflag:s20] =	ssyncset.done $0x0  }
0x5e: {  	[sflag:s20] =	ssyncadd.s32 $0xFFFFC000  }
0x5f: {  	[spmem:s3] =	stream.indirect.scatter.add.f32 [tilespmem:s18], [sflag:$0x4], $0x80, s5, s17, $0xb8;
	[tilespmem:$0x1C400] =	vst v63  }
0x60: {  	_ =	swait.ge [sflag:s15], $0x4000  }
0x61: {  	[sflag:s15] =	ssyncset.done $0x0  }
0x62: {  	[sflag:s15] =	ssyncadd.s32 $0xFFFFC000  }
0x63: {  	p0 =	sne.s32 s12, $0x1;
	_ =	swait.ge [sflag:s22], $0x4000  }
.Ltmp0:
0x64: {  	[sflag:s22] =	ssyncset.done $0x0;
	(pc) =	sbr.rel @!p0 .LBB2_3-.Ltmp0, $4  }
0x65: {  	[sflag:s22] =	ssyncadd.s32 $0xFFFFC000  }
0x66: {  	[spmem:s3] =	stream.indirect.scatter.add.f32 [tilespmem:s19], [sflag:$0x4], $0x80, s9, s17, $0xb8;
	[tilespmem:$0x1C400] =	vst v63  }
0x67: {  	_ =	swait.ge [sflag:s15], $0x4000  }
0x68: {  	s7 =	sadd.s32 $0xFFFFFFFF, s12;
	s12 =	smov.u32 s13;
	[sflag:s15] =	ssyncset.done $0x0  }
.LBB2_2:
0x69: {  	[sflag:s15] =	ssyncadd.s32 $0xFFFFC000;
	s12 =	sadd.s32 $0x80, s12;
	s6 =	sadd.s32 $0x80, s6  }
0x6a: {  	[tilespmem:s4], [sflag:$0x4] =	stream.linear.gather [hbm4b:s6+s4], $0x400, $0x38;
	[tilespmem:$0x1C400] =	vst v63  }
0x6b: {  	p1 =	sne.s32 s7, $0x1;
	s7 =	sadd.s32 $0xFFFFFFFF, s7;
	_ =	swait.ge [sflag:s15], $0x400  }
0x6c: {  	[sflag:s15] =	ssyncset.done $0x0  }
0x6d: {  	[sflag:s15] =	ssyncadd.s32 $0xFFFFFC00  }
0x6e: {  	[tilespmem:s16], [sflag:$0x4] =	stream.linear.gather [hbm4b:s12+s4], $0x400, $0x38;
	[tilespmem:$0x1C400] =	vst v63  }
0x6f: {  	_ =	swait.ge [sflag:s15], $0x400  }
0x70: {  	[sflag:s15] =	ssyncset.done $0x0  }
0x71: {  	[sflag:s15] =	ssyncadd.s32 $0xFFFFFC00  }
0x72: {  	[tilespmem:s18], [sflag:$0x1] =	stream.indirect.gather [hbm4b:s2+s17], $0x80, s4, s17, $0xb8;
	[tilespmem:$0x1C400] =	vst v63  }
0x73: {  	_ = 	snop  }
0x74: {  	[tilespmem:s19], [sflag:$0x2] =	stream.indirect.gather [hbm4b:s2+s17], $0x80, s17, s17, $0xb8;
	[tilespmem:$0x1C400] =	vst v63  }
0x75: {  	_ =	swait.ge [sflag:s20], $0x4000  }
0x76: {  	[sflag:s20] =	ssyncset.done $0x0  }
0x77: {  	[sflag:s20] =	ssyncadd.s32 $0xFFFFC000  }
0x78: {  	[spmem:s3] =	stream.indirect.scatter.add.f32 [tilespmem:s18], [sflag:$0x4], $0x80, s16, s17, $0xb8;
	[tilespmem:$0x1C400] =	vst v63  }
0x79: {  	_ =	swait.ge [sflag:s15], $0x4000  }
0x7a: {  	[sflag:s15] =	ssyncset.done $0x0  }
0x7b: {  	[sflag:s15] =	ssyncadd.s32 $0xFFFFC000  }
0x7c: {  	[tilespmem:s18], [sflag:$0x1] =	stream.indirect.gather [hbm4b:s2+s17], $0x80, s21, s17, $0xb8;
	[tilespmem:$0x1C400] =	vst v63  }
0x7d: {  	_ =	swait.ge [sflag:s22], $0x4000  }
0x7e: {  	[sflag:s22] =	ssyncset.done $0x0  }
0x7f: {  	[sflag:s22] =	ssyncadd.s32 $0xFFFFC000  }
0x80: {  	[spmem:s3] =	stream.indirect.scatter.add.f32 [tilespmem:s19], [sflag:$0x4], $0x80, s23, s17, $0xb8;
	[tilespmem:$0x1C400] =	vst v63  }
0x81: {  	_ =	swait.ge [sflag:s15], $0x4000  }
0x82: {  	[sflag:s15] =	ssyncset.done $0x0  }
0x83: {  	[sflag:s15] =	ssyncadd.s32 $0xFFFFC000  }
0x84: {  	[tilespmem:s19], [sflag:$0x2] =	stream.indirect.gather [hbm4b:s2+s17], $0x80, s24, s17, $0xb8;
	[tilespmem:$0x1C400] =	vst v63  }
0x85: {  	_ =	swait.ge [sflag:s20], $0x4000  }
0x86: {  	[sflag:s20] =	ssyncset.done $0x0  }
0x87: {  	[sflag:s20] =	ssyncadd.s32 $0xFFFFC000  }
0x88: {  	[spmem:s3] =	stream.indirect.scatter.add.f32 [tilespmem:s18], [sflag:$0x4], $0x80, s25, s17, $0xb8;
	[tilespmem:$0x1C400] =	vst v63  }
0x89: {  	_ =	swait.ge [sflag:s15], $0x4000  }
0x8a: {  	[sflag:s15] =	ssyncset.done $0x0  }
0x8b: {  	[sflag:s15] =	ssyncadd.s32 $0xFFFFC000  }
0x8c: {  	[tilespmem:s18], [sflag:$0x1] =	stream.indirect.gather [hbm4b:s2+s17], $0x80, s26, s17, $0xb8;
	[tilespmem:$0x1C400] =	vst v63  }
0x8d: {  	_ =	swait.ge [sflag:s22], $0x4000  }
0x8e: {  	[sflag:s22] =	ssyncset.done $0x0  }
0x8f: {  	[sflag:s22] =	ssyncadd.s32 $0xFFFFC000  }
0x90: {  	[spmem:s3] =	stream.indirect.scatter.add.f32 [tilespmem:s19], [sflag:$0x4], $0x80, s28, s17, $0xb8;
	[tilespmem:$0x1C400] =	vst v63  }
0x91: {  	_ =	swait.ge [sflag:s15], $0x4000  }
0x92: {  	[sflag:s15] =	ssyncset.done $0x0  }
0x93: {  	[sflag:s15] =	ssyncadd.s32 $0xFFFFC000  }
0x94: {  	[tilespmem:s19], [sflag:$0x2] =	stream.indirect.gather [hbm4b:s2+s17], $0x80, s29, s17, $0xb8;
	[tilespmem:$0x1C400] =	vst v63  }
0x95: {  	_ =	swait.ge [sflag:s20], $0x4000  }
0x96: {  	[sflag:s20] =	ssyncset.done $0x0  }
0x97: {  	[sflag:s20] =	ssyncadd.s32 $0xFFFFC000  }
0x98: {  	[spmem:s3] =	stream.indirect.scatter.add.f32 [tilespmem:s18], [sflag:$0x4], $0x80, s30, s17, $0xb8;
	[tilespmem:$0x1C400] =	vst v63  }
0x99: {  	_ =	swait.ge [sflag:s15], $0x4000  }
0x9a: {  	[sflag:s15] =	ssyncset.done $0x0  }
0x9b: {  	[sflag:s15] =	ssyncadd.s32 $0xFFFFC000  }
0x9c: {  	[tilespmem:s18], [sflag:$0x1] =	stream.indirect.gather [hbm4b:s2+s17], $0x80, s31, s17, $0xb8;
	[tilespmem:$0x1C400] =	vst v63  }
0x9d: {  	_ =	swait.ge [sflag:s22], $0x4000  }
0x9e: {  	[sflag:s22] =	ssyncset.done $0x0  }
0x9f: {  	[sflag:s22] =	ssyncadd.s32 $0xFFFFC000  }
0xa0: {  	[spmem:s3] =	stream.indirect.scatter.add.f32 [tilespmem:s19], [sflag:$0x4], $0x80, s0, s17, $0xb8;
	[tilespmem:$0x1C400] =	vst v63  }
0xa1: {  	_ =	swait.ge [sflag:s15], $0x4000  }
0xa2: {  	[sflag:s15] =	ssyncset.done $0x0  }
0xa3: {  	[sflag:s15] =	ssyncadd.s32 $0xFFFFC000  }
0xa4: {  	[tilespmem:s19], [sflag:$0x2] =	stream.indirect.gather [hbm4b:s2+s17], $0x80, s1, s17, $0xb8;
	[tilespmem:$0x1C400] =	vst v63  }
0xa5: {  	_ =	swait.ge [sflag:s20], $0x4000  }
0xa6: {  	[sflag:s20] =	ssyncset.done $0x0  }
0xa7: {  	[sflag:s20] =	ssyncadd.s32 $0xFFFFC000  }
0xa8: {  	[spmem:s3] =	stream.indirect.scatter.add.f32 [tilespmem:s18], [sflag:$0x4], $0x80, s5, s17, $0xb8;
	[tilespmem:$0x1C400] =	vst v63  }
0xa9: {  	_ =	swait.ge [sflag:s15], $0x4000  }
0xaa: {  	[sflag:s15] =	ssyncset.done $0x0  }
0xab: {  	[sflag:s15] =	ssyncadd.s32 $0xFFFFC000  }
0xac: {  	_ =	swait.ge [sflag:s22], $0x4000  }
.Ltmp1:
0xad: {  	[sflag:s22] =	ssyncset.done $0x0;
	(pc) =	sbr.rel @p1 .LBB2_2-.Ltmp1, $4  }
0xae: {  	[sflag:s22] =	ssyncadd.s32 $0xFFFFC000  }
0xaf: {  	[spmem:s3] =	stream.indirect.scatter.add.f32 [tilespmem:s19], [sflag:$0x4], $0x80, s9, s17, $0xb8;
	[tilespmem:$0x1C400] =	vst v63  }
0xb0: {  	_ =	swait.ge [sflag:s15], $0x4000  }
0xb1: {  	[sflag:s15] =	ssyncset.done $0x0  }
.LBB2_3:
0xb2: {  	[sflag:s15] =	ssyncadd.s32 $0xFFFFC000  }
0xb3: {  	[bflag:$0x0] =	sbarrier.arrive $0xFFFF  }
0xb4: {  	s6 =	rddreg [dreg:$0x7]  }
0xb5: {  	[hbm:s6], [sflag:s8] =	dma.local [spmem:s14], $0x2780  }
0xb6: {  	_ =	swait.ge [sflag:s15], $0x2780  }
0xb7: {  	[sflag:s15] =	ssyncset.done $0x0  }
0xb8: {  	[sflag:s15] =	ssyncadd.s32 $0xFFFFD880  }
0xb9: {  	[bflag:$0x0] =	sbarrier.arrive $0xFFFF  }
0xba: {  	s7 =	rddreg [dreg:$0x6]  }
0xbb: {  	[spmem:s14], [sflag:s8] =	dma.local [hbm:s7], $0x2780  }
0xbc: {  	_ =	swait.ge [sflag:s15], $0x2780  }
0xbd: {  	[sflag:s15] =	ssyncset.done $0x0  }
0xbe: {  	s12 =	rddreg [dreg:$0x4];
	[sflag:s15] =	ssyncadd.s32 $0xFFFFD880  }
0xbf: {  	[tilespmem:s18], [sflag:$0x4] =	stream.linear.gather [hbm4b:s12+s4], $0x4000, $0x38;
	[tilespmem:$0x1C400] =	vst v63  }
0xc0: {  	_ =	swait.ge [sflag:s15], $0x4000  }
0xc1: {  	[sflag:s15] =	ssyncset.done $0x0  }
0xc2: {  	[sflag:s15] =	ssyncadd.s32 $0xFFFFC000  }
0xc3: {  	[bflag:$0x0] =	sbarrier.arrive $0xFFFF  }
0xc4: {  	[tilespmem:s16], [sflag:$0x4] =	stream.linear.gather [hbm4b:s13+s4], $0x400, $0x38;
	[tilespmem:$0x1C400] =	vst v63  }
0xc5: {  	_ =	swait.ge [sflag:s15], $0x400  }
0xc6: {  	[sflag:s15] =	ssyncset.done $0x0  }
0xc7: {  	[sflag:s15] =	ssyncadd.s32 $0xFFFFFC00  }
0xc8: {  	[spmem:s3] =	stream.indirect.scatter.add.f32 [tilespmem:s18], [sflag:$0x3], $0x80, s16, s17, $0xb8;
	[tilespmem:$0x1C400] =	vst v63  }
0xc9: {  	_ = 	snop  }
0xca: {  	[spmem:s3] =	stream.indirect.scatter.add.f32 [tilespmem:s18], [sflag:$0x3], $0x80, s23, s17, $0xb8;
	[tilespmem:$0x1C400] =	vst v63  }
0xcb: {  	_ = 	snop  }
0xcc: {  	[spmem:s3] =	stream.indirect.scatter.add.f32 [tilespmem:s18], [sflag:$0x3], $0x80, s25, s17, $0xb8;
	[tilespmem:$0x1C400] =	vst v63  }
0xcd: {  	_ = 	snop  }
0xce: {  	[spmem:s3] =	stream.indirect.scatter.add.f32 [tilespmem:s18], [sflag:$0x3], $0x80, s28, s17, $0xb8;
	[tilespmem:$0x1C400] =	vst v63  }
0xcf: {  	_ = 	snop  }
0xd0: {  	[spmem:s3] =	stream.indirect.scatter.add.f32 [tilespmem:s18], [sflag:$0x3], $0x80, s30, s17, $0xb8;
	[tilespmem:$0x1C400] =	vst v63  }
0xd1: {  	_ = 	snop  }
0xd2: {  	[spmem:s3] =	stream.indirect.scatter.add.f32 [tilespmem:s18], [sflag:$0x3], $0x80, s0, s17, $0xb8;
	[tilespmem:$0x1C400] =	vst v63  }
0xd3: {  	_ = 	snop  }
0xd4: {  	[spmem:s3] =	stream.indirect.scatter.add.f32 [tilespmem:s18], [sflag:$0x3], $0x80, s5, s17, $0xb8;
	[tilespmem:$0x1C400] =	vst v63  }
0xd5: {  	_ = 	snop  }
0xd6: {  	[spmem:s3] =	stream.indirect.scatter.add.f32 [tilespmem:s18], [sflag:$0x3], $0x80, s9, s17, $0xb8;
	[tilespmem:$0x1C400] =	vst v63  }
0xd7: {  	_ =	swait.ge [sflag:s10], $0x4000  }
0xd8: {  	[sflag:s10] =	ssyncset.done $0x0  }
0xd9: {  	[sflag:s10] =	ssyncadd.s32 $0xFFFFC000  }
0xda: {  	_ =	swait.ge [sflag:s10], $0x4000  }
0xdb: {  	[sflag:s10] =	ssyncset.done $0x0  }
0xdc: {  	[sflag:s10] =	ssyncadd.s32 $0xFFFFC000  }
0xdd: {  	_ =	swait.ge [sflag:s10], $0x4000  }
0xde: {  	[sflag:s10] =	ssyncset.done $0x0  }
0xdf: {  	[sflag:s10] =	ssyncadd.s32 $0xFFFFC000  }
0xe0: {  	_ =	swait.ge [sflag:s10], $0x4000  }
0xe1: {  	[sflag:s10] =	ssyncset.done $0x0  }
0xe2: {  	[sflag:s10] =	ssyncadd.s32 $0xFFFFC000  }
0xe3: {  	_ =	swait.ge [sflag:s10], $0x4000  }
0xe4: {  	[sflag:s10] =	ssyncset.done $0x0  }
0xe5: {  	[sflag:s10] =	ssyncadd.s32 $0xFFFFC000  }
0xe6: {  	_ =	swait.ge [sflag:s10], $0x4000  }
0xe7: {  	[sflag:s10] =	ssyncset.done $0x0  }
0xe8: {  	[sflag:s10] =	ssyncadd.s32 $0xFFFFC000  }
0xe9: {  	_ =	swait.ge [sflag:s10], $0x4000  }
.Ltmp2:
0xea: {  	[sflag:s10] =	ssyncset.done $0x0;
	(pc) =	sbr.rel @!p0 .LBB2_5-.Ltmp2, $4  }
0xeb: {  	[sflag:s10] =	ssyncadd.s32 $0xFFFFC000  }
0xec: {  	_ =	swait.ge [sflag:s10], $0x4000  }
0xed: {  	s12 =	rddreg [dreg:$0x5]  }
0xee: {  	s7 =	smov.u32 s13;
	[sflag:s10] =	ssyncset.done $0x0;
	s6 =	sadd.s32 $0xFFFFFFFF, s12  }
.LBB2_4:
0xef: {  	p0 =	sne.s32 s6, $0x1;
	[sflag:s10] =	ssyncadd.s32 $0xFFFFC000;
	s7 =	sadd.s32 $0x80, s7  }
0xf0: {  	[tilespmem:s16], [sflag:$0x4] =	stream.linear.gather [hbm4b:s7+s4], $0x400, $0x38;
	[tilespmem:$0x1C400] =	vst v63  }
0xf1: {  	s6 =	sadd.s32 $0xFFFFFFFF, s6;
	_ =	swait.ge [sflag:s15], $0x400  }
0xf2: {  	[sflag:s15] =	ssyncset.done $0x0  }
0xf3: {  	[sflag:s15] =	ssyncadd.s32 $0xFFFFFC00  }
0xf4: {  	[spmem:s3] =	stream.indirect.scatter.add.f32 [tilespmem:s18], [sflag:$0x3], $0x80, s16, s17, $0xb8;
	[tilespmem:$0x1C400] =	vst v63  }
0xf5: {  	_ = 	snop  }
0xf6: {  	[spmem:s3] =	stream.indirect.scatter.add.f32 [tilespmem:s18], [sflag:$0x3], $0x80, s23, s17, $0xb8;
	[tilespmem:$0x1C400] =	vst v63  }
0xf7: {  	_ = 	snop  }
0xf8: {  	[spmem:s3] =	stream.indirect.scatter.add.f32 [tilespmem:s18], [sflag:$0x3], $0x80, s25, s17, $0xb8;
	[tilespmem:$0x1C400] =	vst v63  }
0xf9: {  	_ = 	snop  }
0xfa: {  	[spmem:s3] =	stream.indirect.scatter.add.f32 [tilespmem:s18], [sflag:$0x3], $0x80, s28, s17, $0xb8;
	[tilespmem:$0x1C400] =	vst v63  }
0xfb: {  	_ = 	snop  }
0xfc: {  	[spmem:s3] =	stream.indirect.scatter.add.f32 [tilespmem:s18], [sflag:$0x3], $0x80, s30, s17, $0xb8;
	[tilespmem:$0x1C400] =	vst v63  }
0xfd: {  	_ = 	snop  }
0xfe: {  	[spmem:s3] =	stream.indirect.scatter.add.f32 [tilespmem:s18], [sflag:$0x3], $0x80, s0, s17, $0xb8;
	[tilespmem:$0x1C400] =	vst v63  }
0xff: {  	_ = 	snop  }
0x100: {  	[spmem:s3] =	stream.indirect.scatter.add.f32 [tilespmem:s18], [sflag:$0x3], $0x80, s5, s17, $0xb8;
	[tilespmem:$0x1C400] =	vst v63  }
0x101: {  	_ = 	snop  }
0x102: {  	[spmem:s3] =	stream.indirect.scatter.add.f32 [tilespmem:s18], [sflag:$0x3], $0x80, s9, s17, $0xb8;
	[tilespmem:$0x1C400] =	vst v63  }
0x103: {  	_ =	swait.ge [sflag:s10], $0x4000  }
0x104: {  	[sflag:s10] =	ssyncset.done $0x0  }
0x105: {  	[sflag:s10] =	ssyncadd.s32 $0xFFFFC000  }
0x106: {  	_ =	swait.ge [sflag:s10], $0x4000  }
0x107: {  	[sflag:s10] =	ssyncset.done $0x0  }
0x108: {  	[sflag:s10] =	ssyncadd.s32 $0xFFFFC000  }
0x109: {  	_ =	swait.ge [sflag:s10], $0x4000  }
0x10a: {  	[sflag:s10] =	ssyncset.done $0x0  }
0x10b: {  	[sflag:s10] =	ssyncadd.s32 $0xFFFFC000  }
0x10c: {  	_ =	swait.ge [sflag:s10], $0x4000  }
0x10d: {  	[sflag:s10] =	ssyncset.done $0x0  }
0x10e: {  	[sflag:s10] =	ssyncadd.s32 $0xFFFFC000  }
0x10f: {  	_ =	swait.ge [sflag:s10], $0x4000  }
0x110: {  	[sflag:s10] =	ssyncset.done $0x0  }
0x111: {  	[sflag:s10] =	ssyncadd.s32 $0xFFFFC000  }
0x112: {  	_ =	swait.ge [sflag:s10], $0x4000  }
0x113: {  	[sflag:s10] =	ssyncset.done $0x0  }
0x114: {  	[sflag:s10] =	ssyncadd.s32 $0xFFFFC000  }
.Ltmp3:
0x115: {  	_ =	swait.ge [sflag:s10], $0x4000;
	(pc) =	sbr.rel @p0 .LBB2_4-.Ltmp3, $4  }
0x116: {  	[sflag:s10] =	ssyncset.done $0x0  }
0x117: {  	[sflag:s10] =	ssyncadd.s32 $0xFFFFC000  }
0x118: {  	_ =	swait.ge [sflag:s10], $0x4000  }
0x119: {  	[sflag:s10] =	ssyncset.done $0x0  }
.LBB2_5:
0x11a: {  	[sflag:s10] =	ssyncadd.s32 $0xFFFFC000  }
0x11b: {  	[bflag:$0x0] =	sbarrier.arrive $0xFFFF  }
0x11c: {  	s6 =	rddreg [dreg:$0x8]  }
0x11d: {  	[hbm:s6], [sflag:s8] =	dma.local [spmem:s14], $0x2780  }
0x11e: {  	_ =	swait.ge [sflag:s15], $0x2780  }
0x11f: {  	s11 =	sadd.s32 $0x1, s11;
	s7 =	rddreg [dreg:$0x9]  }
0x120: {  	p0 =	sne.s32 s11, s7  }
.Ltmp4:
0x121: {  	_ = 	snop;
	(pc) =	sbr.rel @p0 .LBB2_1-.Ltmp4, $3  }
0x122: {  	_ =	sdelay $0x1  }
0x123: {  	[sflag:s15] =	ssyncset.done $0x0  }
0x124: {  	[sflag:s15] =	ssyncadd.s32 $0xFFFFD880  }
0x125: {  	_ =	sfence.sel $0x180000  }
0x126: {  	[bflag:$0x0] =	sbarrier.arrive $0xFFFF  }
0x127: {  	_ =	strace $0x90000047  }
0x128: {  	s0 =	stileid.u32;
	[bflag:$0x2] =	sbarrier.arrive $0xFFFF  }
0x129: {  	p0 =	sne.s32 s0, $0x0;
	s0 =	rddreg [dreg:$0x3]  }
0x12a: {  	s0 =	sadd.s32 @!p0 $0x100000, s0  }
0x12b: {  	[sflag:s0] =	ssyncadd.tile.s32 @!p0 $0x1;
	_ =	shalt  }
.Lfunc_end2:
_tile_overlayer_lowered:
.L_overlay_start_2:
0x12c: {  	(tag) =	ssettag $0x2  }
0x12d: {  	s0 =	rddreg [dreg:$0x0];
	s2 =	stileid.u32  }
0x12e: {  	s1 =	rddreg [dreg:$0x1];
	p0 =	sne.s32 s2, $0x0  }
0x12f: {  	s3 =	rddreg [dreg:$0x2];
	[bflag:$0x3] =	sbarrier.arrive $0xFFFF;
	s2 =	simm.s32 @!p0 $0x1C04  }
0x130: {  	[timem:s3], [sflag:s2] =	dma.local @!p0 [hbm:s0], s1  }
0x131: {  	s0 =	simm.s32 @!p0 $0x4  }
0x132: {  	_ =	swait.ge @!p0 [sflag:s0], s1  }
0x133: {  	s1 =	ssub.s32 @!p0 $0x0, s1;
	[sflag:s0] =	ssyncset.done @!p0 $0x0  }
0x134: {  	[sflag:s0] =	ssyncadd.s32 @!p0 s1  }
0x135: {  	[bflag:$0x3] =	sbarrier.arrive $0xFFFF  }
0x136: {  	_ =	shalt  }

</sc_bundles>
